<compile_context>
chip_gen: v7x
topology: tpu7x:2x2x1
jax: 0.10.2.dev20260603
libtpu: 0.0.44.dev20260713+nightly
codegen_flags: <defaults>
</compile_context>

<pallas_src>
import functools

import jax
import jax.numpy as jnp
from jax import lax
from jax.experimental import pallas as pl
from jax.experimental.pallas import tpu as pltpu
from jax.experimental.pallas import tpu_sc as plsc

B, K, D, H, S, M = 32, 8192, 256, 256, 2, 64
TEMP = 0.1
KC = 8192
KB = K // KC
SCALE = 1.0 / 16.0

_HI = jax.lax.Precision.HIGHEST


def _bf(x):
    return x.astype(jnp.bfloat16)


def _dt(a, b):
    return jax.lax.dot_general(a, b, (((1,), (1,)), ((), ())), precision=_HI)


def _bdt(a, b):
    return jax.lax.dot_general(_bf(a), _bf(b), (((1,), (1,)), ((), ())),
                               preferred_element_type=jnp.float32)


def _bmulsum(a, b, axis):
    return jnp.sum(_bf(a).astype(jnp.float32) * _bf(b).astype(jnp.float32),
                   axis=axis)


def _l2k(x, axis=-1):
    n = jnp.sqrt(jnp.sum(x * x, axis=axis, keepdims=True))
    return x / jnp.maximum(n, 1e-12)


def _lnk(x, g, b):
    mu = jnp.mean(x, axis=-1, keepdims=True)
    xc = x - mu
    var = jnp.mean(xc * xc, axis=-1, keepdims=True)
    return xc / jnp.sqrt(var + 1e-5) * g + b


def _a_body(cand_ref, q_ref, inw_ref, inb_ref, cb_ref, s_ref, qp_scr):
    b = pl.program_id(0)
    kb = pl.program_id(1)

    @pl.when(kb == 0)
    def _init():
        qrow = q_ref[pl.ds(b, 1), :]
        qp_scr[...] = _dt(qrow, inw_ref[0:H, :]) + inb_ref[pl.ds(0, 1), 0:H]

    x = cand_ref[0]
    xb = _bf(x)
    cb_ref[0] = xb
    kp = jax.lax.dot_general(xb, _bf(inw_ref[H:2 * H, :]),
                             (((1,), (1,)), ((), ())),
                             preferred_element_type=jnp.float32) \
        + inb_ref[pl.ds(0, 1), H:2 * H]
    s = _bdt(qp_scr[...], kp) * SCALE
    s_ref[0, 0, :] = s[0]


def _run_a(cand, q, inw, inb):
    return pl.pallas_call(
        _a_body,
        grid=(B, KB),
        in_specs=[
            pl.BlockSpec((1, KC, D), lambda b, kb: (b, kb, 0)),
            pl.BlockSpec((B, D), lambda b, kb: (0, 0)),
            pl.BlockSpec((3 * H, H), lambda b, kb: (0, 0)),
            pl.BlockSpec((1, 3 * H), lambda b, kb: (0, 0)),
        ],
        out_specs=[
            pl.BlockSpec((1, KC, D), lambda b, kb: (b, kb, 0)),
            pl.BlockSpec((1, 1, KC), lambda b, kb: (b * KB + kb, 0, 0)),
        ],
        out_shape=[
            jax.ShapeDtypeStruct((B, K, D), jnp.bfloat16),
            jax.ShapeDtypeStruct((B * KB, 1, KC), jnp.float32),
        ],
        scratch_shapes=[pltpu.VMEM((1, H), jnp.float32)],
        compiler_params=pltpu.CompilerParams(
            dimension_semantics=("parallel", "arbitrary")),
    )(cand, q, inw, inb.reshape(1, 3 * H))


def _a2_body(srow_ref, sblk_ref, cb_ref, inw_ref, inb_ref, o_ref,
             ml_scr, acc_scr):
    kb = pl.program_id(1)

    @pl.when(kb == 0)
    def _init():
        srow = srow_ref[0, 0, :]
        m = jnp.max(srow)
        ml_scr[0] = m
        ml_scr[1] = jnp.sum(jnp.exp(srow - m))
        acc_scr[...] = jnp.zeros_like(acc_scr)

    att = jnp.exp(sblk_ref[0, 0, :] - ml_scr[0]) / ml_scr[1]
    vp = jax.lax.dot_general(cb_ref[0], _bf(inw_ref[2 * H:3 * H, :]),
                             (((1,), (1,)), ((), ())),
                             preferred_element_type=jnp.float32) \
        + inb_ref[pl.ds(0, 1), 2 * H:3 * H]
    acc_scr[...] += jax.lax.dot_general(
        _bf(att).reshape(1, KC), _bf(vp), (((1,), (0,)), ((), ())),
        preferred_element_type=jnp.float32)

    @pl.when(kb == KB - 1)
    def _fin():
        o_ref[0, 0, :] = acc_scr[0]


def _run_a2(s, cb, inw, inb):
    srow = s.reshape(B, 1, K)
    return pl.pallas_call(
        _a2_body,
        grid=(B, KB),
        in_specs=[
            pl.BlockSpec((1, 1, K), lambda b, kb: (b, 0, 0)),
            pl.BlockSpec((1, 1, KC), lambda b, kb: (b * KB + kb, 0, 0)),
            pl.BlockSpec((1, KC, D), lambda b, kb: (b, kb, 0)),
            pl.BlockSpec((3 * H, H), lambda b, kb: (0, 0)),
            pl.BlockSpec((1, 3 * H), lambda b, kb: (0, 0)),
        ],
        out_specs=pl.BlockSpec((1, 1, D), lambda b, kb: (b, 0, 0)),
        out_shape=jax.ShapeDtypeStruct((B, 1, D), jnp.float32),
        scratch_shapes=[
            pltpu.SMEM((2,), jnp.float32),
            pltpu.VMEM((1, H), jnp.float32),
        ],
        compiler_params=pltpu.CompilerParams(
            dimension_semantics=("parallel", "arbitrary")),
    )(srow, s, cb, inw, inb.reshape(1, 3 * H))


def _b_body(o_ref, q_ref, outw_ref, outb_ref, ng_ref, nb_ref,
            qpw_ref, se_ref, h_ref, hs_ref):
    o = o_ref[:, 0, :]
    a = _bdt(o, outw_ref[...]) + outb_ref[pl.ds(0, 1), :]
    x = a + q_ref[...]
    qe = _lnk(x, ng_ref[pl.ds(0, 1), :], nb_ref[pl.ds(0, 1), :])
    h = _l2k(_bdt(qe, qpw_ref[...]))
    hs = _l2k(h + se_ref[pl.ds(0, 1), :])
    h_ref[...] = h
    hs_ref[...] = hs


def _run_b(o, q, outw, outb, ng, nb, qpw, se):
    return pl.pallas_call(
        _b_body,
        out_shape=[jax.ShapeDtypeStruct((B, H), jnp.float32)] * 2,
    )(o, q, outw, outb.reshape(1, H), ng.reshape(1, H), nb.reshape(1, H),
      qpw, se)


def _c_body(cb_ref, hs_ref, cpw_ref, cheap_ref):
    p = jax.lax.dot_general(cb_ref[0], _bf(cpw_ref[...]),
                            (((1,), (1,)), ((), ())),
                            preferred_element_type=jnp.float32)
    n2 = jnp.sum(p * p, axis=1, keepdims=True)
    cpnb = _bf(p / jnp.maximum(jnp.sqrt(n2), 1e-12))
    hsb = _bf(hs_ref[0])
    dv = jax.lax.dot_general(hsb, cpnb, (((1,), (1,)), ((), ())),
                             preferred_element_type=jnp.float32)
    cheap_ref[0, 0, :] = dv[0] / TEMP


def _run_c(cb, hs, cpw):
    return pl.pallas_call(
        _c_body,
        grid=(B, KB),
        in_specs=[
            pl.BlockSpec((1, KC, D), lambda b, kb: (b, kb, 0)),
            pl.BlockSpec((1, 1, D), lambda b, kb: (b, 0, 0)),
            pl.BlockSpec((H, H), lambda b, kb: (0, 0)),
        ],
        out_specs=pl.BlockSpec((1, 1, KC), lambda b, kb: (b * KB + kb, 0, 0)),
        out_shape=jax.ShapeDtypeStruct((B * KB, 1, KC), jnp.float32),
        compiler_params=pltpu.CompilerParams(
            dimension_semantics=("parallel", "parallel")),
    )(cb, hs.reshape(B, 1, H), cpw)


def _t_body(cheap_ref, pp_ref, idx_ref, flat_ref):
    c = cheap_ref[...]
    ki = jax.lax.broadcasted_iota(jnp.int32, (B, K), 1)
    pp = pp_ref[:, 0:1]
    c = jnp.where(ki == pp, -1e9, c)
    cols = []
    for _ in range(M):
        v = jnp.max(c, axis=1, keepdims=True)
        eq = c == v
        im = jnp.min(jnp.where(eq, ki, K), axis=1, keepdims=True)
        cols.append(im)
        c = jnp.where(ki == im, -jnp.inf, c)
    idx = jnp.concatenate(cols, axis=1)
    idx_ref[...] = idx
    row = jax.lax.broadcasted_iota(jnp.int32, (B, M), 0)
    flat_ref[...] = idx + row * K


def _run_t(cheap, prev_pred):
    return pl.pallas_call(
        _t_body,
        out_shape=[
            jax.ShapeDtypeStruct((B, M), jnp.int32),
            jax.ShapeDtypeStruct((B, M), jnp.int32),
        ],
    )(cheap, prev_pred)


_G_CACHE = []


def _g_kernel(table, flat_idx):
    if not _G_CACHE:
        mesh = plsc.VectorSubcoreMesh(core_axis_name="c", subcore_axis_name="s")
        nc = mesh.num_cores

        @functools.partial(
            pl.kernel,
            mesh=mesh,
            out_type=jax.ShapeDtypeStruct((B, M, D), jnp.float32),
            scratch_types=[
                pltpu.VMEM((M,), jnp.int32),
                pltpu.VMEM((M, D), jnp.float32),
                pltpu.SemaphoreType.DMA,
            ],
        )
        def _g(table_hbm, idx_hbm, out_hbm, idx_v, rows_v, sem):
            wid = lax.axis_index("s") * nc + lax.axis_index("c")
            pltpu.sync_copy(idx_hbm.at[wid], idx_v)
            pltpu.async_copy(table_hbm.at[idx_v], rows_v, sem).wait()
            pltpu.sync_copy(rows_v, out_hbm.at[wid])

        _G_CACHE.append(_g)
    return _G_CACHE[0](table, flat_idx)


def _d_body(sub_ref, idx_ref, h_ref, hs_ref, inw_ref, inb_ref,
            outw_ref, outb_ref, ng_ref, nb_ref, wih_ref, whh_ref,
            bih_ref, bhh_ref, se_ref, cpw_ref,
            logits_ref, pred_ref, hn_ref, hsn_ref):
    hs = hs_ref[...]
    h = h_ref[...]
    subr = sub_ref[...].reshape(B * M, D)
    p = jax.lax.dot_general(_bf(subr), _bf(cpw_ref[...]),
                            (((1,), (1,)), ((), ())),
                            preferred_element_type=jnp.float32)
    n2 = jnp.sum(p * p, axis=1, keepdims=True)
    cs = p / jnp.maximum(jnp.sqrt(n2), 1e-12)
    csn = _l2k(cs)
    cs3 = cs.reshape(B, M, H)
    csn3 = csn.reshape(B, M, H)

    b2q = inb_ref[pl.ds(0, 1), 0:H]
    b2k = inb_ref[pl.ds(0, 1), H:2 * H]
    b2v = inb_ref[pl.ds(0, 1), 2 * H:3 * H]
    qp2 = _bdt(hs, inw_ref[0:H, :]) + b2q
    kp2 = jax.lax.dot_general(_bf(cs), _bf(inw_ref[H:2 * H, :]),
                              (((1,), (1,)), ((), ())),
                              preferred_element_type=jnp.float32) + b2k
    vp2 = jax.lax.dot_general(_bf(cs), _bf(inw_ref[2 * H:3 * H, :]),
                              (((1,), (1,)), ((), ())),
                              preferred_element_type=jnp.float32) + b2v
    s2 = _bmulsum(qp2[:, None, :], kp2.reshape(B, M, H), 2) * SCALE
    s2 = s2 - jnp.max(s2, axis=1, keepdims=True)
    e2 = jnp.exp(s2)
    att = e2 / jnp.sum(e2, axis=1, keepdims=True)
    o = _bmulsum(att[:, :, None], vp2.reshape(B, M, H), 1)
    a2 = _bdt(o, outw_ref[...]) + outb_ref[pl.ds(0, 1), :]
    x2 = a2 + hs
    rq = _l2k(_lnk(x2, ng_ref[pl.ds(0, 1), :], nb_ref[pl.ds(0, 1), :]))
    rt = _bmulsum(rq[:, None, :], csn3, 2) / TEMP

    idx = idx_ref[...]
    maxr = jnp.max(rt, axis=1, keepdims=True)
    eqr = rt == maxr
    pred = jnp.min(jnp.where(eqr, idx, jnp.int32(1 << 30)), axis=1,
                   keepdims=True)
    pred_ref[...] = jnp.broadcast_to(pred, (B, 128))
    onehot = (idx == pred).astype(jnp.float32)
    sel = jnp.sum(cs3 * onehot[:, :, None], axis=1)

    gi = _bdt(sel, wih_ref[...]) + bih_ref[pl.ds(0, 1), :]
    gh = _bdt(h, whh_ref[...]) + bhh_ref[pl.ds(0, 1), :]
    i_r, i_z, i_n = gi[:, 0:H], gi[:, H:2 * H], gi[:, 2 * H:3 * H]
    h_r, h_z, h_n = gh[:, 0:H], gh[:, H:2 * H], gh[:, 2 * H:3 * H]
    r = jax.nn.sigmoid(i_r + h_r)
    z = jax.nn.sigmoid(i_z + h_z)
    ngate = jnp.tanh(i_n + r * h_n)
    hn = _l2k((1.0 - z) * ngate + z * h)
    hsn = _l2k(hn + se_ref[pl.ds(1, 1), :])
    hn_ref[...] = hn
    hsn_ref[...] = hsn

    ki = jax.lax.broadcasted_iota(jnp.int32, (B, K), 1)
    acc = jnp.full((B, K), -1e4, jnp.float32)
    for m in range(M):
        acc = jnp.where(ki == idx[:, m:m + 1], rt[:, m:m + 1], acc)
    logits_ref[...] = acc


def _run_d(sub, idx, h, hs, inw, inb, outw, outb, ng, nb,
           wih, whh, bih, bhh, se, cpw):
    return pl.pallas_call(
        _d_body,
        out_shape=[
            jax.ShapeDtypeStruct((B, K), jnp.float32),
            jax.ShapeDtypeStruct((B, 128), jnp.int32),
            jax.ShapeDtypeStruct((B, H), jnp.float32),
            jax.ShapeDtypeStruct((B, H), jnp.float32),
        ],
    )(sub, idx, h, hs, inw, inb.reshape(1, 3 * H), outw,
      outb.reshape(1, H), ng.reshape(1, H), nb.reshape(1, H),
      wih, whh, bih.reshape(1, 3 * H), bhh.reshape(1, 3 * H), se, cpw)


def kernel(query_emb, cand_emb, attn_in_w, attn_in_b, attn_out_w, attn_out_b,
           norm_g, norm_b, query_proj_w, cand_proj_w, ref_in_w, ref_in_b,
           ref_out_w, ref_out_b, ref_norm_g, ref_norm_b, gru_w_ih, gru_w_hh,
           gru_b_ih, gru_b_hh, step_emb_w):
    cand_flat = cand_emb.reshape(B * K, D)

    cb, s = _run_a(cand_emb, query_emb, attn_in_w, attn_in_b)
    o = _run_a2(s, cb, attn_in_w, attn_in_b)
    h, hs = _run_b(o, query_emb, attn_out_w, attn_out_b, norm_g, norm_b,
                   query_proj_w, step_emb_w)

    logits_list = []
    prev_pred = jnp.full((B, 128), -1, jnp.int32)
    for _ in range(S):
        cheap = _run_c(cb, hs, cand_proj_w).reshape(B, K)
        idx, flat = _run_t(cheap, prev_pred)
        sub = _g_kernel(cand_flat, flat)
        logits, prev_pred, h, hs = _run_d(
            sub, idx, h, hs, ref_in_w, ref_in_b, ref_out_w, ref_out_b,
            ref_norm_g, ref_norm_b, gru_w_ih, gru_w_hh, gru_b_ih, gru_b_hh,
            step_emb_w, cand_proj_w)
        logits_list.append(logits)

    return jnp.stack(logits_list, axis=1)

# --- scband reference (transcript-rebuilt; emitter-appended) ---
"""Pipeline reference for scband-pointer-selector-v4-9-46780783788507 (READ-ONLY COPY).

The authoritative reference and input builder live on the scoring server;
editing this copy changes nothing except your own understanding.
"""

import jax, jax.numpy as jnp
import numpy as np

B, K, D, H, S, M = 32, 8192, 256, 256, 2, 64
TEMP = 0.1


def _ln(x, g, b):
    mu = jnp.mean(x, axis=-1, keepdims=True)
    var = jnp.var(x, axis=-1, keepdims=True)
    return (x - mu) / jnp.sqrt(var + 1e-5) * g + b


def _l2(x):
    return x / jnp.maximum(jnp.linalg.norm(x, axis=-1, keepdims=True), 1e-12)


def _mha(q, k, v, in_w, in_b, out_w, out_b):
    # nn.MultiheadAttention, num_heads=1, batch_first, eval mode (dropout off)
    Hd = q.shape[-1]
    Wq, Wk, Wv = in_w[:Hd], in_w[Hd:2 * Hd], in_w[2 * Hd:]
    bq, bk, bv = in_b[:Hd], in_b[Hd:2 * Hd], in_b[2 * Hd:]
    qp = q @ Wq.T + bq
    kp = k @ Wk.T + bk
    vp = v @ Wv.T + bv
    att = jax.nn.softmax(jnp.einsum('bqd,bkd->bqk', qp, kp) / jnp.sqrt(jnp.float32(Hd)), axis=-1)
    o = jnp.einsum('bqk,bkd->bqd', att, vp)
    return o @ out_w.T + out_b


def setup_inputs(seed: int = 0):
    key = jax.random.key(seed)
    ks = jax.random.split(key, 16)

    def nrm(k, shape, s=0.02):
        return jax.random.normal(k, shape, dtype=jnp.float32) * s

    inp = {}
    inp['query_emb'] = jax.random.normal(ks[0], (B, D), dtype=jnp.float32)
    inp['cand_emb'] = jax.random.normal(ks[1], (B, K, D), dtype=jnp.float32)
    inp['attn_in_w'] = nrm(ks[2], (3 * H, H))
    inp['attn_in_b'] = jnp.zeros((3 * H,), jnp.float32)
    inp['attn_out_w'] = nrm(ks[3], (H, H))
    inp['attn_out_b'] = jnp.zeros((H,), jnp.float32)
    inp['norm_g'] = jnp.ones((H,), jnp.float32)
    inp['norm_b'] = jnp.zeros((H,), jnp.float32)
    inp['query_proj_w'] = jnp.eye(H, dtype=jnp.float32) + nrm(ks[4], (H, H), 0.01)
    inp['cand_proj_w'] = jnp.eye(H, dtype=jnp.float32) + nrm(ks[5], (H, H), 0.01)
    inp['ref_in_w'] = nrm(ks[6], (3 * H, H))
    inp['ref_in_b'] = jnp.zeros((3 * H,), jnp.float32)
    inp['ref_out_w'] = nrm(ks[7], (H, H))
    inp['ref_out_b'] = jnp.zeros((H,), jnp.float32)
    inp['ref_norm_g'] = jnp.ones((H,), jnp.float32)
    inp['ref_norm_b'] = jnp.zeros((H,), jnp.float32)
    inp['gru_w_ih'] = nrm(ks[8], (3 * H, H))
    inp['gru_w_hh'] = nrm(ks[9], (3 * H, H))
    inp['gru_b_ih'] = jnp.zeros((3 * H,), jnp.float32)
    inp['gru_b_hh'] = jnp.zeros((3 * H,), jnp.float32)
    inp['step_emb_w'] = nrm(ks[10], (S, H))
    return inp


def reference(query_emb, cand_emb, attn_in_w, attn_in_b, attn_out_w, attn_out_b,
              norm_g, norm_b, query_proj_w, cand_proj_w, ref_in_w, ref_in_b,
              ref_out_w, ref_out_b, ref_norm_g, ref_norm_b, gru_w_ih, gru_w_hh,
              gru_b_ih, gru_b_hh, step_emb_w):
    # input_proj is Identity because d_model == hidden_dim
    q_red = query_emb
    c_red = cand_emb
    q_attn = q_red[:, None, :]
    a = _mha(q_attn, c_red, c_red, attn_in_w, attn_in_b, attn_out_w, attn_out_b)
    q_attn = _ln(a + q_attn, norm_g, norm_b)
    q_enh = q_attn[:, 0, :]
    h = _l2(q_enh @ query_proj_w.T)
    cpn = _l2(c_red @ cand_proj_w.T)
    Bn = q_red.shape[0]
    Kn = cpn.shape[1]
    rows = jnp.arange(Bn)
    mask = jnp.zeros((Bn, Kn), dtype=bool)
    logits_list = []
    for step in range(S):
        h_step = _l2(h + step_emb_w[min(step, S - 1)])
        cheap = jnp.einsum('bh,bkh->bk', h_step, cpn) / TEMP
        cheap = jnp.where(mask, -100.0, cheap)
        top_vals, top_idx = jax.lax.top_k(cheap, M)
        cand_sub = cpn[rows[:, None], top_idx]  # [B, M, H] gather
        # refine ('attn' branch)
        h_exp = h_step[:, None, :]
        att = _mha(h_exp, cand_sub, cand_sub, ref_in_w, ref_in_b, ref_out_w, ref_out_b)
        rq = _l2(_ln(att + h_exp, ref_norm_g, ref_norm_b))
        csn = _l2(cand_sub)
        refined = jnp.einsum('bqh,bmh->bqm', rq, csn)[:, 0, :]  # [B, M]
        # scatter refined scores back into full-K logits
        step_logits = jnp.full((Bn, Kn), -1e4, dtype=jnp.float32)
        step_logits = step_logits.at[rows[:, None], top_idx].set(refined / TEMP)
        logits_list.append(step_logits)
        pred = jnp.argmax(step_logits, axis=-1)
        mask = mask.at[rows, pred].set(True)
        # GRU state update with selected candidate embedding
        sel = cpn[rows, pred]
        gi = sel @ gru_w_ih.T + gru_b_ih
        gh = h @ gru_w_hh.T + gru_b_hh
        i_r, i_z, i_n = jnp.split(gi, 3, axis=-1)
        h_r, h_z, h_n = jnp.split(gh, 3, axis=-1)
        r = jax.nn.sigmoid(i_r + h_r)
        z = jax.nn.sigmoid(i_z + h_z)
        ng = jnp.tanh(i_n + r * h_n)
        h = _l2((1.0 - z) * ng + z * h)
    return jnp.stack(logits_list, axis=1)  # [B, S, K]

if __name__ == "__main__":
    import jax
    _d = setup_inputs()
    print(jax.jit(kernel)(*tuple(_d.values())))

</pallas_src>

<mosaic_0001>
#map = affine_map<(d0, d1) -> (0, 0)>
#map1 = affine_map<(d0, d1) -> (0, 0, 0)>
module attributes {stable_mosaic.version = 14 : i64} {
  func.func @_g(%arg0: i32, %arg1: i32, %arg2: memref<262144x256xf32, #tpu.memory_space<hbm>>, %arg3: memref<32x64xi32, #tpu.memory_space<hbm>>, %arg4: memref<32x64x256xf32, #tpu.memory_space<hbm>>, %arg5: memref<64xi32, #tpu.memory_space<vmem>>, %arg6: memref<64x256xf32, #tpu.memory_space<vmem>>, %arg7: memref<!tpu.dma_semaphore, #tpu.memory_space<semaphore_mem>>) attributes {dimension_semantics = [#tpu.dimension_semantics<core_parallel>, #tpu.dimension_semantics<subcore_parallel>], iteration_bounds = array<i64: 2, 16>, scalar_prefetch = 0 : i64, scratch_operands = 3 : i64, tpu.core_type = #tpu.core_type<sc_vector_subcore>, window_params = [{transform_indices = #map}, {transform_indices = #map}, {transform_indices = #map1}]} {
    %mul3A = arith.constant 2 : i32
    %mul3A_0 = arith.muli %arg1, %mul3A : i32
    %add3A = arith.addi %mul3A_0, %arg0 : i32
    "tpu.region"() ({
      %run_scoped3A = tpu.sem_alloc : memref<!tpu.dma_semaphore, #tpu.memory_space<semaphore_mem>>
      %dma_start3A_5 = arith.constant 0 : i32
      %dma_start3A_6 = tpu.memref_slice %arg3[%add3A, %dma_start3A_5] : memref<32x64xi32, #tpu.memory_space<hbm>> -> memref<1x64xi32, #tpu.memory_space<hbm>>
      %dma_start3A_7 = tpu.memref_squeeze %dma_start3A_6 : memref<1x64xi32, #tpu.memory_space<hbm>> -> memref<64xi32, #tpu.memory_space<hbm>>
      %dma_start3A_8 = arith.constant 0 : i32
      %dma_start3A_9 = tpu.memref_slice %arg3[%add3A, %dma_start3A_8] : memref<32x64xi32, #tpu.memory_space<hbm>> -> memref<1x64xi32, #tpu.memory_space<hbm>>
      %dma_start3A_10 = tpu.memref_squeeze %dma_start3A_9 : memref<1x64xi32, #tpu.memory_space<hbm>> -> memref<64xi32, #tpu.memory_space<hbm>>
      tpu.enqueue_dma source(%dma_start3A_10 : memref<64xi32, #tpu.memory_space<hbm>>) target(%arg5 : memref<64xi32, #tpu.memory_space<vmem>>) target_semaphore(%run_scoped3A : memref<!tpu.dma_semaphore, #tpu.memory_space<semaphore_mem>>)
      %dma_wait3A_11 = arith.constant 0 : i32
      %dma_wait3A_12 = tpu.memref_slice %arg3[%add3A, %dma_wait3A_11] : memref<32x64xi32, #tpu.memory_space<hbm>> -> memref<1x64xi32, #tpu.memory_space<hbm>>
      %dma_wait3A_13 = tpu.memref_squeeze %dma_wait3A_12 : memref<1x64xi32, #tpu.memory_space<hbm>> -> memref<64xi32, #tpu.memory_space<hbm>>
      %dma_wait3A_14 = arith.constant 0 : i32
      %dma_wait3A_15 = tpu.memref_slice %arg3[%add3A, %dma_wait3A_14] : memref<32x64xi32, #tpu.memory_space<hbm>> -> memref<1x64xi32, #tpu.memory_space<hbm>>
      %dma_wait3A_16 = tpu.memref_squeeze %dma_wait3A_15 : memref<1x64xi32, #tpu.memory_space<hbm>> -> memref<64xi32, #tpu.memory_space<hbm>>
      tpu.wait_dma2 semaphore(%run_scoped3A : memref<!tpu.dma_semaphore, #tpu.memory_space<semaphore_mem>>) src(%dma_wait3A_16 : memref<64xi32, #tpu.memory_space<hbm>>) dst(%arg5 : memref<64xi32, #tpu.memory_space<vmem>>)
      tpu.yield
    }) : () -> ()
    %dma_start3A = arith.constant 0 : i32
    %dma_start3A_1 = arith.constant 0 : i32
    %dma_start3A_2 = tpu.memref_slice %arg2[%dma_start3A, %dma_start3A_1] : memref<262144x256xf32, #tpu.memory_space<hbm>> -> memref<262144x256xf32, #tpu.memory_space<hbm>>
    tpu.enqueue_indirect_dma source(%dma_start3A_2 : memref<262144x256xf32, #tpu.memory_space<hbm>>) target(%arg6 : memref<64x256xf32, #tpu.memory_space<vmem>>) offsets(%arg5 : memref<64xi32, #tpu.memory_space<vmem>>) semaphore(%arg7 : memref<!tpu.dma_semaphore, #tpu.memory_space<semaphore_mem>>)
    %dma_wait3A = arith.constant 0 : i32
    %dma_wait3A_3 = arith.constant 0 : i32
    %dma_wait3A_4 = tpu.memref_slice %arg2[%dma_wait3A, %dma_wait3A_3] : memref<262144x256xf32, #tpu.memory_space<hbm>> -> memref<262144x256xf32, #tpu.memory_space<hbm>>
    tpu.wait_indirect_dma semaphore(%arg7 : memref<!tpu.dma_semaphore, #tpu.memory_space<semaphore_mem>>) src(%dma_wait3A_4 : memref<262144x256xf32, #tpu.memory_space<hbm>>) dst(%arg6 : memref<64x256xf32, #tpu.memory_space<vmem>>)
    "tpu.region"() ({
      %run_scoped3A = tpu.sem_alloc : memref<!tpu.dma_semaphore, #tpu.memory_space<semaphore_mem>>
      %dma_start3A_5 = arith.constant 0 : i32
      %dma_start3A_6 = arith.constant 0 : i32
      %dma_start3A_7 = tpu.memref_slice %arg4[%add3A, %dma_start3A_5, %dma_start3A_6] : memref<32x64x256xf32, #tpu.memory_space<hbm>> -> memref<1x64x256xf32, #tpu.memory_space<hbm>>
      %dma_start3A_8 = tpu.memref_squeeze %dma_start3A_7 : memref<1x64x256xf32, #tpu.memory_space<hbm>> -> memref<64x256xf32, #tpu.memory_space<hbm>>
      %dma_start3A_9 = arith.constant 0 : i32
      %dma_start3A_10 = arith.constant 0 : i32
      %dma_start3A_11 = tpu.memref_slice %arg4[%add3A, %dma_start3A_9, %dma_start3A_10] : memref<32x64x256xf32, #tpu.memory_space<hbm>> -> memref<1x64x256xf32, #tpu.memory_space<hbm>>
      %dma_start3A_12 = tpu.memref_squeeze %dma_start3A_11 : memref<1x64x256xf32, #tpu.memory_space<hbm>> -> memref<64x256xf32, #tpu.memory_space<hbm>>
      tpu.enqueue_dma source(%arg6 : memref<64x256xf32, #tpu.memory_space<vmem>>) target(%dma_start3A_12 : memref<64x256xf32, #tpu.memory_space<hbm>>) target_semaphore(%run_scoped3A : memref<!tpu.dma_semaphore, #tpu.memory_space<semaphore_mem>>)
      %dma_wait3A_13 = arith.constant 0 : i32
      %dma_wait3A_14 = arith.constant 0 : i32
      %dma_wait3A_15 = tpu.memref_slice %arg4[%add3A, %dma_wait3A_13, %dma_wait3A_14] : memref<32x64x256xf32, #tpu.memory_space<hbm>> -> memref<1x64x256xf32, #tpu.memory_space<hbm>>
      %dma_wait3A_16 = tpu.memref_squeeze %dma_wait3A_15 : memref<1x64x256xf32, #tpu.memory_space<hbm>> -> memref<64x256xf32, #tpu.memory_space<hbm>>
      %dma_wait3A_17 = arith.constant 0 : i32
      %dma_wait3A_18 = arith.constant 0 : i32
      %dma_wait3A_19 = tpu.memref_slice %arg4[%add3A, %dma_wait3A_17, %dma_wait3A_18] : memref<32x64x256xf32, #tpu.memory_space<hbm>> -> memref<1x64x256xf32, #tpu.memory_space<hbm>>
      %dma_wait3A_20 = tpu.memref_squeeze %dma_wait3A_19 : memref<1x64x256xf32, #tpu.memory_space<hbm>> -> memref<64x256xf32, #tpu.memory_space<hbm>>
      tpu.wait_dma2 semaphore(%run_scoped3A : memref<!tpu.dma_semaphore, #tpu.memory_space<semaphore_mem>>) src(%arg6 : memref<64x256xf32, #tpu.memory_space<vmem>>) dst(%dma_wait3A_20 : memref<64x256xf32, #tpu.memory_space<hbm>>)
      tpu.yield
    }) : () -> ()
    return
  }
}

#map = affine_map<(d0, d1) -> (0, 0)>
#map1 = affine_map<(d0, d1) -> (0, 0, 0)>
module attributes {stable_mosaic.version = 14 : i64} {
  func.func @_g(%arg0: i32, %arg1: i32, %arg2: memref<262144x256xf32, #tpu.memory_space<hbm>>, %arg3: memref<32x64xi32, #tpu.memory_space<hbm>>, %arg4: memref<32x64x256xf32, #tpu.memory_space<hbm>>, %arg5: memref<64xi32, #tpu.memory_space<vmem>>, %arg6: memref<64x256xf32, #tpu.memory_space<vmem>>, %arg7: memref<!tpu.dma_semaphore, #tpu.memory_space<semaphore_mem>>) attributes {dimension_semantics = [#tpu.dimension_semantics<core_parallel>, #tpu.dimension_semantics<subcore_parallel>], iteration_bounds = array<i64: 2, 16>, scalar_prefetch = 0 : i64, scratch_operands = 3 : i64, tpu.core_type = #tpu.core_type<sc_vector_subcore>, window_params = [{transform_indices = #map}, {transform_indices = #map}, {transform_indices = #map1}]} {
    %mul3A = arith.constant 2 : i32
    %mul3A_0 = arith.muli %arg1, %mul3A : i32
    %add3A = arith.addi %mul3A_0, %arg0 : i32
    "tpu.region"() ({
      %run_scoped3A = tpu.sem_alloc : memref<!tpu.dma_semaphore, #tpu.memory_space<semaphore_mem>>
      %dma_start3A_5 = arith.constant 0 : i32
      %dma_start3A_6 = tpu.memref_slice %arg3[%add3A, %dma_start3A_5] : memref<32x64xi32, #tpu.memory_space<hbm>> -> memref<1x64xi32, #tpu.memory_space<hbm>>
      %dma_start3A_7 = tpu.memref_squeeze %dma_start3A_6 : memref<1x64xi32, #tpu.memory_space<hbm>> -> memref<64xi32, #tpu.memory_space<hbm>>
      %dma_start3A_8 = arith.constant 0 : i32
      %dma_start3A_9 = tpu.memref_slice %arg3[%add3A, %dma_start3A_8] : memref<32x64xi32, #tpu.memory_space<hbm>> -> memref<1x64xi32, #tpu.memory_space<hbm>>
      %dma_start3A_10 = tpu.memref_squeeze %dma_start3A_9 : memref<1x64xi32, #tpu.memory_space<hbm>> -> memref<64xi32, #tpu.memory_space<hbm>>
      tpu.enqueue_dma source(%dma_start3A_10 : memref<64xi32, #tpu.memory_space<hbm>>) target(%arg5 : memref<64xi32, #tpu.memory_space<vmem>>) target_semaphore(%run_scoped3A : memref<!tpu.dma_semaphore, #tpu.memory_space<semaphore_mem>>)
      %dma_wait3A_11 = arith.constant 0 : i32
      %dma_wait3A_12 = tpu.memref_slice %arg3[%add3A, %dma_wait3A_11] : memref<32x64xi32, #tpu.memory_space<hbm>> -> memref<1x64xi32, #tpu.memory_space<hbm>>
      %dma_wait3A_13 = tpu.memref_squeeze %dma_wait3A_12 : memref<1x64xi32, #tpu.memory_space<hbm>> -> memref<64xi32, #tpu.memory_space<hbm>>
      %dma_wait3A_14 = arith.constant 0 : i32
      %dma_wait3A_15 = tpu.memref_slice %arg3[%add3A, %dma_wait3A_14] : memref<32x64xi32, #tpu.memory_space<hbm>> -> memref<1x64xi32, #tpu.memory_space<hbm>>
      %dma_wait3A_16 = tpu.memref_squeeze %dma_wait3A_15 : memref<1x64xi32, #tpu.memory_space<hbm>> -> memref<64xi32, #tpu.memory_space<hbm>>
      tpu.wait_dma2 semaphore(%run_scoped3A : memref<!tpu.dma_semaphore, #tpu.memory_space<semaphore_mem>>) src(%dma_wait3A_16 : memref<64xi32, #tpu.memory_space<hbm>>) dst(%arg5 : memref<64xi32, #tpu.memory_space<vmem>>)
      tpu.yield
    }) : () -> ()
    %dma_start3A = arith.constant 0 : i32
    %dma_start3A_1 = arith.constant 0 : i32
    %dma_start3A_2 = tpu.memref_slice %arg2[%dma_start3A, %dma_start3A_1] : memref<262144x256xf32, #tpu.memory_space<hbm>> -> memref<262144x256xf32, #tpu.memory_space<hbm>>
    tpu.enqueue_indirect_dma source(%dma_start3A_2 : memref<262144x256xf32, #tpu.memory_space<hbm>>) target(%arg6 : memref<64x256xf32, #tpu.memory_space<vmem>>) offsets(%arg5 : memref<64xi32, #tpu.memory_space<vmem>>) semaphore(%arg7 : memref<!tpu.dma_semaphore, #tpu.memory_space<semaphore_mem>>)
    %dma_wait3A = arith.constant 0 : i32
    %dma_wait3A_3 = arith.constant 0 : i32
    %dma_wait3A_4 = tpu.memref_slice %arg2[%dma_wait3A, %dma_wait3A_3] : memref<262144x256xf32, #tpu.memory_space<hbm>> -> memref<262144x256xf32, #tpu.memory_space<hbm>>
    tpu.wait_indirect_dma semaphore(%arg7 : memref<!tpu.dma_semaphore, #tpu.memory_space<semaphore_mem>>) src(%dma_wait3A_4 : memref<262144x256xf32, #tpu.memory_space<hbm>>) dst(%arg6 : memref<64x256xf32, #tpu.memory_space<vmem>>)
    "tpu.region"() ({
      %run_scoped3A = tpu.sem_alloc : memref<!tpu.dma_semaphore, #tpu.memory_space<semaphore_mem>>
      %dma_start3A_5 = arith.constant 0 : i32
      %dma_start3A_6 = arith.constant 0 : i32
      %dma_start3A_7 = tpu.memref_slice %arg4[%add3A, %dma_start3A_5, %dma_start3A_6] : memref<32x64x256xf32, #tpu.memory_space<hbm>> -> memref<1x64x256xf32, #tpu.memory_space<hbm>>
      %dma_start3A_8 = tpu.memref_squeeze %dma_start3A_7 : memref<1x64x256xf32, #tpu.memory_space<hbm>> -> memref<64x256xf32, #tpu.memory_space<hbm>>
      %dma_start3A_9 = arith.constant 0 : i32
      %dma_start3A_10 = arith.constant 0 : i32
      %dma_start3A_11 = tpu.memref_slice %arg4[%add3A, %dma_start3A_9, %dma_start3A_10] : memref<32x64x256xf32, #tpu.memory_space<hbm>> -> memref<1x64x256xf32, #tpu.memory_space<hbm>>
      %dma_start3A_12 = tpu.memref_squeeze %dma_start3A_11 : memref<1x64x256xf32, #tpu.memory_space<hbm>> -> memref<64x256xf32, #tpu.memory_space<hbm>>
      tpu.enqueue_dma source(%arg6 : memref<64x256xf32, #tpu.memory_space<vmem>>) target(%dma_start3A_12 : memref<64x256xf32, #tpu.memory_space<hbm>>) target_semaphore(%run_scoped3A : memref<!tpu.dma_semaphore, #tpu.memory_space<semaphore_mem>>)
      %dma_wait3A_13 = arith.constant 0 : i32
      %dma_wait3A_14 = arith.constant 0 : i32
      %dma_wait3A_15 = tpu.memref_slice %arg4[%add3A, %dma_wait3A_13, %dma_wait3A_14] : memref<32x64x256xf32, #tpu.memory_space<hbm>> -> memref<1x64x256xf32, #tpu.memory_space<hbm>>
      %dma_wait3A_16 = tpu.memref_squeeze %dma_wait3A_15 : memref<1x64x256xf32, #tpu.memory_space<hbm>> -> memref<64x256xf32, #tpu.memory_space<hbm>>
      %dma_wait3A_17 = arith.constant 0 : i32
      %dma_wait3A_18 = arith.constant 0 : i32
      %dma_wait3A_19 = tpu.memref_slice %arg4[%add3A, %dma_wait3A_17, %dma_wait3A_18] : memref<32x64x256xf32, #tpu.memory_space<hbm>> -> memref<1x64x256xf32, #tpu.memory_space<hbm>>
      %dma_wait3A_20 = tpu.memref_squeeze %dma_wait3A_19 : memref<1x64x256xf32, #tpu.memory_space<hbm>> -> memref<64x256xf32, #tpu.memory_space<hbm>>
      tpu.wait_dma2 semaphore(%run_scoped3A : memref<!tpu.dma_semaphore, #tpu.memory_space<semaphore_mem>>) src(%arg6 : memref<64x256xf32, #tpu.memory_space<vmem>>) dst(%dma_wait3A_20 : memref<64x256xf32, #tpu.memory_space<hbm>>)
      tpu.yield
    }) : () -> ()
    return
  }
}

module attributes {stable_mosaic.version = 14 : i64} {
  func.func @_b_body(%arg0: memref<32x1x256xf32, #tpu.memory_space<vmem>>, %arg1: memref<32x256xf32, #tpu.memory_space<vmem>>, %arg2: memref<256x256xf32, #tpu.memory_space<vmem>>, %arg3: memref<1x256xf32, #tpu.memory_space<vmem>>, %arg4: memref<1x256xf32, #tpu.memory_space<vmem>>, %arg5: memref<1x256xf32, #tpu.memory_space<vmem>>, %arg6: memref<256x256xf32, #tpu.memory_space<vmem>>, %arg7: memref<2x256xf32, #tpu.memory_space<vmem>>, %arg8: memref<32x256xf32, #tpu.memory_space<vmem>>, %arg9: memref<32x256xf32, #tpu.memory_space<vmem>>) attributes {dimension_semantics = [], scalar_prefetch = 0 : i64, scratch_operands = 0 : i64, tpu.core_type = #tpu.core_type<tc>} {
    %get3A = arith.constant 0 : index
    %get3A_0 = arith.constant 0 : index
    %get3A_1 = arith.constant 0 : index
    %get3A_2 = vector.load %arg0[%get3A, %get3A_0, %get3A_1] : memref<32x1x256xf32, #tpu.memory_space<vmem>>, vector<32x1x256xf32>
    %get3A_3 = vector.shape_cast %get3A_2 : vector<32x1x256xf32> to vector<32x256xf32>
    %get3A_4 = arith.constant 0 : index
    %get3A_5 = arith.constant 0 : index
    %get3A_6 = vector.load %arg2[%get3A_4, %get3A_5] : memref<256x256xf32, #tpu.memory_space<vmem>>, vector<256x256xf32>
    %convert_element_type3A = arith.truncf %get3A_3 : vector<32x256xf32> to vector<32x256xbf16>
    %convert_element_type3A_7 = arith.truncf %get3A_6 : vector<256x256xf32> to vector<256x256xbf16>
    %dot_general3A = arith.constant dense<0.000000e+00> : vector<32x256xf32>
    %dot_general3A_8 = tpu.matmul %convert_element_type3A, %convert_element_type3A_7, %dot_general3A {dimension_numbers = #tpu.dot_dimension_numbers<[1], [1], [0], [0], [0, 0, 1, 0], [], []>, transpose_lhs_hint = false} : vector<32x256xbf16>, vector<256x256xbf16>, vector<32x256xf32> -> vector<32x256xf32>
    %get3A_9 = arith.constant 0 : index
    %get3A_10 = arith.constant 0 : index
    %get3A_11 = vector.load %arg3[%get3A_9, %get3A_10] : memref<1x256xf32, #tpu.memory_space<vmem>>, vector<1x256xf32>
    %add3A = vector.broadcast %get3A_11 : vector<1x256xf32> to vector<32x256xf32>
    %add3A_12 = arith.addf %dot_general3A_8, %add3A : vector<32x256xf32>
    %get3A_13 = arith.constant 0 : index
    %get3A_14 = arith.constant 0 : index
    %get3A_15 = vector.load %arg1[%get3A_13, %get3A_14] : memref<32x256xf32, #tpu.memory_space<vmem>>, vector<32x256xf32>
    %add3A_16 = arith.addf %add3A_12, %get3A_15 : vector<32x256xf32>
    %get3A_17 = arith.constant 0 : index
    %get3A_18 = arith.constant 0 : index
    %get3A_19 = vector.load %arg4[%get3A_17, %get3A_18] : memref<1x256xf32, #tpu.memory_space<vmem>>, vector<1x256xf32>
    %get3A_20 = arith.constant 0 : index
    %get3A_21 = arith.constant 0 : index
    %get3A_22 = vector.load %arg5[%get3A_20, %get3A_21] : memref<1x256xf32, #tpu.memory_space<vmem>>, vector<1x256xf32>
    %reduce_sum3A = arith.constant dense<0.000000e+00> : vector<32xf32>
    %reduce_sum3A_23 = vector.multi_reduction <add>, %add3A_16, %reduce_sum3A [1] : vector<32x256xf32> to vector<32xf32>
    %broadcast_in_dim3A = vector.shape_cast %reduce_sum3A_23 : vector<32xf32> to vector<32x1xf32>
    %div3A = arith.constant 2.560000e+02 : f32
    %div3A_24 = vector.broadcast %div3A : f32 to vector<32x1xf32>
    %div3A_25 = arith.divf %broadcast_in_dim3A, %div3A_24 : vector<32x1xf32>
    %sub3A = vector.broadcast %div3A_25 : vector<32x1xf32> to vector<32x256xf32>
    %sub3A_26 = arith.subf %add3A_16, %sub3A : vector<32x256xf32>
    %mul3A = arith.mulf %sub3A_26, %sub3A_26 : vector<32x256xf32>
    %reduce_sum3A_27 = arith.constant dense<0.000000e+00> : vector<32xf32>
    %reduce_sum3A_28 = vector.multi_reduction <add>, %mul3A, %reduce_sum3A_27 [1] : vector<32x256xf32> to vector<32xf32>
    %broadcast_in_dim3A_29 = vector.shape_cast %reduce_sum3A_28 : vector<32xf32> to vector<32x1xf32>
    %div3A_30 = arith.constant 2.560000e+02 : f32
    %div3A_31 = vector.broadcast %div3A_30 : f32 to vector<32x1xf32>
    %div3A_32 = arith.divf %broadcast_in_dim3A_29, %div3A_31 : vector<32x1xf32>
    %add3A_33 = arith.constant 9.99999974E-6 : f32
    %add3A_34 = vector.broadcast %add3A_33 : f32 to vector<32x1xf32>
    %add3A_35 = arith.addf %div3A_32, %add3A_34 : vector<32x1xf32>
    %sqrt3A = math.sqrt %add3A_35 : vector<32x1xf32>
    %div3A_36 = vector.broadcast %sqrt3A : vector<32x1xf32> to vector<32x256xf32>
    %div3A_37 = arith.divf %sub3A_26, %div3A_36 : vector<32x256xf32>
    %mul3A_38 = vector.broadcast %get3A_19 : vector<1x256xf32> to vector<32x256xf32>
    %mul3A_39 = arith.mulf %div3A_37, %mul3A_38 : vector<32x256xf32>
    %add3A_40 = vector.broadcast %get3A_22 : vector<1x256xf32> to vector<32x256xf32>
    %add3A_41 = arith.addf %mul3A_39, %add3A_40 : vector<32x256xf32>
    %get3A_42 = arith.constant 0 : index
    %get3A_43 = arith.constant 0 : index
    %get3A_44 = vector.load %arg6[%get3A_42, %get3A_43] : memref<256x256xf32, #tpu.memory_space<vmem>>, vector<256x256xf32>
    %convert_element_type3A_45 = arith.truncf %add3A_41 : vector<32x256xf32> to vector<32x256xbf16>
    %convert_element_type3A_46 = arith.truncf %get3A_44 : vector<256x256xf32> to vector<256x256xbf16>
    %dot_general3A_47 = arith.constant dense<0.000000e+00> : vector<32x256xf32>
    %dot_general3A_48 = tpu.matmul %convert_element_type3A_45, %convert_element_type3A_46, %dot_general3A_47 {dimension_numbers = #tpu.dot_dimension_numbers<[1], [1], [0], [0], [0, 0, 1, 0], [], []>, transpose_lhs_hint = false} : vector<32x256xbf16>, vector<256x256xbf16>, vector<32x256xf32> -> vector<32x256xf32>
    %mul3A_49 = arith.mulf %dot_general3A_48, %dot_general3A_48 : vector<32x256xf32>
    %reduce_sum3A_50 = arith.constant dense<0.000000e+00> : vector<32xf32>
    %reduce_sum3A_51 = vector.multi_reduction <add>, %mul3A_49, %reduce_sum3A_50 [1] : vector<32x256xf32> to vector<32xf32>
    %broadcast_in_dim3A_52 = vector.shape_cast %reduce_sum3A_51 : vector<32xf32> to vector<32x1xf32>
    %sqrt3A_53 = math.sqrt %broadcast_in_dim3A_52 : vector<32x1xf32>
    %max3A = arith.constant 9.99999996E-13 : f32
    %max3A_54 = vector.broadcast %max3A : f32 to vector<32x1xf32>
    %max3A_55 = arith.maximumf %sqrt3A_53, %max3A_54 : vector<32x1xf32>
    %div3A_56 = vector.broadcast %max3A_55 : vector<32x1xf32> to vector<32x256xf32>
    %div3A_57 = arith.divf %dot_general3A_48, %div3A_56 : vector<32x256xf32>
    %get3A_58 = arith.constant 0 : index
    %get3A_59 = arith.constant 0 : index
    %get3A_60 = vector.load %arg7[%get3A_58, %get3A_59] : memref<2x256xf32, #tpu.memory_space<vmem>>, vector<1x256xf32>
    %add3A_61 = vector.broadcast %get3A_60 : vector<1x256xf32> to vector<32x256xf32>
    %add3A_62 = arith.addf %div3A_57, %add3A_61 : vector<32x256xf32>
    %mul3A_63 = arith.mulf %add3A_62, %add3A_62 : vector<32x256xf32>
    %reduce_sum3A_64 = arith.constant dense<0.000000e+00> : vector<32xf32>
    %reduce_sum3A_65 = vector.multi_reduction <add>, %mul3A_63, %reduce_sum3A_64 [1] : vector<32x256xf32> to vector<32xf32>
    %broadcast_in_dim3A_66 = vector.shape_cast %reduce_sum3A_65 : vector<32xf32> to vector<32x1xf32>
    %sqrt3A_67 = math.sqrt %broadcast_in_dim3A_66 : vector<32x1xf32>
    %max3A_68 = arith.constant 9.99999996E-13 : f32
    %max3A_69 = vector.broadcast %max3A_68 : f32 to vector<32x1xf32>
    %max3A_70 = arith.maximumf %sqrt3A_67, %max3A_69 : vector<32x1xf32>
    %div3A_71 = vector.broadcast %max3A_70 : vector<32x1xf32> to vector<32x256xf32>
    %div3A_72 = arith.divf %add3A_62, %div3A_71 : vector<32x256xf32>
    %swap3A = arith.constant 0 : index
    %swap3A_73 = arith.constant 0 : index
    %swap3A_74 = vector.load %arg8[%swap3A, %swap3A_73] : memref<32x256xf32, #tpu.memory_space<vmem>>, vector<32x256xf32>
    tpu.vector_store %arg8[%swap3A, %swap3A_73], %div3A_57 {strides = array<i32>} : memref<32x256xf32, #tpu.memory_space<vmem>>, vector<32x256xf32>,
    %swap3A_75 = arith.constant 0 : index
    %swap3A_76 = arith.constant 0 : index
    %swap3A_77 = vector.load %arg9[%swap3A_75, %swap3A_76] : memref<32x256xf32, #tpu.memory_space<vmem>>, vector<32x256xf32>
    tpu.vector_store %arg9[%swap3A_75, %swap3A_76], %div3A_72 {strides = array<i32>} : memref<32x256xf32, #tpu.memory_space<vmem>>, vector<32x256xf32>,
    return
  }
}

module attributes {stable_mosaic.version = 14 : i64} {
  func.func @_a2_body(%arg0: i32, %arg1: i32, %arg2: memref<1x1x8192xf32, #tpu.memory_space<vmem>>, %arg3: memref<1x1x8192xf32, #tpu.memory_space<vmem>>, %arg4: memref<1x8192x256xbf16, #tpu.memory_space<vmem>>, %arg5: memref<768x256xf32, #tpu.memory_space<vmem>>, %arg6: memref<1x768xf32, #tpu.memory_space<vmem>>, %arg7: memref<1x1x256xf32, #tpu.memory_space<vmem>>, %arg8: memref<2xf32, #tpu.memory_space<smem>>, %arg9: memref<1x256xf32, #tpu.memory_space<vmem>>) attributes {dimension_semantics = [#tpu.dimension_semantics<parallel>, #tpu.dimension_semantics<arbitrary>], iteration_bounds = array<i64: 32, 1>, scalar_prefetch = 0 : i64, scratch_operands = 2 : i64, tpu.core_type = #tpu.core_type<tc>, window_params = [{transform_indices = @transform_0, window_bounds = array<i64: 1, 1, 8192>}, {transform_indices = @transform_1, window_bounds = array<i64: 1, 1, 8192>}, {transform_indices = @transform_2, window_bounds = array<i64: 1, 8192, 256>}, {pipeline_mode = #tpu.pipeline_mode<synchronous>, transform_indices = @transform_3, window_bounds = array<i64: 768, 256>}, {pipeline_mode = #tpu.pipeline_mode<synchronous>, transform_indices = @transform_4, window_bounds = array<i64: 1, 768>}, {transform_indices = @transform_5, window_bounds = array<i64: 1, 1, 256>}]} {
    %eq3A = arith.constant 0 : i32
    %eq3A_0 = arith.cmpi eq, %arg1, %eq3A : i32
    %convert_element_type3A = arith.extui %eq3A_0 : i1 to i32
    %cond3A = arith.constant 0 : i32
    %cond3A_1 = arith.cmpi ne, %convert_element_type3A, %cond3A : i32
    scf.if %cond3A_1 {
      %get3A_41 = arith.constant 0 : index
      %get3A_42 = arith.constant 0 : index
      %get3A_43 = arith.constant 0 : index
      %get3A_44 = vector.load %arg2[%get3A_41, %get3A_42, %get3A_43] : memref<1x1x8192xf32, #tpu.memory_space<vmem>>, vector<1x1x8192xf32>
      %get3A_45 = vector.shape_cast %get3A_44 : vector<1x1x8192xf32> to vector<8192xf32>
      %reduce_max3A = vector.shape_cast %get3A_45 : vector<8192xf32> to vector<1x8192xf32>
      %reduce_max3A_46 = arith.constant dense<0xFF800000> : vector<1xf32>
      %reduce_max3A_47 = vector.multi_reduction <maximumf>, %reduce_max3A, %reduce_max3A_46 [1] : vector<1x8192xf32> to vector<1xf32>
      %reduce_max3A_48 = vector.shape_cast %reduce_max3A_47 : vector<1xf32> to vector<1x1xf32>
      %reduce_max3A_49 = vector.extract %reduce_max3A_48[0, 0] : f32 from vector<1x1xf32>
      %swap3A_50 = arith.constant 0 : index
      %swap3A_51 = memref.load %arg8[%swap3A_50] : memref<2xf32, #tpu.memory_space<smem>>
      memref.store %reduce_max3A_49, %arg8[%swap3A_50] : memref<2xf32, #tpu.memory_space<smem>>
      %sub3A_52 = vector.broadcast %reduce_max3A_49 : f32 to vector<8192xf32>
      %sub3A_53 = arith.subf %get3A_45, %sub3A_52 : vector<8192xf32>
      %exp3A_54 = math.exp %sub3A_53 : vector<8192xf32>
      %reduce_sum3A = vector.shape_cast %exp3A_54 : vector<8192xf32> to vector<1x8192xf32>
      %reduce_sum3A_55 = arith.constant dense<0.000000e+00> : vector<1xf32>
      %reduce_sum3A_56 = vector.multi_reduction <add>, %reduce_sum3A, %reduce_sum3A_55 [1] : vector<1x8192xf32> to vector<1xf32>
      %reduce_sum3A_57 = vector.shape_cast %reduce_sum3A_56 : vector<1xf32> to vector<1x1xf32>
      %reduce_sum3A_58 = vector.extract %reduce_sum3A_57[0, 0] : f32 from vector<1x1xf32>
      %swap3A_59 = arith.constant 1 : index
      %swap3A_60 = memref.load %arg8[%swap3A_59] : memref<2xf32, #tpu.memory_space<smem>>
      memref.store %reduce_sum3A_58, %arg8[%swap3A_59] : memref<2xf32, #tpu.memory_space<smem>>
      %broadcast_in_dim3A = arith.constant 0.000000e+00 : f32
      %broadcast_in_dim3A_61 = vector.broadcast %broadcast_in_dim3A : f32 to vector<1x256xf32>
      %swap3A_62 = arith.constant 0 : index
      %swap3A_63 = arith.constant 0 : index
      %swap3A_64 = vector.load %arg9[%swap3A_62, %swap3A_63] : memref<1x256xf32, #tpu.memory_space<vmem>>, vector<1x256xf32>
      tpu.vector_store %arg9[%swap3A_62, %swap3A_63], %broadcast_in_dim3A_61 {strides = array<i32>} : memref<1x256xf32, #tpu.memory_space<vmem>>, vector<1x256xf32>,
    } else {
    }
    %get3A = arith.constant 0 : index
    %get3A_2 = arith.constant 0 : index
    %get3A_3 = arith.constant 0 : index
    %get3A_4 = vector.load %arg3[%get3A, %get3A_2, %get3A_3] : memref<1x1x8192xf32, #tpu.memory_space<vmem>>, vector<1x1x8192xf32>
    %get3A_5 = vector.shape_cast %get3A_4 : vector<1x1x8192xf32> to vector<8192xf32>
    %get3A_6 = arith.constant 0 : index
    %get3A_7 = memref.load %arg8[%get3A_6] : memref<2xf32, #tpu.memory_space<smem>>
    %sub3A = vector.broadcast %get3A_7 : f32 to vector<8192xf32>
    %sub3A_8 = arith.subf %get3A_5, %sub3A : vector<8192xf32>
    %exp3A = math.exp %sub3A_8 : vector<8192xf32>
    %get3A_9 = arith.constant 1 : index
    %get3A_10 = memref.load %arg8[%get3A_9] : memref<2xf32, #tpu.memory_space<smem>>
    %div3A = vector.broadcast %get3A_10 : f32 to vector<8192xf32>
    %div3A_11 = arith.divf %exp3A, %div3A : vector<8192xf32>
    %get3A_12 = arith.constant 0 : index
    %get3A_13 = arith.constant 0 : index
    %get3A_14 = arith.constant 0 : index
    %get3A_15 = vector.load %arg4[%get3A_12, %get3A_13, %get3A_14] : memref<1x8192x256xbf16, #tpu.memory_space<vmem>>, vector<1x8192x256xbf16>
    %get3A_16 = vector.shape_cast %get3A_15 : vector<1x8192x256xbf16> to vector<8192x256xbf16>
    %get3A_17 = arith.constant 512 : index
    %get3A_18 = arith.constant 0 : index
    %get3A_19 = vector.load %arg5[%get3A_17, %get3A_18] : memref<768x256xf32, #tpu.memory_space<vmem>>, vector<256x256xf32>
    %convert_element_type3A_20 = arith.truncf %get3A_19 : vector<256x256xf32> to vector<256x256xbf16>
    %dot_general3A = arith.constant dense<0.000000e+00> : vector<8192x256xf32>
    %dot_general3A_21 = tpu.matmul %get3A_16, %convert_element_type3A_20, %dot_general3A {dimension_numbers = #tpu.dot_dimension_numbers<[1], [1], [0], [0], [0, 0, 1, 0], [], []>, transpose_lhs_hint = false} : vector<8192x256xbf16>, vector<256x256xbf16>, vector<8192x256xf32> -> vector<8192x256xf32>
    %get3A_22 = arith.constant 0 : index
    %get3A_23 = arith.constant 512 : index
    %get3A_24 = vector.load %arg6[%get3A_22, %get3A_23] : memref<1x768xf32, #tpu.memory_space<vmem>>, vector<1x256xf32>
    %add3A = vector.broadcast %get3A_24 : vector<1x256xf32> to vector<8192x256xf32>
    %add3A_25 = arith.addf %dot_general3A_21, %add3A : vector<8192x256xf32>
    %get3A_26 = arith.constant 0 : index
    %get3A_27 = arith.constant 0 : index
    %get3A_28 = vector.load %arg9[%get3A_26, %get3A_27] : memref<1x256xf32, #tpu.memory_space<vmem>>, vector<1x256xf32>
    %convert_element_type3A_29 = arith.truncf %div3A_11 : vector<8192xf32> to vector<8192xbf16>
    %reshape3A = vector.shape_cast %convert_element_type3A_29 : vector<8192xbf16> to vector<1x8192xbf16>
    %convert_element_type3A_30 = arith.truncf %add3A_25 : vector<8192x256xf32> to vector<8192x256xbf16>
    %dot_general3A_31 = arith.constant dense<0.000000e+00> : vector<1x256xf32>
    %dot_general3A_32 = tpu.matmul %reshape3A, %convert_element_type3A_30, %dot_general3A_31 {dimension_numbers = #tpu.dot_dimension_numbers<[1], [0], [0], [1], [0, 0, 1, 1], [], []>, transpose_lhs_hint = false} : vector<1x8192xbf16>, vector<8192x256xbf16>, vector<1x256xf32> -> vector<1x256xf32>
    %add3A_33 = arith.addf %get3A_28, %dot_general3A_32 : vector<1x256xf32>
    %swap3A = arith.constant 0 : index
    %swap3A_34 = arith.constant 0 : index
    %swap3A_35 = vector.load %arg9[%swap3A, %swap3A_34] : memref<1x256xf32, #tpu.memory_space<vmem>>, vector<1x256xf32>
    tpu.vector_store %arg9[%swap3A, %swap3A_34], %add3A_33 {strides = array<i32>} : memref<1x256xf32, #tpu.memory_space<vmem>>, vector<1x256xf32>,
    %eq3A_36 = arith.constant 0 : i32
    %eq3A_37 = arith.cmpi eq, %arg1, %eq3A_36 : i32
    %convert_element_type3A_38 = arith.extui %eq3A_37 : i1 to i32
    %cond3A_39 = arith.constant 0 : i32
    %cond3A_40 = arith.cmpi ne, %convert_element_type3A_38, %cond3A_39 : i32
    scf.if %cond3A_40 {
      %get3A_41 = arith.constant 0 : index
      %get3A_42 = arith.constant 0 : index
      %get3A_43 = vector.load %arg9[%get3A_41, %get3A_42] : memref<1x256xf32, #tpu.memory_space<vmem>>, vector<1x256xf32>
      %get3A_44 = vector.shape_cast %get3A_43 : vector<1x256xf32> to vector<256xf32>
      %swap3A_45 = arith.constant 0 : index
      %swap3A_46 = arith.constant 0 : index
      %swap3A_47 = arith.constant 0 : index
      %swap3A_48 = vector.load %arg7[%swap3A_45, %swap3A_46, %swap3A_47] : memref<1x1x256xf32, #tpu.memory_space<vmem>>, vector<1x1x256xf32>
      %swap3A_49 = vector.shape_cast %swap3A_48 : vector<1x1x256xf32> to vector<256xf32>
      %swap3A_50 = vector.shape_cast %get3A_44 : vector<256xf32> to vector<1x1x256xf32>
      tpu.vector_store %arg7[%swap3A_45, %swap3A_46, %swap3A_47], %swap3A_50 {strides = array<i32>} : memref<1x1x256xf32, #tpu.memory_space<vmem>>, vector<1x1x256xf32>,
    } else {
    }
    return
  }
  func.func @transform_0(%arg0: i32, %arg1: i32) -> (i32, i32, i32) {
    %c0_i32 = arith.constant 0 : i32
    %c0_i32_0 = arith.constant 0 : i32
    %c0_i32_1 = arith.constant 0 : i32
    return %arg0, %c0_i32, %c0_i32_0 : i32, i32, i32
  }
  func.func @transform_1(%arg0: i32, %arg1: i32) -> (i32, i32, i32) {
    %mul3A = arith.constant 1 : i32
    %mul3A_0 = arith.muli %arg0, %mul3A : i32
    %add3A = arith.addi %mul3A_0, %arg1 : i32
    %c0_i32 = arith.constant 0 : i32
    %c0_i32_1 = arith.constant 0 : i32
    %c0_i32_2 = arith.constant 0 : i32
    return %add3A, %c0_i32, %c0_i32_1 : i32, i32, i32
  }
  func.func @transform_2(%arg0: i32, %arg1: i32) -> (i32, i32, i32) {
    %c0_i32 = arith.constant 0 : i32
    %c0_i32_0 = arith.constant 0 : i32
    return %arg0, %arg1, %c0_i32 : i32, i32, i32
  }
  func.func @transform_3(%arg0: i32, %arg1: i32) -> (i32, i32) {
    %c0_i32 = arith.constant 0 : i32
    %c0_i32_0 = arith.constant 0 : i32
    %c0_i32_1 = arith.constant 0 : i32
    return %c0_i32, %c0_i32_0 : i32, i32
  }
  func.func @transform_4(%arg0: i32, %arg1: i32) -> (i32, i32) {
    %c0_i32 = arith.constant 0 : i32
    %c0_i32_0 = arith.constant 0 : i32
    %c0_i32_1 = arith.constant 0 : i32
    return %c0_i32, %c0_i32_0 : i32, i32
  }
  func.func @transform_5(%arg0: i32, %arg1: i32) -> (i32, i32, i32) {
    %c0_i32 = arith.constant 0 : i32
    %c0_i32_0 = arith.constant 0 : i32
    %c0_i32_1 = arith.constant 0 : i32
    return %arg0, %c0_i32, %c0_i32_0 : i32, i32, i32
  }
}

module attributes {stable_mosaic.version = 14 : i64} {
  func.func @_a_body(%arg0: i32, %arg1: i32, %arg2: memref<1x8192x256xf32, #tpu.memory_space<vmem>>, %arg3: memref<32x256xf32, #tpu.memory_space<vmem>>, %arg4: memref<768x256xf32, #tpu.memory_space<vmem>>, %arg5: memref<1x768xf32, #tpu.memory_space<vmem>>, %arg6: memref<1x8192x256xbf16, #tpu.memory_space<vmem>>, %arg7: memref<1x1x8192xf32, #tpu.memory_space<vmem>>, %arg8: memref<1x256xf32, #tpu.memory_space<vmem>>) attributes {dimension_semantics = [#tpu.dimension_semantics<parallel>, #tpu.dimension_semantics<arbitrary>], iteration_bounds = array<i64: 32, 1>, scalar_prefetch = 0 : i64, scratch_operands = 1 : i64, tpu.core_type = #tpu.core_type<tc>, window_params = [{transform_indices = @transform_0, window_bounds = array<i64: 1, 8192, 256>}, {pipeline_mode = #tpu.pipeline_mode<synchronous>, transform_indices = @transform_1, window_bounds = array<i64: 32, 256>}, {pipeline_mode = #tpu.pipeline_mode<synchronous>, transform_indices = @transform_2, window_bounds = array<i64: 768, 256>}, {pipeline_mode = #tpu.pipeline_mode<synchronous>, transform_indices = @transform_3, window_bounds = array<i64: 1, 768>}, {transform_indices = @transform_4, window_bounds = array<i64: 1, 8192, 256>}, {transform_indices = @transform_5, window_bounds = array<i64: 1, 1, 8192>}]} {
    %eq3A = arith.constant 0 : i32
    %eq3A_0 = arith.cmpi eq, %arg1, %eq3A : i32
    %convert_element_type3A = arith.extui %eq3A_0 : i1 to i32
    %cond3A = arith.constant 0 : i32
    %cond3A_1 = arith.cmpi ne, %convert_element_type3A, %cond3A : i32
    scf.if %cond3A_1 {
      %get3A_36 = arith.index_cast %arg0 : i32 to index
      %get3A_37 = arith.constant 0 : index
      %get3A_38 = vector.load %arg3[%get3A_36, %get3A_37] : memref<32x256xf32, #tpu.memory_space<vmem>>, vector<1x256xf32>
      %get3A_39 = arith.constant 0 : index
      %get3A_40 = arith.constant 0 : index
      %get3A_41 = vector.load %arg4[%get3A_39, %get3A_40] : memref<768x256xf32, #tpu.memory_space<vmem>>, vector<256x256xf32>
      %dot_general3A_42 = arith.constant dense<0.000000e+00> : vector<1x256xf32>
      %dot_general3A_43 = tpu.matmul %get3A_38, %get3A_41, %dot_general3A_42 {dimension_numbers = #tpu.dot_dimension_numbers<[1], [1], [0], [0], [0, 0, 1, 0], [], []>, precision = #tpu.contract_precision<fp32>, transpose_lhs_hint = false} : vector<1x256xf32>, vector<256x256xf32>, vector<1x256xf32> -> vector<1x256xf32>
      %get3A_44 = arith.constant 0 : index
      %get3A_45 = arith.constant 0 : index
      %get3A_46 = vector.load %arg5[%get3A_44, %get3A_45] : memref<1x768xf32, #tpu.memory_space<vmem>>, vector<1x256xf32>
      %add3A_47 = arith.addf %dot_general3A_43, %get3A_46 : vector<1x256xf32>
      %swap3A_48 = arith.constant 0 : index
      %swap3A_49 = arith.constant 0 : index
      %swap3A_50 = vector.load %arg8[%swap3A_48, %swap3A_49] : memref<1x256xf32, #tpu.memory_space<vmem>>, vector<1x256xf32>
      tpu.vector_store %arg8[%swap3A_48, %swap3A_49], %add3A_47 {strides = array<i32>} : memref<1x256xf32, #tpu.memory_space<vmem>>, vector<1x256xf32>,
    } else {
    }
    %get3A = arith.constant 0 : index
    %get3A_2 = arith.constant 0 : index
    %get3A_3 = arith.constant 0 : index
    %get3A_4 = vector.load %arg2[%get3A, %get3A_2, %get3A_3] : memref<1x8192x256xf32, #tpu.memory_space<vmem>>, vector<1x8192x256xf32>
    %get3A_5 = vector.shape_cast %get3A_4 : vector<1x8192x256xf32> to vector<8192x256xf32>
    %convert_element_type3A_6 = arith.truncf %get3A_5 : vector<8192x256xf32> to vector<8192x256xbf16>
    %swap3A = arith.constant 0 : index
    %swap3A_7 = arith.constant 0 : index
    %swap3A_8 = arith.constant 0 : index
    %swap3A_9 = vector.load %arg6[%swap3A, %swap3A_7, %swap3A_8] : memref<1x8192x256xbf16, #tpu.memory_space<vmem>>, vector<1x8192x256xbf16>
    %swap3A_10 = vector.shape_cast %swap3A_9 : vector<1x8192x256xbf16> to vector<8192x256xbf16>
    %swap3A_11 = vector.shape_cast %convert_element_type3A_6 : vector<8192x256xbf16> to vector<1x8192x256xbf16>
    tpu.vector_store %arg6[%swap3A, %swap3A_7, %swap3A_8], %swap3A_11 {strides = array<i32>} : memref<1x8192x256xbf16, #tpu.memory_space<vmem>>, vector<1x8192x256xbf16>,
    %get3A_12 = arith.constant 256 : index
    %get3A_13 = arith.constant 0 : index
    %get3A_14 = vector.load %arg4[%get3A_12, %get3A_13] : memref<768x256xf32, #tpu.memory_space<vmem>>, vector<256x256xf32>
    %convert_element_type3A_15 = arith.truncf %get3A_14 : vector<256x256xf32> to vector<256x256xbf16>
    %dot_general3A = arith.constant dense<0.000000e+00> : vector<8192x256xf32>
    %dot_general3A_16 = tpu.matmul %convert_element_type3A_6, %convert_element_type3A_15, %dot_general3A {dimension_numbers = #tpu.dot_dimension_numbers<[1], [1], [0], [0], [0, 0, 1, 0], [], []>, transpose_lhs_hint = false} : vector<8192x256xbf16>, vector<256x256xbf16>, vector<8192x256xf32> -> vector<8192x256xf32>
    %get3A_17 = arith.constant 0 : index
    %get3A_18 = arith.constant 256 : index
    %get3A_19 = vector.load %arg5[%get3A_17, %get3A_18] : memref<1x768xf32, #tpu.memory_space<vmem>>, vector<1x256xf32>
    %add3A = vector.broadcast %get3A_19 : vector<1x256xf32> to vector<8192x256xf32>
    %add3A_20 = arith.addf %dot_general3A_16, %add3A : vector<8192x256xf32>
    %get3A_21 = arith.constant 0 : index
    %get3A_22 = arith.constant 0 : index
    %get3A_23 = vector.load %arg8[%get3A_21, %get3A_22] : memref<1x256xf32, #tpu.memory_space<vmem>>, vector<1x256xf32>
    %convert_element_type3A_24 = arith.truncf %get3A_23 : vector<1x256xf32> to vector<1x256xbf16>
    %convert_element_type3A_25 = arith.truncf %add3A_20 : vector<8192x256xf32> to vector<8192x256xbf16>
    %dot_general3A_26 = arith.constant dense<0.000000e+00> : vector<1x8192xf32>
    %dot_general3A_27 = tpu.matmul %convert_element_type3A_24, %convert_element_type3A_25, %dot_general3A_26 {dimension_numbers = #tpu.dot_dimension_numbers<[1], [1], [0], [0], [0, 0, 1, 0], [], []>, transpose_lhs_hint = false} : vector<1x256xbf16>, vector<8192x256xbf16>, vector<1x8192xf32> -> vector<1x8192xf32>
    %mul3A = arith.constant 6.250000e-02 : f32
    %mul3A_28 = vector.broadcast %mul3A : f32 to vector<1x8192xf32>
    %mul3A_29 = arith.mulf %dot_general3A_27, %mul3A_28 : vector<1x8192xf32>
    %squeeze3A = vector.shape_cast %mul3A_29 : vector<1x8192xf32> to vector<8192xf32>
    %swap3A_30 = arith.constant 0 : index
    %swap3A_31 = arith.constant 0 : index
    %swap3A_32 = arith.constant 0 : index
    %swap3A_33 = vector.load %arg7[%swap3A_30, %swap3A_31, %swap3A_32] : memref<1x1x8192xf32, #tpu.memory_space<vmem>>, vector<1x1x8192xf32>
    %swap3A_34 = vector.shape_cast %swap3A_33 : vector<1x1x8192xf32> to vector<8192xf32>
    %swap3A_35 = vector.shape_cast %squeeze3A : vector<8192xf32> to vector<1x1x8192xf32>
    tpu.vector_store %arg7[%swap3A_30, %swap3A_31, %swap3A_32], %swap3A_35 {strides = array<i32>} : memref<1x1x8192xf32, #tpu.memory_space<vmem>>, vector<1x1x8192xf32>,
    return
  }
  func.func @transform_0(%arg0: i32, %arg1: i32) -> (i32, i32, i32) {
    %c0_i32 = arith.constant 0 : i32
    %c0_i32_0 = arith.constant 0 : i32
    return %arg0, %arg1, %c0_i32 : i32, i32, i32
  }
  func.func @transform_1(%arg0: i32, %arg1: i32) -> (i32, i32) {
    %c0_i32 = arith.constant 0 : i32
    %c0_i32_0 = arith.constant 0 : i32
    %c0_i32_1 = arith.constant 0 : i32
    return %c0_i32, %c0_i32_0 : i32, i32
  }
  func.func @transform_2(%arg0: i32, %arg1: i32) -> (i32, i32) {
    %c0_i32 = arith.constant 0 : i32
    %c0_i32_0 = arith.constant 0 : i32
    %c0_i32_1 = arith.constant 0 : i32
    return %c0_i32, %c0_i32_0 : i32, i32
  }
  func.func @transform_3(%arg0: i32, %arg1: i32) -> (i32, i32) {
    %c0_i32 = arith.constant 0 : i32
    %c0_i32_0 = arith.constant 0 : i32
    %c0_i32_1 = arith.constant 0 : i32
    return %c0_i32, %c0_i32_0 : i32, i32
  }
  func.func @transform_4(%arg0: i32, %arg1: i32) -> (i32, i32, i32) {
    %c0_i32 = arith.constant 0 : i32
    %c0_i32_0 = arith.constant 0 : i32
    return %arg0, %arg1, %c0_i32 : i32, i32, i32
  }
  func.func @transform_5(%arg0: i32, %arg1: i32) -> (i32, i32, i32) {
    %mul3A = arith.constant 1 : i32
    %mul3A_0 = arith.muli %arg0, %mul3A : i32
    %add3A = arith.addi %mul3A_0, %arg1 : i32
    %c0_i32 = arith.constant 0 : i32
    %c0_i32_1 = arith.constant 0 : i32
    %c0_i32_2 = arith.constant 0 : i32
    return %add3A, %c0_i32, %c0_i32_1 : i32, i32, i32
  }
}

module attributes {stable_mosaic.version = 14 : i64} {
  func.func @_c_body(%arg0: i32, %arg1: i32, %arg2: memref<1x8192x256xbf16, #tpu.memory_space<vmem>>, %arg3: memref<1x1x256xf32, #tpu.memory_space<vmem>>, %arg4: memref<256x256xf32, #tpu.memory_space<vmem>>, %arg5: memref<1x1x8192xf32, #tpu.memory_space<vmem>>) attributes {dimension_semantics = [#tpu.dimension_semantics<parallel>, #tpu.dimension_semantics<parallel>], iteration_bounds = array<i64: 32, 1>, scalar_prefetch = 0 : i64, scratch_operands = 0 : i64, tpu.core_type = #tpu.core_type<tc>, window_params = [{transform_indices = @transform_0, window_bounds = array<i64: 1, 8192, 256>}, {transform_indices = @transform_1, window_bounds = array<i64: 1, 1, 256>}, {pipeline_mode = #tpu.pipeline_mode<synchronous>, transform_indices = @transform_2, window_bounds = array<i64: 256, 256>}, {transform_indices = @transform_3, window_bounds = array<i64: 1, 1, 8192>}]} {
    %get3A = arith.constant 0 : index
    %get3A_0 = arith.constant 0 : index
    %get3A_1 = arith.constant 0 : index
    %get3A_2 = vector.load %arg2[%get3A, %get3A_0, %get3A_1] : memref<1x8192x256xbf16, #tpu.memory_space<vmem>>, vector<1x8192x256xbf16>
    %get3A_3 = vector.shape_cast %get3A_2 : vector<1x8192x256xbf16> to vector<8192x256xbf16>
    %get3A_4 = arith.constant 0 : index
    %get3A_5 = arith.constant 0 : index
    %get3A_6 = vector.load %arg4[%get3A_4, %get3A_5] : memref<256x256xf32, #tpu.memory_space<vmem>>, vector<256x256xf32>
    %convert_element_type3A = arith.truncf %get3A_6 : vector<256x256xf32> to vector<256x256xbf16>
    %dot_general3A = arith.constant dense<0.000000e+00> : vector<8192x256xf32>
    %dot_general3A_7 = tpu.matmul %get3A_3, %convert_element_type3A, %dot_general3A {dimension_numbers = #tpu.dot_dimension_numbers<[1], [1], [0], [0], [0, 0, 1, 0], [], []>, transpose_lhs_hint = false} : vector<8192x256xbf16>, vector<256x256xbf16>, vector<8192x256xf32> -> vector<8192x256xf32>
    %mul3A = arith.mulf %dot_general3A_7, %dot_general3A_7 : vector<8192x256xf32>
    %reduce_sum3A = arith.constant dense<0.000000e+00> : vector<8192xf32>
    %reduce_sum3A_8 = vector.multi_reduction <add>, %mul3A, %reduce_sum3A [1] : vector<8192x256xf32> to vector<8192xf32>
    %broadcast_in_dim3A = vector.shape_cast %reduce_sum3A_8 : vector<8192xf32> to vector<8192x1xf32>
    %sqrt3A = math.sqrt %broadcast_in_dim3A : vector<8192x1xf32>
    %max3A = arith.constant 9.99999996E-13 : f32
    %max3A_9 = vector.broadcast %max3A : f32 to vector<8192x1xf32>
    %max3A_10 = arith.maximumf %sqrt3A, %max3A_9 : vector<8192x1xf32>
    %div3A = vector.broadcast %max3A_10 : vector<8192x1xf32> to vector<8192x256xf32>
    %div3A_11 = arith.divf %dot_general3A_7, %div3A : vector<8192x256xf32>
    %convert_element_type3A_12 = arith.truncf %div3A_11 : vector<8192x256xf32> to vector<8192x256xbf16>
    %get3A_13 = arith.constant 0 : index
    %get3A_14 = arith.constant 0 : index
    %get3A_15 = arith.constant 0 : index
    %get3A_16 = vector.load %arg3[%get3A_13, %get3A_14, %get3A_15] : memref<1x1x256xf32, #tpu.memory_space<vmem>>, vector<1x1x256xf32>
    %get3A_17 = vector.shape_cast %get3A_16 : vector<1x1x256xf32> to vector<1x256xf32>
    %convert_element_type3A_18 = arith.truncf %get3A_17 : vector<1x256xf32> to vector<1x256xbf16>
    %dot_general3A_19 = arith.constant dense<0.000000e+00> : vector<1x8192xf32>
    %dot_general3A_20 = tpu.matmul %convert_element_type3A_18, %convert_element_type3A_12, %dot_general3A_19 {dimension_numbers = #tpu.dot_dimension_numbers<[1], [1], [0], [0], [0, 0, 1, 0], [], []>, transpose_lhs_hint = false} : vector<1x256xbf16>, vector<8192x256xbf16>, vector<1x8192xf32> -> vector<1x8192xf32>
    %squeeze3A = vector.shape_cast %dot_general3A_20 : vector<1x8192xf32> to vector<8192xf32>
    %div3A_21 = arith.constant 1.000000e-01 : f32
    %div3A_22 = vector.broadcast %div3A_21 : f32 to vector<8192xf32>
    %div3A_23 = arith.divf %squeeze3A, %div3A_22 : vector<8192xf32>
    %swap3A = arith.constant 0 : index
    %swap3A_24 = arith.constant 0 : index
    %swap3A_25 = arith.constant 0 : index
    %swap3A_26 = vector.load %arg5[%swap3A, %swap3A_24, %swap3A_25] : memref<1x1x8192xf32, #tpu.memory_space<vmem>>, vector<1x1x8192xf32>
    %swap3A_27 = vector.shape_cast %swap3A_26 : vector<1x1x8192xf32> to vector<8192xf32>
    %swap3A_28 = vector.shape_cast %div3A_23 : vector<8192xf32> to vector<1x1x8192xf32>
    tpu.vector_store %arg5[%swap3A, %swap3A_24, %swap3A_25], %swap3A_28 {strides = array<i32>} : memref<1x1x8192xf32, #tpu.memory_space<vmem>>, vector<1x1x8192xf32>,
    return
  }
  func.func @transform_0(%arg0: i32, %arg1: i32) -> (i32, i32, i32) {
    %c0_i32 = arith.constant 0 : i32
    %c0_i32_0 = arith.constant 0 : i32
    return %arg0, %arg1, %c0_i32 : i32, i32, i32
  }
  func.func @transform_1(%arg0: i32, %arg1: i32) -> (i32, i32, i32) {
    %c0_i32 = arith.constant 0 : i32
    %c0_i32_0 = arith.constant 0 : i32
    %c0_i32_1 = arith.constant 0 : i32
    return %arg0, %c0_i32, %c0_i32_0 : i32, i32, i32
  }
  func.func @transform_2(%arg0: i32, %arg1: i32) -> (i32, i32) {
    %c0_i32 = arith.constant 0 : i32
    %c0_i32_0 = arith.constant 0 : i32
    %c0_i32_1 = arith.constant 0 : i32
    return %c0_i32, %c0_i32_0 : i32, i32
  }
  func.func @transform_3(%arg0: i32, %arg1: i32) -> (i32, i32, i32) {
    %mul3A = arith.constant 1 : i32
    %mul3A_0 = arith.muli %arg0, %mul3A : i32
    %add3A = arith.addi %mul3A_0, %arg1 : i32
    %c0_i32 = arith.constant 0 : i32
    %c0_i32_1 = arith.constant 0 : i32
    %c0_i32_2 = arith.constant 0 : i32
    return %add3A, %c0_i32, %c0_i32_1 : i32, i32, i32
  }
}

module attributes {stable_mosaic.version = 14 : i64} {
  func.func @_t_body(%arg0: memref<32x8192xf32, #tpu.memory_space<vmem>>, %arg1: memref<32x128xi32, #tpu.memory_space<vmem>>, %arg2: memref<32x64xi32, #tpu.memory_space<vmem>>, %arg3: memref<32x64xi32, #tpu.memory_space<vmem>>) attributes {dimension_semantics = [], scalar_prefetch = 0 : i64, scratch_operands = 0 : i64, tpu.core_type = #tpu.core_type<tc>} {
    %get3A = arith.constant 0 : index
    %get3A_0 = arith.constant 0 : index
    %get3A_1 = vector.load %arg0[%get3A, %get3A_0] : memref<32x8192xf32, #tpu.memory_space<vmem>>, vector<32x8192xf32>
    %iota3A = tpu.iota {dimensions = array<i32: 1>} : vector<32x8192xi32>
    %get3A_2 = arith.constant 0 : index
    %get3A_3 = arith.constant 0 : index
    %get3A_4 = vector.load %arg1[%get3A_2, %get3A_3] : memref<32x128xi32, #tpu.memory_space<vmem>>, vector<32x1xi32>
    %eq3A = vector.broadcast %get3A_4 : vector<32x1xi32> to vector<32x8192xi32>
    %eq3A_5 = arith.cmpi eq, %iota3A, %eq3A : vector<32x8192xi32>
    %jit3A = arith.constant -1.000000e+09 : f32
    %broadcast_in_dim3A = vector.broadcast %jit3A : f32 to vector<32x8192xf32>
    %select_n3A = arith.select %eq3A_5, %broadcast_in_dim3A, %get3A_1 : vector<32x8192xi1>, vector<32x8192xf32>
    %reduce_max3A = arith.constant dense<0xFF800000> : vector<32xf32>
    %reduce_max3A_6 = vector.multi_reduction <maximumf>, %select_n3A, %reduce_max3A [1] : vector<32x8192xf32> to vector<32xf32>
    %broadcast_in_dim3A_7 = vector.shape_cast %reduce_max3A_6 : vector<32xf32> to vector<32x1xf32>
    %eq3A_8 = vector.broadcast %broadcast_in_dim3A_7 : vector<32x1xf32> to vector<32x8192xf32>
    %eq3A_9 = arith.cmpf oeq, %select_n3A, %eq3A_8 : vector<32x8192xf32>
    %jit3A_10 = arith.constant 8192 : i32
    %broadcast_in_dim3A_11 = vector.broadcast %jit3A_10 : i32 to vector<32x8192xi32>
    %select_n3A_12 = arith.select %eq3A_9, %iota3A, %broadcast_in_dim3A_11 : vector<32x8192xi1>, vector<32x8192xi32>
    %reduce_min3A = arith.constant dense<2147483647> : vector<32xi32>
    %reduce_min3A_13 = vector.multi_reduction <minsi>, %select_n3A_12, %reduce_min3A [1] : vector<32x8192xi32> to vector<32xi32>
    %broadcast_in_dim3A_14 = vector.shape_cast %reduce_min3A_13 : vector<32xi32> to vector<32x1xi32>
    %eq3A_15 = vector.broadcast %broadcast_in_dim3A_14 : vector<32x1xi32> to vector<32x8192xi32>
    %eq3A_16 = arith.cmpi eq, %iota3A, %eq3A_15 : vector<32x8192xi32>
    %jit3A_17 = arith.constant 0xFF800000 : f32
    %broadcast_in_dim3A_18 = vector.broadcast %jit3A_17 : f32 to vector<32x8192xf32>
    %select_n3A_19 = arith.select %eq3A_16, %broadcast_in_dim3A_18, %select_n3A : vector<32x8192xi1>, vector<32x8192xf32>
    %reduce_max3A_20 = arith.constant dense<0xFF800000> : vector<32xf32>
    %reduce_max3A_21 = vector.multi_reduction <maximumf>, %select_n3A_19, %reduce_max3A_20 [1] : vector<32x8192xf32> to vector<32xf32>
    %broadcast_in_dim3A_22 = vector.shape_cast %reduce_max3A_21 : vector<32xf32> to vector<32x1xf32>
    %eq3A_23 = vector.broadcast %broadcast_in_dim3A_22 : vector<32x1xf32> to vector<32x8192xf32>
    %eq3A_24 = arith.cmpf oeq, %select_n3A_19, %eq3A_23 : vector<32x8192xf32>
    %jit3A_25 = arith.constant 8192 : i32
    %broadcast_in_dim3A_26 = vector.broadcast %jit3A_25 : i32 to vector<32x8192xi32>
    %select_n3A_27 = arith.select %eq3A_24, %iota3A, %broadcast_in_dim3A_26 : vector<32x8192xi1>, vector<32x8192xi32>
    %reduce_min3A_28 = arith.constant dense<2147483647> : vector<32xi32>
    %reduce_min3A_29 = vector.multi_reduction <minsi>, %select_n3A_27, %reduce_min3A_28 [1] : vector<32x8192xi32> to vector<32xi32>
    %broadcast_in_dim3A_30 = vector.shape_cast %reduce_min3A_29 : vector<32xi32> to vector<32x1xi32>
    %eq3A_31 = vector.broadcast %broadcast_in_dim3A_30 : vector<32x1xi32> to vector<32x8192xi32>
    %eq3A_32 = arith.cmpi eq, %iota3A, %eq3A_31 : vector<32x8192xi32>
    %jit3A_33 = arith.constant 0xFF800000 : f32
    %broadcast_in_dim3A_34 = vector.broadcast %jit3A_33 : f32 to vector<32x8192xf32>
    %select_n3A_35 = arith.select %eq3A_32, %broadcast_in_dim3A_34, %select_n3A_19 : vector<32x8192xi1>, vector<32x8192xf32>
    %reduce_max3A_36 = arith.constant dense<0xFF800000> : vector<32xf32>
    %reduce_max3A_37 = vector.multi_reduction <maximumf>, %select_n3A_35, %reduce_max3A_36 [1] : vector<32x8192xf32> to vector<32xf32>
    %broadcast_in_dim3A_38 = vector.shape_cast %reduce_max3A_37 : vector<32xf32> to vector<32x1xf32>
    %eq3A_39 = vector.broadcast %broadcast_in_dim3A_38 : vector<32x1xf32> to vector<32x8192xf32>
    %eq3A_40 = arith.cmpf oeq, %select_n3A_35, %eq3A_39 : vector<32x8192xf32>
    %jit3A_41 = arith.constant 8192 : i32
    %broadcast_in_dim3A_42 = vector.broadcast %jit3A_41 : i32 to vector<32x8192xi32>
    %select_n3A_43 = arith.select %eq3A_40, %iota3A, %broadcast_in_dim3A_42 : vector<32x8192xi1>, vector<32x8192xi32>
    %reduce_min3A_44 = arith.constant dense<2147483647> : vector<32xi32>
    %reduce_min3A_45 = vector.multi_reduction <minsi>, %select_n3A_43, %reduce_min3A_44 [1] : vector<32x8192xi32> to vector<32xi32>
    %broadcast_in_dim3A_46 = vector.shape_cast %reduce_min3A_45 : vector<32xi32> to vector<32x1xi32>
    %eq3A_47 = vector.broadcast %broadcast_in_dim3A_46 : vector<32x1xi32> to vector<32x8192xi32>
    %eq3A_48 = arith.cmpi eq, %iota3A, %eq3A_47 : vector<32x8192xi32>
    %jit3A_49 = arith.constant 0xFF800000 : f32
    %broadcast_in_dim3A_50 = vector.broadcast %jit3A_49 : f32 to vector<32x8192xf32>
    %select_n3A_51 = arith.select %eq3A_48, %broadcast_in_dim3A_50, %select_n3A_35 : vector<32x8192xi1>, vector<32x8192xf32>
    %reduce_max3A_52 = arith.constant dense<0xFF800000> : vector<32xf32>
    %reduce_max3A_53 = vector.multi_reduction <maximumf>, %select_n3A_51, %reduce_max3A_52 [1] : vector<32x8192xf32> to vector<32xf32>
    %broadcast_in_dim3A_54 = vector.shape_cast %reduce_max3A_53 : vector<32xf32> to vector<32x1xf32>
    %eq3A_55 = vector.broadcast %broadcast_in_dim3A_54 : vector<32x1xf32> to vector<32x8192xf32>
    %eq3A_56 = arith.cmpf oeq, %select_n3A_51, %eq3A_55 : vector<32x8192xf32>
    %jit3A_57 = arith.constant 8192 : i32
    %broadcast_in_dim3A_58 = vector.broadcast %jit3A_57 : i32 to vector<32x8192xi32>
    %select_n3A_59 = arith.select %eq3A_56, %iota3A, %broadcast_in_dim3A_58 : vector<32x8192xi1>, vector<32x8192xi32>
    %reduce_min3A_60 = arith.constant dense<2147483647> : vector<32xi32>
    %reduce_min3A_61 = vector.multi_reduction <minsi>, %select_n3A_59, %reduce_min3A_60 [1] : vector<32x8192xi32> to vector<32xi32>
    %broadcast_in_dim3A_62 = vector.shape_cast %reduce_min3A_61 : vector<32xi32> to vector<32x1xi32>
    %eq3A_63 = vector.broadcast %broadcast_in_dim3A_62 : vector<32x1xi32> to vector<32x8192xi32>
    %eq3A_64 = arith.cmpi eq, %iota3A, %eq3A_63 : vector<32x8192xi32>
    %jit3A_65 = arith.constant 0xFF800000 : f32
    %broadcast_in_dim3A_66 = vector.broadcast %jit3A_65 : f32 to vector<32x8192xf32>
    %select_n3A_67 = arith.select %eq3A_64, %broadcast_in_dim3A_66, %select_n3A_51 : vector<32x8192xi1>, vector<32x8192xf32>
    %reduce_max3A_68 = arith.constant dense<0xFF800000> : vector<32xf32>
    %reduce_max3A_69 = vector.multi_reduction <maximumf>, %select_n3A_67, %reduce_max3A_68 [1] : vector<32x8192xf32> to vector<32xf32>
    %broadcast_in_dim3A_70 = vector.shape_cast %reduce_max3A_69 : vector<32xf32> to vector<32x1xf32>
    %eq3A_71 = vector.broadcast %broadcast_in_dim3A_70 : vector<32x1xf32> to vector<32x8192xf32>
    %eq3A_72 = arith.cmpf oeq, %select_n3A_67, %eq3A_71 : vector<32x8192xf32>
    %jit3A_73 = arith.constant 8192 : i32
    %broadcast_in_dim3A_74 = vector.broadcast %jit3A_73 : i32 to vector<32x8192xi32>
    %select_n3A_75 = arith.select %eq3A_72, %iota3A, %broadcast_in_dim3A_74 : vector<32x8192xi1>, vector<32x8192xi32>
    %reduce_min3A_76 = arith.constant dense<2147483647> : vector<32xi32>
    %reduce_min3A_77 = vector.multi_reduction <minsi>, %select_n3A_75, %reduce_min3A_76 [1] : vector<32x8192xi32> to vector<32xi32>
    %broadcast_in_dim3A_78 = vector.shape_cast %reduce_min3A_77 : vector<32xi32> to vector<32x1xi32>
    %eq3A_79 = vector.broadcast %broadcast_in_dim3A_78 : vector<32x1xi32> to vector<32x8192xi32>
    %eq3A_80 = arith.cmpi eq, %iota3A, %eq3A_79 : vector<32x8192xi32>
    %jit3A_81 = arith.constant 0xFF800000 : f32
    %broadcast_in_dim3A_82 = vector.broadcast %jit3A_81 : f32 to vector<32x8192xf32>
    %select_n3A_83 = arith.select %eq3A_80, %broadcast_in_dim3A_82, %select_n3A_67 : vector<32x8192xi1>, vector<32x8192xf32>
    %reduce_max3A_84 = arith.constant dense<0xFF800000> : vector<32xf32>
    %reduce_max3A_85 = vector.multi_reduction <maximumf>, %select_n3A_83, %reduce_max3A_84 [1] : vector<32x8192xf32> to vector<32xf32>
    %broadcast_in_dim3A_86 = vector.shape_cast %reduce_max3A_85 : vector<32xf32> to vector<32x1xf32>
    %eq3A_87 = vector.broadcast %broadcast_in_dim3A_86 : vector<32x1xf32> to vector<32x8192xf32>
    %eq3A_88 = arith.cmpf oeq, %select_n3A_83, %eq3A_87 : vector<32x8192xf32>
    %jit3A_89 = arith.constant 8192 : i32
    %broadcast_in_dim3A_90 = vector.broadcast %jit3A_89 : i32 to vector<32x8192xi32>
    %select_n3A_91 = arith.select %eq3A_88, %iota3A, %broadcast_in_dim3A_90 : vector<32x8192xi1>, vector<32x8192xi32>
    %reduce_min3A_92 = arith.constant dense<2147483647> : vector<32xi32>
    %reduce_min3A_93 = vector.multi_reduction <minsi>, %select_n3A_91, %reduce_min3A_92 [1] : vector<32x8192xi32> to vector<32xi32>
    %broadcast_in_dim3A_94 = vector.shape_cast %reduce_min3A_93 : vector<32xi32> to vector<32x1xi32>
    %eq3A_95 = vector.broadcast %broadcast_in_dim3A_94 : vector<32x1xi32> to vector<32x8192xi32>
    %eq3A_96 = arith.cmpi eq, %iota3A, %eq3A_95 : vector<32x8192xi32>
    %jit3A_97 = arith.constant 0xFF800000 : f32
    %broadcast_in_dim3A_98 = vector.broadcast %jit3A_97 : f32 to vector<32x8192xf32>
    %select_n3A_99 = arith.select %eq3A_96, %broadcast_in_dim3A_98, %select_n3A_83 : vector<32x8192xi1>, vector<32x8192xf32>
    %reduce_max3A_100 = arith.constant dense<0xFF800000> : vector<32xf32>
    %reduce_max3A_101 = vector.multi_reduction <maximumf>, %select_n3A_99, %reduce_max3A_100 [1] : vector<32x8192xf32> to vector<32xf32>
    %broadcast_in_dim3A_102 = vector.shape_cast %reduce_max3A_101 : vector<32xf32> to vector<32x1xf32>
    %eq3A_103 = vector.broadcast %broadcast_in_dim3A_102 : vector<32x1xf32> to vector<32x8192xf32>
    %eq3A_104 = arith.cmpf oeq, %select_n3A_99, %eq3A_103 : vector<32x8192xf32>
    %jit3A_105 = arith.constant 8192 : i32
    %broadcast_in_dim3A_106 = vector.broadcast %jit3A_105 : i32 to vector<32x8192xi32>
    %select_n3A_107 = arith.select %eq3A_104, %iota3A, %broadcast_in_dim3A_106 : vector<32x8192xi1>, vector<32x8192xi32>
    %reduce_min3A_108 = arith.constant dense<2147483647> : vector<32xi32>
    %reduce_min3A_109 = vector.multi_reduction <minsi>, %select_n3A_107, %reduce_min3A_108 [1] : vector<32x8192xi32> to vector<32xi32>
    %broadcast_in_dim3A_110 = vector.shape_cast %reduce_min3A_109 : vector<32xi32> to vector<32x1xi32>
    %eq3A_111 = vector.broadcast %broadcast_in_dim3A_110 : vector<32x1xi32> to vector<32x8192xi32>
    %eq3A_112 = arith.cmpi eq, %iota3A, %eq3A_111 : vector<32x8192xi32>
    %jit3A_113 = arith.constant 0xFF800000 : f32
    %broadcast_in_dim3A_114 = vector.broadcast %jit3A_113 : f32 to vector<32x8192xf32>
    %select_n3A_115 = arith.select %eq3A_112, %broadcast_in_dim3A_114, %select_n3A_99 : vector<32x8192xi1>, vector<32x8192xf32>
    %reduce_max3A_116 = arith.constant dense<0xFF800000> : vector<32xf32>
    %reduce_max3A_117 = vector.multi_reduction <maximumf>, %select_n3A_115, %reduce_max3A_116 [1] : vector<32x8192xf32> to vector<32xf32>
    %broadcast_in_dim3A_118 = vector.shape_cast %reduce_max3A_117 : vector<32xf32> to vector<32x1xf32>
    %eq3A_119 = vector.broadcast %broadcast_in_dim3A_118 : vector<32x1xf32> to vector<32x8192xf32>
    %eq3A_120 = arith.cmpf oeq, %select_n3A_115, %eq3A_119 : vector<32x8192xf32>
    %jit3A_121 = arith.constant 8192 : i32
    %broadcast_in_dim3A_122 = vector.broadcast %jit3A_121 : i32 to vector<32x8192xi32>
    %select_n3A_123 = arith.select %eq3A_120, %iota3A, %broadcast_in_dim3A_122 : vector<32x8192xi1>, vector<32x8192xi32>
    %reduce_min3A_124 = arith.constant dense<2147483647> : vector<32xi32>
    %reduce_min3A_125 = vector.multi_reduction <minsi>, %select_n3A_123, %reduce_min3A_124 [1] : vector<32x8192xi32> to vector<32xi32>
    %broadcast_in_dim3A_126 = vector.shape_cast %reduce_min3A_125 : vector<32xi32> to vector<32x1xi32>
    %eq3A_127 = vector.broadcast %broadcast_in_dim3A_126 : vector<32x1xi32> to vector<32x8192xi32>
    %eq3A_128 = arith.cmpi eq, %iota3A, %eq3A_127 : vector<32x8192xi32>
    %jit3A_129 = arith.constant 0xFF800000 : f32
    %broadcast_in_dim3A_130 = vector.broadcast %jit3A_129 : f32 to vector<32x8192xf32>
    %select_n3A_131 = arith.select %eq3A_128, %broadcast_in_dim3A_130, %select_n3A_115 : vector<32x8192xi1>, vector<32x8192xf32>
    %reduce_max3A_132 = arith.constant dense<0xFF800000> : vector<32xf32>
    %reduce_max3A_133 = vector.multi_reduction <maximumf>, %select_n3A_131, %reduce_max3A_132 [1] : vector<32x8192xf32> to vector<32xf32>
    %broadcast_in_dim3A_134 = vector.shape_cast %reduce_max3A_133 : vector<32xf32> to vector<32x1xf32>
    %eq3A_135 = vector.broadcast %broadcast_in_dim3A_134 : vector<32x1xf32> to vector<32x8192xf32>
    %eq3A_136 = arith.cmpf oeq, %select_n3A_131, %eq3A_135 : vector<32x8192xf32>
    %jit3A_137 = arith.constant 8192 : i32
    %broadcast_in_dim3A_138 = vector.broadcast %jit3A_137 : i32 to vector<32x8192xi32>
    %select_n3A_139 = arith.select %eq3A_136, %iota3A, %broadcast_in_dim3A_138 : vector<32x8192xi1>, vector<32x8192xi32>
    %reduce_min3A_140 = arith.constant dense<2147483647> : vector<32xi32>
    %reduce_min3A_141 = vector.multi_reduction <minsi>, %select_n3A_139, %reduce_min3A_140 [1] : vector<32x8192xi32> to vector<32xi32>
    %broadcast_in_dim3A_142 = vector.shape_cast %reduce_min3A_141 : vector<32xi32> to vector<32x1xi32>
    %eq3A_143 = vector.broadcast %broadcast_in_dim3A_142 : vector<32x1xi32> to vector<32x8192xi32>
    %eq3A_144 = arith.cmpi eq, %iota3A, %eq3A_143 : vector<32x8192xi32>
    %jit3A_145 = arith.constant 0xFF800000 : f32
    %broadcast_in_dim3A_146 = vector.broadcast %jit3A_145 : f32 to vector<32x8192xf32>
    %select_n3A_147 = arith.select %eq3A_144, %broadcast_in_dim3A_146, %select_n3A_131 : vector<32x8192xi1>, vector<32x8192xf32>
    %reduce_max3A_148 = arith.constant dense<0xFF800000> : vector<32xf32>
    %reduce_max3A_149 = vector.multi_reduction <maximumf>, %select_n3A_147, %reduce_max3A_148 [1] : vector<32x8192xf32> to vector<32xf32>
    %broadcast_in_dim3A_150 = vector.shape_cast %reduce_max3A_149 : vector<32xf32> to vector<32x1xf32>
    %eq3A_151 = vector.broadcast %broadcast_in_dim3A_150 : vector<32x1xf32> to vector<32x8192xf32>
    %eq3A_152 = arith.cmpf oeq, %select_n3A_147, %eq3A_151 : vector<32x8192xf32>
    %jit3A_153 = arith.constant 8192 : i32
    %broadcast_in_dim3A_154 = vector.broadcast %jit3A_153 : i32 to vector<32x8192xi32>
    %select_n3A_155 = arith.select %eq3A_152, %iota3A, %broadcast_in_dim3A_154 : vector<32x8192xi1>, vector<32x8192xi32>
    %reduce_min3A_156 = arith.constant dense<2147483647> : vector<32xi32>
    %reduce_min3A_157 = vector.multi_reduction <minsi>, %select_n3A_155, %reduce_min3A_156 [1] : vector<32x8192xi32> to vector<32xi32>
    %broadcast_in_dim3A_158 = vector.shape_cast %reduce_min3A_157 : vector<32xi32> to vector<32x1xi32>
    %eq3A_159 = vector.broadcast %broadcast_in_dim3A_158 : vector<32x1xi32> to vector<32x8192xi32>
    %eq3A_160 = arith.cmpi eq, %iota3A, %eq3A_159 : vector<32x8192xi32>
    %jit3A_161 = arith.constant 0xFF800000 : f32
    %broadcast_in_dim3A_162 = vector.broadcast %jit3A_161 : f32 to vector<32x8192xf32>
    %select_n3A_163 = arith.select %eq3A_160, %broadcast_in_dim3A_162, %select_n3A_147 : vector<32x8192xi1>, vector<32x8192xf32>
    %reduce_max3A_164 = arith.constant dense<0xFF800000> : vector<32xf32>
    %reduce_max3A_165 = vector.multi_reduction <maximumf>, %select_n3A_163, %reduce_max3A_164 [1] : vector<32x8192xf32> to vector<32xf32>
    %broadcast_in_dim3A_166 = vector.shape_cast %reduce_max3A_165 : vector<32xf32> to vector<32x1xf32>
    %eq3A_167 = vector.broadcast %broadcast_in_dim3A_166 : vector<32x1xf32> to vector<32x8192xf32>
    %eq3A_168 = arith.cmpf oeq, %select_n3A_163, %eq3A_167 : vector<32x8192xf32>
    %jit3A_169 = arith.constant 8192 : i32
    %broadcast_in_dim3A_170 = vector.broadcast %jit3A_169 : i32 to vector<32x8192xi32>
    %select_n3A_171 = arith.select %eq3A_168, %iota3A, %broadcast_in_dim3A_170 : vector<32x8192xi1>, vector<32x8192xi32>
    %reduce_min3A_172 = arith.constant dense<2147483647> : vector<32xi32>
    %reduce_min3A_173 = vector.multi_reduction <minsi>, %select_n3A_171, %reduce_min3A_172 [1] : vector<32x8192xi32> to vector<32xi32>
    %broadcast_in_dim3A_174 = vector.shape_cast %reduce_min3A_173 : vector<32xi32> to vector<32x1xi32>
    %eq3A_175 = vector.broadcast %broadcast_in_dim3A_174 : vector<32x1xi32> to vector<32x8192xi32>
    %eq3A_176 = arith.cmpi eq, %iota3A, %eq3A_175 : vector<32x8192xi32>
    %jit3A_177 = arith.constant 0xFF800000 : f32
    %broadcast_in_dim3A_178 = vector.broadcast %jit3A_177 : f32 to vector<32x8192xf32>
    %select_n3A_179 = arith.select %eq3A_176, %broadcast_in_dim3A_178, %select_n3A_163 : vector<32x8192xi1>, vector<32x8192xf32>
    %reduce_max3A_180 = arith.constant dense<0xFF800000> : vector<32xf32>
    %reduce_max3A_181 = vector.multi_reduction <maximumf>, %select_n3A_179, %reduce_max3A_180 [1] : vector<32x8192xf32> to vector<32xf32>
    %broadcast_in_dim3A_182 = vector.shape_cast %reduce_max3A_181 : vector<32xf32> to vector<32x1xf32>
    %eq3A_183 = vector.broadcast %broadcast_in_dim3A_182 : vector<32x1xf32> to vector<32x8192xf32>
    %eq3A_184 = arith.cmpf oeq, %select_n3A_179, %eq3A_183 : vector<32x8192xf32>
    %jit3A_185 = arith.constant 8192 : i32
    %broadcast_in_dim3A_186 = vector.broadcast %jit3A_185 : i32 to vector<32x8192xi32>
    %select_n3A_187 = arith.select %eq3A_184, %iota3A, %broadcast_in_dim3A_186 : vector<32x8192xi1>, vector<32x8192xi32>
    %reduce_min3A_188 = arith.constant dense<2147483647> : vector<32xi32>
    %reduce_min3A_189 = vector.multi_reduction <minsi>, %select_n3A_187, %reduce_min3A_188 [1] : vector<32x8192xi32> to vector<32xi32>
    %broadcast_in_dim3A_190 = vector.shape_cast %reduce_min3A_189 : vector<32xi32> to vector<32x1xi32>
    %eq3A_191 = vector.broadcast %broadcast_in_dim3A_190 : vector<32x1xi32> to vector<32x8192xi32>
    %eq3A_192 = arith.cmpi eq, %iota3A, %eq3A_191 : vector<32x8192xi32>
    %jit3A_193 = arith.constant 0xFF800000 : f32
    %broadcast_in_dim3A_194 = vector.broadcast %jit3A_193 : f32 to vector<32x8192xf32>
    %select_n3A_195 = arith.select %eq3A_192, %broadcast_in_dim3A_194, %select_n3A_179 : vector<32x8192xi1>, vector<32x8192xf32>
    %reduce_max3A_196 = arith.constant dense<0xFF800000> : vector<32xf32>
    %reduce_max3A_197 = vector.multi_reduction <maximumf>, %select_n3A_195, %reduce_max3A_196 [1] : vector<32x8192xf32> to vector<32xf32>
    %broadcast_in_dim3A_198 = vector.shape_cast %reduce_max3A_197 : vector<32xf32> to vector<32x1xf32>
    %eq3A_199 = vector.broadcast %broadcast_in_dim3A_198 : vector<32x1xf32> to vector<32x8192xf32>
    %eq3A_200 = arith.cmpf oeq, %select_n3A_195, %eq3A_199 : vector<32x8192xf32>
    %jit3A_201 = arith.constant 8192 : i32
    %broadcast_in_dim3A_202 = vector.broadcast %jit3A_201 : i32 to vector<32x8192xi32>
    %select_n3A_203 = arith.select %eq3A_200, %iota3A, %broadcast_in_dim3A_202 : vector<32x8192xi1>, vector<32x8192xi32>
    %reduce_min3A_204 = arith.constant dense<2147483647> : vector<32xi32>
    %reduce_min3A_205 = vector.multi_reduction <minsi>, %select_n3A_203, %reduce_min3A_204 [1] : vector<32x8192xi32> to vector<32xi32>
    %broadcast_in_dim3A_206 = vector.shape_cast %reduce_min3A_205 : vector<32xi32> to vector<32x1xi32>
    %eq3A_207 = vector.broadcast %broadcast_in_dim3A_206 : vector<32x1xi32> to vector<32x8192xi32>
    %eq3A_208 = arith.cmpi eq, %iota3A, %eq3A_207 : vector<32x8192xi32>
    %jit3A_209 = arith.constant 0xFF800000 : f32
    %broadcast_in_dim3A_210 = vector.broadcast %jit3A_209 : f32 to vector<32x8192xf32>
    %select_n3A_211 = arith.select %eq3A_208, %broadcast_in_dim3A_210, %select_n3A_195 : vector<32x8192xi1>, vector<32x8192xf32>
    %reduce_max3A_212 = arith.constant dense<0xFF800000> : vector<32xf32>
    %reduce_max3A_213 = vector.multi_reduction <maximumf>, %select_n3A_211, %reduce_max3A_212 [1] : vector<32x8192xf32> to vector<32xf32>
    %broadcast_in_dim3A_214 = vector.shape_cast %reduce_max3A_213 : vector<32xf32> to vector<32x1xf32>
    %eq3A_215 = vector.broadcast %broadcast_in_dim3A_214 : vector<32x1xf32> to vector<32x8192xf32>
    %eq3A_216 = arith.cmpf oeq, %select_n3A_211, %eq3A_215 : vector<32x8192xf32>
    %jit3A_217 = arith.constant 8192 : i32
    %broadcast_in_dim3A_218 = vector.broadcast %jit3A_217 : i32 to vector<32x8192xi32>
    %select_n3A_219 = arith.select %eq3A_216, %iota3A, %broadcast_in_dim3A_218 : vector<32x8192xi1>, vector<32x8192xi32>
    %reduce_min3A_220 = arith.constant dense<2147483647> : vector<32xi32>
    %reduce_min3A_221 = vector.multi_reduction <minsi>, %select_n3A_219, %reduce_min3A_220 [1] : vector<32x8192xi32> to vector<32xi32>
    %broadcast_in_dim3A_222 = vector.shape_cast %reduce_min3A_221 : vector<32xi32> to vector<32x1xi32>
    %eq3A_223 = vector.broadcast %broadcast_in_dim3A_222 : vector<32x1xi32> to vector<32x8192xi32>
    %eq3A_224 = arith.cmpi eq, %iota3A, %eq3A_223 : vector<32x8192xi32>
    %jit3A_225 = arith.constant 0xFF800000 : f32
    %broadcast_in_dim3A_226 = vector.broadcast %jit3A_225 : f32 to vector<32x8192xf32>
    %select_n3A_227 = arith.select %eq3A_224, %broadcast_in_dim3A_226, %select_n3A_211 : vector<32x8192xi1>, vector<32x8192xf32>
    %reduce_max3A_228 = arith.constant dense<0xFF800000> : vector<32xf32>
    %reduce_max3A_229 = vector.multi_reduction <maximumf>, %select_n3A_227, %reduce_max3A_228 [1] : vector<32x8192xf32> to vector<32xf32>
    %broadcast_in_dim3A_230 = vector.shape_cast %reduce_max3A_229 : vector<32xf32> to vector<32x1xf32>
    %eq3A_231 = vector.broadcast %broadcast_in_dim3A_230 : vector<32x1xf32> to vector<32x8192xf32>
    %eq3A_232 = arith.cmpf oeq, %select_n3A_227, %eq3A_231 : vector<32x8192xf32>
    %jit3A_233 = arith.constant 8192 : i32
    %broadcast_in_dim3A_234 = vector.broadcast %jit3A_233 : i32 to vector<32x8192xi32>
    %select_n3A_235 = arith.select %eq3A_232, %iota3A, %broadcast_in_dim3A_234 : vector<32x8192xi1>, vector<32x8192xi32>
    %reduce_min3A_236 = arith.constant dense<2147483647> : vector<32xi32>
    %reduce_min3A_237 = vector.multi_reduction <minsi>, %select_n3A_235, %reduce_min3A_236 [1] : vector<32x8192xi32> to vector<32xi32>
    %broadcast_in_dim3A_238 = vector.shape_cast %reduce_min3A_237 : vector<32xi32> to vector<32x1xi32>
    %eq3A_239 = vector.broadcast %broadcast_in_dim3A_238 : vector<32x1xi32> to vector<32x8192xi32>
    %eq3A_240 = arith.cmpi eq, %iota3A, %eq3A_239 : vector<32x8192xi32>
    %jit3A_241 = arith.constant 0xFF800000 : f32
    %broadcast_in_dim3A_242 = vector.broadcast %jit3A_241 : f32 to vector<32x8192xf32>
    %select_n3A_243 = arith.select %eq3A_240, %broadcast_in_dim3A_242, %select_n3A_227 : vector<32x8192xi1>, vector<32x8192xf32>
    %reduce_max3A_244 = arith.constant dense<0xFF800000> : vector<32xf32>
    %reduce_max3A_245 = vector.multi_reduction <maximumf>, %select_n3A_243, %reduce_max3A_244 [1] : vector<32x8192xf32> to vector<32xf32>
    %broadcast_in_dim3A_246 = vector.shape_cast %reduce_max3A_245 : vector<32xf32> to vector<32x1xf32>
    %eq3A_247 = vector.broadcast %broadcast_in_dim3A_246 : vector<32x1xf32> to vector<32x8192xf32>
    %eq3A_248 = arith.cmpf oeq, %select_n3A_243, %eq3A_247 : vector<32x8192xf32>
    %jit3A_249 = arith.constant 8192 : i32
    %broadcast_in_dim3A_250 = vector.broadcast %jit3A_249 : i32 to vector<32x8192xi32>
    %select_n3A_251 = arith.select %eq3A_248, %iota3A, %broadcast_in_dim3A_250 : vector<32x8192xi1>, vector<32x8192xi32>
    %reduce_min3A_252 = arith.constant dense<2147483647> : vector<32xi32>
    %reduce_min3A_253 = vector.multi_reduction <minsi>, %select_n3A_251, %reduce_min3A_252 [1] : vector<32x8192xi32> to vector<32xi32>
    %broadcast_in_dim3A_254 = vector.shape_cast %reduce_min3A_253 : vector<32xi32> to vector<32x1xi32>
    %eq3A_255 = vector.broadcast %broadcast_in_dim3A_254 : vector<32x1xi32> to vector<32x8192xi32>
    %eq3A_256 = arith.cmpi eq, %iota3A, %eq3A_255 : vector<32x8192xi32>
    %jit3A_257 = arith.constant 0xFF800000 : f32
    %broadcast_in_dim3A_258 = vector.broadcast %jit3A_257 : f32 to vector<32x8192xf32>
    %select_n3A_259 = arith.select %eq3A_256, %broadcast_in_dim3A_258, %select_n3A_243 : vector<32x8192xi1>, vector<32x8192xf32>
    %reduce_max3A_260 = arith.constant dense<0xFF800000> : vector<32xf32>
    %reduce_max3A_261 = vector.multi_reduction <maximumf>, %select_n3A_259, %reduce_max3A_260 [1] : vector<32x8192xf32> to vector<32xf32>
    %broadcast_in_dim3A_262 = vector.shape_cast %reduce_max3A_261 : vector<32xf32> to vector<32x1xf32>
    %eq3A_263 = vector.broadcast %broadcast_in_dim3A_262 : vector<32x1xf32> to vector<32x8192xf32>
    %eq3A_264 = arith.cmpf oeq, %select_n3A_259, %eq3A_263 : vector<32x8192xf32>
    %jit3A_265 = arith.constant 8192 : i32
    %broadcast_in_dim3A_266 = vector.broadcast %jit3A_265 : i32 to vector<32x8192xi32>
    %select_n3A_267 = arith.select %eq3A_264, %iota3A, %broadcast_in_dim3A_266 : vector<32x8192xi1>, vector<32x8192xi32>
    %reduce_min3A_268 = arith.constant dense<2147483647> : vector<32xi32>
    %reduce_min3A_269 = vector.multi_reduction <minsi>, %select_n3A_267, %reduce_min3A_268 [1] : vector<32x8192xi32> to vector<32xi32>
    %broadcast_in_dim3A_270 = vector.shape_cast %reduce_min3A_269 : vector<32xi32> to vector<32x1xi32>
    %eq3A_271 = vector.broadcast %broadcast_in_dim3A_270 : vector<32x1xi32> to vector<32x8192xi32>
    %eq3A_272 = arith.cmpi eq, %iota3A, %eq3A_271 : vector<32x8192xi32>
    %jit3A_273 = arith.constant 0xFF800000 : f32
    %broadcast_in_dim3A_274 = vector.broadcast %jit3A_273 : f32 to vector<32x8192xf32>
    %select_n3A_275 = arith.select %eq3A_272, %broadcast_in_dim3A_274, %select_n3A_259 : vector<32x8192xi1>, vector<32x8192xf32>
    %reduce_max3A_276 = arith.constant dense<0xFF800000> : vector<32xf32>
    %reduce_max3A_277 = vector.multi_reduction <maximumf>, %select_n3A_275, %reduce_max3A_276 [1] : vector<32x8192xf32> to vector<32xf32>
    %broadcast_in_dim3A_278 = vector.shape_cast %reduce_max3A_277 : vector<32xf32> to vector<32x1xf32>
    %eq3A_279 = vector.broadcast %broadcast_in_dim3A_278 : vector<32x1xf32> to vector<32x8192xf32>
    %eq3A_280 = arith.cmpf oeq, %select_n3A_275, %eq3A_279 : vector<32x8192xf32>
    %jit3A_281 = arith.constant 8192 : i32
    %broadcast_in_dim3A_282 = vector.broadcast %jit3A_281 : i32 to vector<32x8192xi32>
    %select_n3A_283 = arith.select %eq3A_280, %iota3A, %broadcast_in_dim3A_282 : vector<32x8192xi1>, vector<32x8192xi32>
    %reduce_min3A_284 = arith.constant dense<2147483647> : vector<32xi32>
    %reduce_min3A_285 = vector.multi_reduction <minsi>, %select_n3A_283, %reduce_min3A_284 [1] : vector<32x8192xi32> to vector<32xi32>
    %broadcast_in_dim3A_286 = vector.shape_cast %reduce_min3A_285 : vector<32xi32> to vector<32x1xi32>
    %eq3A_287 = vector.broadcast %broadcast_in_dim3A_286 : vector<32x1xi32> to vector<32x8192xi32>
    %eq3A_288 = arith.cmpi eq, %iota3A, %eq3A_287 : vector<32x8192xi32>
    %jit3A_289 = arith.constant 0xFF800000 : f32
    %broadcast_in_dim3A_290 = vector.broadcast %jit3A_289 : f32 to vector<32x8192xf32>
    %select_n3A_291 = arith.select %eq3A_288, %broadcast_in_dim3A_290, %select_n3A_275 : vector<32x8192xi1>, vector<32x8192xf32>
    %reduce_max3A_292 = arith.constant dense<0xFF800000> : vector<32xf32>
    %reduce_max3A_293 = vector.multi_reduction <maximumf>, %select_n3A_291, %reduce_max3A_292 [1] : vector<32x8192xf32> to vector<32xf32>
    %broadcast_in_dim3A_294 = vector.shape_cast %reduce_max3A_293 : vector<32xf32> to vector<32x1xf32>
    %eq3A_295 = vector.broadcast %broadcast_in_dim3A_294 : vector<32x1xf32> to vector<32x8192xf32>
    %eq3A_296 = arith.cmpf oeq, %select_n3A_291, %eq3A_295 : vector<32x8192xf32>
    %jit3A_297 = arith.constant 8192 : i32
    %broadcast_in_dim3A_298 = vector.broadcast %jit3A_297 : i32 to vector<32x8192xi32>
    %select_n3A_299 = arith.select %eq3A_296, %iota3A, %broadcast_in_dim3A_298 : vector<32x8192xi1>, vector<32x8192xi32>
    %reduce_min3A_300 = arith.constant dense<2147483647> : vector<32xi32>
    %reduce_min3A_301 = vector.multi_reduction <minsi>, %select_n3A_299, %reduce_min3A_300 [1] : vector<32x8192xi32> to vector<32xi32>
    %broadcast_in_dim3A_302 = vector.shape_cast %reduce_min3A_301 : vector<32xi32> to vector<32x1xi32>
    %eq3A_303 = vector.broadcast %broadcast_in_dim3A_302 : vector<32x1xi32> to vector<32x8192xi32>
    %eq3A_304 = arith.cmpi eq, %iota3A, %eq3A_303 : vector<32x8192xi32>
    %jit3A_305 = arith.constant 0xFF800000 : f32
    %broadcast_in_dim3A_306 = vector.broadcast %jit3A_305 : f32 to vector<32x8192xf32>
    %select_n3A_307 = arith.select %eq3A_304, %broadcast_in_dim3A_306, %select_n3A_291 : vector<32x8192xi1>, vector<32x8192xf32>
    %reduce_max3A_308 = arith.constant dense<0xFF800000> : vector<32xf32>
    %reduce_max3A_309 = vector.multi_reduction <maximumf>, %select_n3A_307, %reduce_max3A_308 [1] : vector<32x8192xf32> to vector<32xf32>
    %broadcast_in_dim3A_310 = vector.shape_cast %reduce_max3A_309 : vector<32xf32> to vector<32x1xf32>
    %eq3A_311 = vector.broadcast %broadcast_in_dim3A_310 : vector<32x1xf32> to vector<32x8192xf32>
    %eq3A_312 = arith.cmpf oeq, %select_n3A_307, %eq3A_311 : vector<32x8192xf32>
    %jit3A_313 = arith.constant 8192 : i32
    %broadcast_in_dim3A_314 = vector.broadcast %jit3A_313 : i32 to vector<32x8192xi32>
    %select_n3A_315 = arith.select %eq3A_312, %iota3A, %broadcast_in_dim3A_314 : vector<32x8192xi1>, vector<32x8192xi32>
    %reduce_min3A_316 = arith.constant dense<2147483647> : vector<32xi32>
    %reduce_min3A_317 = vector.multi_reduction <minsi>, %select_n3A_315, %reduce_min3A_316 [1] : vector<32x8192xi32> to vector<32xi32>
    %broadcast_in_dim3A_318 = vector.shape_cast %reduce_min3A_317 : vector<32xi32> to vector<32x1xi32>
    %eq3A_319 = vector.broadcast %broadcast_in_dim3A_318 : vector<32x1xi32> to vector<32x8192xi32>
    %eq3A_320 = arith.cmpi eq, %iota3A, %eq3A_319 : vector<32x8192xi32>
    %jit3A_321 = arith.constant 0xFF800000 : f32
    %broadcast_in_dim3A_322 = vector.broadcast %jit3A_321 : f32 to vector<32x8192xf32>
    %select_n3A_323 = arith.select %eq3A_320, %broadcast_in_dim3A_322, %select_n3A_307 : vector<32x8192xi1>, vector<32x8192xf32>
    %reduce_max3A_324 = arith.constant dense<0xFF800000> : vector<32xf32>
    %reduce_max3A_325 = vector.multi_reduction <maximumf>, %select_n3A_323, %reduce_max3A_324 [1] : vector<32x8192xf32> to vector<32xf32>
    %broadcast_in_dim3A_326 = vector.shape_cast %reduce_max3A_325 : vector<32xf32> to vector<32x1xf32>
    %eq3A_327 = vector.broadcast %broadcast_in_dim3A_326 : vector<32x1xf32> to vector<32x8192xf32>
    %eq3A_328 = arith.cmpf oeq, %select_n3A_323, %eq3A_327 : vector<32x8192xf32>
    %jit3A_329 = arith.constant 8192 : i32
    %broadcast_in_dim3A_330 = vector.broadcast %jit3A_329 : i32 to vector<32x8192xi32>
    %select_n3A_331 = arith.select %eq3A_328, %iota3A, %broadcast_in_dim3A_330 : vector<32x8192xi1>, vector<32x8192xi32>
    %reduce_min3A_332 = arith.constant dense<2147483647> : vector<32xi32>
    %reduce_min3A_333 = vector.multi_reduction <minsi>, %select_n3A_331, %reduce_min3A_332 [1] : vector<32x8192xi32> to vector<32xi32>
    %broadcast_in_dim3A_334 = vector.shape_cast %reduce_min3A_333 : vector<32xi32> to vector<32x1xi32>
    %eq3A_335 = vector.broadcast %broadcast_in_dim3A_334 : vector<32x1xi32> to vector<32x8192xi32>
    %eq3A_336 = arith.cmpi eq, %iota3A, %eq3A_335 : vector<32x8192xi32>
    %jit3A_337 = arith.constant 0xFF800000 : f32
    %broadcast_in_dim3A_338 = vector.broadcast %jit3A_337 : f32 to vector<32x8192xf32>
    %select_n3A_339 = arith.select %eq3A_336, %broadcast_in_dim3A_338, %select_n3A_323 : vector<32x8192xi1>, vector<32x8192xf32>
    %reduce_max3A_340 = arith.constant dense<0xFF800000> : vector<32xf32>
    %reduce_max3A_341 = vector.multi_reduction <maximumf>, %select_n3A_339, %reduce_max3A_340 [1] : vector<32x8192xf32> to vector<32xf32>
    %broadcast_in_dim3A_342 = vector.shape_cast %reduce_max3A_341 : vector<32xf32> to vector<32x1xf32>
    %eq3A_343 = vector.broadcast %broadcast_in_dim3A_342 : vector<32x1xf32> to vector<32x8192xf32>
    %eq3A_344 = arith.cmpf oeq, %select_n3A_339, %eq3A_343 : vector<32x8192xf32>
    %jit3A_345 = arith.constant 8192 : i32
    %broadcast_in_dim3A_346 = vector.broadcast %jit3A_345 : i32 to vector<32x8192xi32>
    %select_n3A_347 = arith.select %eq3A_344, %iota3A, %broadcast_in_dim3A_346 : vector<32x8192xi1>, vector<32x8192xi32>
    %reduce_min3A_348 = arith.constant dense<2147483647> : vector<32xi32>
    %reduce_min3A_349 = vector.multi_reduction <minsi>, %select_n3A_347, %reduce_min3A_348 [1] : vector<32x8192xi32> to vector<32xi32>
    %broadcast_in_dim3A_350 = vector.shape_cast %reduce_min3A_349 : vector<32xi32> to vector<32x1xi32>
    %eq3A_351 = vector.broadcast %broadcast_in_dim3A_350 : vector<32x1xi32> to vector<32x8192xi32>
    %eq3A_352 = arith.cmpi eq, %iota3A, %eq3A_351 : vector<32x8192xi32>
    %jit3A_353 = arith.constant 0xFF800000 : f32
    %broadcast_in_dim3A_354 = vector.broadcast %jit3A_353 : f32 to vector<32x8192xf32>
    %select_n3A_355 = arith.select %eq3A_352, %broadcast_in_dim3A_354, %select_n3A_339 : vector<32x8192xi1>, vector<32x8192xf32>
    %reduce_max3A_356 = arith.constant dense<0xFF800000> : vector<32xf32>
    %reduce_max3A_357 = vector.multi_reduction <maximumf>, %select_n3A_355, %reduce_max3A_356 [1] : vector<32x8192xf32> to vector<32xf32>
    %broadcast_in_dim3A_358 = vector.shape_cast %reduce_max3A_357 : vector<32xf32> to vector<32x1xf32>
    %eq3A_359 = vector.broadcast %broadcast_in_dim3A_358 : vector<32x1xf32> to vector<32x8192xf32>
    %eq3A_360 = arith.cmpf oeq, %select_n3A_355, %eq3A_359 : vector<32x8192xf32>
    %jit3A_361 = arith.constant 8192 : i32
    %broadcast_in_dim3A_362 = vector.broadcast %jit3A_361 : i32 to vector<32x8192xi32>
    %select_n3A_363 = arith.select %eq3A_360, %iota3A, %broadcast_in_dim3A_362 : vector<32x8192xi1>, vector<32x8192xi32>
    %reduce_min3A_364 = arith.constant dense<2147483647> : vector<32xi32>
    %reduce_min3A_365 = vector.multi_reduction <minsi>, %select_n3A_363, %reduce_min3A_364 [1] : vector<32x8192xi32> to vector<32xi32>
    %broadcast_in_dim3A_366 = vector.shape_cast %reduce_min3A_365 : vector<32xi32> to vector<32x1xi32>
    %eq3A_367 = vector.broadcast %broadcast_in_dim3A_366 : vector<32x1xi32> to vector<32x8192xi32>
    %eq3A_368 = arith.cmpi eq, %iota3A, %eq3A_367 : vector<32x8192xi32>
    %jit3A_369 = arith.constant 0xFF800000 : f32
    %broadcast_in_dim3A_370 = vector.broadcast %jit3A_369 : f32 to vector<32x8192xf32>
    %select_n3A_371 = arith.select %eq3A_368, %broadcast_in_dim3A_370, %select_n3A_355 : vector<32x8192xi1>, vector<32x8192xf32>
    %reduce_max3A_372 = arith.constant dense<0xFF800000> : vector<32xf32>
    %reduce_max3A_373 = vector.multi_reduction <maximumf>, %select_n3A_371, %reduce_max3A_372 [1] : vector<32x8192xf32> to vector<32xf32>
    %broadcast_in_dim3A_374 = vector.shape_cast %reduce_max3A_373 : vector<32xf32> to vector<32x1xf32>
    %eq3A_375 = vector.broadcast %broadcast_in_dim3A_374 : vector<32x1xf32> to vector<32x8192xf32>
    %eq3A_376 = arith.cmpf oeq, %select_n3A_371, %eq3A_375 : vector<32x8192xf32>
    %jit3A_377 = arith.constant 8192 : i32
    %broadcast_in_dim3A_378 = vector.broadcast %jit3A_377 : i32 to vector<32x8192xi32>
    %select_n3A_379 = arith.select %eq3A_376, %iota3A, %broadcast_in_dim3A_378 : vector<32x8192xi1>, vector<32x8192xi32>
    %reduce_min3A_380 = arith.constant dense<2147483647> : vector<32xi32>
    %reduce_min3A_381 = vector.multi_reduction <minsi>, %select_n3A_379, %reduce_min3A_380 [1] : vector<32x8192xi32> to vector<32xi32>
    %broadcast_in_dim3A_382 = vector.shape_cast %reduce_min3A_381 : vector<32xi32> to vector<32x1xi32>
    %eq3A_383 = vector.broadcast %broadcast_in_dim3A_382 : vector<32x1xi32> to vector<32x8192xi32>
    %eq3A_384 = arith.cmpi eq, %iota3A, %eq3A_383 : vector<32x8192xi32>
    %jit3A_385 = arith.constant 0xFF800000 : f32
    %broadcast_in_dim3A_386 = vector.broadcast %jit3A_385 : f32 to vector<32x8192xf32>
    %select_n3A_387 = arith.select %eq3A_384, %broadcast_in_dim3A_386, %select_n3A_371 : vector<32x8192xi1>, vector<32x8192xf32>
    %reduce_max3A_388 = arith.constant dense<0xFF800000> : vector<32xf32>
    %reduce_max3A_389 = vector.multi_reduction <maximumf>, %select_n3A_387, %reduce_max3A_388 [1] : vector<32x8192xf32> to vector<32xf32>
    %broadcast_in_dim3A_390 = vector.shape_cast %reduce_max3A_389 : vector<32xf32> to vector<32x1xf32>
    %eq3A_391 = vector.broadcast %broadcast_in_dim3A_390 : vector<32x1xf32> to vector<32x8192xf32>
    %eq3A_392 = arith.cmpf oeq, %select_n3A_387, %eq3A_391 : vector<32x8192xf32>
    %jit3A_393 = arith.constant 8192 : i32
    %broadcast_in_dim3A_394 = vector.broadcast %jit3A_393 : i32 to vector<32x8192xi32>
    %select_n3A_395 = arith.select %eq3A_392, %iota3A, %broadcast_in_dim3A_394 : vector<32x8192xi1>, vector<32x8192xi32>
    %reduce_min3A_396 = arith.constant dense<2147483647> : vector<32xi32>
    %reduce_min3A_397 = vector.multi_reduction <minsi>, %select_n3A_395, %reduce_min3A_396 [1] : vector<32x8192xi32> to vector<32xi32>
    %broadcast_in_dim3A_398 = vector.shape_cast %reduce_min3A_397 : vector<32xi32> to vector<32x1xi32>
    %eq3A_399 = vector.broadcast %broadcast_in_dim3A_398 : vector<32x1xi32> to vector<32x8192xi32>
    %eq3A_400 = arith.cmpi eq, %iota3A, %eq3A_399 : vector<32x8192xi32>
    %jit3A_401 = arith.constant 0xFF800000 : f32
    %broadcast_in_dim3A_402 = vector.broadcast %jit3A_401 : f32 to vector<32x8192xf32>
    %select_n3A_403 = arith.select %eq3A_400, %broadcast_in_dim3A_402, %select_n3A_387 : vector<32x8192xi1>, vector<32x8192xf32>
    %reduce_max3A_404 = arith.constant dense<0xFF800000> : vector<32xf32>
    %reduce_max3A_405 = vector.multi_reduction <maximumf>, %select_n3A_403, %reduce_max3A_404 [1] : vector<32x8192xf32> to vector<32xf32>
    %broadcast_in_dim3A_406 = vector.shape_cast %reduce_max3A_405 : vector<32xf32> to vector<32x1xf32>
    %eq3A_407 = vector.broadcast %broadcast_in_dim3A_406 : vector<32x1xf32> to vector<32x8192xf32>
    %eq3A_408 = arith.cmpf oeq, %select_n3A_403, %eq3A_407 : vector<32x8192xf32>
    %jit3A_409 = arith.constant 8192 : i32
    %broadcast_in_dim3A_410 = vector.broadcast %jit3A_409 : i32 to vector<32x8192xi32>
    %select_n3A_411 = arith.select %eq3A_408, %iota3A, %broadcast_in_dim3A_410 : vector<32x8192xi1>, vector<32x8192xi32>
    %reduce_min3A_412 = arith.constant dense<2147483647> : vector<32xi32>
    %reduce_min3A_413 = vector.multi_reduction <minsi>, %select_n3A_411, %reduce_min3A_412 [1] : vector<32x8192xi32> to vector<32xi32>
    %broadcast_in_dim3A_414 = vector.shape_cast %reduce_min3A_413 : vector<32xi32> to vector<32x1xi32>
    %eq3A_415 = vector.broadcast %broadcast_in_dim3A_414 : vector<32x1xi32> to vector<32x8192xi32>
    %eq3A_416 = arith.cmpi eq, %iota3A, %eq3A_415 : vector<32x8192xi32>
    %jit3A_417 = arith.constant 0xFF800000 : f32
    %broadcast_in_dim3A_418 = vector.broadcast %jit3A_417 : f32 to vector<32x8192xf32>
    %select_n3A_419 = arith.select %eq3A_416, %broadcast_in_dim3A_418, %select_n3A_403 : vector<32x8192xi1>, vector<32x8192xf32>
    %reduce_max3A_420 = arith.constant dense<0xFF800000> : vector<32xf32>
    %reduce_max3A_421 = vector.multi_reduction <maximumf>, %select_n3A_419, %reduce_max3A_420 [1] : vector<32x8192xf32> to vector<32xf32>
    %broadcast_in_dim3A_422 = vector.shape_cast %reduce_max3A_421 : vector<32xf32> to vector<32x1xf32>
    %eq3A_423 = vector.broadcast %broadcast_in_dim3A_422 : vector<32x1xf32> to vector<32x8192xf32>
    %eq3A_424 = arith.cmpf oeq, %select_n3A_419, %eq3A_423 : vector<32x8192xf32>
    %jit3A_425 = arith.constant 8192 : i32
    %broadcast_in_dim3A_426 = vector.broadcast %jit3A_425 : i32 to vector<32x8192xi32>
    %select_n3A_427 = arith.select %eq3A_424, %iota3A, %broadcast_in_dim3A_426 : vector<32x8192xi1>, vector<32x8192xi32>
    %reduce_min3A_428 = arith.constant dense<2147483647> : vector<32xi32>
    %reduce_min3A_429 = vector.multi_reduction <minsi>, %select_n3A_427, %reduce_min3A_428 [1] : vector<32x8192xi32> to vector<32xi32>
    %broadcast_in_dim3A_430 = vector.shape_cast %reduce_min3A_429 : vector<32xi32> to vector<32x1xi32>
    %eq3A_431 = vector.broadcast %broadcast_in_dim3A_430 : vector<32x1xi32> to vector<32x8192xi32>
    %eq3A_432 = arith.cmpi eq, %iota3A, %eq3A_431 : vector<32x8192xi32>
    %jit3A_433 = arith.constant 0xFF800000 : f32
    %broadcast_in_dim3A_434 = vector.broadcast %jit3A_433 : f32 to vector<32x8192xf32>
    %select_n3A_435 = arith.select %eq3A_432, %broadcast_in_dim3A_434, %select_n3A_419 : vector<32x8192xi1>, vector<32x8192xf32>
    %reduce_max3A_436 = arith.constant dense<0xFF800000> : vector<32xf32>
    %reduce_max3A_437 = vector.multi_reduction <maximumf>, %select_n3A_435, %reduce_max3A_436 [1] : vector<32x8192xf32> to vector<32xf32>
    %broadcast_in_dim3A_438 = vector.shape_cast %reduce_max3A_437 : vector<32xf32> to vector<32x1xf32>
    %eq3A_439 = vector.broadcast %broadcast_in_dim3A_438 : vector<32x1xf32> to vector<32x8192xf32>
    %eq3A_440 = arith.cmpf oeq, %select_n3A_435, %eq3A_439 : vector<32x8192xf32>
    %jit3A_441 = arith.constant 8192 : i32
    %broadcast_in_dim3A_442 = vector.broadcast %jit3A_441 : i32 to vector<32x8192xi32>
    %select_n3A_443 = arith.select %eq3A_440, %iota3A, %broadcast_in_dim3A_442 : vector<32x8192xi1>, vector<32x8192xi32>
    %reduce_min3A_444 = arith.constant dense<2147483647> : vector<32xi32>
    %reduce_min3A_445 = vector.multi_reduction <minsi>, %select_n3A_443, %reduce_min3A_444 [1] : vector<32x8192xi32> to vector<32xi32>
    %broadcast_in_dim3A_446 = vector.shape_cast %reduce_min3A_445 : vector<32xi32> to vector<32x1xi32>
    %eq3A_447 = vector.broadcast %broadcast_in_dim3A_446 : vector<32x1xi32> to vector<32x8192xi32>
    %eq3A_448 = arith.cmpi eq, %iota3A, %eq3A_447 : vector<32x8192xi32>
    %jit3A_449 = arith.constant 0xFF800000 : f32
    %broadcast_in_dim3A_450 = vector.broadcast %jit3A_449 : f32 to vector<32x8192xf32>
    %select_n3A_451 = arith.select %eq3A_448, %broadcast_in_dim3A_450, %select_n3A_435 : vector<32x8192xi1>, vector<32x8192xf32>
    %reduce_max3A_452 = arith.constant dense<0xFF800000> : vector<32xf32>
    %reduce_max3A_453 = vector.multi_reduction <maximumf>, %select_n3A_451, %reduce_max3A_452 [1] : vector<32x8192xf32> to vector<32xf32>
    %broadcast_in_dim3A_454 = vector.shape_cast %reduce_max3A_453 : vector<32xf32> to vector<32x1xf32>
    %eq3A_455 = vector.broadcast %broadcast_in_dim3A_454 : vector<32x1xf32> to vector<32x8192xf32>
    %eq3A_456 = arith.cmpf oeq, %select_n3A_451, %eq3A_455 : vector<32x8192xf32>
    %jit3A_457 = arith.constant 8192 : i32
    %broadcast_in_dim3A_458 = vector.broadcast %jit3A_457 : i32 to vector<32x8192xi32>
    %select_n3A_459 = arith.select %eq3A_456, %iota3A, %broadcast_in_dim3A_458 : vector<32x8192xi1>, vector<32x8192xi32>
    %reduce_min3A_460 = arith.constant dense<2147483647> : vector<32xi32>
    %reduce_min3A_461 = vector.multi_reduction <minsi>, %select_n3A_459, %reduce_min3A_460 [1] : vector<32x8192xi32> to vector<32xi32>
    %broadcast_in_dim3A_462 = vector.shape_cast %reduce_min3A_461 : vector<32xi32> to vector<32x1xi32>
    %eq3A_463 = vector.broadcast %broadcast_in_dim3A_462 : vector<32x1xi32> to vector<32x8192xi32>
    %eq3A_464 = arith.cmpi eq, %iota3A, %eq3A_463 : vector<32x8192xi32>
    %jit3A_465 = arith.constant 0xFF800000 : f32
    %broadcast_in_dim3A_466 = vector.broadcast %jit3A_465 : f32 to vector<32x8192xf32>
    %select_n3A_467 = arith.select %eq3A_464, %broadcast_in_dim3A_466, %select_n3A_451 : vector<32x8192xi1>, vector<32x8192xf32>
    %reduce_max3A_468 = arith.constant dense<0xFF800000> : vector<32xf32>
    %reduce_max3A_469 = vector.multi_reduction <maximumf>, %select_n3A_467, %reduce_max3A_468 [1] : vector<32x8192xf32> to vector<32xf32>
    %broadcast_in_dim3A_470 = vector.shape_cast %reduce_max3A_469 : vector<32xf32> to vector<32x1xf32>
    %eq3A_471 = vector.broadcast %broadcast_in_dim3A_470 : vector<32x1xf32> to vector<32x8192xf32>
    %eq3A_472 = arith.cmpf oeq, %select_n3A_467, %eq3A_471 : vector<32x8192xf32>
    %jit3A_473 = arith.constant 8192 : i32
    %broadcast_in_dim3A_474 = vector.broadcast %jit3A_473 : i32 to vector<32x8192xi32>
    %select_n3A_475 = arith.select %eq3A_472, %iota3A, %broadcast_in_dim3A_474 : vector<32x8192xi1>, vector<32x8192xi32>
    %reduce_min3A_476 = arith.constant dense<2147483647> : vector<32xi32>
    %reduce_min3A_477 = vector.multi_reduction <minsi>, %select_n3A_475, %reduce_min3A_476 [1] : vector<32x8192xi32> to vector<32xi32>
    %broadcast_in_dim3A_478 = vector.shape_cast %reduce_min3A_477 : vector<32xi32> to vector<32x1xi32>
    %eq3A_479 = vector.broadcast %broadcast_in_dim3A_478 : vector<32x1xi32> to vector<32x8192xi32>
    %eq3A_480 = arith.cmpi eq, %iota3A, %eq3A_479 : vector<32x8192xi32>
    %jit3A_481 = arith.constant 0xFF800000 : f32
    %broadcast_in_dim3A_482 = vector.broadcast %jit3A_481 : f32 to vector<32x8192xf32>
    %select_n3A_483 = arith.select %eq3A_480, %broadcast_in_dim3A_482, %select_n3A_467 : vector<32x8192xi1>, vector<32x8192xf32>
    %reduce_max3A_484 = arith.constant dense<0xFF800000> : vector<32xf32>
    %reduce_max3A_485 = vector.multi_reduction <maximumf>, %select_n3A_483, %reduce_max3A_484 [1] : vector<32x8192xf32> to vector<32xf32>
    %broadcast_in_dim3A_486 = vector.shape_cast %reduce_max3A_485 : vector<32xf32> to vector<32x1xf32>
    %eq3A_487 = vector.broadcast %broadcast_in_dim3A_486 : vector<32x1xf32> to vector<32x8192xf32>
    %eq3A_488 = arith.cmpf oeq, %select_n3A_483, %eq3A_487 : vector<32x8192xf32>
    %jit3A_489 = arith.constant 8192 : i32
    %broadcast_in_dim3A_490 = vector.broadcast %jit3A_489 : i32 to vector<32x8192xi32>
    %select_n3A_491 = arith.select %eq3A_488, %iota3A, %broadcast_in_dim3A_490 : vector<32x8192xi1>, vector<32x8192xi32>
    %reduce_min3A_492 = arith.constant dense<2147483647> : vector<32xi32>
    %reduce_min3A_493 = vector.multi_reduction <minsi>, %select_n3A_491, %reduce_min3A_492 [1] : vector<32x8192xi32> to vector<32xi32>
    %broadcast_in_dim3A_494 = vector.shape_cast %reduce_min3A_493 : vector<32xi32> to vector<32x1xi32>
    %eq3A_495 = vector.broadcast %broadcast_in_dim3A_494 : vector<32x1xi32> to vector<32x8192xi32>
    %eq3A_496 = arith.cmpi eq, %iota3A, %eq3A_495 : vector<32x8192xi32>
    %jit3A_497 = arith.constant 0xFF800000 : f32
    %broadcast_in_dim3A_498 = vector.broadcast %jit3A_497 : f32 to vector<32x8192xf32>
    %select_n3A_499 = arith.select %eq3A_496, %broadcast_in_dim3A_498, %select_n3A_483 : vector<32x8192xi1>, vector<32x8192xf32>
    %reduce_max3A_500 = arith.constant dense<0xFF800000> : vector<32xf32>
    %reduce_max3A_501 = vector.multi_reduction <maximumf>, %select_n3A_499, %reduce_max3A_500 [1] : vector<32x8192xf32> to vector<32xf32>
    %broadcast_in_dim3A_502 = vector.shape_cast %reduce_max3A_501 : vector<32xf32> to vector<32x1xf32>
    %eq3A_503 = vector.broadcast %broadcast_in_dim3A_502 : vector<32x1xf32> to vector<32x8192xf32>
    %eq3A_504 = arith.cmpf oeq, %select_n3A_499, %eq3A_503 : vector<32x8192xf32>
    %jit3A_505 = arith.constant 8192 : i32
    %broadcast_in_dim3A_506 = vector.broadcast %jit3A_505 : i32 to vector<32x8192xi32>
    %select_n3A_507 = arith.select %eq3A_504, %iota3A, %broadcast_in_dim3A_506 : vector<32x8192xi1>, vector<32x8192xi32>
    %reduce_min3A_508 = arith.constant dense<2147483647> : vector<32xi32>
    %reduce_min3A_509 = vector.multi_reduction <minsi>, %select_n3A_507, %reduce_min3A_508 [1] : vector<32x8192xi32> to vector<32xi32>
    %broadcast_in_dim3A_510 = vector.shape_cast %reduce_min3A_509 : vector<32xi32> to vector<32x1xi32>
    %eq3A_511 = vector.broadcast %broadcast_in_dim3A_510 : vector<32x1xi32> to vector<32x8192xi32>
    %eq3A_512 = arith.cmpi eq, %iota3A, %eq3A_511 : vector<32x8192xi32>
    %jit3A_513 = arith.constant 0xFF800000 : f32
    %broadcast_in_dim3A_514 = vector.broadcast %jit3A_513 : f32 to vector<32x8192xf32>
    %select_n3A_515 = arith.select %eq3A_512, %broadcast_in_dim3A_514, %select_n3A_499 : vector<32x8192xi1>, vector<32x8192xf32>
    %reduce_max3A_516 = arith.constant dense<0xFF800000> : vector<32xf32>
    %reduce_max3A_517 = vector.multi_reduction <maximumf>, %select_n3A_515, %reduce_max3A_516 [1] : vector<32x8192xf32> to vector<32xf32>
    %broadcast_in_dim3A_518 = vector.shape_cast %reduce_max3A_517 : vector<32xf32> to vector<32x1xf32>
    %eq3A_519 = vector.broadcast %broadcast_in_dim3A_518 : vector<32x1xf32> to vector<32x8192xf32>
    %eq3A_520 = arith.cmpf oeq, %select_n3A_515, %eq3A_519 : vector<32x8192xf32>
    %jit3A_521 = arith.constant 8192 : i32
    %broadcast_in_dim3A_522 = vector.broadcast %jit3A_521 : i32 to vector<32x8192xi32>
    %select_n3A_523 = arith.select %eq3A_520, %iota3A, %broadcast_in_dim3A_522 : vector<32x8192xi1>, vector<32x8192xi32>
    %reduce_min3A_524 = arith.constant dense<2147483647> : vector<32xi32>
    %reduce_min3A_525 = vector.multi_reduction <minsi>, %select_n3A_523, %reduce_min3A_524 [1] : vector<32x8192xi32> to vector<32xi32>
    %broadcast_in_dim3A_526 = vector.shape_cast %reduce_min3A_525 : vector<32xi32> to vector<32x1xi32>
    %eq3A_527 = vector.broadcast %broadcast_in_dim3A_526 : vector<32x1xi32> to vector<32x8192xi32>
    %eq3A_528 = arith.cmpi eq, %iota3A, %eq3A_527 : vector<32x8192xi32>
    %jit3A_529 = arith.constant 0xFF800000 : f32
    %broadcast_in_dim3A_530 = vector.broadcast %jit3A_529 : f32 to vector<32x8192xf32>
    %select_n3A_531 = arith.select %eq3A_528, %broadcast_in_dim3A_530, %select_n3A_515 : vector<32x8192xi1>, vector<32x8192xf32>
    %reduce_max3A_532 = arith.constant dense<0xFF800000> : vector<32xf32>
    %reduce_max3A_533 = vector.multi_reduction <maximumf>, %select_n3A_531, %reduce_max3A_532 [1] : vector<32x8192xf32> to vector<32xf32>
    %broadcast_in_dim3A_534 = vector.shape_cast %reduce_max3A_533 : vector<32xf32> to vector<32x1xf32>
    %eq3A_535 = vector.broadcast %broadcast_in_dim3A_534 : vector<32x1xf32> to vector<32x8192xf32>
    %eq3A_536 = arith.cmpf oeq, %select_n3A_531, %eq3A_535 : vector<32x8192xf32>
    %jit3A_537 = arith.constant 8192 : i32
    %broadcast_in_dim3A_538 = vector.broadcast %jit3A_537 : i32 to vector<32x8192xi32>
    %select_n3A_539 = arith.select %eq3A_536, %iota3A, %broadcast_in_dim3A_538 : vector<32x8192xi1>, vector<32x8192xi32>
    %reduce_min3A_540 = arith.constant dense<2147483647> : vector<32xi32>
    %reduce_min3A_541 = vector.multi_reduction <minsi>, %select_n3A_539, %reduce_min3A_540 [1] : vector<32x8192xi32> to vector<32xi32>
    %broadcast_in_dim3A_542 = vector.shape_cast %reduce_min3A_541 : vector<32xi32> to vector<32x1xi32>
    %eq3A_543 = vector.broadcast %broadcast_in_dim3A_542 : vector<32x1xi32> to vector<32x8192xi32>
    %eq3A_544 = arith.cmpi eq, %iota3A, %eq3A_543 : vector<32x8192xi32>
    %jit3A_545 = arith.constant 0xFF800000 : f32
    %broadcast_in_dim3A_546 = vector.broadcast %jit3A_545 : f32 to vector<32x8192xf32>
    %select_n3A_547 = arith.select %eq3A_544, %broadcast_in_dim3A_546, %select_n3A_531 : vector<32x8192xi1>, vector<32x8192xf32>
    %reduce_max3A_548 = arith.constant dense<0xFF800000> : vector<32xf32>
    %reduce_max3A_549 = vector.multi_reduction <maximumf>, %select_n3A_547, %reduce_max3A_548 [1] : vector<32x8192xf32> to vector<32xf32>
    %broadcast_in_dim3A_550 = vector.shape_cast %reduce_max3A_549 : vector<32xf32> to vector<32x1xf32>
    %eq3A_551 = vector.broadcast %broadcast_in_dim3A_550 : vector<32x1xf32> to vector<32x8192xf32>
    %eq3A_552 = arith.cmpf oeq, %select_n3A_547, %eq3A_551 : vector<32x8192xf32>
    %jit3A_553 = arith.constant 8192 : i32
    %broadcast_in_dim3A_554 = vector.broadcast %jit3A_553 : i32 to vector<32x8192xi32>
    %select_n3A_555 = arith.select %eq3A_552, %iota3A, %broadcast_in_dim3A_554 : vector<32x8192xi1>, vector<32x8192xi32>
    %reduce_min3A_556 = arith.constant dense<2147483647> : vector<32xi32>
    %reduce_min3A_557 = vector.multi_reduction <minsi>, %select_n3A_555, %reduce_min3A_556 [1] : vector<32x8192xi32> to vector<32xi32>
    %broadcast_in_dim3A_558 = vector.shape_cast %reduce_min3A_557 : vector<32xi32> to vector<32x1xi32>
    %eq3A_559 = vector.broadcast %broadcast_in_dim3A_558 : vector<32x1xi32> to vector<32x8192xi32>
    %eq3A_560 = arith.cmpi eq, %iota3A, %eq3A_559 : vector<32x8192xi32>
    %jit3A_561 = arith.constant 0xFF800000 : f32
    %broadcast_in_dim3A_562 = vector.broadcast %jit3A_561 : f32 to vector<32x8192xf32>
    %select_n3A_563 = arith.select %eq3A_560, %broadcast_in_dim3A_562, %select_n3A_547 : vector<32x8192xi1>, vector<32x8192xf32>
    %reduce_max3A_564 = arith.constant dense<0xFF800000> : vector<32xf32>
    %reduce_max3A_565 = vector.multi_reduction <maximumf>, %select_n3A_563, %reduce_max3A_564 [1] : vector<32x8192xf32> to vector<32xf32>
    %broadcast_in_dim3A_566 = vector.shape_cast %reduce_max3A_565 : vector<32xf32> to vector<32x1xf32>
    %eq3A_567 = vector.broadcast %broadcast_in_dim3A_566 : vector<32x1xf32> to vector<32x8192xf32>
    %eq3A_568 = arith.cmpf oeq, %select_n3A_563, %eq3A_567 : vector<32x8192xf32>
    %jit3A_569 = arith.constant 8192 : i32
    %broadcast_in_dim3A_570 = vector.broadcast %jit3A_569 : i32 to vector<32x8192xi32>
    %select_n3A_571 = arith.select %eq3A_568, %iota3A, %broadcast_in_dim3A_570 : vector<32x8192xi1>, vector<32x8192xi32>
    %reduce_min3A_572 = arith.constant dense<2147483647> : vector<32xi32>
    %reduce_min3A_573 = vector.multi_reduction <minsi>, %select_n3A_571, %reduce_min3A_572 [1] : vector<32x8192xi32> to vector<32xi32>
    %broadcast_in_dim3A_574 = vector.shape_cast %reduce_min3A_573 : vector<32xi32> to vector<32x1xi32>
    %eq3A_575 = vector.broadcast %broadcast_in_dim3A_574 : vector<32x1xi32> to vector<32x8192xi32>
    %eq3A_576 = arith.cmpi eq, %iota3A, %eq3A_575 : vector<32x8192xi32>
    %jit3A_577 = arith.constant 0xFF800000 : f32
    %broadcast_in_dim3A_578 = vector.broadcast %jit3A_577 : f32 to vector<32x8192xf32>
    %select_n3A_579 = arith.select %eq3A_576, %broadcast_in_dim3A_578, %select_n3A_563 : vector<32x8192xi1>, vector<32x8192xf32>
    %reduce_max3A_580 = arith.constant dense<0xFF800000> : vector<32xf32>
    %reduce_max3A_581 = vector.multi_reduction <maximumf>, %select_n3A_579, %reduce_max3A_580 [1] : vector<32x8192xf32> to vector<32xf32>
    %broadcast_in_dim3A_582 = vector.shape_cast %reduce_max3A_581 : vector<32xf32> to vector<32x1xf32>
    %eq3A_583 = vector.broadcast %broadcast_in_dim3A_582 : vector<32x1xf32> to vector<32x8192xf32>
    %eq3A_584 = arith.cmpf oeq, %select_n3A_579, %eq3A_583 : vector<32x8192xf32>
    %jit3A_585 = arith.constant 8192 : i32
    %broadcast_in_dim3A_586 = vector.broadcast %jit3A_585 : i32 to vector<32x8192xi32>
    %select_n3A_587 = arith.select %eq3A_584, %iota3A, %broadcast_in_dim3A_586 : vector<32x8192xi1>, vector<32x8192xi32>
    %reduce_min3A_588 = arith.constant dense<2147483647> : vector<32xi32>
    %reduce_min3A_589 = vector.multi_reduction <minsi>, %select_n3A_587, %reduce_min3A_588 [1] : vector<32x8192xi32> to vector<32xi32>
    %broadcast_in_dim3A_590 = vector.shape_cast %reduce_min3A_589 : vector<32xi32> to vector<32x1xi32>
    %eq3A_591 = vector.broadcast %broadcast_in_dim3A_590 : vector<32x1xi32> to vector<32x8192xi32>
    %eq3A_592 = arith.cmpi eq, %iota3A, %eq3A_591 : vector<32x8192xi32>
    %jit3A_593 = arith.constant 0xFF800000 : f32
    %broadcast_in_dim3A_594 = vector.broadcast %jit3A_593 : f32 to vector<32x8192xf32>
    %select_n3A_595 = arith.select %eq3A_592, %broadcast_in_dim3A_594, %select_n3A_579 : vector<32x8192xi1>, vector<32x8192xf32>
    %reduce_max3A_596 = arith.constant dense<0xFF800000> : vector<32xf32>
    %reduce_max3A_597 = vector.multi_reduction <maximumf>, %select_n3A_595, %reduce_max3A_596 [1] : vector<32x8192xf32> to vector<32xf32>
    %broadcast_in_dim3A_598 = vector.shape_cast %reduce_max3A_597 : vector<32xf32> to vector<32x1xf32>
    %eq3A_599 = vector.broadcast %broadcast_in_dim3A_598 : vector<32x1xf32> to vector<32x8192xf32>
    %eq3A_600 = arith.cmpf oeq, %select_n3A_595, %eq3A_599 : vector<32x8192xf32>
    %jit3A_601 = arith.constant 8192 : i32
    %broadcast_in_dim3A_602 = vector.broadcast %jit3A_601 : i32 to vector<32x8192xi32>
    %select_n3A_603 = arith.select %eq3A_600, %iota3A, %broadcast_in_dim3A_602 : vector<32x8192xi1>, vector<32x8192xi32>
    %reduce_min3A_604 = arith.constant dense<2147483647> : vector<32xi32>
    %reduce_min3A_605 = vector.multi_reduction <minsi>, %select_n3A_603, %reduce_min3A_604 [1] : vector<32x8192xi32> to vector<32xi32>
    %broadcast_in_dim3A_606 = vector.shape_cast %reduce_min3A_605 : vector<32xi32> to vector<32x1xi32>
    %eq3A_607 = vector.broadcast %broadcast_in_dim3A_606 : vector<32x1xi32> to vector<32x8192xi32>
    %eq3A_608 = arith.cmpi eq, %iota3A, %eq3A_607 : vector<32x8192xi32>
    %jit3A_609 = arith.constant 0xFF800000 : f32
    %broadcast_in_dim3A_610 = vector.broadcast %jit3A_609 : f32 to vector<32x8192xf32>
    %select_n3A_611 = arith.select %eq3A_608, %broadcast_in_dim3A_610, %select_n3A_595 : vector<32x8192xi1>, vector<32x8192xf32>
    %reduce_max3A_612 = arith.constant dense<0xFF800000> : vector<32xf32>
    %reduce_max3A_613 = vector.multi_reduction <maximumf>, %select_n3A_611, %reduce_max3A_612 [1] : vector<32x8192xf32> to vector<32xf32>
    %broadcast_in_dim3A_614 = vector.shape_cast %reduce_max3A_613 : vector<32xf32> to vector<32x1xf32>
    %eq3A_615 = vector.broadcast %broadcast_in_dim3A_614 : vector<32x1xf32> to vector<32x8192xf32>
    %eq3A_616 = arith.cmpf oeq, %select_n3A_611, %eq3A_615 : vector<32x8192xf32>
    %jit3A_617 = arith.constant 8192 : i32
    %broadcast_in_dim3A_618 = vector.broadcast %jit3A_617 : i32 to vector<32x8192xi32>
    %select_n3A_619 = arith.select %eq3A_616, %iota3A, %broadcast_in_dim3A_618 : vector<32x8192xi1>, vector<32x8192xi32>
    %reduce_min3A_620 = arith.constant dense<2147483647> : vector<32xi32>
    %reduce_min3A_621 = vector.multi_reduction <minsi>, %select_n3A_619, %reduce_min3A_620 [1] : vector<32x8192xi32> to vector<32xi32>
    %broadcast_in_dim3A_622 = vector.shape_cast %reduce_min3A_621 : vector<32xi32> to vector<32x1xi32>
    %eq3A_623 = vector.broadcast %broadcast_in_dim3A_622 : vector<32x1xi32> to vector<32x8192xi32>
    %eq3A_624 = arith.cmpi eq, %iota3A, %eq3A_623 : vector<32x8192xi32>
    %jit3A_625 = arith.constant 0xFF800000 : f32
    %broadcast_in_dim3A_626 = vector.broadcast %jit3A_625 : f32 to vector<32x8192xf32>
    %select_n3A_627 = arith.select %eq3A_624, %broadcast_in_dim3A_626, %select_n3A_611 : vector<32x8192xi1>, vector<32x8192xf32>
    %reduce_max3A_628 = arith.constant dense<0xFF800000> : vector<32xf32>
    %reduce_max3A_629 = vector.multi_reduction <maximumf>, %select_n3A_627, %reduce_max3A_628 [1] : vector<32x8192xf32> to vector<32xf32>
    %broadcast_in_dim3A_630 = vector.shape_cast %reduce_max3A_629 : vector<32xf32> to vector<32x1xf32>
    %eq3A_631 = vector.broadcast %broadcast_in_dim3A_630 : vector<32x1xf32> to vector<32x8192xf32>
    %eq3A_632 = arith.cmpf oeq, %select_n3A_627, %eq3A_631 : vector<32x8192xf32>
    %jit3A_633 = arith.constant 8192 : i32
    %broadcast_in_dim3A_634 = vector.broadcast %jit3A_633 : i32 to vector<32x8192xi32>
    %select_n3A_635 = arith.select %eq3A_632, %iota3A, %broadcast_in_dim3A_634 : vector<32x8192xi1>, vector<32x8192xi32>
    %reduce_min3A_636 = arith.constant dense<2147483647> : vector<32xi32>
    %reduce_min3A_637 = vector.multi_reduction <minsi>, %select_n3A_635, %reduce_min3A_636 [1] : vector<32x8192xi32> to vector<32xi32>
    %broadcast_in_dim3A_638 = vector.shape_cast %reduce_min3A_637 : vector<32xi32> to vector<32x1xi32>
    %eq3A_639 = vector.broadcast %broadcast_in_dim3A_638 : vector<32x1xi32> to vector<32x8192xi32>
    %eq3A_640 = arith.cmpi eq, %iota3A, %eq3A_639 : vector<32x8192xi32>
    %jit3A_641 = arith.constant 0xFF800000 : f32
    %broadcast_in_dim3A_642 = vector.broadcast %jit3A_641 : f32 to vector<32x8192xf32>
    %select_n3A_643 = arith.select %eq3A_640, %broadcast_in_dim3A_642, %select_n3A_627 : vector<32x8192xi1>, vector<32x8192xf32>
    %reduce_max3A_644 = arith.constant dense<0xFF800000> : vector<32xf32>
    %reduce_max3A_645 = vector.multi_reduction <maximumf>, %select_n3A_643, %reduce_max3A_644 [1] : vector<32x8192xf32> to vector<32xf32>
    %broadcast_in_dim3A_646 = vector.shape_cast %reduce_max3A_645 : vector<32xf32> to vector<32x1xf32>
    %eq3A_647 = vector.broadcast %broadcast_in_dim3A_646 : vector<32x1xf32> to vector<32x8192xf32>
    %eq3A_648 = arith.cmpf oeq, %select_n3A_643, %eq3A_647 : vector<32x8192xf32>
    %jit3A_649 = arith.constant 8192 : i32
    %broadcast_in_dim3A_650 = vector.broadcast %jit3A_649 : i32 to vector<32x8192xi32>
    %select_n3A_651 = arith.select %eq3A_648, %iota3A, %broadcast_in_dim3A_650 : vector<32x8192xi1>, vector<32x8192xi32>
    %reduce_min3A_652 = arith.constant dense<2147483647> : vector<32xi32>
    %reduce_min3A_653 = vector.multi_reduction <minsi>, %select_n3A_651, %reduce_min3A_652 [1] : vector<32x8192xi32> to vector<32xi32>
    %broadcast_in_dim3A_654 = vector.shape_cast %reduce_min3A_653 : vector<32xi32> to vector<32x1xi32>
    %eq3A_655 = vector.broadcast %broadcast_in_dim3A_654 : vector<32x1xi32> to vector<32x8192xi32>
    %eq3A_656 = arith.cmpi eq, %iota3A, %eq3A_655 : vector<32x8192xi32>
    %jit3A_657 = arith.constant 0xFF800000 : f32
    %broadcast_in_dim3A_658 = vector.broadcast %jit3A_657 : f32 to vector<32x8192xf32>
    %select_n3A_659 = arith.select %eq3A_656, %broadcast_in_dim3A_658, %select_n3A_643 : vector<32x8192xi1>, vector<32x8192xf32>
    %reduce_max3A_660 = arith.constant dense<0xFF800000> : vector<32xf32>
    %reduce_max3A_661 = vector.multi_reduction <maximumf>, %select_n3A_659, %reduce_max3A_660 [1] : vector<32x8192xf32> to vector<32xf32>
    %broadcast_in_dim3A_662 = vector.shape_cast %reduce_max3A_661 : vector<32xf32> to vector<32x1xf32>
    %eq3A_663 = vector.broadcast %broadcast_in_dim3A_662 : vector<32x1xf32> to vector<32x8192xf32>
    %eq3A_664 = arith.cmpf oeq, %select_n3A_659, %eq3A_663 : vector<32x8192xf32>
    %jit3A_665 = arith.constant 8192 : i32
    %broadcast_in_dim3A_666 = vector.broadcast %jit3A_665 : i32 to vector<32x8192xi32>
    %select_n3A_667 = arith.select %eq3A_664, %iota3A, %broadcast_in_dim3A_666 : vector<32x8192xi1>, vector<32x8192xi32>
    %reduce_min3A_668 = arith.constant dense<2147483647> : vector<32xi32>
    %reduce_min3A_669 = vector.multi_reduction <minsi>, %select_n3A_667, %reduce_min3A_668 [1] : vector<32x8192xi32> to vector<32xi32>
    %broadcast_in_dim3A_670 = vector.shape_cast %reduce_min3A_669 : vector<32xi32> to vector<32x1xi32>
    %eq3A_671 = vector.broadcast %broadcast_in_dim3A_670 : vector<32x1xi32> to vector<32x8192xi32>
    %eq3A_672 = arith.cmpi eq, %iota3A, %eq3A_671 : vector<32x8192xi32>
    %jit3A_673 = arith.constant 0xFF800000 : f32
    %broadcast_in_dim3A_674 = vector.broadcast %jit3A_673 : f32 to vector<32x8192xf32>
    %select_n3A_675 = arith.select %eq3A_672, %broadcast_in_dim3A_674, %select_n3A_659 : vector<32x8192xi1>, vector<32x8192xf32>
    %reduce_max3A_676 = arith.constant dense<0xFF800000> : vector<32xf32>
    %reduce_max3A_677 = vector.multi_reduction <maximumf>, %select_n3A_675, %reduce_max3A_676 [1] : vector<32x8192xf32> to vector<32xf32>
    %broadcast_in_dim3A_678 = vector.shape_cast %reduce_max3A_677 : vector<32xf32> to vector<32x1xf32>
    %eq3A_679 = vector.broadcast %broadcast_in_dim3A_678 : vector<32x1xf32> to vector<32x8192xf32>
    %eq3A_680 = arith.cmpf oeq, %select_n3A_675, %eq3A_679 : vector<32x8192xf32>
    %jit3A_681 = arith.constant 8192 : i32
    %broadcast_in_dim3A_682 = vector.broadcast %jit3A_681 : i32 to vector<32x8192xi32>
    %select_n3A_683 = arith.select %eq3A_680, %iota3A, %broadcast_in_dim3A_682 : vector<32x8192xi1>, vector<32x8192xi32>
    %reduce_min3A_684 = arith.constant dense<2147483647> : vector<32xi32>
    %reduce_min3A_685 = vector.multi_reduction <minsi>, %select_n3A_683, %reduce_min3A_684 [1] : vector<32x8192xi32> to vector<32xi32>
    %broadcast_in_dim3A_686 = vector.shape_cast %reduce_min3A_685 : vector<32xi32> to vector<32x1xi32>
    %eq3A_687 = vector.broadcast %broadcast_in_dim3A_686 : vector<32x1xi32> to vector<32x8192xi32>
    %eq3A_688 = arith.cmpi eq, %iota3A, %eq3A_687 : vector<32x8192xi32>
    %jit3A_689 = arith.constant 0xFF800000 : f32
    %broadcast_in_dim3A_690 = vector.broadcast %jit3A_689 : f32 to vector<32x8192xf32>
    %select_n3A_691 = arith.select %eq3A_688, %broadcast_in_dim3A_690, %select_n3A_675 : vector<32x8192xi1>, vector<32x8192xf32>
    %reduce_max3A_692 = arith.constant dense<0xFF800000> : vector<32xf32>
    %reduce_max3A_693 = vector.multi_reduction <maximumf>, %select_n3A_691, %reduce_max3A_692 [1] : vector<32x8192xf32> to vector<32xf32>
    %broadcast_in_dim3A_694 = vector.shape_cast %reduce_max3A_693 : vector<32xf32> to vector<32x1xf32>
    %eq3A_695 = vector.broadcast %broadcast_in_dim3A_694 : vector<32x1xf32> to vector<32x8192xf32>
    %eq3A_696 = arith.cmpf oeq, %select_n3A_691, %eq3A_695 : vector<32x8192xf32>
    %jit3A_697 = arith.constant 8192 : i32
    %broadcast_in_dim3A_698 = vector.broadcast %jit3A_697 : i32 to vector<32x8192xi32>
    %select_n3A_699 = arith.select %eq3A_696, %iota3A, %broadcast_in_dim3A_698 : vector<32x8192xi1>, vector<32x8192xi32>
    %reduce_min3A_700 = arith.constant dense<2147483647> : vector<32xi32>
    %reduce_min3A_701 = vector.multi_reduction <minsi>, %select_n3A_699, %reduce_min3A_700 [1] : vector<32x8192xi32> to vector<32xi32>
    %broadcast_in_dim3A_702 = vector.shape_cast %reduce_min3A_701 : vector<32xi32> to vector<32x1xi32>
    %eq3A_703 = vector.broadcast %broadcast_in_dim3A_702 : vector<32x1xi32> to vector<32x8192xi32>
    %eq3A_704 = arith.cmpi eq, %iota3A, %eq3A_703 : vector<32x8192xi32>
    %jit3A_705 = arith.constant 0xFF800000 : f32
    %broadcast_in_dim3A_706 = vector.broadcast %jit3A_705 : f32 to vector<32x8192xf32>
    %select_n3A_707 = arith.select %eq3A_704, %broadcast_in_dim3A_706, %select_n3A_691 : vector<32x8192xi1>, vector<32x8192xf32>
    %reduce_max3A_708 = arith.constant dense<0xFF800000> : vector<32xf32>
    %reduce_max3A_709 = vector.multi_reduction <maximumf>, %select_n3A_707, %reduce_max3A_708 [1] : vector<32x8192xf32> to vector<32xf32>
    %broadcast_in_dim3A_710 = vector.shape_cast %reduce_max3A_709 : vector<32xf32> to vector<32x1xf32>
    %eq3A_711 = vector.broadcast %broadcast_in_dim3A_710 : vector<32x1xf32> to vector<32x8192xf32>
    %eq3A_712 = arith.cmpf oeq, %select_n3A_707, %eq3A_711 : vector<32x8192xf32>
    %jit3A_713 = arith.constant 8192 : i32
    %broadcast_in_dim3A_714 = vector.broadcast %jit3A_713 : i32 to vector<32x8192xi32>
    %select_n3A_715 = arith.select %eq3A_712, %iota3A, %broadcast_in_dim3A_714 : vector<32x8192xi1>, vector<32x8192xi32>
    %reduce_min3A_716 = arith.constant dense<2147483647> : vector<32xi32>
    %reduce_min3A_717 = vector.multi_reduction <minsi>, %select_n3A_715, %reduce_min3A_716 [1] : vector<32x8192xi32> to vector<32xi32>
    %broadcast_in_dim3A_718 = vector.shape_cast %reduce_min3A_717 : vector<32xi32> to vector<32x1xi32>
    %eq3A_719 = vector.broadcast %broadcast_in_dim3A_718 : vector<32x1xi32> to vector<32x8192xi32>
    %eq3A_720 = arith.cmpi eq, %iota3A, %eq3A_719 : vector<32x8192xi32>
    %jit3A_721 = arith.constant 0xFF800000 : f32
    %broadcast_in_dim3A_722 = vector.broadcast %jit3A_721 : f32 to vector<32x8192xf32>
    %select_n3A_723 = arith.select %eq3A_720, %broadcast_in_dim3A_722, %select_n3A_707 : vector<32x8192xi1>, vector<32x8192xf32>
    %reduce_max3A_724 = arith.constant dense<0xFF800000> : vector<32xf32>
    %reduce_max3A_725 = vector.multi_reduction <maximumf>, %select_n3A_723, %reduce_max3A_724 [1] : vector<32x8192xf32> to vector<32xf32>
    %broadcast_in_dim3A_726 = vector.shape_cast %reduce_max3A_725 : vector<32xf32> to vector<32x1xf32>
    %eq3A_727 = vector.broadcast %broadcast_in_dim3A_726 : vector<32x1xf32> to vector<32x8192xf32>
    %eq3A_728 = arith.cmpf oeq, %select_n3A_723, %eq3A_727 : vector<32x8192xf32>
    %jit3A_729 = arith.constant 8192 : i32
    %broadcast_in_dim3A_730 = vector.broadcast %jit3A_729 : i32 to vector<32x8192xi32>
    %select_n3A_731 = arith.select %eq3A_728, %iota3A, %broadcast_in_dim3A_730 : vector<32x8192xi1>, vector<32x8192xi32>
    %reduce_min3A_732 = arith.constant dense<2147483647> : vector<32xi32>
    %reduce_min3A_733 = vector.multi_reduction <minsi>, %select_n3A_731, %reduce_min3A_732 [1] : vector<32x8192xi32> to vector<32xi32>
    %broadcast_in_dim3A_734 = vector.shape_cast %reduce_min3A_733 : vector<32xi32> to vector<32x1xi32>
    %eq3A_735 = vector.broadcast %broadcast_in_dim3A_734 : vector<32x1xi32> to vector<32x8192xi32>
    %eq3A_736 = arith.cmpi eq, %iota3A, %eq3A_735 : vector<32x8192xi32>
    %jit3A_737 = arith.constant 0xFF800000 : f32
    %broadcast_in_dim3A_738 = vector.broadcast %jit3A_737 : f32 to vector<32x8192xf32>
    %select_n3A_739 = arith.select %eq3A_736, %broadcast_in_dim3A_738, %select_n3A_723 : vector<32x8192xi1>, vector<32x8192xf32>
    %reduce_max3A_740 = arith.constant dense<0xFF800000> : vector<32xf32>
    %reduce_max3A_741 = vector.multi_reduction <maximumf>, %select_n3A_739, %reduce_max3A_740 [1] : vector<32x8192xf32> to vector<32xf32>
    %broadcast_in_dim3A_742 = vector.shape_cast %reduce_max3A_741 : vector<32xf32> to vector<32x1xf32>
    %eq3A_743 = vector.broadcast %broadcast_in_dim3A_742 : vector<32x1xf32> to vector<32x8192xf32>
    %eq3A_744 = arith.cmpf oeq, %select_n3A_739, %eq3A_743 : vector<32x8192xf32>
    %jit3A_745 = arith.constant 8192 : i32
    %broadcast_in_dim3A_746 = vector.broadcast %jit3A_745 : i32 to vector<32x8192xi32>
    %select_n3A_747 = arith.select %eq3A_744, %iota3A, %broadcast_in_dim3A_746 : vector<32x8192xi1>, vector<32x8192xi32>
    %reduce_min3A_748 = arith.constant dense<2147483647> : vector<32xi32>
    %reduce_min3A_749 = vector.multi_reduction <minsi>, %select_n3A_747, %reduce_min3A_748 [1] : vector<32x8192xi32> to vector<32xi32>
    %broadcast_in_dim3A_750 = vector.shape_cast %reduce_min3A_749 : vector<32xi32> to vector<32x1xi32>
    %eq3A_751 = vector.broadcast %broadcast_in_dim3A_750 : vector<32x1xi32> to vector<32x8192xi32>
    %eq3A_752 = arith.cmpi eq, %iota3A, %eq3A_751 : vector<32x8192xi32>
    %jit3A_753 = arith.constant 0xFF800000 : f32
    %broadcast_in_dim3A_754 = vector.broadcast %jit3A_753 : f32 to vector<32x8192xf32>
    %select_n3A_755 = arith.select %eq3A_752, %broadcast_in_dim3A_754, %select_n3A_739 : vector<32x8192xi1>, vector<32x8192xf32>
    %reduce_max3A_756 = arith.constant dense<0xFF800000> : vector<32xf32>
    %reduce_max3A_757 = vector.multi_reduction <maximumf>, %select_n3A_755, %reduce_max3A_756 [1] : vector<32x8192xf32> to vector<32xf32>
    %broadcast_in_dim3A_758 = vector.shape_cast %reduce_max3A_757 : vector<32xf32> to vector<32x1xf32>
    %eq3A_759 = vector.broadcast %broadcast_in_dim3A_758 : vector<32x1xf32> to vector<32x8192xf32>
    %eq3A_760 = arith.cmpf oeq, %select_n3A_755, %eq3A_759 : vector<32x8192xf32>
    %jit3A_761 = arith.constant 8192 : i32
    %broadcast_in_dim3A_762 = vector.broadcast %jit3A_761 : i32 to vector<32x8192xi32>
    %select_n3A_763 = arith.select %eq3A_760, %iota3A, %broadcast_in_dim3A_762 : vector<32x8192xi1>, vector<32x8192xi32>
    %reduce_min3A_764 = arith.constant dense<2147483647> : vector<32xi32>
    %reduce_min3A_765 = vector.multi_reduction <minsi>, %select_n3A_763, %reduce_min3A_764 [1] : vector<32x8192xi32> to vector<32xi32>
    %broadcast_in_dim3A_766 = vector.shape_cast %reduce_min3A_765 : vector<32xi32> to vector<32x1xi32>
    %eq3A_767 = vector.broadcast %broadcast_in_dim3A_766 : vector<32x1xi32> to vector<32x8192xi32>
    %eq3A_768 = arith.cmpi eq, %iota3A, %eq3A_767 : vector<32x8192xi32>
    %jit3A_769 = arith.constant 0xFF800000 : f32
    %broadcast_in_dim3A_770 = vector.broadcast %jit3A_769 : f32 to vector<32x8192xf32>
    %select_n3A_771 = arith.select %eq3A_768, %broadcast_in_dim3A_770, %select_n3A_755 : vector<32x8192xi1>, vector<32x8192xf32>
    %reduce_max3A_772 = arith.constant dense<0xFF800000> : vector<32xf32>
    %reduce_max3A_773 = vector.multi_reduction <maximumf>, %select_n3A_771, %reduce_max3A_772 [1] : vector<32x8192xf32> to vector<32xf32>
    %broadcast_in_dim3A_774 = vector.shape_cast %reduce_max3A_773 : vector<32xf32> to vector<32x1xf32>
    %eq3A_775 = vector.broadcast %broadcast_in_dim3A_774 : vector<32x1xf32> to vector<32x8192xf32>
    %eq3A_776 = arith.cmpf oeq, %select_n3A_771, %eq3A_775 : vector<32x8192xf32>
    %jit3A_777 = arith.constant 8192 : i32
    %broadcast_in_dim3A_778 = vector.broadcast %jit3A_777 : i32 to vector<32x8192xi32>
    %select_n3A_779 = arith.select %eq3A_776, %iota3A, %broadcast_in_dim3A_778 : vector<32x8192xi1>, vector<32x8192xi32>
    %reduce_min3A_780 = arith.constant dense<2147483647> : vector<32xi32>
    %reduce_min3A_781 = vector.multi_reduction <minsi>, %select_n3A_779, %reduce_min3A_780 [1] : vector<32x8192xi32> to vector<32xi32>
    %broadcast_in_dim3A_782 = vector.shape_cast %reduce_min3A_781 : vector<32xi32> to vector<32x1xi32>
    %eq3A_783 = vector.broadcast %broadcast_in_dim3A_782 : vector<32x1xi32> to vector<32x8192xi32>
    %eq3A_784 = arith.cmpi eq, %iota3A, %eq3A_783 : vector<32x8192xi32>
    %jit3A_785 = arith.constant 0xFF800000 : f32
    %broadcast_in_dim3A_786 = vector.broadcast %jit3A_785 : f32 to vector<32x8192xf32>
    %select_n3A_787 = arith.select %eq3A_784, %broadcast_in_dim3A_786, %select_n3A_771 : vector<32x8192xi1>, vector<32x8192xf32>
    %reduce_max3A_788 = arith.constant dense<0xFF800000> : vector<32xf32>
    %reduce_max3A_789 = vector.multi_reduction <maximumf>, %select_n3A_787, %reduce_max3A_788 [1] : vector<32x8192xf32> to vector<32xf32>
    %broadcast_in_dim3A_790 = vector.shape_cast %reduce_max3A_789 : vector<32xf32> to vector<32x1xf32>
    %eq3A_791 = vector.broadcast %broadcast_in_dim3A_790 : vector<32x1xf32> to vector<32x8192xf32>
    %eq3A_792 = arith.cmpf oeq, %select_n3A_787, %eq3A_791 : vector<32x8192xf32>
    %jit3A_793 = arith.constant 8192 : i32
    %broadcast_in_dim3A_794 = vector.broadcast %jit3A_793 : i32 to vector<32x8192xi32>
    %select_n3A_795 = arith.select %eq3A_792, %iota3A, %broadcast_in_dim3A_794 : vector<32x8192xi1>, vector<32x8192xi32>
    %reduce_min3A_796 = arith.constant dense<2147483647> : vector<32xi32>
    %reduce_min3A_797 = vector.multi_reduction <minsi>, %select_n3A_795, %reduce_min3A_796 [1] : vector<32x8192xi32> to vector<32xi32>
    %broadcast_in_dim3A_798 = vector.shape_cast %reduce_min3A_797 : vector<32xi32> to vector<32x1xi32>
    %eq3A_799 = vector.broadcast %broadcast_in_dim3A_798 : vector<32x1xi32> to vector<32x8192xi32>
    %eq3A_800 = arith.cmpi eq, %iota3A, %eq3A_799 : vector<32x8192xi32>
    %jit3A_801 = arith.constant 0xFF800000 : f32
    %broadcast_in_dim3A_802 = vector.broadcast %jit3A_801 : f32 to vector<32x8192xf32>
    %select_n3A_803 = arith.select %eq3A_800, %broadcast_in_dim3A_802, %select_n3A_787 : vector<32x8192xi1>, vector<32x8192xf32>
    %reduce_max3A_804 = arith.constant dense<0xFF800000> : vector<32xf32>
    %reduce_max3A_805 = vector.multi_reduction <maximumf>, %select_n3A_803, %reduce_max3A_804 [1] : vector<32x8192xf32> to vector<32xf32>
    %broadcast_in_dim3A_806 = vector.shape_cast %reduce_max3A_805 : vector<32xf32> to vector<32x1xf32>
    %eq3A_807 = vector.broadcast %broadcast_in_dim3A_806 : vector<32x1xf32> to vector<32x8192xf32>
    %eq3A_808 = arith.cmpf oeq, %select_n3A_803, %eq3A_807 : vector<32x8192xf32>
    %jit3A_809 = arith.constant 8192 : i32
    %broadcast_in_dim3A_810 = vector.broadcast %jit3A_809 : i32 to vector<32x8192xi32>
    %select_n3A_811 = arith.select %eq3A_808, %iota3A, %broadcast_in_dim3A_810 : vector<32x8192xi1>, vector<32x8192xi32>
    %reduce_min3A_812 = arith.constant dense<2147483647> : vector<32xi32>
    %reduce_min3A_813 = vector.multi_reduction <minsi>, %select_n3A_811, %reduce_min3A_812 [1] : vector<32x8192xi32> to vector<32xi32>
    %broadcast_in_dim3A_814 = vector.shape_cast %reduce_min3A_813 : vector<32xi32> to vector<32x1xi32>
    %eq3A_815 = vector.broadcast %broadcast_in_dim3A_814 : vector<32x1xi32> to vector<32x8192xi32>
    %eq3A_816 = arith.cmpi eq, %iota3A, %eq3A_815 : vector<32x8192xi32>
    %jit3A_817 = arith.constant 0xFF800000 : f32
    %broadcast_in_dim3A_818 = vector.broadcast %jit3A_817 : f32 to vector<32x8192xf32>
    %select_n3A_819 = arith.select %eq3A_816, %broadcast_in_dim3A_818, %select_n3A_803 : vector<32x8192xi1>, vector<32x8192xf32>
    %reduce_max3A_820 = arith.constant dense<0xFF800000> : vector<32xf32>
    %reduce_max3A_821 = vector.multi_reduction <maximumf>, %select_n3A_819, %reduce_max3A_820 [1] : vector<32x8192xf32> to vector<32xf32>
    %broadcast_in_dim3A_822 = vector.shape_cast %reduce_max3A_821 : vector<32xf32> to vector<32x1xf32>
    %eq3A_823 = vector.broadcast %broadcast_in_dim3A_822 : vector<32x1xf32> to vector<32x8192xf32>
    %eq3A_824 = arith.cmpf oeq, %select_n3A_819, %eq3A_823 : vector<32x8192xf32>
    %jit3A_825 = arith.constant 8192 : i32
    %broadcast_in_dim3A_826 = vector.broadcast %jit3A_825 : i32 to vector<32x8192xi32>
    %select_n3A_827 = arith.select %eq3A_824, %iota3A, %broadcast_in_dim3A_826 : vector<32x8192xi1>, vector<32x8192xi32>
    %reduce_min3A_828 = arith.constant dense<2147483647> : vector<32xi32>
    %reduce_min3A_829 = vector.multi_reduction <minsi>, %select_n3A_827, %reduce_min3A_828 [1] : vector<32x8192xi32> to vector<32xi32>
    %broadcast_in_dim3A_830 = vector.shape_cast %reduce_min3A_829 : vector<32xi32> to vector<32x1xi32>
    %eq3A_831 = vector.broadcast %broadcast_in_dim3A_830 : vector<32x1xi32> to vector<32x8192xi32>
    %eq3A_832 = arith.cmpi eq, %iota3A, %eq3A_831 : vector<32x8192xi32>
    %jit3A_833 = arith.constant 0xFF800000 : f32
    %broadcast_in_dim3A_834 = vector.broadcast %jit3A_833 : f32 to vector<32x8192xf32>
    %select_n3A_835 = arith.select %eq3A_832, %broadcast_in_dim3A_834, %select_n3A_819 : vector<32x8192xi1>, vector<32x8192xf32>
    %reduce_max3A_836 = arith.constant dense<0xFF800000> : vector<32xf32>
    %reduce_max3A_837 = vector.multi_reduction <maximumf>, %select_n3A_835, %reduce_max3A_836 [1] : vector<32x8192xf32> to vector<32xf32>
    %broadcast_in_dim3A_838 = vector.shape_cast %reduce_max3A_837 : vector<32xf32> to vector<32x1xf32>
    %eq3A_839 = vector.broadcast %broadcast_in_dim3A_838 : vector<32x1xf32> to vector<32x8192xf32>
    %eq3A_840 = arith.cmpf oeq, %select_n3A_835, %eq3A_839 : vector<32x8192xf32>
    %jit3A_841 = arith.constant 8192 : i32
    %broadcast_in_dim3A_842 = vector.broadcast %jit3A_841 : i32 to vector<32x8192xi32>
    %select_n3A_843 = arith.select %eq3A_840, %iota3A, %broadcast_in_dim3A_842 : vector<32x8192xi1>, vector<32x8192xi32>
    %reduce_min3A_844 = arith.constant dense<2147483647> : vector<32xi32>
    %reduce_min3A_845 = vector.multi_reduction <minsi>, %select_n3A_843, %reduce_min3A_844 [1] : vector<32x8192xi32> to vector<32xi32>
    %broadcast_in_dim3A_846 = vector.shape_cast %reduce_min3A_845 : vector<32xi32> to vector<32x1xi32>
    %eq3A_847 = vector.broadcast %broadcast_in_dim3A_846 : vector<32x1xi32> to vector<32x8192xi32>
    %eq3A_848 = arith.cmpi eq, %iota3A, %eq3A_847 : vector<32x8192xi32>
    %jit3A_849 = arith.constant 0xFF800000 : f32
    %broadcast_in_dim3A_850 = vector.broadcast %jit3A_849 : f32 to vector<32x8192xf32>
    %select_n3A_851 = arith.select %eq3A_848, %broadcast_in_dim3A_850, %select_n3A_835 : vector<32x8192xi1>, vector<32x8192xf32>
    %reduce_max3A_852 = arith.constant dense<0xFF800000> : vector<32xf32>
    %reduce_max3A_853 = vector.multi_reduction <maximumf>, %select_n3A_851, %reduce_max3A_852 [1] : vector<32x8192xf32> to vector<32xf32>
    %broadcast_in_dim3A_854 = vector.shape_cast %reduce_max3A_853 : vector<32xf32> to vector<32x1xf32>
    %eq3A_855 = vector.broadcast %broadcast_in_dim3A_854 : vector<32x1xf32> to vector<32x8192xf32>
    %eq3A_856 = arith.cmpf oeq, %select_n3A_851, %eq3A_855 : vector<32x8192xf32>
    %jit3A_857 = arith.constant 8192 : i32
    %broadcast_in_dim3A_858 = vector.broadcast %jit3A_857 : i32 to vector<32x8192xi32>
    %select_n3A_859 = arith.select %eq3A_856, %iota3A, %broadcast_in_dim3A_858 : vector<32x8192xi1>, vector<32x8192xi32>
    %reduce_min3A_860 = arith.constant dense<2147483647> : vector<32xi32>
    %reduce_min3A_861 = vector.multi_reduction <minsi>, %select_n3A_859, %reduce_min3A_860 [1] : vector<32x8192xi32> to vector<32xi32>
    %broadcast_in_dim3A_862 = vector.shape_cast %reduce_min3A_861 : vector<32xi32> to vector<32x1xi32>
    %eq3A_863 = vector.broadcast %broadcast_in_dim3A_862 : vector<32x1xi32> to vector<32x8192xi32>
    %eq3A_864 = arith.cmpi eq, %iota3A, %eq3A_863 : vector<32x8192xi32>
    %jit3A_865 = arith.constant 0xFF800000 : f32
    %broadcast_in_dim3A_866 = vector.broadcast %jit3A_865 : f32 to vector<32x8192xf32>
    %select_n3A_867 = arith.select %eq3A_864, %broadcast_in_dim3A_866, %select_n3A_851 : vector<32x8192xi1>, vector<32x8192xf32>
    %reduce_max3A_868 = arith.constant dense<0xFF800000> : vector<32xf32>
    %reduce_max3A_869 = vector.multi_reduction <maximumf>, %select_n3A_867, %reduce_max3A_868 [1] : vector<32x8192xf32> to vector<32xf32>
    %broadcast_in_dim3A_870 = vector.shape_cast %reduce_max3A_869 : vector<32xf32> to vector<32x1xf32>
    %eq3A_871 = vector.broadcast %broadcast_in_dim3A_870 : vector<32x1xf32> to vector<32x8192xf32>
    %eq3A_872 = arith.cmpf oeq, %select_n3A_867, %eq3A_871 : vector<32x8192xf32>
    %jit3A_873 = arith.constant 8192 : i32
    %broadcast_in_dim3A_874 = vector.broadcast %jit3A_873 : i32 to vector<32x8192xi32>
    %select_n3A_875 = arith.select %eq3A_872, %iota3A, %broadcast_in_dim3A_874 : vector<32x8192xi1>, vector<32x8192xi32>
    %reduce_min3A_876 = arith.constant dense<2147483647> : vector<32xi32>
    %reduce_min3A_877 = vector.multi_reduction <minsi>, %select_n3A_875, %reduce_min3A_876 [1] : vector<32x8192xi32> to vector<32xi32>
    %broadcast_in_dim3A_878 = vector.shape_cast %reduce_min3A_877 : vector<32xi32> to vector<32x1xi32>
    %eq3A_879 = vector.broadcast %broadcast_in_dim3A_878 : vector<32x1xi32> to vector<32x8192xi32>
    %eq3A_880 = arith.cmpi eq, %iota3A, %eq3A_879 : vector<32x8192xi32>
    %jit3A_881 = arith.constant 0xFF800000 : f32
    %broadcast_in_dim3A_882 = vector.broadcast %jit3A_881 : f32 to vector<32x8192xf32>
    %select_n3A_883 = arith.select %eq3A_880, %broadcast_in_dim3A_882, %select_n3A_867 : vector<32x8192xi1>, vector<32x8192xf32>
    %reduce_max3A_884 = arith.constant dense<0xFF800000> : vector<32xf32>
    %reduce_max3A_885 = vector.multi_reduction <maximumf>, %select_n3A_883, %reduce_max3A_884 [1] : vector<32x8192xf32> to vector<32xf32>
    %broadcast_in_dim3A_886 = vector.shape_cast %reduce_max3A_885 : vector<32xf32> to vector<32x1xf32>
    %eq3A_887 = vector.broadcast %broadcast_in_dim3A_886 : vector<32x1xf32> to vector<32x8192xf32>
    %eq3A_888 = arith.cmpf oeq, %select_n3A_883, %eq3A_887 : vector<32x8192xf32>
    %jit3A_889 = arith.constant 8192 : i32
    %broadcast_in_dim3A_890 = vector.broadcast %jit3A_889 : i32 to vector<32x8192xi32>
    %select_n3A_891 = arith.select %eq3A_888, %iota3A, %broadcast_in_dim3A_890 : vector<32x8192xi1>, vector<32x8192xi32>
    %reduce_min3A_892 = arith.constant dense<2147483647> : vector<32xi32>
    %reduce_min3A_893 = vector.multi_reduction <minsi>, %select_n3A_891, %reduce_min3A_892 [1] : vector<32x8192xi32> to vector<32xi32>
    %broadcast_in_dim3A_894 = vector.shape_cast %reduce_min3A_893 : vector<32xi32> to vector<32x1xi32>
    %eq3A_895 = vector.broadcast %broadcast_in_dim3A_894 : vector<32x1xi32> to vector<32x8192xi32>
    %eq3A_896 = arith.cmpi eq, %iota3A, %eq3A_895 : vector<32x8192xi32>
    %jit3A_897 = arith.constant 0xFF800000 : f32
    %broadcast_in_dim3A_898 = vector.broadcast %jit3A_897 : f32 to vector<32x8192xf32>
    %select_n3A_899 = arith.select %eq3A_896, %broadcast_in_dim3A_898, %select_n3A_883 : vector<32x8192xi1>, vector<32x8192xf32>
    %reduce_max3A_900 = arith.constant dense<0xFF800000> : vector<32xf32>
    %reduce_max3A_901 = vector.multi_reduction <maximumf>, %select_n3A_899, %reduce_max3A_900 [1] : vector<32x8192xf32> to vector<32xf32>
    %broadcast_in_dim3A_902 = vector.shape_cast %reduce_max3A_901 : vector<32xf32> to vector<32x1xf32>
    %eq3A_903 = vector.broadcast %broadcast_in_dim3A_902 : vector<32x1xf32> to vector<32x8192xf32>
    %eq3A_904 = arith.cmpf oeq, %select_n3A_899, %eq3A_903 : vector<32x8192xf32>
    %jit3A_905 = arith.constant 8192 : i32
    %broadcast_in_dim3A_906 = vector.broadcast %jit3A_905 : i32 to vector<32x8192xi32>
    %select_n3A_907 = arith.select %eq3A_904, %iota3A, %broadcast_in_dim3A_906 : vector<32x8192xi1>, vector<32x8192xi32>
    %reduce_min3A_908 = arith.constant dense<2147483647> : vector<32xi32>
    %reduce_min3A_909 = vector.multi_reduction <minsi>, %select_n3A_907, %reduce_min3A_908 [1] : vector<32x8192xi32> to vector<32xi32>
    %broadcast_in_dim3A_910 = vector.shape_cast %reduce_min3A_909 : vector<32xi32> to vector<32x1xi32>
    %eq3A_911 = vector.broadcast %broadcast_in_dim3A_910 : vector<32x1xi32> to vector<32x8192xi32>
    %eq3A_912 = arith.cmpi eq, %iota3A, %eq3A_911 : vector<32x8192xi32>
    %jit3A_913 = arith.constant 0xFF800000 : f32
    %broadcast_in_dim3A_914 = vector.broadcast %jit3A_913 : f32 to vector<32x8192xf32>
    %select_n3A_915 = arith.select %eq3A_912, %broadcast_in_dim3A_914, %select_n3A_899 : vector<32x8192xi1>, vector<32x8192xf32>
    %reduce_max3A_916 = arith.constant dense<0xFF800000> : vector<32xf32>
    %reduce_max3A_917 = vector.multi_reduction <maximumf>, %select_n3A_915, %reduce_max3A_916 [1] : vector<32x8192xf32> to vector<32xf32>
    %broadcast_in_dim3A_918 = vector.shape_cast %reduce_max3A_917 : vector<32xf32> to vector<32x1xf32>
    %eq3A_919 = vector.broadcast %broadcast_in_dim3A_918 : vector<32x1xf32> to vector<32x8192xf32>
    %eq3A_920 = arith.cmpf oeq, %select_n3A_915, %eq3A_919 : vector<32x8192xf32>
    %jit3A_921 = arith.constant 8192 : i32
    %broadcast_in_dim3A_922 = vector.broadcast %jit3A_921 : i32 to vector<32x8192xi32>
    %select_n3A_923 = arith.select %eq3A_920, %iota3A, %broadcast_in_dim3A_922 : vector<32x8192xi1>, vector<32x8192xi32>
    %reduce_min3A_924 = arith.constant dense<2147483647> : vector<32xi32>
    %reduce_min3A_925 = vector.multi_reduction <minsi>, %select_n3A_923, %reduce_min3A_924 [1] : vector<32x8192xi32> to vector<32xi32>
    %broadcast_in_dim3A_926 = vector.shape_cast %reduce_min3A_925 : vector<32xi32> to vector<32x1xi32>
    %eq3A_927 = vector.broadcast %broadcast_in_dim3A_926 : vector<32x1xi32> to vector<32x8192xi32>
    %eq3A_928 = arith.cmpi eq, %iota3A, %eq3A_927 : vector<32x8192xi32>
    %jit3A_929 = arith.constant 0xFF800000 : f32
    %broadcast_in_dim3A_930 = vector.broadcast %jit3A_929 : f32 to vector<32x8192xf32>
    %select_n3A_931 = arith.select %eq3A_928, %broadcast_in_dim3A_930, %select_n3A_915 : vector<32x8192xi1>, vector<32x8192xf32>
    %reduce_max3A_932 = arith.constant dense<0xFF800000> : vector<32xf32>
    %reduce_max3A_933 = vector.multi_reduction <maximumf>, %select_n3A_931, %reduce_max3A_932 [1] : vector<32x8192xf32> to vector<32xf32>
    %broadcast_in_dim3A_934 = vector.shape_cast %reduce_max3A_933 : vector<32xf32> to vector<32x1xf32>
    %eq3A_935 = vector.broadcast %broadcast_in_dim3A_934 : vector<32x1xf32> to vector<32x8192xf32>
    %eq3A_936 = arith.cmpf oeq, %select_n3A_931, %eq3A_935 : vector<32x8192xf32>
    %jit3A_937 = arith.constant 8192 : i32
    %broadcast_in_dim3A_938 = vector.broadcast %jit3A_937 : i32 to vector<32x8192xi32>
    %select_n3A_939 = arith.select %eq3A_936, %iota3A, %broadcast_in_dim3A_938 : vector<32x8192xi1>, vector<32x8192xi32>
    %reduce_min3A_940 = arith.constant dense<2147483647> : vector<32xi32>
    %reduce_min3A_941 = vector.multi_reduction <minsi>, %select_n3A_939, %reduce_min3A_940 [1] : vector<32x8192xi32> to vector<32xi32>
    %broadcast_in_dim3A_942 = vector.shape_cast %reduce_min3A_941 : vector<32xi32> to vector<32x1xi32>
    %eq3A_943 = vector.broadcast %broadcast_in_dim3A_942 : vector<32x1xi32> to vector<32x8192xi32>
    %eq3A_944 = arith.cmpi eq, %iota3A, %eq3A_943 : vector<32x8192xi32>
    %jit3A_945 = arith.constant 0xFF800000 : f32
    %broadcast_in_dim3A_946 = vector.broadcast %jit3A_945 : f32 to vector<32x8192xf32>
    %select_n3A_947 = arith.select %eq3A_944, %broadcast_in_dim3A_946, %select_n3A_931 : vector<32x8192xi1>, vector<32x8192xf32>
    %reduce_max3A_948 = arith.constant dense<0xFF800000> : vector<32xf32>
    %reduce_max3A_949 = vector.multi_reduction <maximumf>, %select_n3A_947, %reduce_max3A_948 [1] : vector<32x8192xf32> to vector<32xf32>
    %broadcast_in_dim3A_950 = vector.shape_cast %reduce_max3A_949 : vector<32xf32> to vector<32x1xf32>
    %eq3A_951 = vector.broadcast %broadcast_in_dim3A_950 : vector<32x1xf32> to vector<32x8192xf32>
    %eq3A_952 = arith.cmpf oeq, %select_n3A_947, %eq3A_951 : vector<32x8192xf32>
    %jit3A_953 = arith.constant 8192 : i32
    %broadcast_in_dim3A_954 = vector.broadcast %jit3A_953 : i32 to vector<32x8192xi32>
    %select_n3A_955 = arith.select %eq3A_952, %iota3A, %broadcast_in_dim3A_954 : vector<32x8192xi1>, vector<32x8192xi32>
    %reduce_min3A_956 = arith.constant dense<2147483647> : vector<32xi32>
    %reduce_min3A_957 = vector.multi_reduction <minsi>, %select_n3A_955, %reduce_min3A_956 [1] : vector<32x8192xi32> to vector<32xi32>
    %broadcast_in_dim3A_958 = vector.shape_cast %reduce_min3A_957 : vector<32xi32> to vector<32x1xi32>
    %eq3A_959 = vector.broadcast %broadcast_in_dim3A_958 : vector<32x1xi32> to vector<32x8192xi32>
    %eq3A_960 = arith.cmpi eq, %iota3A, %eq3A_959 : vector<32x8192xi32>
    %jit3A_961 = arith.constant 0xFF800000 : f32
    %broadcast_in_dim3A_962 = vector.broadcast %jit3A_961 : f32 to vector<32x8192xf32>
    %select_n3A_963 = arith.select %eq3A_960, %broadcast_in_dim3A_962, %select_n3A_947 : vector<32x8192xi1>, vector<32x8192xf32>
    %reduce_max3A_964 = arith.constant dense<0xFF800000> : vector<32xf32>
    %reduce_max3A_965 = vector.multi_reduction <maximumf>, %select_n3A_963, %reduce_max3A_964 [1] : vector<32x8192xf32> to vector<32xf32>
    %broadcast_in_dim3A_966 = vector.shape_cast %reduce_max3A_965 : vector<32xf32> to vector<32x1xf32>
    %eq3A_967 = vector.broadcast %broadcast_in_dim3A_966 : vector<32x1xf32> to vector<32x8192xf32>
    %eq3A_968 = arith.cmpf oeq, %select_n3A_963, %eq3A_967 : vector<32x8192xf32>
    %jit3A_969 = arith.constant 8192 : i32
    %broadcast_in_dim3A_970 = vector.broadcast %jit3A_969 : i32 to vector<32x8192xi32>
    %select_n3A_971 = arith.select %eq3A_968, %iota3A, %broadcast_in_dim3A_970 : vector<32x8192xi1>, vector<32x8192xi32>
    %reduce_min3A_972 = arith.constant dense<2147483647> : vector<32xi32>
    %reduce_min3A_973 = vector.multi_reduction <minsi>, %select_n3A_971, %reduce_min3A_972 [1] : vector<32x8192xi32> to vector<32xi32>
    %broadcast_in_dim3A_974 = vector.shape_cast %reduce_min3A_973 : vector<32xi32> to vector<32x1xi32>
    %eq3A_975 = vector.broadcast %broadcast_in_dim3A_974 : vector<32x1xi32> to vector<32x8192xi32>
    %eq3A_976 = arith.cmpi eq, %iota3A, %eq3A_975 : vector<32x8192xi32>
    %jit3A_977 = arith.constant 0xFF800000 : f32
    %broadcast_in_dim3A_978 = vector.broadcast %jit3A_977 : f32 to vector<32x8192xf32>
    %select_n3A_979 = arith.select %eq3A_976, %broadcast_in_dim3A_978, %select_n3A_963 : vector<32x8192xi1>, vector<32x8192xf32>
    %reduce_max3A_980 = arith.constant dense<0xFF800000> : vector<32xf32>
    %reduce_max3A_981 = vector.multi_reduction <maximumf>, %select_n3A_979, %reduce_max3A_980 [1] : vector<32x8192xf32> to vector<32xf32>
    %broadcast_in_dim3A_982 = vector.shape_cast %reduce_max3A_981 : vector<32xf32> to vector<32x1xf32>
    %eq3A_983 = vector.broadcast %broadcast_in_dim3A_982 : vector<32x1xf32> to vector<32x8192xf32>
    %eq3A_984 = arith.cmpf oeq, %select_n3A_979, %eq3A_983 : vector<32x8192xf32>
    %jit3A_985 = arith.constant 8192 : i32
    %broadcast_in_dim3A_986 = vector.broadcast %jit3A_985 : i32 to vector<32x8192xi32>
    %select_n3A_987 = arith.select %eq3A_984, %iota3A, %broadcast_in_dim3A_986 : vector<32x8192xi1>, vector<32x8192xi32>
    %reduce_min3A_988 = arith.constant dense<2147483647> : vector<32xi32>
    %reduce_min3A_989 = vector.multi_reduction <minsi>, %select_n3A_987, %reduce_min3A_988 [1] : vector<32x8192xi32> to vector<32xi32>
    %broadcast_in_dim3A_990 = vector.shape_cast %reduce_min3A_989 : vector<32xi32> to vector<32x1xi32>
    %eq3A_991 = vector.broadcast %broadcast_in_dim3A_990 : vector<32x1xi32> to vector<32x8192xi32>
    %eq3A_992 = arith.cmpi eq, %iota3A, %eq3A_991 : vector<32x8192xi32>
    %jit3A_993 = arith.constant 0xFF800000 : f32
    %broadcast_in_dim3A_994 = vector.broadcast %jit3A_993 : f32 to vector<32x8192xf32>
    %select_n3A_995 = arith.select %eq3A_992, %broadcast_in_dim3A_994, %select_n3A_979 : vector<32x8192xi1>, vector<32x8192xf32>
    %reduce_max3A_996 = arith.constant dense<0xFF800000> : vector<32xf32>
    %reduce_max3A_997 = vector.multi_reduction <maximumf>, %select_n3A_995, %reduce_max3A_996 [1] : vector<32x8192xf32> to vector<32xf32>
    %broadcast_in_dim3A_998 = vector.shape_cast %reduce_max3A_997 : vector<32xf32> to vector<32x1xf32>
    %eq3A_999 = vector.broadcast %broadcast_in_dim3A_998 : vector<32x1xf32> to vector<32x8192xf32>
    %eq3A_1000 = arith.cmpf oeq, %select_n3A_995, %eq3A_999 : vector<32x8192xf32>
    %jit3A_1001 = arith.constant 8192 : i32
    %broadcast_in_dim3A_1002 = vector.broadcast %jit3A_1001 : i32 to vector<32x8192xi32>
    %select_n3A_1003 = arith.select %eq3A_1000, %iota3A, %broadcast_in_dim3A_1002 : vector<32x8192xi1>, vector<32x8192xi32>
    %reduce_min3A_1004 = arith.constant dense<2147483647> : vector<32xi32>
    %reduce_min3A_1005 = vector.multi_reduction <minsi>, %select_n3A_1003, %reduce_min3A_1004 [1] : vector<32x8192xi32> to vector<32xi32>
    %broadcast_in_dim3A_1006 = vector.shape_cast %reduce_min3A_1005 : vector<32xi32> to vector<32x1xi32>
    %eq3A_1007 = vector.broadcast %broadcast_in_dim3A_1006 : vector<32x1xi32> to vector<32x8192xi32>
    %eq3A_1008 = arith.cmpi eq, %iota3A, %eq3A_1007 : vector<32x8192xi32>
    %jit3A_1009 = arith.constant 0xFF800000 : f32
    %broadcast_in_dim3A_1010 = vector.broadcast %jit3A_1009 : f32 to vector<32x8192xf32>
    %select_n3A_1011 = arith.select %eq3A_1008, %broadcast_in_dim3A_1010, %select_n3A_995 : vector<32x8192xi1>, vector<32x8192xf32>
    %reduce_max3A_1012 = arith.constant dense<0xFF800000> : vector<32xf32>
    %reduce_max3A_1013 = vector.multi_reduction <maximumf>, %select_n3A_1011, %reduce_max3A_1012 [1] : vector<32x8192xf32> to vector<32xf32>
    %broadcast_in_dim3A_1014 = vector.shape_cast %reduce_max3A_1013 : vector<32xf32> to vector<32x1xf32>
    %eq3A_1015 = vector.broadcast %broadcast_in_dim3A_1014 : vector<32x1xf32> to vector<32x8192xf32>
    %eq3A_1016 = arith.cmpf oeq, %select_n3A_1011, %eq3A_1015 : vector<32x8192xf32>
    %jit3A_1017 = arith.constant 8192 : i32
    %broadcast_in_dim3A_1018 = vector.broadcast %jit3A_1017 : i32 to vector<32x8192xi32>
    %select_n3A_1019 = arith.select %eq3A_1016, %iota3A, %broadcast_in_dim3A_1018 : vector<32x8192xi1>, vector<32x8192xi32>
    %reduce_min3A_1020 = arith.constant dense<2147483647> : vector<32xi32>
    %reduce_min3A_1021 = vector.multi_reduction <minsi>, %select_n3A_1019, %reduce_min3A_1020 [1] : vector<32x8192xi32> to vector<32xi32>
    %broadcast_in_dim3A_1022 = vector.shape_cast %reduce_min3A_1021 : vector<32xi32> to vector<32x1xi32>
    %concatenate3A = tpu.concatenate %broadcast_in_dim3A_14, %broadcast_in_dim3A_30, %broadcast_in_dim3A_46, %broadcast_in_dim3A_62, %broadcast_in_dim3A_78, %broadcast_in_dim3A_94, %broadcast_in_dim3A_110, %broadcast_in_dim3A_126, %broadcast_in_dim3A_142, %broadcast_in_dim3A_158, %broadcast_in_dim3A_174, %broadcast_in_dim3A_190, %broadcast_in_dim3A_206, %broadcast_in_dim3A_222, %broadcast_in_dim3A_238, %broadcast_in_dim3A_254, %broadcast_in_dim3A_270, %broadcast_in_dim3A_286, %broadcast_in_dim3A_302, %broadcast_in_dim3A_318, %broadcast_in_dim3A_334, %broadcast_in_dim3A_350, %broadcast_in_dim3A_366, %broadcast_in_dim3A_382, %broadcast_in_dim3A_398, %broadcast_in_dim3A_414, %broadcast_in_dim3A_430, %broadcast_in_dim3A_446, %broadcast_in_dim3A_462, %broadcast_in_dim3A_478, %broadcast_in_dim3A_494, %broadcast_in_dim3A_510, %broadcast_in_dim3A_526, %broadcast_in_dim3A_542, %broadcast_in_dim3A_558, %broadcast_in_dim3A_574, %broadcast_in_dim3A_590, %broadcast_in_dim3A_606, %broadcast_in_dim3A_622, %broadcast_in_dim3A_638, %broadcast_in_dim3A_654, %broadcast_in_dim3A_670, %broadcast_in_dim3A_686, %broadcast_in_dim3A_702, %broadcast_in_dim3A_718, %broadcast_in_dim3A_734, %broadcast_in_dim3A_750, %broadcast_in_dim3A_766, %broadcast_in_dim3A_782, %broadcast_in_dim3A_798, %broadcast_in_dim3A_814, %broadcast_in_dim3A_830, %broadcast_in_dim3A_846, %broadcast_in_dim3A_862, %broadcast_in_dim3A_878, %broadcast_in_dim3A_894, %broadcast_in_dim3A_910, %broadcast_in_dim3A_926, %broadcast_in_dim3A_942, %broadcast_in_dim3A_958, %broadcast_in_dim3A_974, %broadcast_in_dim3A_990, %broadcast_in_dim3A_1006, %broadcast_in_dim3A_1022 in 1 : vector<32x1xi32>, vector<32x1xi32>, vector<32x1xi32>, vector<32x1xi32>, vector<32x1xi32>, vector<32x1xi32>, vector<32x1xi32>, vector<32x1xi32>, vector<32x1xi32>, vector<32x1xi32>, vector<32x1xi32>, vector<32x1xi32>, vector<32x1xi32>, vector<32x1xi32>, vector<32x1xi32>, vector<32x1xi32>, vector<32x1xi32>, vector<32x1xi32>, vector<32x1xi32>, vector<32x1xi32>, vector<32x1xi32>, vector<32x1xi32>, vector<32x1xi32>, vector<32x1xi32>, vector<32x1xi32>, vector<32x1xi32>, vector<32x1xi32>, vector<32x1xi32>, vector<32x1xi32>, vector<32x1xi32>, vector<32x1xi32>, vector<32x1xi32>, vector<32x1xi32>, vector<32x1xi32>, vector<32x1xi32>, vector<32x1xi32>, vector<32x1xi32>, vector<32x1xi32>, vector<32x1xi32>, vector<32x1xi32>, vector<32x1xi32>, vector<32x1xi32>, vector<32x1xi32>, vector<32x1xi32>, vector<32x1xi32>, vector<32x1xi32>, vector<32x1xi32>, vector<32x1xi32>, vector<32x1xi32>, vector<32x1xi32>, vector<32x1xi32>, vector<32x1xi32>, vector<32x1xi32>, vector<32x1xi32>, vector<32x1xi32>, vector<32x1xi32>, vector<32x1xi32>, vector<32x1xi32>, vector<32x1xi32>, vector<32x1xi32>, vector<32x1xi32>, vector<32x1xi32>, vector<32x1xi32>, vector<32x1xi32> -> vector<32x64xi32>
    %swap3A = arith.constant 0 : index
    %swap3A_1023 = arith.constant 0 : index
    %swap3A_1024 = vector.load %arg2[%swap3A, %swap3A_1023] : memref<32x64xi32, #tpu.memory_space<vmem>>, vector<32x64xi32>
    tpu.vector_store %arg2[%swap3A, %swap3A_1023], %concatenate3A {strides = array<i32>} : memref<32x64xi32, #tpu.memory_space<vmem>>, vector<32x64xi32>,
    %iota3A_1025 = tpu.iota {dimensions = array<i32: 0>} : vector<32x64xi32>
    %mul3A = arith.constant 8192 : i32
    %mul3A_1026 = vector.broadcast %mul3A : i32 to vector<32x64xi32>
    %mul3A_1027 = arith.muli %iota3A_1025, %mul3A_1026 : vector<32x64xi32>
    %add3A = arith.addi %concatenate3A, %mul3A_1027 : vector<32x64xi32>
    %swap3A_1028 = arith.constant 0 : index
    %swap3A_1029 = arith.constant 0 : index
    %swap3A_1030 = vector.load %arg3[%swap3A_1028, %swap3A_1029] : memref<32x64xi32, #tpu.memory_space<vmem>>, vector<32x64xi32>
    tpu.vector_store %arg3[%swap3A_1028, %swap3A_1029], %add3A {strides = array<i32>} : memref<32x64xi32, #tpu.memory_space<vmem>>, vector<32x64xi32>,
    return
  }
}

module attributes {stable_mosaic.version = 14 : i64} {
  func.func @_d_body(%arg0: memref<32x64x256xf32, #tpu.memory_space<vmem>>, %arg1: memref<32x64xi32, #tpu.memory_space<vmem>>, %arg2: memref<32x256xf32, #tpu.memory_space<vmem>>, %arg3: memref<32x256xf32, #tpu.memory_space<vmem>>, %arg4: memref<768x256xf32, #tpu.memory_space<vmem>>, %arg5: memref<1x768xf32, #tpu.memory_space<vmem>>, %arg6: memref<256x256xf32, #tpu.memory_space<vmem>>, %arg7: memref<1x256xf32, #tpu.memory_space<vmem>>, %arg8: memref<1x256xf32, #tpu.memory_space<vmem>>, %arg9: memref<1x256xf32, #tpu.memory_space<vmem>>, %arg10: memref<768x256xf32, #tpu.memory_space<vmem>>, %arg11: memref<768x256xf32, #tpu.memory_space<vmem>>, %arg12: memref<1x768xf32, #tpu.memory_space<vmem>>, %arg13: memref<1x768xf32, #tpu.memory_space<vmem>>, %arg14: memref<2x256xf32, #tpu.memory_space<vmem>>, %arg15: memref<256x256xf32, #tpu.memory_space<vmem>>, %arg16: memref<32x8192xf32, #tpu.memory_space<vmem>>, %arg17: memref<32x128xi32, #tpu.memory_space<vmem>>, %arg18: memref<32x256xf32, #tpu.memory_space<vmem>>, %arg19: memref<32x256xf32, #tpu.memory_space<vmem>>) attributes {dimension_semantics = [], scalar_prefetch = 0 : i64, scratch_operands = 0 : i64, tpu.core_type = #tpu.core_type<tc>} {
    %get3A = arith.constant 0 : index
    %get3A_0 = arith.constant 0 : index
    %get3A_1 = vector.load %arg3[%get3A, %get3A_0] : memref<32x256xf32, #tpu.memory_space<vmem>>, vector<32x256xf32>
    %get3A_2 = arith.constant 0 : index
    %get3A_3 = arith.constant 0 : index
    %get3A_4 = vector.load %arg2[%get3A_2, %get3A_3] : memref<32x256xf32, #tpu.memory_space<vmem>>, vector<32x256xf32>
    %get3A_5 = arith.constant 0 : index
    %get3A_6 = arith.constant 0 : index
    %get3A_7 = arith.constant 0 : index
    %get3A_8 = vector.load %arg0[%get3A_5, %get3A_6, %get3A_7] : memref<32x64x256xf32, #tpu.memory_space<vmem>>, vector<32x64x256xf32>
    %reshape3A = vector.shape_cast %get3A_8 : vector<32x64x256xf32> to vector<2048x256xf32>
    %convert_element_type3A = arith.truncf %reshape3A : vector<2048x256xf32> to vector<2048x256xbf16>
    %get3A_9 = arith.constant 0 : index
    %get3A_10 = arith.constant 0 : index
    %get3A_11 = vector.load %arg15[%get3A_9, %get3A_10] : memref<256x256xf32, #tpu.memory_space<vmem>>, vector<256x256xf32>
    %convert_element_type3A_12 = arith.truncf %get3A_11 : vector<256x256xf32> to vector<256x256xbf16>
    %dot_general3A = arith.constant dense<0.000000e+00> : vector<2048x256xf32>
    %dot_general3A_13 = tpu.matmul %convert_element_type3A, %convert_element_type3A_12, %dot_general3A {dimension_numbers = #tpu.dot_dimension_numbers<[1], [1], [0], [0], [0, 0, 1, 0], [], []>, transpose_lhs_hint = false} : vector<2048x256xbf16>, vector<256x256xbf16>, vector<2048x256xf32> -> vector<2048x256xf32>
    %mul3A = arith.mulf %dot_general3A_13, %dot_general3A_13 : vector<2048x256xf32>
    %reduce_sum3A = arith.constant dense<0.000000e+00> : vector<2048xf32>
    %reduce_sum3A_14 = vector.multi_reduction <add>, %mul3A, %reduce_sum3A [1] : vector<2048x256xf32> to vector<2048xf32>
    %broadcast_in_dim3A = vector.shape_cast %reduce_sum3A_14 : vector<2048xf32> to vector<2048x1xf32>
    %sqrt3A = math.sqrt %broadcast_in_dim3A : vector<2048x1xf32>
    %max3A = arith.constant 9.99999996E-13 : f32
    %max3A_15 = vector.broadcast %max3A : f32 to vector<2048x1xf32>
    %max3A_16 = arith.maximumf %sqrt3A, %max3A_15 : vector<2048x1xf32>
    %div3A = vector.broadcast %max3A_16 : vector<2048x1xf32> to vector<2048x256xf32>
    %div3A_17 = arith.divf %dot_general3A_13, %div3A : vector<2048x256xf32>
    %mul3A_18 = arith.mulf %div3A_17, %div3A_17 : vector<2048x256xf32>
    %reduce_sum3A_19 = arith.constant dense<0.000000e+00> : vector<2048xf32>
    %reduce_sum3A_20 = vector.multi_reduction <add>, %mul3A_18, %reduce_sum3A_19 [1] : vector<2048x256xf32> to vector<2048xf32>
    %broadcast_in_dim3A_21 = vector.shape_cast %reduce_sum3A_20 : vector<2048xf32> to vector<2048x1xf32>
    %sqrt3A_22 = math.sqrt %broadcast_in_dim3A_21 : vector<2048x1xf32>
    %max3A_23 = arith.constant 9.99999996E-13 : f32
    %max3A_24 = vector.broadcast %max3A_23 : f32 to vector<2048x1xf32>
    %max3A_25 = arith.maximumf %sqrt3A_22, %max3A_24 : vector<2048x1xf32>
    %div3A_26 = vector.broadcast %max3A_25 : vector<2048x1xf32> to vector<2048x256xf32>
    %div3A_27 = arith.divf %div3A_17, %div3A_26 : vector<2048x256xf32>
    %reshape3A_28 = vector.shape_cast %div3A_17 : vector<2048x256xf32> to vector<32x64x256xf32>
    %reshape3A_29 = vector.shape_cast %div3A_27 : vector<2048x256xf32> to vector<32x64x256xf32>
    %get3A_30 = arith.constant 0 : index
    %get3A_31 = arith.constant 0 : index
    %get3A_32 = vector.load %arg5[%get3A_30, %get3A_31] : memref<1x768xf32, #tpu.memory_space<vmem>>, vector<1x256xf32>
    %get3A_33 = arith.constant 0 : index
    %get3A_34 = arith.constant 256 : index
    %get3A_35 = vector.load %arg5[%get3A_33, %get3A_34] : memref<1x768xf32, #tpu.memory_space<vmem>>, vector<1x256xf32>
    %get3A_36 = arith.constant 0 : index
    %get3A_37 = arith.constant 512 : index
    %get3A_38 = vector.load %arg5[%get3A_36, %get3A_37] : memref<1x768xf32, #tpu.memory_space<vmem>>, vector<1x256xf32>
    %get3A_39 = arith.constant 0 : index
    %get3A_40 = arith.constant 0 : index
    %get3A_41 = vector.load %arg4[%get3A_39, %get3A_40] : memref<768x256xf32, #tpu.memory_space<vmem>>, vector<256x256xf32>
    %convert_element_type3A_42 = arith.truncf %get3A_1 : vector<32x256xf32> to vector<32x256xbf16>
    %convert_element_type3A_43 = arith.truncf %get3A_41 : vector<256x256xf32> to vector<256x256xbf16>
    %dot_general3A_44 = arith.constant dense<0.000000e+00> : vector<32x256xf32>
    %dot_general3A_45 = tpu.matmul %convert_element_type3A_42, %convert_element_type3A_43, %dot_general3A_44 {dimension_numbers = #tpu.dot_dimension_numbers<[1], [1], [0], [0], [0, 0, 1, 0], [], []>, transpose_lhs_hint = false} : vector<32x256xbf16>, vector<256x256xbf16>, vector<32x256xf32> -> vector<32x256xf32>
    %add3A = vector.broadcast %get3A_32 : vector<1x256xf32> to vector<32x256xf32>
    %add3A_46 = arith.addf %dot_general3A_45, %add3A : vector<32x256xf32>
    %convert_element_type3A_47 = arith.truncf %div3A_17 : vector<2048x256xf32> to vector<2048x256xbf16>
    %get3A_48 = arith.constant 256 : index
    %get3A_49 = arith.constant 0 : index
    %get3A_50 = vector.load %arg4[%get3A_48, %get3A_49] : memref<768x256xf32, #tpu.memory_space<vmem>>, vector<256x256xf32>
    %convert_element_type3A_51 = arith.truncf %get3A_50 : vector<256x256xf32> to vector<256x256xbf16>
    %dot_general3A_52 = arith.constant dense<0.000000e+00> : vector<2048x256xf32>
    %dot_general3A_53 = tpu.matmul %convert_element_type3A_47, %convert_element_type3A_51, %dot_general3A_52 {dimension_numbers = #tpu.dot_dimension_numbers<[1], [1], [0], [0], [0, 0, 1, 0], [], []>, transpose_lhs_hint = false} : vector<2048x256xbf16>, vector<256x256xbf16>, vector<2048x256xf32> -> vector<2048x256xf32>
    %add3A_54 = vector.broadcast %get3A_35 : vector<1x256xf32> to vector<2048x256xf32>
    %add3A_55 = arith.addf %dot_general3A_53, %add3A_54 : vector<2048x256xf32>
    %convert_element_type3A_56 = arith.truncf %div3A_17 : vector<2048x256xf32> to vector<2048x256xbf16>
    %get3A_57 = arith.constant 512 : index
    %get3A_58 = arith.constant 0 : index
    %get3A_59 = vector.load %arg4[%get3A_57, %get3A_58] : memref<768x256xf32, #tpu.memory_space<vmem>>, vector<256x256xf32>
    %convert_element_type3A_60 = arith.truncf %get3A_59 : vector<256x256xf32> to vector<256x256xbf16>
    %dot_general3A_61 = arith.constant dense<0.000000e+00> : vector<2048x256xf32>
    %dot_general3A_62 = tpu.matmul %convert_element_type3A_56, %convert_element_type3A_60, %dot_general3A_61 {dimension_numbers = #tpu.dot_dimension_numbers<[1], [1], [0], [0], [0, 0, 1, 0], [], []>, transpose_lhs_hint = false} : vector<2048x256xbf16>, vector<256x256xbf16>, vector<2048x256xf32> -> vector<2048x256xf32>
    %add3A_63 = vector.broadcast %get3A_38 : vector<1x256xf32> to vector<2048x256xf32>
    %add3A_64 = arith.addf %dot_general3A_62, %add3A_63 : vector<2048x256xf32>
    %broadcast_in_dim3A_65 = vector.shape_cast %add3A_46 : vector<32x256xf32> to vector<32x1x256xf32>
    %reshape3A_66 = vector.shape_cast %add3A_55 : vector<2048x256xf32> to vector<32x64x256xf32>
    %convert_element_type3A_67 = arith.truncf %broadcast_in_dim3A_65 : vector<32x1x256xf32> to vector<32x1x256xbf16>
    %convert_element_type3A_68 = arith.extf %convert_element_type3A_67 : vector<32x1x256xbf16> to vector<32x1x256xf32>
    %convert_element_type3A_69 = arith.truncf %reshape3A_66 : vector<32x64x256xf32> to vector<32x64x256xbf16>
    %convert_element_type3A_70 = arith.extf %convert_element_type3A_69 : vector<32x64x256xbf16> to vector<32x64x256xf32>
    %mul3A_71 = vector.broadcast %convert_element_type3A_68 : vector<32x1x256xf32> to vector<32x64x256xf32>
    %mul3A_72 = arith.mulf %mul3A_71, %convert_element_type3A_70 : vector<32x64x256xf32>
    %reduce_sum3A_73 = arith.constant dense<0.000000e+00> : vector<32x64xf32>
    %reduce_sum3A_74 = vector.multi_reduction <add>, %mul3A_72, %reduce_sum3A_73 [2] : vector<32x64x256xf32> to vector<32x64xf32>
    %mul3A_75 = arith.constant 6.250000e-02 : f32
    %mul3A_76 = vector.broadcast %mul3A_75 : f32 to vector<32x64xf32>
    %mul3A_77 = arith.mulf %reduce_sum3A_74, %mul3A_76 : vector<32x64xf32>
    %reduce_max3A = arith.constant dense<0xFF800000> : vector<32xf32>
    %reduce_max3A_78 = vector.multi_reduction <maximumf>, %mul3A_77, %reduce_max3A [1] : vector<32x64xf32> to vector<32xf32>
    %broadcast_in_dim3A_79 = vector.shape_cast %reduce_max3A_78 : vector<32xf32> to vector<32x1xf32>
    %sub3A = vector.broadcast %broadcast_in_dim3A_79 : vector<32x1xf32> to vector<32x64xf32>
    %sub3A_80 = arith.subf %mul3A_77, %sub3A : vector<32x64xf32>
    %exp3A = math.exp %sub3A_80 : vector<32x64xf32>
    %reduce_sum3A_81 = arith.constant dense<0.000000e+00> : vector<32xf32>
    %reduce_sum3A_82 = vector.multi_reduction <add>, %exp3A, %reduce_sum3A_81 [1] : vector<32x64xf32> to vector<32xf32>
    %broadcast_in_dim3A_83 = vector.shape_cast %reduce_sum3A_82 : vector<32xf32> to vector<32x1xf32>
    %div3A_84 = vector.broadcast %broadcast_in_dim3A_83 : vector<32x1xf32> to vector<32x64xf32>
    %div3A_85 = arith.divf %exp3A, %div3A_84 : vector<32x64xf32>
    %broadcast_in_dim3A_86 = vector.shape_cast %div3A_85 : vector<32x64xf32> to vector<32x64x1xf32>
    %reshape3A_87 = vector.shape_cast %add3A_64 : vector<2048x256xf32> to vector<32x64x256xf32>
    %convert_element_type3A_88 = arith.truncf %broadcast_in_dim3A_86 : vector<32x64x1xf32> to vector<32x64x1xbf16>
    %convert_element_type3A_89 = arith.extf %convert_element_type3A_88 : vector<32x64x1xbf16> to vector<32x64x1xf32>
    %convert_element_type3A_90 = arith.truncf %reshape3A_87 : vector<32x64x256xf32> to vector<32x64x256xbf16>
    %convert_element_type3A_91 = arith.extf %convert_element_type3A_90 : vector<32x64x256xbf16> to vector<32x64x256xf32>
    %mul3A_92 = vector.broadcast %convert_element_type3A_89 : vector<32x64x1xf32> to vector<32x64x256xf32>
    %mul3A_93 = arith.mulf %mul3A_92, %convert_element_type3A_91 : vector<32x64x256xf32>
    %reduce_sum3A_94 = arith.constant dense<0.000000e+00> : vector<32x256xf32>
    %reduce_sum3A_95 = vector.multi_reduction <add>, %mul3A_93, %reduce_sum3A_94 [1] : vector<32x64x256xf32> to vector<32x256xf32>
    %get3A_96 = arith.constant 0 : index
    %get3A_97 = arith.constant 0 : index
    %get3A_98 = vector.load %arg6[%get3A_96, %get3A_97] : memref<256x256xf32, #tpu.memory_space<vmem>>, vector<256x256xf32>
    %convert_element_type3A_99 = arith.truncf %reduce_sum3A_95 : vector<32x256xf32> to vector<32x256xbf16>
    %convert_element_type3A_100 = arith.truncf %get3A_98 : vector<256x256xf32> to vector<256x256xbf16>
    %dot_general3A_101 = arith.constant dense<0.000000e+00> : vector<32x256xf32>
    %dot_general3A_102 = tpu.matmul %convert_element_type3A_99, %convert_element_type3A_100, %dot_general3A_101 {dimension_numbers = #tpu.dot_dimension_numbers<[1], [1], [0], [0], [0, 0, 1, 0], [], []>, transpose_lhs_hint = false} : vector<32x256xbf16>, vector<256x256xbf16>, vector<32x256xf32> -> vector<32x256xf32>
    %get3A_103 = arith.constant 0 : index
    %get3A_104 = arith.constant 0 : index
    %get3A_105 = vector.load %arg7[%get3A_103, %get3A_104] : memref<1x256xf32, #tpu.memory_space<vmem>>, vector<1x256xf32>
    %add3A_106 = vector.broadcast %get3A_105 : vector<1x256xf32> to vector<32x256xf32>
    %add3A_107 = arith.addf %dot_general3A_102, %add3A_106 : vector<32x256xf32>
    %add3A_108 = arith.addf %add3A_107, %get3A_1 : vector<32x256xf32>
    %get3A_109 = arith.constant 0 : index
    %get3A_110 = arith.constant 0 : index
    %get3A_111 = vector.load %arg8[%get3A_109, %get3A_110] : memref<1x256xf32, #tpu.memory_space<vmem>>, vector<1x256xf32>
    %get3A_112 = arith.constant 0 : index
    %get3A_113 = arith.constant 0 : index
    %get3A_114 = vector.load %arg9[%get3A_112, %get3A_113] : memref<1x256xf32, #tpu.memory_space<vmem>>, vector<1x256xf32>
    %reduce_sum3A_115 = arith.constant dense<0.000000e+00> : vector<32xf32>
    %reduce_sum3A_116 = vector.multi_reduction <add>, %add3A_108, %reduce_sum3A_115 [1] : vector<32x256xf32> to vector<32xf32>
    %broadcast_in_dim3A_117 = vector.shape_cast %reduce_sum3A_116 : vector<32xf32> to vector<32x1xf32>
    %div3A_118 = arith.constant 2.560000e+02 : f32
    %div3A_119 = vector.broadcast %div3A_118 : f32 to vector<32x1xf32>
    %div3A_120 = arith.divf %broadcast_in_dim3A_117, %div3A_119 : vector<32x1xf32>
    %sub3A_121 = vector.broadcast %div3A_120 : vector<32x1xf32> to vector<32x256xf32>
    %sub3A_122 = arith.subf %add3A_108, %sub3A_121 : vector<32x256xf32>
    %mul3A_123 = arith.mulf %sub3A_122, %sub3A_122 : vector<32x256xf32>
    %reduce_sum3A_124 = arith.constant dense<0.000000e+00> : vector<32xf32>
    %reduce_sum3A_125 = vector.multi_reduction <add>, %mul3A_123, %reduce_sum3A_124 [1] : vector<32x256xf32> to vector<32xf32>
    %broadcast_in_dim3A_126 = vector.shape_cast %reduce_sum3A_125 : vector<32xf32> to vector<32x1xf32>
    %div3A_127 = arith.constant 2.560000e+02 : f32
    %div3A_128 = vector.broadcast %div3A_127 : f32 to vector<32x1xf32>
    %div3A_129 = arith.divf %broadcast_in_dim3A_126, %div3A_128 : vector<32x1xf32>
    %add3A_130 = arith.constant 9.99999974E-6 : f32
    %add3A_131 = vector.broadcast %add3A_130 : f32 to vector<32x1xf32>
    %add3A_132 = arith.addf %div3A_129, %add3A_131 : vector<32x1xf32>
    %sqrt3A_133 = math.sqrt %add3A_132 : vector<32x1xf32>
    %div3A_134 = vector.broadcast %sqrt3A_133 : vector<32x1xf32> to vector<32x256xf32>
    %div3A_135 = arith.divf %sub3A_122, %div3A_134 : vector<32x256xf32>
    %mul3A_136 = vector.broadcast %get3A_111 : vector<1x256xf32> to vector<32x256xf32>
    %mul3A_137 = arith.mulf %div3A_135, %mul3A_136 : vector<32x256xf32>
    %add3A_138 = vector.broadcast %get3A_114 : vector<1x256xf32> to vector<32x256xf32>
    %add3A_139 = arith.addf %mul3A_137, %add3A_138 : vector<32x256xf32>
    %mul3A_140 = arith.mulf %add3A_139, %add3A_139 : vector<32x256xf32>
    %reduce_sum3A_141 = arith.constant dense<0.000000e+00> : vector<32xf32>
    %reduce_sum3A_142 = vector.multi_reduction <add>, %mul3A_140, %reduce_sum3A_141 [1] : vector<32x256xf32> to vector<32xf32>
    %broadcast_in_dim3A_143 = vector.shape_cast %reduce_sum3A_142 : vector<32xf32> to vector<32x1xf32>
    %sqrt3A_144 = math.sqrt %broadcast_in_dim3A_143 : vector<32x1xf32>
    %max3A_145 = arith.constant 9.99999996E-13 : f32
    %max3A_146 = vector.broadcast %max3A_145 : f32 to vector<32x1xf32>
    %max3A_147 = arith.maximumf %sqrt3A_144, %max3A_146 : vector<32x1xf32>
    %div3A_148 = vector.broadcast %max3A_147 : vector<32x1xf32> to vector<32x256xf32>
    %div3A_149 = arith.divf %add3A_139, %div3A_148 : vector<32x256xf32>
    %broadcast_in_dim3A_150 = vector.shape_cast %div3A_149 : vector<32x256xf32> to vector<32x1x256xf32>
    %convert_element_type3A_151 = arith.truncf %broadcast_in_dim3A_150 : vector<32x1x256xf32> to vector<32x1x256xbf16>
    %convert_element_type3A_152 = arith.extf %convert_element_type3A_151 : vector<32x1x256xbf16> to vector<32x1x256xf32>
    %convert_element_type3A_153 = arith.truncf %reshape3A_29 : vector<32x64x256xf32> to vector<32x64x256xbf16>
    %convert_element_type3A_154 = arith.extf %convert_element_type3A_153 : vector<32x64x256xbf16> to vector<32x64x256xf32>
    %mul3A_155 = vector.broadcast %convert_element_type3A_152 : vector<32x1x256xf32> to vector<32x64x256xf32>
    %mul3A_156 = arith.mulf %mul3A_155, %convert_element_type3A_154 : vector<32x64x256xf32>
    %reduce_sum3A_157 = arith.constant dense<0.000000e+00> : vector<32x64xf32>
    %reduce_sum3A_158 = vector.multi_reduction <add>, %mul3A_156, %reduce_sum3A_157 [2] : vector<32x64x256xf32> to vector<32x64xf32>
    %div3A_159 = arith.constant 1.000000e-01 : f32
    %div3A_160 = vector.broadcast %div3A_159 : f32 to vector<32x64xf32>
    %div3A_161 = arith.divf %reduce_sum3A_158, %div3A_160 : vector<32x64xf32>
    %get3A_162 = arith.constant 0 : index
    %get3A_163 = arith.constant 0 : index
    %get3A_164 = vector.load %arg1[%get3A_162, %get3A_163] : memref<32x64xi32, #tpu.memory_space<vmem>>, vector<32x64xi32>
    %reduce_max3A_165 = arith.constant dense<0xFF800000> : vector<32xf32>
    %reduce_max3A_166 = vector.multi_reduction <maximumf>, %div3A_161, %reduce_max3A_165 [1] : vector<32x64xf32> to vector<32xf32>
    %broadcast_in_dim3A_167 = vector.shape_cast %reduce_max3A_166 : vector<32xf32> to vector<32x1xf32>
    %eq3A = vector.broadcast %broadcast_in_dim3A_167 : vector<32x1xf32> to vector<32x64xf32>
    %eq3A_168 = arith.cmpf oeq, %div3A_161, %eq3A : vector<32x64xf32>
    %jit3A = arith.constant 1073741824 : i32
    %broadcast_in_dim3A_169 = vector.broadcast %jit3A : i32 to vector<32x64xi32>
    %select_n3A = arith.select %eq3A_168, %get3A_164, %broadcast_in_dim3A_169 : vector<32x64xi1>, vector<32x64xi32>
    %reduce_min3A = arith.constant dense<2147483647> : vector<32xi32>
    %reduce_min3A_170 = vector.multi_reduction <minsi>, %select_n3A, %reduce_min3A [1] : vector<32x64xi32> to vector<32xi32>
    %broadcast_in_dim3A_171 = vector.shape_cast %reduce_min3A_170 : vector<32xi32> to vector<32x1xi32>
    %broadcast_in_dim3A_172 = vector.shape_cast %broadcast_in_dim3A_171 : vector<32x1xi32> to vector<32x1xi32>
    %broadcast_in_dim3A_173 = vector.broadcast %broadcast_in_dim3A_172 : vector<32x1xi32> to vector<32x128xi32>
    %swap3A = arith.constant 0 : index
    %swap3A_174 = arith.constant 0 : index
    %swap3A_175 = vector.load %arg17[%swap3A, %swap3A_174] : memref<32x128xi32, #tpu.memory_space<vmem>>, vector<32x128xi32>
    tpu.vector_store %arg17[%swap3A, %swap3A_174], %broadcast_in_dim3A_173 {strides = array<i32>} : memref<32x128xi32, #tpu.memory_space<vmem>>, vector<32x128xi32>,
    %eq3A_176 = vector.broadcast %broadcast_in_dim3A_171 : vector<32x1xi32> to vector<32x64xi32>
    %eq3A_177 = arith.cmpi eq, %get3A_164, %eq3A_176 : vector<32x64xi32>
    %convert_element_type3A_178 = arith.extui %eq3A_177 : vector<32x64xi1> to vector<32x64xi32>
    %convert_element_type3A_179 = arith.sitofp %convert_element_type3A_178 : vector<32x64xi32> to vector<32x64xf32>
    %broadcast_in_dim3A_180 = vector.shape_cast %convert_element_type3A_179 : vector<32x64xf32> to vector<32x64x1xf32>
    %mul3A_181 = vector.broadcast %broadcast_in_dim3A_180 : vector<32x64x1xf32> to vector<32x64x256xf32>
    %mul3A_182 = arith.mulf %reshape3A_28, %mul3A_181 : vector<32x64x256xf32>
    %reduce_sum3A_183 = arith.constant dense<0.000000e+00> : vector<32x256xf32>
    %reduce_sum3A_184 = vector.multi_reduction <add>, %mul3A_182, %reduce_sum3A_183 [1] : vector<32x64x256xf32> to vector<32x256xf32>
    %get3A_185 = arith.constant 0 : index
    %get3A_186 = arith.constant 0 : index
    %get3A_187 = vector.load %arg10[%get3A_185, %get3A_186] : memref<768x256xf32, #tpu.memory_space<vmem>>, vector<768x256xf32>
    %convert_element_type3A_188 = arith.truncf %reduce_sum3A_184 : vector<32x256xf32> to vector<32x256xbf16>
    %convert_element_type3A_189 = arith.truncf %get3A_187 : vector<768x256xf32> to vector<768x256xbf16>
    %dot_general3A_190 = arith.constant dense<0.000000e+00> : vector<32x768xf32>
    %dot_general3A_191 = tpu.matmul %convert_element_type3A_188, %convert_element_type3A_189, %dot_general3A_190 {dimension_numbers = #tpu.dot_dimension_numbers<[1], [1], [0], [0], [0, 0, 1, 0], [], []>, transpose_lhs_hint = false} : vector<32x256xbf16>, vector<768x256xbf16>, vector<32x768xf32> -> vector<32x768xf32>
    %get3A_192 = arith.constant 0 : index
    %get3A_193 = arith.constant 0 : index
    %get3A_194 = vector.load %arg12[%get3A_192, %get3A_193] : memref<1x768xf32, #tpu.memory_space<vmem>>, vector<1x768xf32>
    %add3A_195 = vector.broadcast %get3A_194 : vector<1x768xf32> to vector<32x768xf32>
    %add3A_196 = arith.addf %dot_general3A_191, %add3A_195 : vector<32x768xf32>
    %get3A_197 = arith.constant 0 : index
    %get3A_198 = arith.constant 0 : index
    %get3A_199 = vector.load %arg11[%get3A_197, %get3A_198] : memref<768x256xf32, #tpu.memory_space<vmem>>, vector<768x256xf32>
    %convert_element_type3A_200 = arith.truncf %get3A_4 : vector<32x256xf32> to vector<32x256xbf16>
    %convert_element_type3A_201 = arith.truncf %get3A_199 : vector<768x256xf32> to vector<768x256xbf16>
    %dot_general3A_202 = arith.constant dense<0.000000e+00> : vector<32x768xf32>
    %dot_general3A_203 = tpu.matmul %convert_element_type3A_200, %convert_element_type3A_201, %dot_general3A_202 {dimension_numbers = #tpu.dot_dimension_numbers<[1], [1], [0], [0], [0, 0, 1, 0], [], []>, transpose_lhs_hint = false} : vector<32x256xbf16>, vector<768x256xbf16>, vector<32x768xf32> -> vector<32x768xf32>
    %get3A_204 = arith.constant 0 : index
    %get3A_205 = arith.constant 0 : index
    %get3A_206 = vector.load %arg13[%get3A_204, %get3A_205] : memref<1x768xf32, #tpu.memory_space<vmem>>, vector<1x768xf32>
    %add3A_207 = vector.broadcast %get3A_206 : vector<1x768xf32> to vector<32x768xf32>
    %add3A_208 = arith.addf %dot_general3A_203, %add3A_207 : vector<32x768xf32>
    %slice3A = vector.extract_strided_slice %add3A_196 {offsets = [0, 0], sizes = [32, 256], strides = [1, 1]} : vector<32x768xf32> to vector<32x256xf32>
    %slice3A_209 = vector.extract_strided_slice %add3A_196 {offsets = [0, 256], sizes = [32, 256], strides = [1, 1]} : vector<32x768xf32> to vector<32x256xf32>
    %slice3A_210 = vector.extract_strided_slice %add3A_196 {offsets = [0, 512], sizes = [32, 256], strides = [1, 1]} : vector<32x768xf32> to vector<32x256xf32>
    %slice3A_211 = vector.extract_strided_slice %add3A_208 {offsets = [0, 0], sizes = [32, 256], strides = [1, 1]} : vector<32x768xf32> to vector<32x256xf32>
    %slice3A_212 = vector.extract_strided_slice %add3A_208 {offsets = [0, 256], sizes = [32, 256], strides = [1, 1]} : vector<32x768xf32> to vector<32x256xf32>
    %slice3A_213 = vector.extract_strided_slice %add3A_208 {offsets = [0, 512], sizes = [32, 256], strides = [1, 1]} : vector<32x768xf32> to vector<32x256xf32>
    %add3A_214 = arith.addf %slice3A, %slice3A_211 : vector<32x256xf32>
    %logistic3A = arith.negf %add3A_214 : vector<32x256xf32>
    %logistic3A_215 = math.exp %logistic3A : vector<32x256xf32>
    %logistic3A_216 = arith.constant 1.000000e+00 : f32
    %logistic3A_217 = vector.broadcast %logistic3A_216 : f32 to vector<32x256xf32>
    %logistic3A_218 = arith.addf %logistic3A_217, %logistic3A_215 : vector<32x256xf32>
    %logistic3A_219 = arith.divf %logistic3A_217, %logistic3A_218 : vector<32x256xf32>
    %add3A_220 = arith.addf %slice3A_209, %slice3A_212 : vector<32x256xf32>
    %logistic3A_221 = arith.negf %add3A_220 : vector<32x256xf32>
    %logistic3A_222 = math.exp %logistic3A_221 : vector<32x256xf32>
    %logistic3A_223 = arith.constant 1.000000e+00 : f32
    %logistic3A_224 = vector.broadcast %logistic3A_223 : f32 to vector<32x256xf32>
    %logistic3A_225 = arith.addf %logistic3A_224, %logistic3A_222 : vector<32x256xf32>
    %logistic3A_226 = arith.divf %logistic3A_224, %logistic3A_225 : vector<32x256xf32>
    %mul3A_227 = arith.mulf %logistic3A_219, %slice3A_213 : vector<32x256xf32>
    %add3A_228 = arith.addf %slice3A_210, %mul3A_227 : vector<32x256xf32>
    %tanh3A = math.tanh %add3A_228 : vector<32x256xf32>
    %sub3A_229 = arith.constant 1.000000e+00 : f32
    %sub3A_230 = vector.broadcast %sub3A_229 : f32 to vector<32x256xf32>
    %sub3A_231 = arith.subf %sub3A_230, %logistic3A_226 : vector<32x256xf32>
    %mul3A_232 = arith.mulf %sub3A_231, %tanh3A : vector<32x256xf32>
    %mul3A_233 = arith.mulf %logistic3A_226, %get3A_4 : vector<32x256xf32>
    %add3A_234 = arith.addf %mul3A_232, %mul3A_233 : vector<32x256xf32>
    %mul3A_235 = arith.mulf %add3A_234, %add3A_234 : vector<32x256xf32>
    %reduce_sum3A_236 = arith.constant dense<0.000000e+00> : vector<32xf32>
    %reduce_sum3A_237 = vector.multi_reduction <add>, %mul3A_235, %reduce_sum3A_236 [1] : vector<32x256xf32> to vector<32xf32>
    %broadcast_in_dim3A_238 = vector.shape_cast %reduce_sum3A_237 : vector<32xf32> to vector<32x1xf32>
    %sqrt3A_239 = math.sqrt %broadcast_in_dim3A_238 : vector<32x1xf32>
    %max3A_240 = arith.constant 9.99999996E-13 : f32
    %max3A_241 = vector.broadcast %max3A_240 : f32 to vector<32x1xf32>
    %max3A_242 = arith.maximumf %sqrt3A_239, %max3A_241 : vector<32x1xf32>
    %div3A_243 = vector.broadcast %max3A_242 : vector<32x1xf32> to vector<32x256xf32>
    %div3A_244 = arith.divf %add3A_234, %div3A_243 : vector<32x256xf32>
    %get3A_245 = arith.constant 1 : index
    %get3A_246 = arith.constant 0 : index
    %get3A_247 = vector.load %arg14[%get3A_245, %get3A_246] : memref<2x256xf32, #tpu.memory_space<vmem>>, vector<1x256xf32>
    %add3A_248 = vector.broadcast %get3A_247 : vector<1x256xf32> to vector<32x256xf32>
    %add3A_249 = arith.addf %div3A_244, %add3A_248 : vector<32x256xf32>
    %mul3A_250 = arith.mulf %add3A_249, %add3A_249 : vector<32x256xf32>
    %reduce_sum3A_251 = arith.constant dense<0.000000e+00> : vector<32xf32>
    %reduce_sum3A_252 = vector.multi_reduction <add>, %mul3A_250, %reduce_sum3A_251 [1] : vector<32x256xf32> to vector<32xf32>
    %broadcast_in_dim3A_253 = vector.shape_cast %reduce_sum3A_252 : vector<32xf32> to vector<32x1xf32>
    %sqrt3A_254 = math.sqrt %broadcast_in_dim3A_253 : vector<32x1xf32>
    %max3A_255 = arith.constant 9.99999996E-13 : f32
    %max3A_256 = vector.broadcast %max3A_255 : f32 to vector<32x1xf32>
    %max3A_257 = arith.maximumf %sqrt3A_254, %max3A_256 : vector<32x1xf32>
    %div3A_258 = vector.broadcast %max3A_257 : vector<32x1xf32> to vector<32x256xf32>
    %div3A_259 = arith.divf %add3A_249, %div3A_258 : vector<32x256xf32>
    %swap3A_260 = arith.constant 0 : index
    %swap3A_261 = arith.constant 0 : index
    %swap3A_262 = vector.load %arg18[%swap3A_260, %swap3A_261] : memref<32x256xf32, #tpu.memory_space<vmem>>, vector<32x256xf32>
    tpu.vector_store %arg18[%swap3A_260, %swap3A_261], %div3A_244 {strides = array<i32>} : memref<32x256xf32, #tpu.memory_space<vmem>>, vector<32x256xf32>,
    %swap3A_263 = arith.constant 0 : index
    %swap3A_264 = arith.constant 0 : index
    %swap3A_265 = vector.load %arg19[%swap3A_263, %swap3A_264] : memref<32x256xf32, #tpu.memory_space<vmem>>, vector<32x256xf32>
    tpu.vector_store %arg19[%swap3A_263, %swap3A_264], %div3A_259 {strides = array<i32>} : memref<32x256xf32, #tpu.memory_space<vmem>>, vector<32x256xf32>,
    %iota3A = tpu.iota {dimensions = array<i32: 1>} : vector<32x8192xi32>
    %broadcast_in_dim3A_266 = arith.constant -1.000000e+04 : f32
    %broadcast_in_dim3A_267 = vector.broadcast %broadcast_in_dim3A_266 : f32 to vector<32x8192xf32>
    %slice3A_268 = vector.extract_strided_slice %get3A_164 {offsets = [0, 0], sizes = [32, 1], strides = [1, 1]} : vector<32x64xi32> to vector<32x1xi32>
    %eq3A_269 = vector.broadcast %slice3A_268 : vector<32x1xi32> to vector<32x8192xi32>
    %eq3A_270 = arith.cmpi eq, %iota3A, %eq3A_269 : vector<32x8192xi32>
    %slice3A_271 = vector.extract_strided_slice %div3A_161 {offsets = [0, 0], sizes = [32, 1], strides = [1, 1]} : vector<32x64xf32> to vector<32x1xf32>
    %broadcast_in_dim3A_272 = vector.shape_cast %slice3A_271 : vector<32x1xf32> to vector<32x1xf32>
    %broadcast_in_dim3A_273 = vector.broadcast %broadcast_in_dim3A_272 : vector<32x1xf32> to vector<32x8192xf32>
    %select_n3A_274 = arith.select %eq3A_270, %broadcast_in_dim3A_273, %broadcast_in_dim3A_267 : vector<32x8192xi1>, vector<32x8192xf32>
    %slice3A_275 = vector.extract_strided_slice %get3A_164 {offsets = [0, 1], sizes = [32, 1], strides = [1, 1]} : vector<32x64xi32> to vector<32x1xi32>
    %eq3A_276 = vector.broadcast %slice3A_275 : vector<32x1xi32> to vector<32x8192xi32>
    %eq3A_277 = arith.cmpi eq, %iota3A, %eq3A_276 : vector<32x8192xi32>
    %slice3A_278 = vector.extract_strided_slice %div3A_161 {offsets = [0, 1], sizes = [32, 1], strides = [1, 1]} : vector<32x64xf32> to vector<32x1xf32>
    %broadcast_in_dim3A_279 = vector.shape_cast %slice3A_278 : vector<32x1xf32> to vector<32x1xf32>
    %broadcast_in_dim3A_280 = vector.broadcast %broadcast_in_dim3A_279 : vector<32x1xf32> to vector<32x8192xf32>
    %select_n3A_281 = arith.select %eq3A_277, %broadcast_in_dim3A_280, %select_n3A_274 : vector<32x8192xi1>, vector<32x8192xf32>
    %slice3A_282 = vector.extract_strided_slice %get3A_164 {offsets = [0, 2], sizes = [32, 1], strides = [1, 1]} : vector<32x64xi32> to vector<32x1xi32>
    %eq3A_283 = vector.broadcast %slice3A_282 : vector<32x1xi32> to vector<32x8192xi32>
    %eq3A_284 = arith.cmpi eq, %iota3A, %eq3A_283 : vector<32x8192xi32>
    %slice3A_285 = vector.extract_strided_slice %div3A_161 {offsets = [0, 2], sizes = [32, 1], strides = [1, 1]} : vector<32x64xf32> to vector<32x1xf32>
    %broadcast_in_dim3A_286 = vector.shape_cast %slice3A_285 : vector<32x1xf32> to vector<32x1xf32>
    %broadcast_in_dim3A_287 = vector.broadcast %broadcast_in_dim3A_286 : vector<32x1xf32> to vector<32x8192xf32>
    %select_n3A_288 = arith.select %eq3A_284, %broadcast_in_dim3A_287, %select_n3A_281 : vector<32x8192xi1>, vector<32x8192xf32>
    %slice3A_289 = vector.extract_strided_slice %get3A_164 {offsets = [0, 3], sizes = [32, 1], strides = [1, 1]} : vector<32x64xi32> to vector<32x1xi32>
    %eq3A_290 = vector.broadcast %slice3A_289 : vector<32x1xi32> to vector<32x8192xi32>
    %eq3A_291 = arith.cmpi eq, %iota3A, %eq3A_290 : vector<32x8192xi32>
    %slice3A_292 = vector.extract_strided_slice %div3A_161 {offsets = [0, 3], sizes = [32, 1], strides = [1, 1]} : vector<32x64xf32> to vector<32x1xf32>
    %broadcast_in_dim3A_293 = vector.shape_cast %slice3A_292 : vector<32x1xf32> to vector<32x1xf32>
    %broadcast_in_dim3A_294 = vector.broadcast %broadcast_in_dim3A_293 : vector<32x1xf32> to vector<32x8192xf32>
    %select_n3A_295 = arith.select %eq3A_291, %broadcast_in_dim3A_294, %select_n3A_288 : vector<32x8192xi1>, vector<32x8192xf32>
    %slice3A_296 = vector.extract_strided_slice %get3A_164 {offsets = [0, 4], sizes = [32, 1], strides = [1, 1]} : vector<32x64xi32> to vector<32x1xi32>
    %eq3A_297 = vector.broadcast %slice3A_296 : vector<32x1xi32> to vector<32x8192xi32>
    %eq3A_298 = arith.cmpi eq, %iota3A, %eq3A_297 : vector<32x8192xi32>
    %slice3A_299 = vector.extract_strided_slice %div3A_161 {offsets = [0, 4], sizes = [32, 1], strides = [1, 1]} : vector<32x64xf32> to vector<32x1xf32>
    %broadcast_in_dim3A_300 = vector.shape_cast %slice3A_299 : vector<32x1xf32> to vector<32x1xf32>
    %broadcast_in_dim3A_301 = vector.broadcast %broadcast_in_dim3A_300 : vector<32x1xf32> to vector<32x8192xf32>
    %select_n3A_302 = arith.select %eq3A_298, %broadcast_in_dim3A_301, %select_n3A_295 : vector<32x8192xi1>, vector<32x8192xf32>
    %slice3A_303 = vector.extract_strided_slice %get3A_164 {offsets = [0, 5], sizes = [32, 1], strides = [1, 1]} : vector<32x64xi32> to vector<32x1xi32>
    %eq3A_304 = vector.broadcast %slice3A_303 : vector<32x1xi32> to vector<32x8192xi32>
    %eq3A_305 = arith.cmpi eq, %iota3A, %eq3A_304 : vector<32x8192xi32>
    %slice3A_306 = vector.extract_strided_slice %div3A_161 {offsets = [0, 5], sizes = [32, 1], strides = [1, 1]} : vector<32x64xf32> to vector<32x1xf32>
    %broadcast_in_dim3A_307 = vector.shape_cast %slice3A_306 : vector<32x1xf32> to vector<32x1xf32>
    %broadcast_in_dim3A_308 = vector.broadcast %broadcast_in_dim3A_307 : vector<32x1xf32> to vector<32x8192xf32>
    %select_n3A_309 = arith.select %eq3A_305, %broadcast_in_dim3A_308, %select_n3A_302 : vector<32x8192xi1>, vector<32x8192xf32>
    %slice3A_310 = vector.extract_strided_slice %get3A_164 {offsets = [0, 6], sizes = [32, 1], strides = [1, 1]} : vector<32x64xi32> to vector<32x1xi32>
    %eq3A_311 = vector.broadcast %slice3A_310 : vector<32x1xi32> to vector<32x8192xi32>
    %eq3A_312 = arith.cmpi eq, %iota3A, %eq3A_311 : vector<32x8192xi32>
    %slice3A_313 = vector.extract_strided_slice %div3A_161 {offsets = [0, 6], sizes = [32, 1], strides = [1, 1]} : vector<32x64xf32> to vector<32x1xf32>
    %broadcast_in_dim3A_314 = vector.shape_cast %slice3A_313 : vector<32x1xf32> to vector<32x1xf32>
    %broadcast_in_dim3A_315 = vector.broadcast %broadcast_in_dim3A_314 : vector<32x1xf32> to vector<32x8192xf32>
    %select_n3A_316 = arith.select %eq3A_312, %broadcast_in_dim3A_315, %select_n3A_309 : vector<32x8192xi1>, vector<32x8192xf32>
    %slice3A_317 = vector.extract_strided_slice %get3A_164 {offsets = [0, 7], sizes = [32, 1], strides = [1, 1]} : vector<32x64xi32> to vector<32x1xi32>
    %eq3A_318 = vector.broadcast %slice3A_317 : vector<32x1xi32> to vector<32x8192xi32>
    %eq3A_319 = arith.cmpi eq, %iota3A, %eq3A_318 : vector<32x8192xi32>
    %slice3A_320 = vector.extract_strided_slice %div3A_161 {offsets = [0, 7], sizes = [32, 1], strides = [1, 1]} : vector<32x64xf32> to vector<32x1xf32>
    %broadcast_in_dim3A_321 = vector.shape_cast %slice3A_320 : vector<32x1xf32> to vector<32x1xf32>
    %broadcast_in_dim3A_322 = vector.broadcast %broadcast_in_dim3A_321 : vector<32x1xf32> to vector<32x8192xf32>
    %select_n3A_323 = arith.select %eq3A_319, %broadcast_in_dim3A_322, %select_n3A_316 : vector<32x8192xi1>, vector<32x8192xf32>
    %slice3A_324 = vector.extract_strided_slice %get3A_164 {offsets = [0, 8], sizes = [32, 1], strides = [1, 1]} : vector<32x64xi32> to vector<32x1xi32>
    %eq3A_325 = vector.broadcast %slice3A_324 : vector<32x1xi32> to vector<32x8192xi32>
    %eq3A_326 = arith.cmpi eq, %iota3A, %eq3A_325 : vector<32x8192xi32>
    %slice3A_327 = vector.extract_strided_slice %div3A_161 {offsets = [0, 8], sizes = [32, 1], strides = [1, 1]} : vector<32x64xf32> to vector<32x1xf32>
    %broadcast_in_dim3A_328 = vector.shape_cast %slice3A_327 : vector<32x1xf32> to vector<32x1xf32>
    %broadcast_in_dim3A_329 = vector.broadcast %broadcast_in_dim3A_328 : vector<32x1xf32> to vector<32x8192xf32>
    %select_n3A_330 = arith.select %eq3A_326, %broadcast_in_dim3A_329, %select_n3A_323 : vector<32x8192xi1>, vector<32x8192xf32>
    %slice3A_331 = vector.extract_strided_slice %get3A_164 {offsets = [0, 9], sizes = [32, 1], strides = [1, 1]} : vector<32x64xi32> to vector<32x1xi32>
    %eq3A_332 = vector.broadcast %slice3A_331 : vector<32x1xi32> to vector<32x8192xi32>
    %eq3A_333 = arith.cmpi eq, %iota3A, %eq3A_332 : vector<32x8192xi32>
    %slice3A_334 = vector.extract_strided_slice %div3A_161 {offsets = [0, 9], sizes = [32, 1], strides = [1, 1]} : vector<32x64xf32> to vector<32x1xf32>
    %broadcast_in_dim3A_335 = vector.shape_cast %slice3A_334 : vector<32x1xf32> to vector<32x1xf32>
    %broadcast_in_dim3A_336 = vector.broadcast %broadcast_in_dim3A_335 : vector<32x1xf32> to vector<32x8192xf32>
    %select_n3A_337 = arith.select %eq3A_333, %broadcast_in_dim3A_336, %select_n3A_330 : vector<32x8192xi1>, vector<32x8192xf32>
    %slice3A_338 = vector.extract_strided_slice %get3A_164 {offsets = [0, 10], sizes = [32, 1], strides = [1, 1]} : vector<32x64xi32> to vector<32x1xi32>
    %eq3A_339 = vector.broadcast %slice3A_338 : vector<32x1xi32> to vector<32x8192xi32>
    %eq3A_340 = arith.cmpi eq, %iota3A, %eq3A_339 : vector<32x8192xi32>
    %slice3A_341 = vector.extract_strided_slice %div3A_161 {offsets = [0, 10], sizes = [32, 1], strides = [1, 1]} : vector<32x64xf32> to vector<32x1xf32>
    %broadcast_in_dim3A_342 = vector.shape_cast %slice3A_341 : vector<32x1xf32> to vector<32x1xf32>
    %broadcast_in_dim3A_343 = vector.broadcast %broadcast_in_dim3A_342 : vector<32x1xf32> to vector<32x8192xf32>
    %select_n3A_344 = arith.select %eq3A_340, %broadcast_in_dim3A_343, %select_n3A_337 : vector<32x8192xi1>, vector<32x8192xf32>
    %slice3A_345 = vector.extract_strided_slice %get3A_164 {offsets = [0, 11], sizes = [32, 1], strides = [1, 1]} : vector<32x64xi32> to vector<32x1xi32>
    %eq3A_346 = vector.broadcast %slice3A_345 : vector<32x1xi32> to vector<32x8192xi32>
    %eq3A_347 = arith.cmpi eq, %iota3A, %eq3A_346 : vector<32x8192xi32>
    %slice3A_348 = vector.extract_strided_slice %div3A_161 {offsets = [0, 11], sizes = [32, 1], strides = [1, 1]} : vector<32x64xf32> to vector<32x1xf32>
    %broadcast_in_dim3A_349 = vector.shape_cast %slice3A_348 : vector<32x1xf32> to vector<32x1xf32>
    %broadcast_in_dim3A_350 = vector.broadcast %broadcast_in_dim3A_349 : vector<32x1xf32> to vector<32x8192xf32>
    %select_n3A_351 = arith.select %eq3A_347, %broadcast_in_dim3A_350, %select_n3A_344 : vector<32x8192xi1>, vector<32x8192xf32>
    %slice3A_352 = vector.extract_strided_slice %get3A_164 {offsets = [0, 12], sizes = [32, 1], strides = [1, 1]} : vector<32x64xi32> to vector<32x1xi32>
    %eq3A_353 = vector.broadcast %slice3A_352 : vector<32x1xi32> to vector<32x8192xi32>
    %eq3A_354 = arith.cmpi eq, %iota3A, %eq3A_353 : vector<32x8192xi32>
    %slice3A_355 = vector.extract_strided_slice %div3A_161 {offsets = [0, 12], sizes = [32, 1], strides = [1, 1]} : vector<32x64xf32> to vector<32x1xf32>
    %broadcast_in_dim3A_356 = vector.shape_cast %slice3A_355 : vector<32x1xf32> to vector<32x1xf32>
    %broadcast_in_dim3A_357 = vector.broadcast %broadcast_in_dim3A_356 : vector<32x1xf32> to vector<32x8192xf32>
    %select_n3A_358 = arith.select %eq3A_354, %broadcast_in_dim3A_357, %select_n3A_351 : vector<32x8192xi1>, vector<32x8192xf32>
    %slice3A_359 = vector.extract_strided_slice %get3A_164 {offsets = [0, 13], sizes = [32, 1], strides = [1, 1]} : vector<32x64xi32> to vector<32x1xi32>
    %eq3A_360 = vector.broadcast %slice3A_359 : vector<32x1xi32> to vector<32x8192xi32>
    %eq3A_361 = arith.cmpi eq, %iota3A, %eq3A_360 : vector<32x8192xi32>
    %slice3A_362 = vector.extract_strided_slice %div3A_161 {offsets = [0, 13], sizes = [32, 1], strides = [1, 1]} : vector<32x64xf32> to vector<32x1xf32>
    %broadcast_in_dim3A_363 = vector.shape_cast %slice3A_362 : vector<32x1xf32> to vector<32x1xf32>
    %broadcast_in_dim3A_364 = vector.broadcast %broadcast_in_dim3A_363 : vector<32x1xf32> to vector<32x8192xf32>
    %select_n3A_365 = arith.select %eq3A_361, %broadcast_in_dim3A_364, %select_n3A_358 : vector<32x8192xi1>, vector<32x8192xf32>
    %slice3A_366 = vector.extract_strided_slice %get3A_164 {offsets = [0, 14], sizes = [32, 1], strides = [1, 1]} : vector<32x64xi32> to vector<32x1xi32>
    %eq3A_367 = vector.broadcast %slice3A_366 : vector<32x1xi32> to vector<32x8192xi32>
    %eq3A_368 = arith.cmpi eq, %iota3A, %eq3A_367 : vector<32x8192xi32>
    %slice3A_369 = vector.extract_strided_slice %div3A_161 {offsets = [0, 14], sizes = [32, 1], strides = [1, 1]} : vector<32x64xf32> to vector<32x1xf32>
    %broadcast_in_dim3A_370 = vector.shape_cast %slice3A_369 : vector<32x1xf32> to vector<32x1xf32>
    %broadcast_in_dim3A_371 = vector.broadcast %broadcast_in_dim3A_370 : vector<32x1xf32> to vector<32x8192xf32>
    %select_n3A_372 = arith.select %eq3A_368, %broadcast_in_dim3A_371, %select_n3A_365 : vector<32x8192xi1>, vector<32x8192xf32>
    %slice3A_373 = vector.extract_strided_slice %get3A_164 {offsets = [0, 15], sizes = [32, 1], strides = [1, 1]} : vector<32x64xi32> to vector<32x1xi32>
    %eq3A_374 = vector.broadcast %slice3A_373 : vector<32x1xi32> to vector<32x8192xi32>
    %eq3A_375 = arith.cmpi eq, %iota3A, %eq3A_374 : vector<32x8192xi32>
    %slice3A_376 = vector.extract_strided_slice %div3A_161 {offsets = [0, 15], sizes = [32, 1], strides = [1, 1]} : vector<32x64xf32> to vector<32x1xf32>
    %broadcast_in_dim3A_377 = vector.shape_cast %slice3A_376 : vector<32x1xf32> to vector<32x1xf32>
    %broadcast_in_dim3A_378 = vector.broadcast %broadcast_in_dim3A_377 : vector<32x1xf32> to vector<32x8192xf32>
    %select_n3A_379 = arith.select %eq3A_375, %broadcast_in_dim3A_378, %select_n3A_372 : vector<32x8192xi1>, vector<32x8192xf32>
    %slice3A_380 = vector.extract_strided_slice %get3A_164 {offsets = [0, 16], sizes = [32, 1], strides = [1, 1]} : vector<32x64xi32> to vector<32x1xi32>
    %eq3A_381 = vector.broadcast %slice3A_380 : vector<32x1xi32> to vector<32x8192xi32>
    %eq3A_382 = arith.cmpi eq, %iota3A, %eq3A_381 : vector<32x8192xi32>
    %slice3A_383 = vector.extract_strided_slice %div3A_161 {offsets = [0, 16], sizes = [32, 1], strides = [1, 1]} : vector<32x64xf32> to vector<32x1xf32>
    %broadcast_in_dim3A_384 = vector.shape_cast %slice3A_383 : vector<32x1xf32> to vector<32x1xf32>
    %broadcast_in_dim3A_385 = vector.broadcast %broadcast_in_dim3A_384 : vector<32x1xf32> to vector<32x8192xf32>
    %select_n3A_386 = arith.select %eq3A_382, %broadcast_in_dim3A_385, %select_n3A_379 : vector<32x8192xi1>, vector<32x8192xf32>
    %slice3A_387 = vector.extract_strided_slice %get3A_164 {offsets = [0, 17], sizes = [32, 1], strides = [1, 1]} : vector<32x64xi32> to vector<32x1xi32>
    %eq3A_388 = vector.broadcast %slice3A_387 : vector<32x1xi32> to vector<32x8192xi32>
    %eq3A_389 = arith.cmpi eq, %iota3A, %eq3A_388 : vector<32x8192xi32>
    %slice3A_390 = vector.extract_strided_slice %div3A_161 {offsets = [0, 17], sizes = [32, 1], strides = [1, 1]} : vector<32x64xf32> to vector<32x1xf32>
    %broadcast_in_dim3A_391 = vector.shape_cast %slice3A_390 : vector<32x1xf32> to vector<32x1xf32>
    %broadcast_in_dim3A_392 = vector.broadcast %broadcast_in_dim3A_391 : vector<32x1xf32> to vector<32x8192xf32>
    %select_n3A_393 = arith.select %eq3A_389, %broadcast_in_dim3A_392, %select_n3A_386 : vector<32x8192xi1>, vector<32x8192xf32>
    %slice3A_394 = vector.extract_strided_slice %get3A_164 {offsets = [0, 18], sizes = [32, 1], strides = [1, 1]} : vector<32x64xi32> to vector<32x1xi32>
    %eq3A_395 = vector.broadcast %slice3A_394 : vector<32x1xi32> to vector<32x8192xi32>
    %eq3A_396 = arith.cmpi eq, %iota3A, %eq3A_395 : vector<32x8192xi32>
    %slice3A_397 = vector.extract_strided_slice %div3A_161 {offsets = [0, 18], sizes = [32, 1], strides = [1, 1]} : vector<32x64xf32> to vector<32x1xf32>
    %broadcast_in_dim3A_398 = vector.shape_cast %slice3A_397 : vector<32x1xf32> to vector<32x1xf32>
    %broadcast_in_dim3A_399 = vector.broadcast %broadcast_in_dim3A_398 : vector<32x1xf32> to vector<32x8192xf32>
    %select_n3A_400 = arith.select %eq3A_396, %broadcast_in_dim3A_399, %select_n3A_393 : vector<32x8192xi1>, vector<32x8192xf32>
    %slice3A_401 = vector.extract_strided_slice %get3A_164 {offsets = [0, 19], sizes = [32, 1], strides = [1, 1]} : vector<32x64xi32> to vector<32x1xi32>
    %eq3A_402 = vector.broadcast %slice3A_401 : vector<32x1xi32> to vector<32x8192xi32>
    %eq3A_403 = arith.cmpi eq, %iota3A, %eq3A_402 : vector<32x8192xi32>
    %slice3A_404 = vector.extract_strided_slice %div3A_161 {offsets = [0, 19], sizes = [32, 1], strides = [1, 1]} : vector<32x64xf32> to vector<32x1xf32>
    %broadcast_in_dim3A_405 = vector.shape_cast %slice3A_404 : vector<32x1xf32> to vector<32x1xf32>
    %broadcast_in_dim3A_406 = vector.broadcast %broadcast_in_dim3A_405 : vector<32x1xf32> to vector<32x8192xf32>
    %select_n3A_407 = arith.select %eq3A_403, %broadcast_in_dim3A_406, %select_n3A_400 : vector<32x8192xi1>, vector<32x8192xf32>
    %slice3A_408 = vector.extract_strided_slice %get3A_164 {offsets = [0, 20], sizes = [32, 1], strides = [1, 1]} : vector<32x64xi32> to vector<32x1xi32>
    %eq3A_409 = vector.broadcast %slice3A_408 : vector<32x1xi32> to vector<32x8192xi32>
    %eq3A_410 = arith.cmpi eq, %iota3A, %eq3A_409 : vector<32x8192xi32>
    %slice3A_411 = vector.extract_strided_slice %div3A_161 {offsets = [0, 20], sizes = [32, 1], strides = [1, 1]} : vector<32x64xf32> to vector<32x1xf32>
    %broadcast_in_dim3A_412 = vector.shape_cast %slice3A_411 : vector<32x1xf32> to vector<32x1xf32>
    %broadcast_in_dim3A_413 = vector.broadcast %broadcast_in_dim3A_412 : vector<32x1xf32> to vector<32x8192xf32>
    %select_n3A_414 = arith.select %eq3A_410, %broadcast_in_dim3A_413, %select_n3A_407 : vector<32x8192xi1>, vector<32x8192xf32>
    %slice3A_415 = vector.extract_strided_slice %get3A_164 {offsets = [0, 21], sizes = [32, 1], strides = [1, 1]} : vector<32x64xi32> to vector<32x1xi32>
    %eq3A_416 = vector.broadcast %slice3A_415 : vector<32x1xi32> to vector<32x8192xi32>
    %eq3A_417 = arith.cmpi eq, %iota3A, %eq3A_416 : vector<32x8192xi32>
    %slice3A_418 = vector.extract_strided_slice %div3A_161 {offsets = [0, 21], sizes = [32, 1], strides = [1, 1]} : vector<32x64xf32> to vector<32x1xf32>
    %broadcast_in_dim3A_419 = vector.shape_cast %slice3A_418 : vector<32x1xf32> to vector<32x1xf32>
    %broadcast_in_dim3A_420 = vector.broadcast %broadcast_in_dim3A_419 : vector<32x1xf32> to vector<32x8192xf32>
    %select_n3A_421 = arith.select %eq3A_417, %broadcast_in_dim3A_420, %select_n3A_414 : vector<32x8192xi1>, vector<32x8192xf32>
    %slice3A_422 = vector.extract_strided_slice %get3A_164 {offsets = [0, 22], sizes = [32, 1], strides = [1, 1]} : vector<32x64xi32> to vector<32x1xi32>
    %eq3A_423 = vector.broadcast %slice3A_422 : vector<32x1xi32> to vector<32x8192xi32>
    %eq3A_424 = arith.cmpi eq, %iota3A, %eq3A_423 : vector<32x8192xi32>
    %slice3A_425 = vector.extract_strided_slice %div3A_161 {offsets = [0, 22], sizes = [32, 1], strides = [1, 1]} : vector<32x64xf32> to vector<32x1xf32>
    %broadcast_in_dim3A_426 = vector.shape_cast %slice3A_425 : vector<32x1xf32> to vector<32x1xf32>
    %broadcast_in_dim3A_427 = vector.broadcast %broadcast_in_dim3A_426 : vector<32x1xf32> to vector<32x8192xf32>
    %select_n3A_428 = arith.select %eq3A_424, %broadcast_in_dim3A_427, %select_n3A_421 : vector<32x8192xi1>, vector<32x8192xf32>
    %slice3A_429 = vector.extract_strided_slice %get3A_164 {offsets = [0, 23], sizes = [32, 1], strides = [1, 1]} : vector<32x64xi32> to vector<32x1xi32>
    %eq3A_430 = vector.broadcast %slice3A_429 : vector<32x1xi32> to vector<32x8192xi32>
    %eq3A_431 = arith.cmpi eq, %iota3A, %eq3A_430 : vector<32x8192xi32>
    %slice3A_432 = vector.extract_strided_slice %div3A_161 {offsets = [0, 23], sizes = [32, 1], strides = [1, 1]} : vector<32x64xf32> to vector<32x1xf32>
    %broadcast_in_dim3A_433 = vector.shape_cast %slice3A_432 : vector<32x1xf32> to vector<32x1xf32>
    %broadcast_in_dim3A_434 = vector.broadcast %broadcast_in_dim3A_433 : vector<32x1xf32> to vector<32x8192xf32>
    %select_n3A_435 = arith.select %eq3A_431, %broadcast_in_dim3A_434, %select_n3A_428 : vector<32x8192xi1>, vector<32x8192xf32>
    %slice3A_436 = vector.extract_strided_slice %get3A_164 {offsets = [0, 24], sizes = [32, 1], strides = [1, 1]} : vector<32x64xi32> to vector<32x1xi32>
    %eq3A_437 = vector.broadcast %slice3A_436 : vector<32x1xi32> to vector<32x8192xi32>
    %eq3A_438 = arith.cmpi eq, %iota3A, %eq3A_437 : vector<32x8192xi32>
    %slice3A_439 = vector.extract_strided_slice %div3A_161 {offsets = [0, 24], sizes = [32, 1], strides = [1, 1]} : vector<32x64xf32> to vector<32x1xf32>
    %broadcast_in_dim3A_440 = vector.shape_cast %slice3A_439 : vector<32x1xf32> to vector<32x1xf32>
    %broadcast_in_dim3A_441 = vector.broadcast %broadcast_in_dim3A_440 : vector<32x1xf32> to vector<32x8192xf32>
    %select_n3A_442 = arith.select %eq3A_438, %broadcast_in_dim3A_441, %select_n3A_435 : vector<32x8192xi1>, vector<32x8192xf32>
    %slice3A_443 = vector.extract_strided_slice %get3A_164 {offsets = [0, 25], sizes = [32, 1], strides = [1, 1]} : vector<32x64xi32> to vector<32x1xi32>
    %eq3A_444 = vector.broadcast %slice3A_443 : vector<32x1xi32> to vector<32x8192xi32>
    %eq3A_445 = arith.cmpi eq, %iota3A, %eq3A_444 : vector<32x8192xi32>
    %slice3A_446 = vector.extract_strided_slice %div3A_161 {offsets = [0, 25], sizes = [32, 1], strides = [1, 1]} : vector<32x64xf32> to vector<32x1xf32>
    %broadcast_in_dim3A_447 = vector.shape_cast %slice3A_446 : vector<32x1xf32> to vector<32x1xf32>
    %broadcast_in_dim3A_448 = vector.broadcast %broadcast_in_dim3A_447 : vector<32x1xf32> to vector<32x8192xf32>
    %select_n3A_449 = arith.select %eq3A_445, %broadcast_in_dim3A_448, %select_n3A_442 : vector<32x8192xi1>, vector<32x8192xf32>
    %slice3A_450 = vector.extract_strided_slice %get3A_164 {offsets = [0, 26], sizes = [32, 1], strides = [1, 1]} : vector<32x64xi32> to vector<32x1xi32>
    %eq3A_451 = vector.broadcast %slice3A_450 : vector<32x1xi32> to vector<32x8192xi32>
    %eq3A_452 = arith.cmpi eq, %iota3A, %eq3A_451 : vector<32x8192xi32>
    %slice3A_453 = vector.extract_strided_slice %div3A_161 {offsets = [0, 26], sizes = [32, 1], strides = [1, 1]} : vector<32x64xf32> to vector<32x1xf32>
    %broadcast_in_dim3A_454 = vector.shape_cast %slice3A_453 : vector<32x1xf32> to vector<32x1xf32>
    %broadcast_in_dim3A_455 = vector.broadcast %broadcast_in_dim3A_454 : vector<32x1xf32> to vector<32x8192xf32>
    %select_n3A_456 = arith.select %eq3A_452, %broadcast_in_dim3A_455, %select_n3A_449 : vector<32x8192xi1>, vector<32x8192xf32>
    %slice3A_457 = vector.extract_strided_slice %get3A_164 {offsets = [0, 27], sizes = [32, 1], strides = [1, 1]} : vector<32x64xi32> to vector<32x1xi32>
    %eq3A_458 = vector.broadcast %slice3A_457 : vector<32x1xi32> to vector<32x8192xi32>
    %eq3A_459 = arith.cmpi eq, %iota3A, %eq3A_458 : vector<32x8192xi32>
    %slice3A_460 = vector.extract_strided_slice %div3A_161 {offsets = [0, 27], sizes = [32, 1], strides = [1, 1]} : vector<32x64xf32> to vector<32x1xf32>
    %broadcast_in_dim3A_461 = vector.shape_cast %slice3A_460 : vector<32x1xf32> to vector<32x1xf32>
    %broadcast_in_dim3A_462 = vector.broadcast %broadcast_in_dim3A_461 : vector<32x1xf32> to vector<32x8192xf32>
    %select_n3A_463 = arith.select %eq3A_459, %broadcast_in_dim3A_462, %select_n3A_456 : vector<32x8192xi1>, vector<32x8192xf32>
    %slice3A_464 = vector.extract_strided_slice %get3A_164 {offsets = [0, 28], sizes = [32, 1], strides = [1, 1]} : vector<32x64xi32> to vector<32x1xi32>
    %eq3A_465 = vector.broadcast %slice3A_464 : vector<32x1xi32> to vector<32x8192xi32>
    %eq3A_466 = arith.cmpi eq, %iota3A, %eq3A_465 : vector<32x8192xi32>
    %slice3A_467 = vector.extract_strided_slice %div3A_161 {offsets = [0, 28], sizes = [32, 1], strides = [1, 1]} : vector<32x64xf32> to vector<32x1xf32>
    %broadcast_in_dim3A_468 = vector.shape_cast %slice3A_467 : vector<32x1xf32> to vector<32x1xf32>
    %broadcast_in_dim3A_469 = vector.broadcast %broadcast_in_dim3A_468 : vector<32x1xf32> to vector<32x8192xf32>
    %select_n3A_470 = arith.select %eq3A_466, %broadcast_in_dim3A_469, %select_n3A_463 : vector<32x8192xi1>, vector<32x8192xf32>
    %slice3A_471 = vector.extract_strided_slice %get3A_164 {offsets = [0, 29], sizes = [32, 1], strides = [1, 1]} : vector<32x64xi32> to vector<32x1xi32>
    %eq3A_472 = vector.broadcast %slice3A_471 : vector<32x1xi32> to vector<32x8192xi32>
    %eq3A_473 = arith.cmpi eq, %iota3A, %eq3A_472 : vector<32x8192xi32>
    %slice3A_474 = vector.extract_strided_slice %div3A_161 {offsets = [0, 29], sizes = [32, 1], strides = [1, 1]} : vector<32x64xf32> to vector<32x1xf32>
    %broadcast_in_dim3A_475 = vector.shape_cast %slice3A_474 : vector<32x1xf32> to vector<32x1xf32>
    %broadcast_in_dim3A_476 = vector.broadcast %broadcast_in_dim3A_475 : vector<32x1xf32> to vector<32x8192xf32>
    %select_n3A_477 = arith.select %eq3A_473, %broadcast_in_dim3A_476, %select_n3A_470 : vector<32x8192xi1>, vector<32x8192xf32>
    %slice3A_478 = vector.extract_strided_slice %get3A_164 {offsets = [0, 30], sizes = [32, 1], strides = [1, 1]} : vector<32x64xi32> to vector<32x1xi32>
    %eq3A_479 = vector.broadcast %slice3A_478 : vector<32x1xi32> to vector<32x8192xi32>
    %eq3A_480 = arith.cmpi eq, %iota3A, %eq3A_479 : vector<32x8192xi32>
    %slice3A_481 = vector.extract_strided_slice %div3A_161 {offsets = [0, 30], sizes = [32, 1], strides = [1, 1]} : vector<32x64xf32> to vector<32x1xf32>
    %broadcast_in_dim3A_482 = vector.shape_cast %slice3A_481 : vector<32x1xf32> to vector<32x1xf32>
    %broadcast_in_dim3A_483 = vector.broadcast %broadcast_in_dim3A_482 : vector<32x1xf32> to vector<32x8192xf32>
    %select_n3A_484 = arith.select %eq3A_480, %broadcast_in_dim3A_483, %select_n3A_477 : vector<32x8192xi1>, vector<32x8192xf32>
    %slice3A_485 = vector.extract_strided_slice %get3A_164 {offsets = [0, 31], sizes = [32, 1], strides = [1, 1]} : vector<32x64xi32> to vector<32x1xi32>
    %eq3A_486 = vector.broadcast %slice3A_485 : vector<32x1xi32> to vector<32x8192xi32>
    %eq3A_487 = arith.cmpi eq, %iota3A, %eq3A_486 : vector<32x8192xi32>
    %slice3A_488 = vector.extract_strided_slice %div3A_161 {offsets = [0, 31], sizes = [32, 1], strides = [1, 1]} : vector<32x64xf32> to vector<32x1xf32>
    %broadcast_in_dim3A_489 = vector.shape_cast %slice3A_488 : vector<32x1xf32> to vector<32x1xf32>
    %broadcast_in_dim3A_490 = vector.broadcast %broadcast_in_dim3A_489 : vector<32x1xf32> to vector<32x8192xf32>
    %select_n3A_491 = arith.select %eq3A_487, %broadcast_in_dim3A_490, %select_n3A_484 : vector<32x8192xi1>, vector<32x8192xf32>
    %slice3A_492 = vector.extract_strided_slice %get3A_164 {offsets = [0, 32], sizes = [32, 1], strides = [1, 1]} : vector<32x64xi32> to vector<32x1xi32>
    %eq3A_493 = vector.broadcast %slice3A_492 : vector<32x1xi32> to vector<32x8192xi32>
    %eq3A_494 = arith.cmpi eq, %iota3A, %eq3A_493 : vector<32x8192xi32>
    %slice3A_495 = vector.extract_strided_slice %div3A_161 {offsets = [0, 32], sizes = [32, 1], strides = [1, 1]} : vector<32x64xf32> to vector<32x1xf32>
    %broadcast_in_dim3A_496 = vector.shape_cast %slice3A_495 : vector<32x1xf32> to vector<32x1xf32>
    %broadcast_in_dim3A_497 = vector.broadcast %broadcast_in_dim3A_496 : vector<32x1xf32> to vector<32x8192xf32>
    %select_n3A_498 = arith.select %eq3A_494, %broadcast_in_dim3A_497, %select_n3A_491 : vector<32x8192xi1>, vector<32x8192xf32>
    %slice3A_499 = vector.extract_strided_slice %get3A_164 {offsets = [0, 33], sizes = [32, 1], strides = [1, 1]} : vector<32x64xi32> to vector<32x1xi32>
    %eq3A_500 = vector.broadcast %slice3A_499 : vector<32x1xi32> to vector<32x8192xi32>
    %eq3A_501 = arith.cmpi eq, %iota3A, %eq3A_500 : vector<32x8192xi32>
    %slice3A_502 = vector.extract_strided_slice %div3A_161 {offsets = [0, 33], sizes = [32, 1], strides = [1, 1]} : vector<32x64xf32> to vector<32x1xf32>
    %broadcast_in_dim3A_503 = vector.shape_cast %slice3A_502 : vector<32x1xf32> to vector<32x1xf32>
    %broadcast_in_dim3A_504 = vector.broadcast %broadcast_in_dim3A_503 : vector<32x1xf32> to vector<32x8192xf32>
    %select_n3A_505 = arith.select %eq3A_501, %broadcast_in_dim3A_504, %select_n3A_498 : vector<32x8192xi1>, vector<32x8192xf32>
    %slice3A_506 = vector.extract_strided_slice %get3A_164 {offsets = [0, 34], sizes = [32, 1], strides = [1, 1]} : vector<32x64xi32> to vector<32x1xi32>
    %eq3A_507 = vector.broadcast %slice3A_506 : vector<32x1xi32> to vector<32x8192xi32>
    %eq3A_508 = arith.cmpi eq, %iota3A, %eq3A_507 : vector<32x8192xi32>
    %slice3A_509 = vector.extract_strided_slice %div3A_161 {offsets = [0, 34], sizes = [32, 1], strides = [1, 1]} : vector<32x64xf32> to vector<32x1xf32>
    %broadcast_in_dim3A_510 = vector.shape_cast %slice3A_509 : vector<32x1xf32> to vector<32x1xf32>
    %broadcast_in_dim3A_511 = vector.broadcast %broadcast_in_dim3A_510 : vector<32x1xf32> to vector<32x8192xf32>
    %select_n3A_512 = arith.select %eq3A_508, %broadcast_in_dim3A_511, %select_n3A_505 : vector<32x8192xi1>, vector<32x8192xf32>
    %slice3A_513 = vector.extract_strided_slice %get3A_164 {offsets = [0, 35], sizes = [32, 1], strides = [1, 1]} : vector<32x64xi32> to vector<32x1xi32>
    %eq3A_514 = vector.broadcast %slice3A_513 : vector<32x1xi32> to vector<32x8192xi32>
    %eq3A_515 = arith.cmpi eq, %iota3A, %eq3A_514 : vector<32x8192xi32>
    %slice3A_516 = vector.extract_strided_slice %div3A_161 {offsets = [0, 35], sizes = [32, 1], strides = [1, 1]} : vector<32x64xf32> to vector<32x1xf32>
    %broadcast_in_dim3A_517 = vector.shape_cast %slice3A_516 : vector<32x1xf32> to vector<32x1xf32>
    %broadcast_in_dim3A_518 = vector.broadcast %broadcast_in_dim3A_517 : vector<32x1xf32> to vector<32x8192xf32>
    %select_n3A_519 = arith.select %eq3A_515, %broadcast_in_dim3A_518, %select_n3A_512 : vector<32x8192xi1>, vector<32x8192xf32>
    %slice3A_520 = vector.extract_strided_slice %get3A_164 {offsets = [0, 36], sizes = [32, 1], strides = [1, 1]} : vector<32x64xi32> to vector<32x1xi32>
    %eq3A_521 = vector.broadcast %slice3A_520 : vector<32x1xi32> to vector<32x8192xi32>
    %eq3A_522 = arith.cmpi eq, %iota3A, %eq3A_521 : vector<32x8192xi32>
    %slice3A_523 = vector.extract_strided_slice %div3A_161 {offsets = [0, 36], sizes = [32, 1], strides = [1, 1]} : vector<32x64xf32> to vector<32x1xf32>
    %broadcast_in_dim3A_524 = vector.shape_cast %slice3A_523 : vector<32x1xf32> to vector<32x1xf32>
    %broadcast_in_dim3A_525 = vector.broadcast %broadcast_in_dim3A_524 : vector<32x1xf32> to vector<32x8192xf32>
    %select_n3A_526 = arith.select %eq3A_522, %broadcast_in_dim3A_525, %select_n3A_519 : vector<32x8192xi1>, vector<32x8192xf32>
    %slice3A_527 = vector.extract_strided_slice %get3A_164 {offsets = [0, 37], sizes = [32, 1], strides = [1, 1]} : vector<32x64xi32> to vector<32x1xi32>
    %eq3A_528 = vector.broadcast %slice3A_527 : vector<32x1xi32> to vector<32x8192xi32>
    %eq3A_529 = arith.cmpi eq, %iota3A, %eq3A_528 : vector<32x8192xi32>
    %slice3A_530 = vector.extract_strided_slice %div3A_161 {offsets = [0, 37], sizes = [32, 1], strides = [1, 1]} : vector<32x64xf32> to vector<32x1xf32>
    %broadcast_in_dim3A_531 = vector.shape_cast %slice3A_530 : vector<32x1xf32> to vector<32x1xf32>
    %broadcast_in_dim3A_532 = vector.broadcast %broadcast_in_dim3A_531 : vector<32x1xf32> to vector<32x8192xf32>
    %select_n3A_533 = arith.select %eq3A_529, %broadcast_in_dim3A_532, %select_n3A_526 : vector<32x8192xi1>, vector<32x8192xf32>
    %slice3A_534 = vector.extract_strided_slice %get3A_164 {offsets = [0, 38], sizes = [32, 1], strides = [1, 1]} : vector<32x64xi32> to vector<32x1xi32>
    %eq3A_535 = vector.broadcast %slice3A_534 : vector<32x1xi32> to vector<32x8192xi32>
    %eq3A_536 = arith.cmpi eq, %iota3A, %eq3A_535 : vector<32x8192xi32>
    %slice3A_537 = vector.extract_strided_slice %div3A_161 {offsets = [0, 38], sizes = [32, 1], strides = [1, 1]} : vector<32x64xf32> to vector<32x1xf32>
    %broadcast_in_dim3A_538 = vector.shape_cast %slice3A_537 : vector<32x1xf32> to vector<32x1xf32>
    %broadcast_in_dim3A_539 = vector.broadcast %broadcast_in_dim3A_538 : vector<32x1xf32> to vector<32x8192xf32>
    %select_n3A_540 = arith.select %eq3A_536, %broadcast_in_dim3A_539, %select_n3A_533 : vector<32x8192xi1>, vector<32x8192xf32>
    %slice3A_541 = vector.extract_strided_slice %get3A_164 {offsets = [0, 39], sizes = [32, 1], strides = [1, 1]} : vector<32x64xi32> to vector<32x1xi32>
    %eq3A_542 = vector.broadcast %slice3A_541 : vector<32x1xi32> to vector<32x8192xi32>
    %eq3A_543 = arith.cmpi eq, %iota3A, %eq3A_542 : vector<32x8192xi32>
    %slice3A_544 = vector.extract_strided_slice %div3A_161 {offsets = [0, 39], sizes = [32, 1], strides = [1, 1]} : vector<32x64xf32> to vector<32x1xf32>
    %broadcast_in_dim3A_545 = vector.shape_cast %slice3A_544 : vector<32x1xf32> to vector<32x1xf32>
    %broadcast_in_dim3A_546 = vector.broadcast %broadcast_in_dim3A_545 : vector<32x1xf32> to vector<32x8192xf32>
    %select_n3A_547 = arith.select %eq3A_543, %broadcast_in_dim3A_546, %select_n3A_540 : vector<32x8192xi1>, vector<32x8192xf32>
    %slice3A_548 = vector.extract_strided_slice %get3A_164 {offsets = [0, 40], sizes = [32, 1], strides = [1, 1]} : vector<32x64xi32> to vector<32x1xi32>
    %eq3A_549 = vector.broadcast %slice3A_548 : vector<32x1xi32> to vector<32x8192xi32>
    %eq3A_550 = arith.cmpi eq, %iota3A, %eq3A_549 : vector<32x8192xi32>
    %slice3A_551 = vector.extract_strided_slice %div3A_161 {offsets = [0, 40], sizes = [32, 1], strides = [1, 1]} : vector<32x64xf32> to vector<32x1xf32>
    %broadcast_in_dim3A_552 = vector.shape_cast %slice3A_551 : vector<32x1xf32> to vector<32x1xf32>
    %broadcast_in_dim3A_553 = vector.broadcast %broadcast_in_dim3A_552 : vector<32x1xf32> to vector<32x8192xf32>
    %select_n3A_554 = arith.select %eq3A_550, %broadcast_in_dim3A_553, %select_n3A_547 : vector<32x8192xi1>, vector<32x8192xf32>
    %slice3A_555 = vector.extract_strided_slice %get3A_164 {offsets = [0, 41], sizes = [32, 1], strides = [1, 1]} : vector<32x64xi32> to vector<32x1xi32>
    %eq3A_556 = vector.broadcast %slice3A_555 : vector<32x1xi32> to vector<32x8192xi32>
    %eq3A_557 = arith.cmpi eq, %iota3A, %eq3A_556 : vector<32x8192xi32>
    %slice3A_558 = vector.extract_strided_slice %div3A_161 {offsets = [0, 41], sizes = [32, 1], strides = [1, 1]} : vector<32x64xf32> to vector<32x1xf32>
    %broadcast_in_dim3A_559 = vector.shape_cast %slice3A_558 : vector<32x1xf32> to vector<32x1xf32>
    %broadcast_in_dim3A_560 = vector.broadcast %broadcast_in_dim3A_559 : vector<32x1xf32> to vector<32x8192xf32>
    %select_n3A_561 = arith.select %eq3A_557, %broadcast_in_dim3A_560, %select_n3A_554 : vector<32x8192xi1>, vector<32x8192xf32>
    %slice3A_562 = vector.extract_strided_slice %get3A_164 {offsets = [0, 42], sizes = [32, 1], strides = [1, 1]} : vector<32x64xi32> to vector<32x1xi32>
    %eq3A_563 = vector.broadcast %slice3A_562 : vector<32x1xi32> to vector<32x8192xi32>
    %eq3A_564 = arith.cmpi eq, %iota3A, %eq3A_563 : vector<32x8192xi32>
    %slice3A_565 = vector.extract_strided_slice %div3A_161 {offsets = [0, 42], sizes = [32, 1], strides = [1, 1]} : vector<32x64xf32> to vector<32x1xf32>
    %broadcast_in_dim3A_566 = vector.shape_cast %slice3A_565 : vector<32x1xf32> to vector<32x1xf32>
    %broadcast_in_dim3A_567 = vector.broadcast %broadcast_in_dim3A_566 : vector<32x1xf32> to vector<32x8192xf32>
    %select_n3A_568 = arith.select %eq3A_564, %broadcast_in_dim3A_567, %select_n3A_561 : vector<32x8192xi1>, vector<32x8192xf32>
    %slice3A_569 = vector.extract_strided_slice %get3A_164 {offsets = [0, 43], sizes = [32, 1], strides = [1, 1]} : vector<32x64xi32> to vector<32x1xi32>
    %eq3A_570 = vector.broadcast %slice3A_569 : vector<32x1xi32> to vector<32x8192xi32>
    %eq3A_571 = arith.cmpi eq, %iota3A, %eq3A_570 : vector<32x8192xi32>
    %slice3A_572 = vector.extract_strided_slice %div3A_161 {offsets = [0, 43], sizes = [32, 1], strides = [1, 1]} : vector<32x64xf32> to vector<32x1xf32>
    %broadcast_in_dim3A_573 = vector.shape_cast %slice3A_572 : vector<32x1xf32> to vector<32x1xf32>
    %broadcast_in_dim3A_574 = vector.broadcast %broadcast_in_dim3A_573 : vector<32x1xf32> to vector<32x8192xf32>
    %select_n3A_575 = arith.select %eq3A_571, %broadcast_in_dim3A_574, %select_n3A_568 : vector<32x8192xi1>, vector<32x8192xf32>
    %slice3A_576 = vector.extract_strided_slice %get3A_164 {offsets = [0, 44], sizes = [32, 1], strides = [1, 1]} : vector<32x64xi32> to vector<32x1xi32>
    %eq3A_577 = vector.broadcast %slice3A_576 : vector<32x1xi32> to vector<32x8192xi32>
    %eq3A_578 = arith.cmpi eq, %iota3A, %eq3A_577 : vector<32x8192xi32>
    %slice3A_579 = vector.extract_strided_slice %div3A_161 {offsets = [0, 44], sizes = [32, 1], strides = [1, 1]} : vector<32x64xf32> to vector<32x1xf32>
    %broadcast_in_dim3A_580 = vector.shape_cast %slice3A_579 : vector<32x1xf32> to vector<32x1xf32>
    %broadcast_in_dim3A_581 = vector.broadcast %broadcast_in_dim3A_580 : vector<32x1xf32> to vector<32x8192xf32>
    %select_n3A_582 = arith.select %eq3A_578, %broadcast_in_dim3A_581, %select_n3A_575 : vector<32x8192xi1>, vector<32x8192xf32>
    %slice3A_583 = vector.extract_strided_slice %get3A_164 {offsets = [0, 45], sizes = [32, 1], strides = [1, 1]} : vector<32x64xi32> to vector<32x1xi32>
    %eq3A_584 = vector.broadcast %slice3A_583 : vector<32x1xi32> to vector<32x8192xi32>
    %eq3A_585 = arith.cmpi eq, %iota3A, %eq3A_584 : vector<32x8192xi32>
    %slice3A_586 = vector.extract_strided_slice %div3A_161 {offsets = [0, 45], sizes = [32, 1], strides = [1, 1]} : vector<32x64xf32> to vector<32x1xf32>
    %broadcast_in_dim3A_587 = vector.shape_cast %slice3A_586 : vector<32x1xf32> to vector<32x1xf32>
    %broadcast_in_dim3A_588 = vector.broadcast %broadcast_in_dim3A_587 : vector<32x1xf32> to vector<32x8192xf32>
    %select_n3A_589 = arith.select %eq3A_585, %broadcast_in_dim3A_588, %select_n3A_582 : vector<32x8192xi1>, vector<32x8192xf32>
    %slice3A_590 = vector.extract_strided_slice %get3A_164 {offsets = [0, 46], sizes = [32, 1], strides = [1, 1]} : vector<32x64xi32> to vector<32x1xi32>
    %eq3A_591 = vector.broadcast %slice3A_590 : vector<32x1xi32> to vector<32x8192xi32>
    %eq3A_592 = arith.cmpi eq, %iota3A, %eq3A_591 : vector<32x8192xi32>
    %slice3A_593 = vector.extract_strided_slice %div3A_161 {offsets = [0, 46], sizes = [32, 1], strides = [1, 1]} : vector<32x64xf32> to vector<32x1xf32>
    %broadcast_in_dim3A_594 = vector.shape_cast %slice3A_593 : vector<32x1xf32> to vector<32x1xf32>
    %broadcast_in_dim3A_595 = vector.broadcast %broadcast_in_dim3A_594 : vector<32x1xf32> to vector<32x8192xf32>
    %select_n3A_596 = arith.select %eq3A_592, %broadcast_in_dim3A_595, %select_n3A_589 : vector<32x8192xi1>, vector<32x8192xf32>
    %slice3A_597 = vector.extract_strided_slice %get3A_164 {offsets = [0, 47], sizes = [32, 1], strides = [1, 1]} : vector<32x64xi32> to vector<32x1xi32>
    %eq3A_598 = vector.broadcast %slice3A_597 : vector<32x1xi32> to vector<32x8192xi32>
    %eq3A_599 = arith.cmpi eq, %iota3A, %eq3A_598 : vector<32x8192xi32>
    %slice3A_600 = vector.extract_strided_slice %div3A_161 {offsets = [0, 47], sizes = [32, 1], strides = [1, 1]} : vector<32x64xf32> to vector<32x1xf32>
    %broadcast_in_dim3A_601 = vector.shape_cast %slice3A_600 : vector<32x1xf32> to vector<32x1xf32>
    %broadcast_in_dim3A_602 = vector.broadcast %broadcast_in_dim3A_601 : vector<32x1xf32> to vector<32x8192xf32>
    %select_n3A_603 = arith.select %eq3A_599, %broadcast_in_dim3A_602, %select_n3A_596 : vector<32x8192xi1>, vector<32x8192xf32>
    %slice3A_604 = vector.extract_strided_slice %get3A_164 {offsets = [0, 48], sizes = [32, 1], strides = [1, 1]} : vector<32x64xi32> to vector<32x1xi32>
    %eq3A_605 = vector.broadcast %slice3A_604 : vector<32x1xi32> to vector<32x8192xi32>
    %eq3A_606 = arith.cmpi eq, %iota3A, %eq3A_605 : vector<32x8192xi32>
    %slice3A_607 = vector.extract_strided_slice %div3A_161 {offsets = [0, 48], sizes = [32, 1], strides = [1, 1]} : vector<32x64xf32> to vector<32x1xf32>
    %broadcast_in_dim3A_608 = vector.shape_cast %slice3A_607 : vector<32x1xf32> to vector<32x1xf32>
    %broadcast_in_dim3A_609 = vector.broadcast %broadcast_in_dim3A_608 : vector<32x1xf32> to vector<32x8192xf32>
    %select_n3A_610 = arith.select %eq3A_606, %broadcast_in_dim3A_609, %select_n3A_603 : vector<32x8192xi1>, vector<32x8192xf32>
    %slice3A_611 = vector.extract_strided_slice %get3A_164 {offsets = [0, 49], sizes = [32, 1], strides = [1, 1]} : vector<32x64xi32> to vector<32x1xi32>
    %eq3A_612 = vector.broadcast %slice3A_611 : vector<32x1xi32> to vector<32x8192xi32>
    %eq3A_613 = arith.cmpi eq, %iota3A, %eq3A_612 : vector<32x8192xi32>
    %slice3A_614 = vector.extract_strided_slice %div3A_161 {offsets = [0, 49], sizes = [32, 1], strides = [1, 1]} : vector<32x64xf32> to vector<32x1xf32>
    %broadcast_in_dim3A_615 = vector.shape_cast %slice3A_614 : vector<32x1xf32> to vector<32x1xf32>
    %broadcast_in_dim3A_616 = vector.broadcast %broadcast_in_dim3A_615 : vector<32x1xf32> to vector<32x8192xf32>
    %select_n3A_617 = arith.select %eq3A_613, %broadcast_in_dim3A_616, %select_n3A_610 : vector<32x8192xi1>, vector<32x8192xf32>
    %slice3A_618 = vector.extract_strided_slice %get3A_164 {offsets = [0, 50], sizes = [32, 1], strides = [1, 1]} : vector<32x64xi32> to vector<32x1xi32>
    %eq3A_619 = vector.broadcast %slice3A_618 : vector<32x1xi32> to vector<32x8192xi32>
    %eq3A_620 = arith.cmpi eq, %iota3A, %eq3A_619 : vector<32x8192xi32>
    %slice3A_621 = vector.extract_strided_slice %div3A_161 {offsets = [0, 50], sizes = [32, 1], strides = [1, 1]} : vector<32x64xf32> to vector<32x1xf32>
    %broadcast_in_dim3A_622 = vector.shape_cast %slice3A_621 : vector<32x1xf32> to vector<32x1xf32>
    %broadcast_in_dim3A_623 = vector.broadcast %broadcast_in_dim3A_622 : vector<32x1xf32> to vector<32x8192xf32>
    %select_n3A_624 = arith.select %eq3A_620, %broadcast_in_dim3A_623, %select_n3A_617 : vector<32x8192xi1>, vector<32x8192xf32>
    %slice3A_625 = vector.extract_strided_slice %get3A_164 {offsets = [0, 51], sizes = [32, 1], strides = [1, 1]} : vector<32x64xi32> to vector<32x1xi32>
    %eq3A_626 = vector.broadcast %slice3A_625 : vector<32x1xi32> to vector<32x8192xi32>
    %eq3A_627 = arith.cmpi eq, %iota3A, %eq3A_626 : vector<32x8192xi32>
    %slice3A_628 = vector.extract_strided_slice %div3A_161 {offsets = [0, 51], sizes = [32, 1], strides = [1, 1]} : vector<32x64xf32> to vector<32x1xf32>
    %broadcast_in_dim3A_629 = vector.shape_cast %slice3A_628 : vector<32x1xf32> to vector<32x1xf32>
    %broadcast_in_dim3A_630 = vector.broadcast %broadcast_in_dim3A_629 : vector<32x1xf32> to vector<32x8192xf32>
    %select_n3A_631 = arith.select %eq3A_627, %broadcast_in_dim3A_630, %select_n3A_624 : vector<32x8192xi1>, vector<32x8192xf32>
    %slice3A_632 = vector.extract_strided_slice %get3A_164 {offsets = [0, 52], sizes = [32, 1], strides = [1, 1]} : vector<32x64xi32> to vector<32x1xi32>
    %eq3A_633 = vector.broadcast %slice3A_632 : vector<32x1xi32> to vector<32x8192xi32>
    %eq3A_634 = arith.cmpi eq, %iota3A, %eq3A_633 : vector<32x8192xi32>
    %slice3A_635 = vector.extract_strided_slice %div3A_161 {offsets = [0, 52], sizes = [32, 1], strides = [1, 1]} : vector<32x64xf32> to vector<32x1xf32>
    %broadcast_in_dim3A_636 = vector.shape_cast %slice3A_635 : vector<32x1xf32> to vector<32x1xf32>
    %broadcast_in_dim3A_637 = vector.broadcast %broadcast_in_dim3A_636 : vector<32x1xf32> to vector<32x8192xf32>
    %select_n3A_638 = arith.select %eq3A_634, %broadcast_in_dim3A_637, %select_n3A_631 : vector<32x8192xi1>, vector<32x8192xf32>
    %slice3A_639 = vector.extract_strided_slice %get3A_164 {offsets = [0, 53], sizes = [32, 1], strides = [1, 1]} : vector<32x64xi32> to vector<32x1xi32>
    %eq3A_640 = vector.broadcast %slice3A_639 : vector<32x1xi32> to vector<32x8192xi32>
    %eq3A_641 = arith.cmpi eq, %iota3A, %eq3A_640 : vector<32x8192xi32>
    %slice3A_642 = vector.extract_strided_slice %div3A_161 {offsets = [0, 53], sizes = [32, 1], strides = [1, 1]} : vector<32x64xf32> to vector<32x1xf32>
    %broadcast_in_dim3A_643 = vector.shape_cast %slice3A_642 : vector<32x1xf32> to vector<32x1xf32>
    %broadcast_in_dim3A_644 = vector.broadcast %broadcast_in_dim3A_643 : vector<32x1xf32> to vector<32x8192xf32>
    %select_n3A_645 = arith.select %eq3A_641, %broadcast_in_dim3A_644, %select_n3A_638 : vector<32x8192xi1>, vector<32x8192xf32>
    %slice3A_646 = vector.extract_strided_slice %get3A_164 {offsets = [0, 54], sizes = [32, 1], strides = [1, 1]} : vector<32x64xi32> to vector<32x1xi32>
    %eq3A_647 = vector.broadcast %slice3A_646 : vector<32x1xi32> to vector<32x8192xi32>
    %eq3A_648 = arith.cmpi eq, %iota3A, %eq3A_647 : vector<32x8192xi32>
    %slice3A_649 = vector.extract_strided_slice %div3A_161 {offsets = [0, 54], sizes = [32, 1], strides = [1, 1]} : vector<32x64xf32> to vector<32x1xf32>
    %broadcast_in_dim3A_650 = vector.shape_cast %slice3A_649 : vector<32x1xf32> to vector<32x1xf32>
    %broadcast_in_dim3A_651 = vector.broadcast %broadcast_in_dim3A_650 : vector<32x1xf32> to vector<32x8192xf32>
    %select_n3A_652 = arith.select %eq3A_648, %broadcast_in_dim3A_651, %select_n3A_645 : vector<32x8192xi1>, vector<32x8192xf32>
    %slice3A_653 = vector.extract_strided_slice %get3A_164 {offsets = [0, 55], sizes = [32, 1], strides = [1, 1]} : vector<32x64xi32> to vector<32x1xi32>
    %eq3A_654 = vector.broadcast %slice3A_653 : vector<32x1xi32> to vector<32x8192xi32>
    %eq3A_655 = arith.cmpi eq, %iota3A, %eq3A_654 : vector<32x8192xi32>
    %slice3A_656 = vector.extract_strided_slice %div3A_161 {offsets = [0, 55], sizes = [32, 1], strides = [1, 1]} : vector<32x64xf32> to vector<32x1xf32>
    %broadcast_in_dim3A_657 = vector.shape_cast %slice3A_656 : vector<32x1xf32> to vector<32x1xf32>
    %broadcast_in_dim3A_658 = vector.broadcast %broadcast_in_dim3A_657 : vector<32x1xf32> to vector<32x8192xf32>
    %select_n3A_659 = arith.select %eq3A_655, %broadcast_in_dim3A_658, %select_n3A_652 : vector<32x8192xi1>, vector<32x8192xf32>
    %slice3A_660 = vector.extract_strided_slice %get3A_164 {offsets = [0, 56], sizes = [32, 1], strides = [1, 1]} : vector<32x64xi32> to vector<32x1xi32>
    %eq3A_661 = vector.broadcast %slice3A_660 : vector<32x1xi32> to vector<32x8192xi32>
    %eq3A_662 = arith.cmpi eq, %iota3A, %eq3A_661 : vector<32x8192xi32>
    %slice3A_663 = vector.extract_strided_slice %div3A_161 {offsets = [0, 56], sizes = [32, 1], strides = [1, 1]} : vector<32x64xf32> to vector<32x1xf32>
    %broadcast_in_dim3A_664 = vector.shape_cast %slice3A_663 : vector<32x1xf32> to vector<32x1xf32>
    %broadcast_in_dim3A_665 = vector.broadcast %broadcast_in_dim3A_664 : vector<32x1xf32> to vector<32x8192xf32>
    %select_n3A_666 = arith.select %eq3A_662, %broadcast_in_dim3A_665, %select_n3A_659 : vector<32x8192xi1>, vector<32x8192xf32>
    %slice3A_667 = vector.extract_strided_slice %get3A_164 {offsets = [0, 57], sizes = [32, 1], strides = [1, 1]} : vector<32x64xi32> to vector<32x1xi32>
    %eq3A_668 = vector.broadcast %slice3A_667 : vector<32x1xi32> to vector<32x8192xi32>
    %eq3A_669 = arith.cmpi eq, %iota3A, %eq3A_668 : vector<32x8192xi32>
    %slice3A_670 = vector.extract_strided_slice %div3A_161 {offsets = [0, 57], sizes = [32, 1], strides = [1, 1]} : vector<32x64xf32> to vector<32x1xf32>
    %broadcast_in_dim3A_671 = vector.shape_cast %slice3A_670 : vector<32x1xf32> to vector<32x1xf32>
    %broadcast_in_dim3A_672 = vector.broadcast %broadcast_in_dim3A_671 : vector<32x1xf32> to vector<32x8192xf32>
    %select_n3A_673 = arith.select %eq3A_669, %broadcast_in_dim3A_672, %select_n3A_666 : vector<32x8192xi1>, vector<32x8192xf32>
    %slice3A_674 = vector.extract_strided_slice %get3A_164 {offsets = [0, 58], sizes = [32, 1], strides = [1, 1]} : vector<32x64xi32> to vector<32x1xi32>
    %eq3A_675 = vector.broadcast %slice3A_674 : vector<32x1xi32> to vector<32x8192xi32>
    %eq3A_676 = arith.cmpi eq, %iota3A, %eq3A_675 : vector<32x8192xi32>
    %slice3A_677 = vector.extract_strided_slice %div3A_161 {offsets = [0, 58], sizes = [32, 1], strides = [1, 1]} : vector<32x64xf32> to vector<32x1xf32>
    %broadcast_in_dim3A_678 = vector.shape_cast %slice3A_677 : vector<32x1xf32> to vector<32x1xf32>
    %broadcast_in_dim3A_679 = vector.broadcast %broadcast_in_dim3A_678 : vector<32x1xf32> to vector<32x8192xf32>
    %select_n3A_680 = arith.select %eq3A_676, %broadcast_in_dim3A_679, %select_n3A_673 : vector<32x8192xi1>, vector<32x8192xf32>
    %slice3A_681 = vector.extract_strided_slice %get3A_164 {offsets = [0, 59], sizes = [32, 1], strides = [1, 1]} : vector<32x64xi32> to vector<32x1xi32>
    %eq3A_682 = vector.broadcast %slice3A_681 : vector<32x1xi32> to vector<32x8192xi32>
    %eq3A_683 = arith.cmpi eq, %iota3A, %eq3A_682 : vector<32x8192xi32>
    %slice3A_684 = vector.extract_strided_slice %div3A_161 {offsets = [0, 59], sizes = [32, 1], strides = [1, 1]} : vector<32x64xf32> to vector<32x1xf32>
    %broadcast_in_dim3A_685 = vector.shape_cast %slice3A_684 : vector<32x1xf32> to vector<32x1xf32>
    %broadcast_in_dim3A_686 = vector.broadcast %broadcast_in_dim3A_685 : vector<32x1xf32> to vector<32x8192xf32>
    %select_n3A_687 = arith.select %eq3A_683, %broadcast_in_dim3A_686, %select_n3A_680 : vector<32x8192xi1>, vector<32x8192xf32>
    %slice3A_688 = vector.extract_strided_slice %get3A_164 {offsets = [0, 60], sizes = [32, 1], strides = [1, 1]} : vector<32x64xi32> to vector<32x1xi32>
    %eq3A_689 = vector.broadcast %slice3A_688 : vector<32x1xi32> to vector<32x8192xi32>
    %eq3A_690 = arith.cmpi eq, %iota3A, %eq3A_689 : vector<32x8192xi32>
    %slice3A_691 = vector.extract_strided_slice %div3A_161 {offsets = [0, 60], sizes = [32, 1], strides = [1, 1]} : vector<32x64xf32> to vector<32x1xf32>
    %broadcast_in_dim3A_692 = vector.shape_cast %slice3A_691 : vector<32x1xf32> to vector<32x1xf32>
    %broadcast_in_dim3A_693 = vector.broadcast %broadcast_in_dim3A_692 : vector<32x1xf32> to vector<32x8192xf32>
    %select_n3A_694 = arith.select %eq3A_690, %broadcast_in_dim3A_693, %select_n3A_687 : vector<32x8192xi1>, vector<32x8192xf32>
    %slice3A_695 = vector.extract_strided_slice %get3A_164 {offsets = [0, 61], sizes = [32, 1], strides = [1, 1]} : vector<32x64xi32> to vector<32x1xi32>
    %eq3A_696 = vector.broadcast %slice3A_695 : vector<32x1xi32> to vector<32x8192xi32>
    %eq3A_697 = arith.cmpi eq, %iota3A, %eq3A_696 : vector<32x8192xi32>
    %slice3A_698 = vector.extract_strided_slice %div3A_161 {offsets = [0, 61], sizes = [32, 1], strides = [1, 1]} : vector<32x64xf32> to vector<32x1xf32>
    %broadcast_in_dim3A_699 = vector.shape_cast %slice3A_698 : vector<32x1xf32> to vector<32x1xf32>
    %broadcast_in_dim3A_700 = vector.broadcast %broadcast_in_dim3A_699 : vector<32x1xf32> to vector<32x8192xf32>
    %select_n3A_701 = arith.select %eq3A_697, %broadcast_in_dim3A_700, %select_n3A_694 : vector<32x8192xi1>, vector<32x8192xf32>
    %slice3A_702 = vector.extract_strided_slice %get3A_164 {offsets = [0, 62], sizes = [32, 1], strides = [1, 1]} : vector<32x64xi32> to vector<32x1xi32>
    %eq3A_703 = vector.broadcast %slice3A_702 : vector<32x1xi32> to vector<32x8192xi32>
    %eq3A_704 = arith.cmpi eq, %iota3A, %eq3A_703 : vector<32x8192xi32>
    %slice3A_705 = vector.extract_strided_slice %div3A_161 {offsets = [0, 62], sizes = [32, 1], strides = [1, 1]} : vector<32x64xf32> to vector<32x1xf32>
    %broadcast_in_dim3A_706 = vector.shape_cast %slice3A_705 : vector<32x1xf32> to vector<32x1xf32>
    %broadcast_in_dim3A_707 = vector.broadcast %broadcast_in_dim3A_706 : vector<32x1xf32> to vector<32x8192xf32>
    %select_n3A_708 = arith.select %eq3A_704, %broadcast_in_dim3A_707, %select_n3A_701 : vector<32x8192xi1>, vector<32x8192xf32>
    %slice3A_709 = vector.extract_strided_slice %get3A_164 {offsets = [0, 63], sizes = [32, 1], strides = [1, 1]} : vector<32x64xi32> to vector<32x1xi32>
    %eq3A_710 = vector.broadcast %slice3A_709 : vector<32x1xi32> to vector<32x8192xi32>
    %eq3A_711 = arith.cmpi eq, %iota3A, %eq3A_710 : vector<32x8192xi32>
    %slice3A_712 = vector.extract_strided_slice %div3A_161 {offsets = [0, 63], sizes = [32, 1], strides = [1, 1]} : vector<32x64xf32> to vector<32x1xf32>
    %broadcast_in_dim3A_713 = vector.shape_cast %slice3A_712 : vector<32x1xf32> to vector<32x1xf32>
    %broadcast_in_dim3A_714 = vector.broadcast %broadcast_in_dim3A_713 : vector<32x1xf32> to vector<32x8192xf32>
    %select_n3A_715 = arith.select %eq3A_711, %broadcast_in_dim3A_714, %select_n3A_708 : vector<32x8192xi1>, vector<32x8192xf32>
    %swap3A_716 = arith.constant 0 : index
    %swap3A_717 = arith.constant 0 : index
    %swap3A_718 = vector.load %arg16[%swap3A_716, %swap3A_717] : memref<32x8192xf32, #tpu.memory_space<vmem>>, vector<32x8192xf32>
    tpu.vector_store %arg16[%swap3A_716, %swap3A_717], %select_n3A_715 {strides = array<i32>} : memref<32x8192xf32, #tpu.memory_space<vmem>>, vector<32x8192xf32>,
    return
  }
}

module attributes {stable_mosaic.version = 14 : i64} {
  func.func @_d_body(%arg0: memref<32x64x256xf32, #tpu.memory_space<vmem>>, %arg1: memref<32x64xi32, #tpu.memory_space<vmem>>, %arg2: memref<32x256xf32, #tpu.memory_space<vmem>>, %arg3: memref<32x256xf32, #tpu.memory_space<vmem>>, %arg4: memref<768x256xf32, #tpu.memory_space<vmem>>, %arg5: memref<1x768xf32, #tpu.memory_space<vmem>>, %arg6: memref<256x256xf32, #tpu.memory_space<vmem>>, %arg7: memref<1x256xf32, #tpu.memory_space<vmem>>, %arg8: memref<1x256xf32, #tpu.memory_space<vmem>>, %arg9: memref<1x256xf32, #tpu.memory_space<vmem>>, %arg10: memref<768x256xf32, #tpu.memory_space<vmem>>, %arg11: memref<768x256xf32, #tpu.memory_space<vmem>>, %arg12: memref<1x768xf32, #tpu.memory_space<vmem>>, %arg13: memref<1x768xf32, #tpu.memory_space<vmem>>, %arg14: memref<2x256xf32, #tpu.memory_space<vmem>>, %arg15: memref<256x256xf32, #tpu.memory_space<vmem>>, %arg16: memref<32x8192xf32, #tpu.memory_space<vmem>>, %arg17: memref<32x128xi32, #tpu.memory_space<vmem>>, %arg18: memref<32x256xf32, #tpu.memory_space<vmem>>, %arg19: memref<32x256xf32, #tpu.memory_space<vmem>>) attributes {dimension_semantics = [], scalar_prefetch = 0 : i64, scratch_operands = 0 : i64, tpu.core_type = #tpu.core_type<tc>} {
    %get3A = arith.constant 0 : index
    %get3A_0 = arith.constant 0 : index
    %get3A_1 = vector.load %arg3[%get3A, %get3A_0] : memref<32x256xf32, #tpu.memory_space<vmem>>, vector<32x256xf32>
    %get3A_2 = arith.constant 0 : index
    %get3A_3 = arith.constant 0 : index
    %get3A_4 = vector.load %arg2[%get3A_2, %get3A_3] : memref<32x256xf32, #tpu.memory_space<vmem>>, vector<32x256xf32>
    %get3A_5 = arith.constant 0 : index
    %get3A_6 = arith.constant 0 : index
    %get3A_7 = arith.constant 0 : index
    %get3A_8 = vector.load %arg0[%get3A_5, %get3A_6, %get3A_7] : memref<32x64x256xf32, #tpu.memory_space<vmem>>, vector<32x64x256xf32>
    %reshape3A = vector.shape_cast %get3A_8 : vector<32x64x256xf32> to vector<2048x256xf32>
    %convert_element_type3A = arith.truncf %reshape3A : vector<2048x256xf32> to vector<2048x256xbf16>
    %get3A_9 = arith.constant 0 : index
    %get3A_10 = arith.constant 0 : index
    %get3A_11 = vector.load %arg15[%get3A_9, %get3A_10] : memref<256x256xf32, #tpu.memory_space<vmem>>, vector<256x256xf32>
    %convert_element_type3A_12 = arith.truncf %get3A_11 : vector<256x256xf32> to vector<256x256xbf16>
    %dot_general3A = arith.constant dense<0.000000e+00> : vector<2048x256xf32>
    %dot_general3A_13 = tpu.matmul %convert_element_type3A, %convert_element_type3A_12, %dot_general3A {dimension_numbers = #tpu.dot_dimension_numbers<[1], [1], [0], [0], [0, 0, 1, 0], [], []>, transpose_lhs_hint = false} : vector<2048x256xbf16>, vector<256x256xbf16>, vector<2048x256xf32> -> vector<2048x256xf32>
    %mul3A = arith.mulf %dot_general3A_13, %dot_general3A_13 : vector<2048x256xf32>
    %reduce_sum3A = arith.constant dense<0.000000e+00> : vector<2048xf32>
    %reduce_sum3A_14 = vector.multi_reduction <add>, %mul3A, %reduce_sum3A [1] : vector<2048x256xf32> to vector<2048xf32>
    %broadcast_in_dim3A = vector.shape_cast %reduce_sum3A_14 : vector<2048xf32> to vector<2048x1xf32>
    %sqrt3A = math.sqrt %broadcast_in_dim3A : vector<2048x1xf32>
    %max3A = arith.constant 9.99999996E-13 : f32
    %max3A_15 = vector.broadcast %max3A : f32 to vector<2048x1xf32>
    %max3A_16 = arith.maximumf %sqrt3A, %max3A_15 : vector<2048x1xf32>
    %div3A = vector.broadcast %max3A_16 : vector<2048x1xf32> to vector<2048x256xf32>
    %div3A_17 = arith.divf %dot_general3A_13, %div3A : vector<2048x256xf32>
    %mul3A_18 = arith.mulf %div3A_17, %div3A_17 : vector<2048x256xf32>
    %reduce_sum3A_19 = arith.constant dense<0.000000e+00> : vector<2048xf32>
    %reduce_sum3A_20 = vector.multi_reduction <add>, %mul3A_18, %reduce_sum3A_19 [1] : vector<2048x256xf32> to vector<2048xf32>
    %broadcast_in_dim3A_21 = vector.shape_cast %reduce_sum3A_20 : vector<2048xf32> to vector<2048x1xf32>
    %sqrt3A_22 = math.sqrt %broadcast_in_dim3A_21 : vector<2048x1xf32>
    %max3A_23 = arith.constant 9.99999996E-13 : f32
    %max3A_24 = vector.broadcast %max3A_23 : f32 to vector<2048x1xf32>
    %max3A_25 = arith.maximumf %sqrt3A_22, %max3A_24 : vector<2048x1xf32>
    %div3A_26 = vector.broadcast %max3A_25 : vector<2048x1xf32> to vector<2048x256xf32>
    %div3A_27 = arith.divf %div3A_17, %div3A_26 : vector<2048x256xf32>
    %reshape3A_28 = vector.shape_cast %div3A_17 : vector<2048x256xf32> to vector<32x64x256xf32>
    %reshape3A_29 = vector.shape_cast %div3A_27 : vector<2048x256xf32> to vector<32x64x256xf32>
    %get3A_30 = arith.constant 0 : index
    %get3A_31 = arith.constant 0 : index
    %get3A_32 = vector.load %arg5[%get3A_30, %get3A_31] : memref<1x768xf32, #tpu.memory_space<vmem>>, vector<1x256xf32>
    %get3A_33 = arith.constant 0 : index
    %get3A_34 = arith.constant 256 : index
    %get3A_35 = vector.load %arg5[%get3A_33, %get3A_34] : memref<1x768xf32, #tpu.memory_space<vmem>>, vector<1x256xf32>
    %get3A_36 = arith.constant 0 : index
    %get3A_37 = arith.constant 512 : index
    %get3A_38 = vector.load %arg5[%get3A_36, %get3A_37] : memref<1x768xf32, #tpu.memory_space<vmem>>, vector<1x256xf32>
    %get3A_39 = arith.constant 0 : index
    %get3A_40 = arith.constant 0 : index
    %get3A_41 = vector.load %arg4[%get3A_39, %get3A_40] : memref<768x256xf32, #tpu.memory_space<vmem>>, vector<256x256xf32>
    %convert_element_type3A_42 = arith.truncf %get3A_1 : vector<32x256xf32> to vector<32x256xbf16>
    %convert_element_type3A_43 = arith.truncf %get3A_41 : vector<256x256xf32> to vector<256x256xbf16>
    %dot_general3A_44 = arith.constant dense<0.000000e+00> : vector<32x256xf32>
    %dot_general3A_45 = tpu.matmul %convert_element_type3A_42, %convert_element_type3A_43, %dot_general3A_44 {dimension_numbers = #tpu.dot_dimension_numbers<[1], [1], [0], [0], [0, 0, 1, 0], [], []>, transpose_lhs_hint = false} : vector<32x256xbf16>, vector<256x256xbf16>, vector<32x256xf32> -> vector<32x256xf32>
    %add3A = vector.broadcast %get3A_32 : vector<1x256xf32> to vector<32x256xf32>
    %add3A_46 = arith.addf %dot_general3A_45, %add3A : vector<32x256xf32>
    %convert_element_type3A_47 = arith.truncf %div3A_17 : vector<2048x256xf32> to vector<2048x256xbf16>
    %get3A_48 = arith.constant 256 : index
    %get3A_49 = arith.constant 0 : index
    %get3A_50 = vector.load %arg4[%get3A_48, %get3A_49] : memref<768x256xf32, #tpu.memory_space<vmem>>, vector<256x256xf32>
    %convert_element_type3A_51 = arith.truncf %get3A_50 : vector<256x256xf32> to vector<256x256xbf16>
    %dot_general3A_52 = arith.constant dense<0.000000e+00> : vector<2048x256xf32>
    %dot_general3A_53 = tpu.matmul %convert_element_type3A_47, %convert_element_type3A_51, %dot_general3A_52 {dimension_numbers = #tpu.dot_dimension_numbers<[1], [1], [0], [0], [0, 0, 1, 0], [], []>, transpose_lhs_hint = false} : vector<2048x256xbf16>, vector<256x256xbf16>, vector<2048x256xf32> -> vector<2048x256xf32>
    %add3A_54 = vector.broadcast %get3A_35 : vector<1x256xf32> to vector<2048x256xf32>
    %add3A_55 = arith.addf %dot_general3A_53, %add3A_54 : vector<2048x256xf32>
    %convert_element_type3A_56 = arith.truncf %div3A_17 : vector<2048x256xf32> to vector<2048x256xbf16>
    %get3A_57 = arith.constant 512 : index
    %get3A_58 = arith.constant 0 : index
    %get3A_59 = vector.load %arg4[%get3A_57, %get3A_58] : memref<768x256xf32, #tpu.memory_space<vmem>>, vector<256x256xf32>
    %convert_element_type3A_60 = arith.truncf %get3A_59 : vector<256x256xf32> to vector<256x256xbf16>
    %dot_general3A_61 = arith.constant dense<0.000000e+00> : vector<2048x256xf32>
    %dot_general3A_62 = tpu.matmul %convert_element_type3A_56, %convert_element_type3A_60, %dot_general3A_61 {dimension_numbers = #tpu.dot_dimension_numbers<[1], [1], [0], [0], [0, 0, 1, 0], [], []>, transpose_lhs_hint = false} : vector<2048x256xbf16>, vector<256x256xbf16>, vector<2048x256xf32> -> vector<2048x256xf32>
    %add3A_63 = vector.broadcast %get3A_38 : vector<1x256xf32> to vector<2048x256xf32>
    %add3A_64 = arith.addf %dot_general3A_62, %add3A_63 : vector<2048x256xf32>
    %broadcast_in_dim3A_65 = vector.shape_cast %add3A_46 : vector<32x256xf32> to vector<32x1x256xf32>
    %reshape3A_66 = vector.shape_cast %add3A_55 : vector<2048x256xf32> to vector<32x64x256xf32>
    %convert_element_type3A_67 = arith.truncf %broadcast_in_dim3A_65 : vector<32x1x256xf32> to vector<32x1x256xbf16>
    %convert_element_type3A_68 = arith.extf %convert_element_type3A_67 : vector<32x1x256xbf16> to vector<32x1x256xf32>
    %convert_element_type3A_69 = arith.truncf %reshape3A_66 : vector<32x64x256xf32> to vector<32x64x256xbf16>
    %convert_element_type3A_70 = arith.extf %convert_element_type3A_69 : vector<32x64x256xbf16> to vector<32x64x256xf32>
    %mul3A_71 = vector.broadcast %convert_element_type3A_68 : vector<32x1x256xf32> to vector<32x64x256xf32>
    %mul3A_72 = arith.mulf %mul3A_71, %convert_element_type3A_70 : vector<32x64x256xf32>
    %reduce_sum3A_73 = arith.constant dense<0.000000e+00> : vector<32x64xf32>
    %reduce_sum3A_74 = vector.multi_reduction <add>, %mul3A_72, %reduce_sum3A_73 [2] : vector<32x64x256xf32> to vector<32x64xf32>
    %mul3A_75 = arith.constant 6.250000e-02 : f32
    %mul3A_76 = vector.broadcast %mul3A_75 : f32 to vector<32x64xf32>
    %mul3A_77 = arith.mulf %reduce_sum3A_74, %mul3A_76 : vector<32x64xf32>
    %reduce_max3A = arith.constant dense<0xFF800000> : vector<32xf32>
    %reduce_max3A_78 = vector.multi_reduction <maximumf>, %mul3A_77, %reduce_max3A [1] : vector<32x64xf32> to vector<32xf32>
    %broadcast_in_dim3A_79 = vector.shape_cast %reduce_max3A_78 : vector<32xf32> to vector<32x1xf32>
    %sub3A = vector.broadcast %broadcast_in_dim3A_79 : vector<32x1xf32> to vector<32x64xf32>
    %sub3A_80 = arith.subf %mul3A_77, %sub3A : vector<32x64xf32>
    %exp3A = math.exp %sub3A_80 : vector<32x64xf32>
    %reduce_sum3A_81 = arith.constant dense<0.000000e+00> : vector<32xf32>
    %reduce_sum3A_82 = vector.multi_reduction <add>, %exp3A, %reduce_sum3A_81 [1] : vector<32x64xf32> to vector<32xf32>
    %broadcast_in_dim3A_83 = vector.shape_cast %reduce_sum3A_82 : vector<32xf32> to vector<32x1xf32>
    %div3A_84 = vector.broadcast %broadcast_in_dim3A_83 : vector<32x1xf32> to vector<32x64xf32>
    %div3A_85 = arith.divf %exp3A, %div3A_84 : vector<32x64xf32>
    %broadcast_in_dim3A_86 = vector.shape_cast %div3A_85 : vector<32x64xf32> to vector<32x64x1xf32>
    %reshape3A_87 = vector.shape_cast %add3A_64 : vector<2048x256xf32> to vector<32x64x256xf32>
    %convert_element_type3A_88 = arith.truncf %broadcast_in_dim3A_86 : vector<32x64x1xf32> to vector<32x64x1xbf16>
    %convert_element_type3A_89 = arith.extf %convert_element_type3A_88 : vector<32x64x1xbf16> to vector<32x64x1xf32>
    %convert_element_type3A_90 = arith.truncf %reshape3A_87 : vector<32x64x256xf32> to vector<32x64x256xbf16>
    %convert_element_type3A_91 = arith.extf %convert_element_type3A_90 : vector<32x64x256xbf16> to vector<32x64x256xf32>
    %mul3A_92 = vector.broadcast %convert_element_type3A_89 : vector<32x64x1xf32> to vector<32x64x256xf32>
    %mul3A_93 = arith.mulf %mul3A_92, %convert_element_type3A_91 : vector<32x64x256xf32>
    %reduce_sum3A_94 = arith.constant dense<0.000000e+00> : vector<32x256xf32>
    %reduce_sum3A_95 = vector.multi_reduction <add>, %mul3A_93, %reduce_sum3A_94 [1] : vector<32x64x256xf32> to vector<32x256xf32>
    %get3A_96 = arith.constant 0 : index
    %get3A_97 = arith.constant 0 : index
    %get3A_98 = vector.load %arg6[%get3A_96, %get3A_97] : memref<256x256xf32, #tpu.memory_space<vmem>>, vector<256x256xf32>
    %convert_element_type3A_99 = arith.truncf %reduce_sum3A_95 : vector<32x256xf32> to vector<32x256xbf16>
    %convert_element_type3A_100 = arith.truncf %get3A_98 : vector<256x256xf32> to vector<256x256xbf16>
    %dot_general3A_101 = arith.constant dense<0.000000e+00> : vector<32x256xf32>
    %dot_general3A_102 = tpu.matmul %convert_element_type3A_99, %convert_element_type3A_100, %dot_general3A_101 {dimension_numbers = #tpu.dot_dimension_numbers<[1], [1], [0], [0], [0, 0, 1, 0], [], []>, transpose_lhs_hint = false} : vector<32x256xbf16>, vector<256x256xbf16>, vector<32x256xf32> -> vector<32x256xf32>
    %get3A_103 = arith.constant 0 : index
    %get3A_104 = arith.constant 0 : index
    %get3A_105 = vector.load %arg7[%get3A_103, %get3A_104] : memref<1x256xf32, #tpu.memory_space<vmem>>, vector<1x256xf32>
    %add3A_106 = vector.broadcast %get3A_105 : vector<1x256xf32> to vector<32x256xf32>
    %add3A_107 = arith.addf %dot_general3A_102, %add3A_106 : vector<32x256xf32>
    %add3A_108 = arith.addf %add3A_107, %get3A_1 : vector<32x256xf32>
    %get3A_109 = arith.constant 0 : index
    %get3A_110 = arith.constant 0 : index
    %get3A_111 = vector.load %arg8[%get3A_109, %get3A_110] : memref<1x256xf32, #tpu.memory_space<vmem>>, vector<1x256xf32>
    %get3A_112 = arith.constant 0 : index
    %get3A_113 = arith.constant 0 : index
    %get3A_114 = vector.load %arg9[%get3A_112, %get3A_113] : memref<1x256xf32, #tpu.memory_space<vmem>>, vector<1x256xf32>
    %reduce_sum3A_115 = arith.constant dense<0.000000e+00> : vector<32xf32>
    %reduce_sum3A_116 = vector.multi_reduction <add>, %add3A_108, %reduce_sum3A_115 [1] : vector<32x256xf32> to vector<32xf32>
    %broadcast_in_dim3A_117 = vector.shape_cast %reduce_sum3A_116 : vector<32xf32> to vector<32x1xf32>
    %div3A_118 = arith.constant 2.560000e+02 : f32
    %div3A_119 = vector.broadcast %div3A_118 : f32 to vector<32x1xf32>
    %div3A_120 = arith.divf %broadcast_in_dim3A_117, %div3A_119 : vector<32x1xf32>
    %sub3A_121 = vector.broadcast %div3A_120 : vector<32x1xf32> to vector<32x256xf32>
    %sub3A_122 = arith.subf %add3A_108, %sub3A_121 : vector<32x256xf32>
    %mul3A_123 = arith.mulf %sub3A_122, %sub3A_122 : vector<32x256xf32>
    %reduce_sum3A_124 = arith.constant dense<0.000000e+00> : vector<32xf32>
    %reduce_sum3A_125 = vector.multi_reduction <add>, %mul3A_123, %reduce_sum3A_124 [1] : vector<32x256xf32> to vector<32xf32>
    %broadcast_in_dim3A_126 = vector.shape_cast %reduce_sum3A_125 : vector<32xf32> to vector<32x1xf32>
    %div3A_127 = arith.constant 2.560000e+02 : f32
    %div3A_128 = vector.broadcast %div3A_127 : f32 to vector<32x1xf32>
    %div3A_129 = arith.divf %broadcast_in_dim3A_126, %div3A_128 : vector<32x1xf32>
    %add3A_130 = arith.constant 9.99999974E-6 : f32
    %add3A_131 = vector.broadcast %add3A_130 : f32 to vector<32x1xf32>
    %add3A_132 = arith.addf %div3A_129, %add3A_131 : vector<32x1xf32>
    %sqrt3A_133 = math.sqrt %add3A_132 : vector<32x1xf32>
    %div3A_134 = vector.broadcast %sqrt3A_133 : vector<32x1xf32> to vector<32x256xf32>
    %div3A_135 = arith.divf %sub3A_122, %div3A_134 : vector<32x256xf32>
    %mul3A_136 = vector.broadcast %get3A_111 : vector<1x256xf32> to vector<32x256xf32>
    %mul3A_137 = arith.mulf %div3A_135, %mul3A_136 : vector<32x256xf32>
    %add3A_138 = vector.broadcast %get3A_114 : vector<1x256xf32> to vector<32x256xf32>
    %add3A_139 = arith.addf %mul3A_137, %add3A_138 : vector<32x256xf32>
    %mul3A_140 = arith.mulf %add3A_139, %add3A_139 : vector<32x256xf32>
    %reduce_sum3A_141 = arith.constant dense<0.000000e+00> : vector<32xf32>
    %reduce_sum3A_142 = vector.multi_reduction <add>, %mul3A_140, %reduce_sum3A_141 [1] : vector<32x256xf32> to vector<32xf32>
    %broadcast_in_dim3A_143 = vector.shape_cast %reduce_sum3A_142 : vector<32xf32> to vector<32x1xf32>
    %sqrt3A_144 = math.sqrt %broadcast_in_dim3A_143 : vector<32x1xf32>
    %max3A_145 = arith.constant 9.99999996E-13 : f32
    %max3A_146 = vector.broadcast %max3A_145 : f32 to vector<32x1xf32>
    %max3A_147 = arith.maximumf %sqrt3A_144, %max3A_146 : vector<32x1xf32>
    %div3A_148 = vector.broadcast %max3A_147 : vector<32x1xf32> to vector<32x256xf32>
    %div3A_149 = arith.divf %add3A_139, %div3A_148 : vector<32x256xf32>
    %broadcast_in_dim3A_150 = vector.shape_cast %div3A_149 : vector<32x256xf32> to vector<32x1x256xf32>
    %convert_element_type3A_151 = arith.truncf %broadcast_in_dim3A_150 : vector<32x1x256xf32> to vector<32x1x256xbf16>
    %convert_element_type3A_152 = arith.extf %convert_element_type3A_151 : vector<32x1x256xbf16> to vector<32x1x256xf32>
    %convert_element_type3A_153 = arith.truncf %reshape3A_29 : vector<32x64x256xf32> to vector<32x64x256xbf16>
    %convert_element_type3A_154 = arith.extf %convert_element_type3A_153 : vector<32x64x256xbf16> to vector<32x64x256xf32>
    %mul3A_155 = vector.broadcast %convert_element_type3A_152 : vector<32x1x256xf32> to vector<32x64x256xf32>
    %mul3A_156 = arith.mulf %mul3A_155, %convert_element_type3A_154 : vector<32x64x256xf32>
    %reduce_sum3A_157 = arith.constant dense<0.000000e+00> : vector<32x64xf32>
    %reduce_sum3A_158 = vector.multi_reduction <add>, %mul3A_156, %reduce_sum3A_157 [2] : vector<32x64x256xf32> to vector<32x64xf32>
    %div3A_159 = arith.constant 1.000000e-01 : f32
    %div3A_160 = vector.broadcast %div3A_159 : f32 to vector<32x64xf32>
    %div3A_161 = arith.divf %reduce_sum3A_158, %div3A_160 : vector<32x64xf32>
    %get3A_162 = arith.constant 0 : index
    %get3A_163 = arith.constant 0 : index
    %get3A_164 = vector.load %arg1[%get3A_162, %get3A_163] : memref<32x64xi32, #tpu.memory_space<vmem>>, vector<32x64xi32>
    %reduce_max3A_165 = arith.constant dense<0xFF800000> : vector<32xf32>
    %reduce_max3A_166 = vector.multi_reduction <maximumf>, %div3A_161, %reduce_max3A_165 [1] : vector<32x64xf32> to vector<32xf32>
    %broadcast_in_dim3A_167 = vector.shape_cast %reduce_max3A_166 : vector<32xf32> to vector<32x1xf32>
    %eq3A = vector.broadcast %broadcast_in_dim3A_167 : vector<32x1xf32> to vector<32x64xf32>
    %eq3A_168 = arith.cmpf oeq, %div3A_161, %eq3A : vector<32x64xf32>
    %jit3A = arith.constant 1073741824 : i32
    %broadcast_in_dim3A_169 = vector.broadcast %jit3A : i32 to vector<32x64xi32>
    %select_n3A = arith.select %eq3A_168, %get3A_164, %broadcast_in_dim3A_169 : vector<32x64xi1>, vector<32x64xi32>
    %reduce_min3A = arith.constant dense<2147483647> : vector<32xi32>
    %reduce_min3A_170 = vector.multi_reduction <minsi>, %select_n3A, %reduce_min3A [1] : vector<32x64xi32> to vector<32xi32>
    %broadcast_in_dim3A_171 = vector.shape_cast %reduce_min3A_170 : vector<32xi32> to vector<32x1xi32>
    %broadcast_in_dim3A_172 = vector.shape_cast %broadcast_in_dim3A_171 : vector<32x1xi32> to vector<32x1xi32>
    %broadcast_in_dim3A_173 = vector.broadcast %broadcast_in_dim3A_172 : vector<32x1xi32> to vector<32x128xi32>
    %swap3A = arith.constant 0 : index
    %swap3A_174 = arith.constant 0 : index
    %swap3A_175 = vector.load %arg17[%swap3A, %swap3A_174] : memref<32x128xi32, #tpu.memory_space<vmem>>, vector<32x128xi32>
    tpu.vector_store %arg17[%swap3A, %swap3A_174], %broadcast_in_dim3A_173 {strides = array<i32>} : memref<32x128xi32, #tpu.memory_space<vmem>>, vector<32x128xi32>,
    %eq3A_176 = vector.broadcast %broadcast_in_dim3A_171 : vector<32x1xi32> to vector<32x64xi32>
    %eq3A_177 = arith.cmpi eq, %get3A_164, %eq3A_176 : vector<32x64xi32>
    %convert_element_type3A_178 = arith.extui %eq3A_177 : vector<32x64xi1> to vector<32x64xi32>
    %convert_element_type3A_179 = arith.sitofp %convert_element_type3A_178 : vector<32x64xi32> to vector<32x64xf32>
    %broadcast_in_dim3A_180 = vector.shape_cast %convert_element_type3A_179 : vector<32x64xf32> to vector<32x64x1xf32>
    %mul3A_181 = vector.broadcast %broadcast_in_dim3A_180 : vector<32x64x1xf32> to vector<32x64x256xf32>
    %mul3A_182 = arith.mulf %reshape3A_28, %mul3A_181 : vector<32x64x256xf32>
    %reduce_sum3A_183 = arith.constant dense<0.000000e+00> : vector<32x256xf32>
    %reduce_sum3A_184 = vector.multi_reduction <add>, %mul3A_182, %reduce_sum3A_183 [1] : vector<32x64x256xf32> to vector<32x256xf32>
    %get3A_185 = arith.constant 0 : index
    %get3A_186 = arith.constant 0 : index
    %get3A_187 = vector.load %arg10[%get3A_185, %get3A_186] : memref<768x256xf32, #tpu.memory_space<vmem>>, vector<768x256xf32>
    %convert_element_type3A_188 = arith.truncf %reduce_sum3A_184 : vector<32x256xf32> to vector<32x256xbf16>
    %convert_element_type3A_189 = arith.truncf %get3A_187 : vector<768x256xf32> to vector<768x256xbf16>
    %dot_general3A_190 = arith.constant dense<0.000000e+00> : vector<32x768xf32>
    %dot_general3A_191 = tpu.matmul %convert_element_type3A_188, %convert_element_type3A_189, %dot_general3A_190 {dimension_numbers = #tpu.dot_dimension_numbers<[1], [1], [0], [0], [0, 0, 1, 0], [], []>, transpose_lhs_hint = false} : vector<32x256xbf16>, vector<768x256xbf16>, vector<32x768xf32> -> vector<32x768xf32>
    %get3A_192 = arith.constant 0 : index
    %get3A_193 = arith.constant 0 : index
    %get3A_194 = vector.load %arg12[%get3A_192, %get3A_193] : memref<1x768xf32, #tpu.memory_space<vmem>>, vector<1x768xf32>
    %add3A_195 = vector.broadcast %get3A_194 : vector<1x768xf32> to vector<32x768xf32>
    %add3A_196 = arith.addf %dot_general3A_191, %add3A_195 : vector<32x768xf32>
    %get3A_197 = arith.constant 0 : index
    %get3A_198 = arith.constant 0 : index
    %get3A_199 = vector.load %arg11[%get3A_197, %get3A_198] : memref<768x256xf32, #tpu.memory_space<vmem>>, vector<768x256xf32>
    %convert_element_type3A_200 = arith.truncf %get3A_4 : vector<32x256xf32> to vector<32x256xbf16>
    %convert_element_type3A_201 = arith.truncf %get3A_199 : vector<768x256xf32> to vector<768x256xbf16>
    %dot_general3A_202 = arith.constant dense<0.000000e+00> : vector<32x768xf32>
    %dot_general3A_203 = tpu.matmul %convert_element_type3A_200, %convert_element_type3A_201, %dot_general3A_202 {dimension_numbers = #tpu.dot_dimension_numbers<[1], [1], [0], [0], [0, 0, 1, 0], [], []>, transpose_lhs_hint = false} : vector<32x256xbf16>, vector<768x256xbf16>, vector<32x768xf32> -> vector<32x768xf32>
    %get3A_204 = arith.constant 0 : index
    %get3A_205 = arith.constant 0 : index
    %get3A_206 = vector.load %arg13[%get3A_204, %get3A_205] : memref<1x768xf32, #tpu.memory_space<vmem>>, vector<1x768xf32>
    %add3A_207 = vector.broadcast %get3A_206 : vector<1x768xf32> to vector<32x768xf32>
    %add3A_208 = arith.addf %dot_general3A_203, %add3A_207 : vector<32x768xf32>
    %slice3A = vector.extract_strided_slice %add3A_196 {offsets = [0, 0], sizes = [32, 256], strides = [1, 1]} : vector<32x768xf32> to vector<32x256xf32>
    %slice3A_209 = vector.extract_strided_slice %add3A_196 {offsets = [0, 256], sizes = [32, 256], strides = [1, 1]} : vector<32x768xf32> to vector<32x256xf32>
    %slice3A_210 = vector.extract_strided_slice %add3A_196 {offsets = [0, 512], sizes = [32, 256], strides = [1, 1]} : vector<32x768xf32> to vector<32x256xf32>
    %slice3A_211 = vector.extract_strided_slice %add3A_208 {offsets = [0, 0], sizes = [32, 256], strides = [1, 1]} : vector<32x768xf32> to vector<32x256xf32>
    %slice3A_212 = vector.extract_strided_slice %add3A_208 {offsets = [0, 256], sizes = [32, 256], strides = [1, 1]} : vector<32x768xf32> to vector<32x256xf32>
    %slice3A_213 = vector.extract_strided_slice %add3A_208 {offsets = [0, 512], sizes = [32, 256], strides = [1, 1]} : vector<32x768xf32> to vector<32x256xf32>
    %add3A_214 = arith.addf %slice3A, %slice3A_211 : vector<32x256xf32>
    %logistic3A = arith.negf %add3A_214 : vector<32x256xf32>
    %logistic3A_215 = math.exp %logistic3A : vector<32x256xf32>
    %logistic3A_216 = arith.constant 1.000000e+00 : f32
    %logistic3A_217 = vector.broadcast %logistic3A_216 : f32 to vector<32x256xf32>
    %logistic3A_218 = arith.addf %logistic3A_217, %logistic3A_215 : vector<32x256xf32>
    %logistic3A_219 = arith.divf %logistic3A_217, %logistic3A_218 : vector<32x256xf32>
    %add3A_220 = arith.addf %slice3A_209, %slice3A_212 : vector<32x256xf32>
    %logistic3A_221 = arith.negf %add3A_220 : vector<32x256xf32>
    %logistic3A_222 = math.exp %logistic3A_221 : vector<32x256xf32>
    %logistic3A_223 = arith.constant 1.000000e+00 : f32
    %logistic3A_224 = vector.broadcast %logistic3A_223 : f32 to vector<32x256xf32>
    %logistic3A_225 = arith.addf %logistic3A_224, %logistic3A_222 : vector<32x256xf32>
    %logistic3A_226 = arith.divf %logistic3A_224, %logistic3A_225 : vector<32x256xf32>
    %mul3A_227 = arith.mulf %logistic3A_219, %slice3A_213 : vector<32x256xf32>
    %add3A_228 = arith.addf %slice3A_210, %mul3A_227 : vector<32x256xf32>
    %tanh3A = math.tanh %add3A_228 : vector<32x256xf32>
    %sub3A_229 = arith.constant 1.000000e+00 : f32
    %sub3A_230 = vector.broadcast %sub3A_229 : f32 to vector<32x256xf32>
    %sub3A_231 = arith.subf %sub3A_230, %logistic3A_226 : vector<32x256xf32>
    %mul3A_232 = arith.mulf %sub3A_231, %tanh3A : vector<32x256xf32>
    %mul3A_233 = arith.mulf %logistic3A_226, %get3A_4 : vector<32x256xf32>
    %add3A_234 = arith.addf %mul3A_232, %mul3A_233 : vector<32x256xf32>
    %mul3A_235 = arith.mulf %add3A_234, %add3A_234 : vector<32x256xf32>
    %reduce_sum3A_236 = arith.constant dense<0.000000e+00> : vector<32xf32>
    %reduce_sum3A_237 = vector.multi_reduction <add>, %mul3A_235, %reduce_sum3A_236 [1] : vector<32x256xf32> to vector<32xf32>
    %broadcast_in_dim3A_238 = vector.shape_cast %reduce_sum3A_237 : vector<32xf32> to vector<32x1xf32>
    %sqrt3A_239 = math.sqrt %broadcast_in_dim3A_238 : vector<32x1xf32>
    %max3A_240 = arith.constant 9.99999996E-13 : f32
    %max3A_241 = vector.broadcast %max3A_240 : f32 to vector<32x1xf32>
    %max3A_242 = arith.maximumf %sqrt3A_239, %max3A_241 : vector<32x1xf32>
    %div3A_243 = vector.broadcast %max3A_242 : vector<32x1xf32> to vector<32x256xf32>
    %div3A_244 = arith.divf %add3A_234, %div3A_243 : vector<32x256xf32>
    %get3A_245 = arith.constant 1 : index
    %get3A_246 = arith.constant 0 : index
    %get3A_247 = vector.load %arg14[%get3A_245, %get3A_246] : memref<2x256xf32, #tpu.memory_space<vmem>>, vector<1x256xf32>
    %add3A_248 = vector.broadcast %get3A_247 : vector<1x256xf32> to vector<32x256xf32>
    %add3A_249 = arith.addf %div3A_244, %add3A_248 : vector<32x256xf32>
    %mul3A_250 = arith.mulf %add3A_249, %add3A_249 : vector<32x256xf32>
    %reduce_sum3A_251 = arith.constant dense<0.000000e+00> : vector<32xf32>
    %reduce_sum3A_252 = vector.multi_reduction <add>, %mul3A_250, %reduce_sum3A_251 [1] : vector<32x256xf32> to vector<32xf32>
    %broadcast_in_dim3A_253 = vector.shape_cast %reduce_sum3A_252 : vector<32xf32> to vector<32x1xf32>
    %sqrt3A_254 = math.sqrt %broadcast_in_dim3A_253 : vector<32x1xf32>
    %max3A_255 = arith.constant 9.99999996E-13 : f32
    %max3A_256 = vector.broadcast %max3A_255 : f32 to vector<32x1xf32>
    %max3A_257 = arith.maximumf %sqrt3A_254, %max3A_256 : vector<32x1xf32>
    %div3A_258 = vector.broadcast %max3A_257 : vector<32x1xf32> to vector<32x256xf32>
    %div3A_259 = arith.divf %add3A_249, %div3A_258 : vector<32x256xf32>
    %swap3A_260 = arith.constant 0 : index
    %swap3A_261 = arith.constant 0 : index
    %swap3A_262 = vector.load %arg18[%swap3A_260, %swap3A_261] : memref<32x256xf32, #tpu.memory_space<vmem>>, vector<32x256xf32>
    tpu.vector_store %arg18[%swap3A_260, %swap3A_261], %div3A_244 {strides = array<i32>} : memref<32x256xf32, #tpu.memory_space<vmem>>, vector<32x256xf32>,
    %swap3A_263 = arith.constant 0 : index
    %swap3A_264 = arith.constant 0 : index
    %swap3A_265 = vector.load %arg19[%swap3A_263, %swap3A_264] : memref<32x256xf32, #tpu.memory_space<vmem>>, vector<32x256xf32>
    tpu.vector_store %arg19[%swap3A_263, %swap3A_264], %div3A_259 {strides = array<i32>} : memref<32x256xf32, #tpu.memory_space<vmem>>, vector<32x256xf32>,
    %iota3A = tpu.iota {dimensions = array<i32: 1>} : vector<32x8192xi32>
    %broadcast_in_dim3A_266 = arith.constant -1.000000e+04 : f32
    %broadcast_in_dim3A_267 = vector.broadcast %broadcast_in_dim3A_266 : f32 to vector<32x8192xf32>
    %slice3A_268 = vector.extract_strided_slice %get3A_164 {offsets = [0, 0], sizes = [32, 1], strides = [1, 1]} : vector<32x64xi32> to vector<32x1xi32>
    %eq3A_269 = vector.broadcast %slice3A_268 : vector<32x1xi32> to vector<32x8192xi32>
    %eq3A_270 = arith.cmpi eq, %iota3A, %eq3A_269 : vector<32x8192xi32>
    %slice3A_271 = vector.extract_strided_slice %div3A_161 {offsets = [0, 0], sizes = [32, 1], strides = [1, 1]} : vector<32x64xf32> to vector<32x1xf32>
    %broadcast_in_dim3A_272 = vector.shape_cast %slice3A_271 : vector<32x1xf32> to vector<32x1xf32>
    %broadcast_in_dim3A_273 = vector.broadcast %broadcast_in_dim3A_272 : vector<32x1xf32> to vector<32x8192xf32>
    %select_n3A_274 = arith.select %eq3A_270, %broadcast_in_dim3A_273, %broadcast_in_dim3A_267 : vector<32x8192xi1>, vector<32x8192xf32>
    %slice3A_275 = vector.extract_strided_slice %get3A_164 {offsets = [0, 1], sizes = [32, 1], strides = [1, 1]} : vector<32x64xi32> to vector<32x1xi32>
    %eq3A_276 = vector.broadcast %slice3A_275 : vector<32x1xi32> to vector<32x8192xi32>
    %eq3A_277 = arith.cmpi eq, %iota3A, %eq3A_276 : vector<32x8192xi32>
    %slice3A_278 = vector.extract_strided_slice %div3A_161 {offsets = [0, 1], sizes = [32, 1], strides = [1, 1]} : vector<32x64xf32> to vector<32x1xf32>
    %broadcast_in_dim3A_279 = vector.shape_cast %slice3A_278 : vector<32x1xf32> to vector<32x1xf32>
    %broadcast_in_dim3A_280 = vector.broadcast %broadcast_in_dim3A_279 : vector<32x1xf32> to vector<32x8192xf32>
    %select_n3A_281 = arith.select %eq3A_277, %broadcast_in_dim3A_280, %select_n3A_274 : vector<32x8192xi1>, vector<32x8192xf32>
    %slice3A_282 = vector.extract_strided_slice %get3A_164 {offsets = [0, 2], sizes = [32, 1], strides = [1, 1]} : vector<32x64xi32> to vector<32x1xi32>
    %eq3A_283 = vector.broadcast %slice3A_282 : vector<32x1xi32> to vector<32x8192xi32>
    %eq3A_284 = arith.cmpi eq, %iota3A, %eq3A_283 : vector<32x8192xi32>
    %slice3A_285 = vector.extract_strided_slice %div3A_161 {offsets = [0, 2], sizes = [32, 1], strides = [1, 1]} : vector<32x64xf32> to vector<32x1xf32>
    %broadcast_in_dim3A_286 = vector.shape_cast %slice3A_285 : vector<32x1xf32> to vector<32x1xf32>
    %broadcast_in_dim3A_287 = vector.broadcast %broadcast_in_dim3A_286 : vector<32x1xf32> to vector<32x8192xf32>
    %select_n3A_288 = arith.select %eq3A_284, %broadcast_in_dim3A_287, %select_n3A_281 : vector<32x8192xi1>, vector<32x8192xf32>
    %slice3A_289 = vector.extract_strided_slice %get3A_164 {offsets = [0, 3], sizes = [32, 1], strides = [1, 1]} : vector<32x64xi32> to vector<32x1xi32>
    %eq3A_290 = vector.broadcast %slice3A_289 : vector<32x1xi32> to vector<32x8192xi32>
    %eq3A_291 = arith.cmpi eq, %iota3A, %eq3A_290 : vector<32x8192xi32>
    %slice3A_292 = vector.extract_strided_slice %div3A_161 {offsets = [0, 3], sizes = [32, 1], strides = [1, 1]} : vector<32x64xf32> to vector<32x1xf32>
    %broadcast_in_dim3A_293 = vector.shape_cast %slice3A_292 : vector<32x1xf32> to vector<32x1xf32>
    %broadcast_in_dim3A_294 = vector.broadcast %broadcast_in_dim3A_293 : vector<32x1xf32> to vector<32x8192xf32>
    %select_n3A_295 = arith.select %eq3A_291, %broadcast_in_dim3A_294, %select_n3A_288 : vector<32x8192xi1>, vector<32x8192xf32>
    %slice3A_296 = vector.extract_strided_slice %get3A_164 {offsets = [0, 4], sizes = [32, 1], strides = [1, 1]} : vector<32x64xi32> to vector<32x1xi32>
    %eq3A_297 = vector.broadcast %slice3A_296 : vector<32x1xi32> to vector<32x8192xi32>
    %eq3A_298 = arith.cmpi eq, %iota3A, %eq3A_297 : vector<32x8192xi32>
    %slice3A_299 = vector.extract_strided_slice %div3A_161 {offsets = [0, 4], sizes = [32, 1], strides = [1, 1]} : vector<32x64xf32> to vector<32x1xf32>
    %broadcast_in_dim3A_300 = vector.shape_cast %slice3A_299 : vector<32x1xf32> to vector<32x1xf32>
    %broadcast_in_dim3A_301 = vector.broadcast %broadcast_in_dim3A_300 : vector<32x1xf32> to vector<32x8192xf32>
    %select_n3A_302 = arith.select %eq3A_298, %broadcast_in_dim3A_301, %select_n3A_295 : vector<32x8192xi1>, vector<32x8192xf32>
    %slice3A_303 = vector.extract_strided_slice %get3A_164 {offsets = [0, 5], sizes = [32, 1], strides = [1, 1]} : vector<32x64xi32> to vector<32x1xi32>
    %eq3A_304 = vector.broadcast %slice3A_303 : vector<32x1xi32> to vector<32x8192xi32>
    %eq3A_305 = arith.cmpi eq, %iota3A, %eq3A_304 : vector<32x8192xi32>
    %slice3A_306 = vector.extract_strided_slice %div3A_161 {offsets = [0, 5], sizes = [32, 1], strides = [1, 1]} : vector<32x64xf32> to vector<32x1xf32>
    %broadcast_in_dim3A_307 = vector.shape_cast %slice3A_306 : vector<32x1xf32> to vector<32x1xf32>
    %broadcast_in_dim3A_308 = vector.broadcast %broadcast_in_dim3A_307 : vector<32x1xf32> to vector<32x8192xf32>
    %select_n3A_309 = arith.select %eq3A_305, %broadcast_in_dim3A_308, %select_n3A_302 : vector<32x8192xi1>, vector<32x8192xf32>
    %slice3A_310 = vector.extract_strided_slice %get3A_164 {offsets = [0, 6], sizes = [32, 1], strides = [1, 1]} : vector<32x64xi32> to vector<32x1xi32>
    %eq3A_311 = vector.broadcast %slice3A_310 : vector<32x1xi32> to vector<32x8192xi32>
    %eq3A_312 = arith.cmpi eq, %iota3A, %eq3A_311 : vector<32x8192xi32>
    %slice3A_313 = vector.extract_strided_slice %div3A_161 {offsets = [0, 6], sizes = [32, 1], strides = [1, 1]} : vector<32x64xf32> to vector<32x1xf32>
    %broadcast_in_dim3A_314 = vector.shape_cast %slice3A_313 : vector<32x1xf32> to vector<32x1xf32>
    %broadcast_in_dim3A_315 = vector.broadcast %broadcast_in_dim3A_314 : vector<32x1xf32> to vector<32x8192xf32>
    %select_n3A_316 = arith.select %eq3A_312, %broadcast_in_dim3A_315, %select_n3A_309 : vector<32x8192xi1>, vector<32x8192xf32>
    %slice3A_317 = vector.extract_strided_slice %get3A_164 {offsets = [0, 7], sizes = [32, 1], strides = [1, 1]} : vector<32x64xi32> to vector<32x1xi32>
    %eq3A_318 = vector.broadcast %slice3A_317 : vector<32x1xi32> to vector<32x8192xi32>
    %eq3A_319 = arith.cmpi eq, %iota3A, %eq3A_318 : vector<32x8192xi32>
    %slice3A_320 = vector.extract_strided_slice %div3A_161 {offsets = [0, 7], sizes = [32, 1], strides = [1, 1]} : vector<32x64xf32> to vector<32x1xf32>
    %broadcast_in_dim3A_321 = vector.shape_cast %slice3A_320 : vector<32x1xf32> to vector<32x1xf32>
    %broadcast_in_dim3A_322 = vector.broadcast %broadcast_in_dim3A_321 : vector<32x1xf32> to vector<32x8192xf32>
    %select_n3A_323 = arith.select %eq3A_319, %broadcast_in_dim3A_322, %select_n3A_316 : vector<32x8192xi1>, vector<32x8192xf32>
    %slice3A_324 = vector.extract_strided_slice %get3A_164 {offsets = [0, 8], sizes = [32, 1], strides = [1, 1]} : vector<32x64xi32> to vector<32x1xi32>
    %eq3A_325 = vector.broadcast %slice3A_324 : vector<32x1xi32> to vector<32x8192xi32>
    %eq3A_326 = arith.cmpi eq, %iota3A, %eq3A_325 : vector<32x8192xi32>
    %slice3A_327 = vector.extract_strided_slice %div3A_161 {offsets = [0, 8], sizes = [32, 1], strides = [1, 1]} : vector<32x64xf32> to vector<32x1xf32>
    %broadcast_in_dim3A_328 = vector.shape_cast %slice3A_327 : vector<32x1xf32> to vector<32x1xf32>
    %broadcast_in_dim3A_329 = vector.broadcast %broadcast_in_dim3A_328 : vector<32x1xf32> to vector<32x8192xf32>
    %select_n3A_330 = arith.select %eq3A_326, %broadcast_in_dim3A_329, %select_n3A_323 : vector<32x8192xi1>, vector<32x8192xf32>
    %slice3A_331 = vector.extract_strided_slice %get3A_164 {offsets = [0, 9], sizes = [32, 1], strides = [1, 1]} : vector<32x64xi32> to vector<32x1xi32>
    %eq3A_332 = vector.broadcast %slice3A_331 : vector<32x1xi32> to vector<32x8192xi32>
    %eq3A_333 = arith.cmpi eq, %iota3A, %eq3A_332 : vector<32x8192xi32>
    %slice3A_334 = vector.extract_strided_slice %div3A_161 {offsets = [0, 9], sizes = [32, 1], strides = [1, 1]} : vector<32x64xf32> to vector<32x1xf32>
    %broadcast_in_dim3A_335 = vector.shape_cast %slice3A_334 : vector<32x1xf32> to vector<32x1xf32>
    %broadcast_in_dim3A_336 = vector.broadcast %broadcast_in_dim3A_335 : vector<32x1xf32> to vector<32x8192xf32>
    %select_n3A_337 = arith.select %eq3A_333, %broadcast_in_dim3A_336, %select_n3A_330 : vector<32x8192xi1>, vector<32x8192xf32>
    %slice3A_338 = vector.extract_strided_slice %get3A_164 {offsets = [0, 10], sizes = [32, 1], strides = [1, 1]} : vector<32x64xi32> to vector<32x1xi32>
    %eq3A_339 = vector.broadcast %slice3A_338 : vector<32x1xi32> to vector<32x8192xi32>
    %eq3A_340 = arith.cmpi eq, %iota3A, %eq3A_339 : vector<32x8192xi32>
    %slice3A_341 = vector.extract_strided_slice %div3A_161 {offsets = [0, 10], sizes = [32, 1], strides = [1, 1]} : vector<32x64xf32> to vector<32x1xf32>
    %broadcast_in_dim3A_342 = vector.shape_cast %slice3A_341 : vector<32x1xf32> to vector<32x1xf32>
    %broadcast_in_dim3A_343 = vector.broadcast %broadcast_in_dim3A_342 : vector<32x1xf32> to vector<32x8192xf32>
    %select_n3A_344 = arith.select %eq3A_340, %broadcast_in_dim3A_343, %select_n3A_337 : vector<32x8192xi1>, vector<32x8192xf32>
    %slice3A_345 = vector.extract_strided_slice %get3A_164 {offsets = [0, 11], sizes = [32, 1], strides = [1, 1]} : vector<32x64xi32> to vector<32x1xi32>
    %eq3A_346 = vector.broadcast %slice3A_345 : vector<32x1xi32> to vector<32x8192xi32>
    %eq3A_347 = arith.cmpi eq, %iota3A, %eq3A_346 : vector<32x8192xi32>
    %slice3A_348 = vector.extract_strided_slice %div3A_161 {offsets = [0, 11], sizes = [32, 1], strides = [1, 1]} : vector<32x64xf32> to vector<32x1xf32>
    %broadcast_in_dim3A_349 = vector.shape_cast %slice3A_348 : vector<32x1xf32> to vector<32x1xf32>
    %broadcast_in_dim3A_350 = vector.broadcast %broadcast_in_dim3A_349 : vector<32x1xf32> to vector<32x8192xf32>
    %select_n3A_351 = arith.select %eq3A_347, %broadcast_in_dim3A_350, %select_n3A_344 : vector<32x8192xi1>, vector<32x8192xf32>
    %slice3A_352 = vector.extract_strided_slice %get3A_164 {offsets = [0, 12], sizes = [32, 1], strides = [1, 1]} : vector<32x64xi32> to vector<32x1xi32>
    %eq3A_353 = vector.broadcast %slice3A_352 : vector<32x1xi32> to vector<32x8192xi32>
    %eq3A_354 = arith.cmpi eq, %iota3A, %eq3A_353 : vector<32x8192xi32>
    %slice3A_355 = vector.extract_strided_slice %div3A_161 {offsets = [0, 12], sizes = [32, 1], strides = [1, 1]} : vector<32x64xf32> to vector<32x1xf32>
    %broadcast_in_dim3A_356 = vector.shape_cast %slice3A_355 : vector<32x1xf32> to vector<32x1xf32>
    %broadcast_in_dim3A_357 = vector.broadcast %broadcast_in_dim3A_356 : vector<32x1xf32> to vector<32x8192xf32>
    %select_n3A_358 = arith.select %eq3A_354, %broadcast_in_dim3A_357, %select_n3A_351 : vector<32x8192xi1>, vector<32x8192xf32>
    %slice3A_359 = vector.extract_strided_slice %get3A_164 {offsets = [0, 13], sizes = [32, 1], strides = [1, 1]} : vector<32x64xi32> to vector<32x1xi32>
    %eq3A_360 = vector.broadcast %slice3A_359 : vector<32x1xi32> to vector<32x8192xi32>
    %eq3A_361 = arith.cmpi eq, %iota3A, %eq3A_360 : vector<32x8192xi32>
    %slice3A_362 = vector.extract_strided_slice %div3A_161 {offsets = [0, 13], sizes = [32, 1], strides = [1, 1]} : vector<32x64xf32> to vector<32x1xf32>
    %broadcast_in_dim3A_363 = vector.shape_cast %slice3A_362 : vector<32x1xf32> to vector<32x1xf32>
    %broadcast_in_dim3A_364 = vector.broadcast %broadcast_in_dim3A_363 : vector<32x1xf32> to vector<32x8192xf32>
    %select_n3A_365 = arith.select %eq3A_361, %broadcast_in_dim3A_364, %select_n3A_358 : vector<32x8192xi1>, vector<32x8192xf32>
    %slice3A_366 = vector.extract_strided_slice %get3A_164 {offsets = [0, 14], sizes = [32, 1], strides = [1, 1]} : vector<32x64xi32> to vector<32x1xi32>
    %eq3A_367 = vector.broadcast %slice3A_366 : vector<32x1xi32> to vector<32x8192xi32>
    %eq3A_368 = arith.cmpi eq, %iota3A, %eq3A_367 : vector<32x8192xi32>
    %slice3A_369 = vector.extract_strided_slice %div3A_161 {offsets = [0, 14], sizes = [32, 1], strides = [1, 1]} : vector<32x64xf32> to vector<32x1xf32>
    %broadcast_in_dim3A_370 = vector.shape_cast %slice3A_369 : vector<32x1xf32> to vector<32x1xf32>
    %broadcast_in_dim3A_371 = vector.broadcast %broadcast_in_dim3A_370 : vector<32x1xf32> to vector<32x8192xf32>
    %select_n3A_372 = arith.select %eq3A_368, %broadcast_in_dim3A_371, %select_n3A_365 : vector<32x8192xi1>, vector<32x8192xf32>
    %slice3A_373 = vector.extract_strided_slice %get3A_164 {offsets = [0, 15], sizes = [32, 1], strides = [1, 1]} : vector<32x64xi32> to vector<32x1xi32>
    %eq3A_374 = vector.broadcast %slice3A_373 : vector<32x1xi32> to vector<32x8192xi32>
    %eq3A_375 = arith.cmpi eq, %iota3A, %eq3A_374 : vector<32x8192xi32>
    %slice3A_376 = vector.extract_strided_slice %div3A_161 {offsets = [0, 15], sizes = [32, 1], strides = [1, 1]} : vector<32x64xf32> to vector<32x1xf32>
    %broadcast_in_dim3A_377 = vector.shape_cast %slice3A_376 : vector<32x1xf32> to vector<32x1xf32>
    %broadcast_in_dim3A_378 = vector.broadcast %broadcast_in_dim3A_377 : vector<32x1xf32> to vector<32x8192xf32>
    %select_n3A_379 = arith.select %eq3A_375, %broadcast_in_dim3A_378, %select_n3A_372 : vector<32x8192xi1>, vector<32x8192xf32>
    %slice3A_380 = vector.extract_strided_slice %get3A_164 {offsets = [0, 16], sizes = [32, 1], strides = [1, 1]} : vector<32x64xi32> to vector<32x1xi32>
    %eq3A_381 = vector.broadcast %slice3A_380 : vector<32x1xi32> to vector<32x8192xi32>
    %eq3A_382 = arith.cmpi eq, %iota3A, %eq3A_381 : vector<32x8192xi32>
    %slice3A_383 = vector.extract_strided_slice %div3A_161 {offsets = [0, 16], sizes = [32, 1], strides = [1, 1]} : vector<32x64xf32> to vector<32x1xf32>
    %broadcast_in_dim3A_384 = vector.shape_cast %slice3A_383 : vector<32x1xf32> to vector<32x1xf32>
    %broadcast_in_dim3A_385 = vector.broadcast %broadcast_in_dim3A_384 : vector<32x1xf32> to vector<32x8192xf32>
    %select_n3A_386 = arith.select %eq3A_382, %broadcast_in_dim3A_385, %select_n3A_379 : vector<32x8192xi1>, vector<32x8192xf32>
    %slice3A_387 = vector.extract_strided_slice %get3A_164 {offsets = [0, 17], sizes = [32, 1], strides = [1, 1]} : vector<32x64xi32> to vector<32x1xi32>
    %eq3A_388 = vector.broadcast %slice3A_387 : vector<32x1xi32> to vector<32x8192xi32>
    %eq3A_389 = arith.cmpi eq, %iota3A, %eq3A_388 : vector<32x8192xi32>
    %slice3A_390 = vector.extract_strided_slice %div3A_161 {offsets = [0, 17], sizes = [32, 1], strides = [1, 1]} : vector<32x64xf32> to vector<32x1xf32>
    %broadcast_in_dim3A_391 = vector.shape_cast %slice3A_390 : vector<32x1xf32> to vector<32x1xf32>
    %broadcast_in_dim3A_392 = vector.broadcast %broadcast_in_dim3A_391 : vector<32x1xf32> to vector<32x8192xf32>
    %select_n3A_393 = arith.select %eq3A_389, %broadcast_in_dim3A_392, %select_n3A_386 : vector<32x8192xi1>, vector<32x8192xf32>
    %slice3A_394 = vector.extract_strided_slice %get3A_164 {offsets = [0, 18], sizes = [32, 1], strides = [1, 1]} : vector<32x64xi32> to vector<32x1xi32>
    %eq3A_395 = vector.broadcast %slice3A_394 : vector<32x1xi32> to vector<32x8192xi32>
    %eq3A_396 = arith.cmpi eq, %iota3A, %eq3A_395 : vector<32x8192xi32>
    %slice3A_397 = vector.extract_strided_slice %div3A_161 {offsets = [0, 18], sizes = [32, 1], strides = [1, 1]} : vector<32x64xf32> to vector<32x1xf32>
    %broadcast_in_dim3A_398 = vector.shape_cast %slice3A_397 : vector<32x1xf32> to vector<32x1xf32>
    %broadcast_in_dim3A_399 = vector.broadcast %broadcast_in_dim3A_398 : vector<32x1xf32> to vector<32x8192xf32>
    %select_n3A_400 = arith.select %eq3A_396, %broadcast_in_dim3A_399, %select_n3A_393 : vector<32x8192xi1>, vector<32x8192xf32>
    %slice3A_401 = vector.extract_strided_slice %get3A_164 {offsets = [0, 19], sizes = [32, 1], strides = [1, 1]} : vector<32x64xi32> to vector<32x1xi32>
    %eq3A_402 = vector.broadcast %slice3A_401 : vector<32x1xi32> to vector<32x8192xi32>
    %eq3A_403 = arith.cmpi eq, %iota3A, %eq3A_402 : vector<32x8192xi32>
    %slice3A_404 = vector.extract_strided_slice %div3A_161 {offsets = [0, 19], sizes = [32, 1], strides = [1, 1]} : vector<32x64xf32> to vector<32x1xf32>
    %broadcast_in_dim3A_405 = vector.shape_cast %slice3A_404 : vector<32x1xf32> to vector<32x1xf32>
    %broadcast_in_dim3A_406 = vector.broadcast %broadcast_in_dim3A_405 : vector<32x1xf32> to vector<32x8192xf32>
    %select_n3A_407 = arith.select %eq3A_403, %broadcast_in_dim3A_406, %select_n3A_400 : vector<32x8192xi1>, vector<32x8192xf32>
    %slice3A_408 = vector.extract_strided_slice %get3A_164 {offsets = [0, 20], sizes = [32, 1], strides = [1, 1]} : vector<32x64xi32> to vector<32x1xi32>
    %eq3A_409 = vector.broadcast %slice3A_408 : vector<32x1xi32> to vector<32x8192xi32>
    %eq3A_410 = arith.cmpi eq, %iota3A, %eq3A_409 : vector<32x8192xi32>
    %slice3A_411 = vector.extract_strided_slice %div3A_161 {offsets = [0, 20], sizes = [32, 1], strides = [1, 1]} : vector<32x64xf32> to vector<32x1xf32>
    %broadcast_in_dim3A_412 = vector.shape_cast %slice3A_411 : vector<32x1xf32> to vector<32x1xf32>
    %broadcast_in_dim3A_413 = vector.broadcast %broadcast_in_dim3A_412 : vector<32x1xf32> to vector<32x8192xf32>
    %select_n3A_414 = arith.select %eq3A_410, %broadcast_in_dim3A_413, %select_n3A_407 : vector<32x8192xi1>, vector<32x8192xf32>
    %slice3A_415 = vector.extract_strided_slice %get3A_164 {offsets = [0, 21], sizes = [32, 1], strides = [1, 1]} : vector<32x64xi32> to vector<32x1xi32>
    %eq3A_416 = vector.broadcast %slice3A_415 : vector<32x1xi32> to vector<32x8192xi32>
    %eq3A_417 = arith.cmpi eq, %iota3A, %eq3A_416 : vector<32x8192xi32>
    %slice3A_418 = vector.extract_strided_slice %div3A_161 {offsets = [0, 21], sizes = [32, 1], strides = [1, 1]} : vector<32x64xf32> to vector<32x1xf32>
    %broadcast_in_dim3A_419 = vector.shape_cast %slice3A_418 : vector<32x1xf32> to vector<32x1xf32>
    %broadcast_in_dim3A_420 = vector.broadcast %broadcast_in_dim3A_419 : vector<32x1xf32> to vector<32x8192xf32>
    %select_n3A_421 = arith.select %eq3A_417, %broadcast_in_dim3A_420, %select_n3A_414 : vector<32x8192xi1>, vector<32x8192xf32>
    %slice3A_422 = vector.extract_strided_slice %get3A_164 {offsets = [0, 22], sizes = [32, 1], strides = [1, 1]} : vector<32x64xi32> to vector<32x1xi32>
    %eq3A_423 = vector.broadcast %slice3A_422 : vector<32x1xi32> to vector<32x8192xi32>
    %eq3A_424 = arith.cmpi eq, %iota3A, %eq3A_423 : vector<32x8192xi32>
    %slice3A_425 = vector.extract_strided_slice %div3A_161 {offsets = [0, 22], sizes = [32, 1], strides = [1, 1]} : vector<32x64xf32> to vector<32x1xf32>
    %broadcast_in_dim3A_426 = vector.shape_cast %slice3A_425 : vector<32x1xf32> to vector<32x1xf32>
    %broadcast_in_dim3A_427 = vector.broadcast %broadcast_in_dim3A_426 : vector<32x1xf32> to vector<32x8192xf32>
    %select_n3A_428 = arith.select %eq3A_424, %broadcast_in_dim3A_427, %select_n3A_421 : vector<32x8192xi1>, vector<32x8192xf32>
    %slice3A_429 = vector.extract_strided_slice %get3A_164 {offsets = [0, 23], sizes = [32, 1], strides = [1, 1]} : vector<32x64xi32> to vector<32x1xi32>
    %eq3A_430 = vector.broadcast %slice3A_429 : vector<32x1xi32> to vector<32x8192xi32>
    %eq3A_431 = arith.cmpi eq, %iota3A, %eq3A_430 : vector<32x8192xi32>
    %slice3A_432 = vector.extract_strided_slice %div3A_161 {offsets = [0, 23], sizes = [32, 1], strides = [1, 1]} : vector<32x64xf32> to vector<32x1xf32>
    %broadcast_in_dim3A_433 = vector.shape_cast %slice3A_432 : vector<32x1xf32> to vector<32x1xf32>
    %broadcast_in_dim3A_434 = vector.broadcast %broadcast_in_dim3A_433 : vector<32x1xf32> to vector<32x8192xf32>
    %select_n3A_435 = arith.select %eq3A_431, %broadcast_in_dim3A_434, %select_n3A_428 : vector<32x8192xi1>, vector<32x8192xf32>
    %slice3A_436 = vector.extract_strided_slice %get3A_164 {offsets = [0, 24], sizes = [32, 1], strides = [1, 1]} : vector<32x64xi32> to vector<32x1xi32>
    %eq3A_437 = vector.broadcast %slice3A_436 : vector<32x1xi32> to vector<32x8192xi32>
    %eq3A_438 = arith.cmpi eq, %iota3A, %eq3A_437 : vector<32x8192xi32>
    %slice3A_439 = vector.extract_strided_slice %div3A_161 {offsets = [0, 24], sizes = [32, 1], strides = [1, 1]} : vector<32x64xf32> to vector<32x1xf32>
    %broadcast_in_dim3A_440 = vector.shape_cast %slice3A_439 : vector<32x1xf32> to vector<32x1xf32>
    %broadcast_in_dim3A_441 = vector.broadcast %broadcast_in_dim3A_440 : vector<32x1xf32> to vector<32x8192xf32>
    %select_n3A_442 = arith.select %eq3A_438, %broadcast_in_dim3A_441, %select_n3A_435 : vector<32x8192xi1>, vector<32x8192xf32>
    %slice3A_443 = vector.extract_strided_slice %get3A_164 {offsets = [0, 25], sizes = [32, 1], strides = [1, 1]} : vector<32x64xi32> to vector<32x1xi32>
    %eq3A_444 = vector.broadcast %slice3A_443 : vector<32x1xi32> to vector<32x8192xi32>
    %eq3A_445 = arith.cmpi eq, %iota3A, %eq3A_444 : vector<32x8192xi32>
    %slice3A_446 = vector.extract_strided_slice %div3A_161 {offsets = [0, 25], sizes = [32, 1], strides = [1, 1]} : vector<32x64xf32> to vector<32x1xf32>
    %broadcast_in_dim3A_447 = vector.shape_cast %slice3A_446 : vector<32x1xf32> to vector<32x1xf32>
    %broadcast_in_dim3A_448 = vector.broadcast %broadcast_in_dim3A_447 : vector<32x1xf32> to vector<32x8192xf32>
    %select_n3A_449 = arith.select %eq3A_445, %broadcast_in_dim3A_448, %select_n3A_442 : vector<32x8192xi1>, vector<32x8192xf32>
    %slice3A_450 = vector.extract_strided_slice %get3A_164 {offsets = [0, 26], sizes = [32, 1], strides = [1, 1]} : vector<32x64xi32> to vector<32x1xi32>
    %eq3A_451 = vector.broadcast %slice3A_450 : vector<32x1xi32> to vector<32x8192xi32>
    %eq3A_452 = arith.cmpi eq, %iota3A, %eq3A_451 : vector<32x8192xi32>
    %slice3A_453 = vector.extract_strided_slice %div3A_161 {offsets = [0, 26], sizes = [32, 1], strides = [1, 1]} : vector<32x64xf32> to vector<32x1xf32>
    %broadcast_in_dim3A_454 = vector.shape_cast %slice3A_453 : vector<32x1xf32> to vector<32x1xf32>
    %broadcast_in_dim3A_455 = vector.broadcast %broadcast_in_dim3A_454 : vector<32x1xf32> to vector<32x8192xf32>
    %select_n3A_456 = arith.select %eq3A_452, %broadcast_in_dim3A_455, %select_n3A_449 : vector<32x8192xi1>, vector<32x8192xf32>
    %slice3A_457 = vector.extract_strided_slice %get3A_164 {offsets = [0, 27], sizes = [32, 1], strides = [1, 1]} : vector<32x64xi32> to vector<32x1xi32>
    %eq3A_458 = vector.broadcast %slice3A_457 : vector<32x1xi32> to vector<32x8192xi32>
    %eq3A_459 = arith.cmpi eq, %iota3A, %eq3A_458 : vector<32x8192xi32>
    %slice3A_460 = vector.extract_strided_slice %div3A_161 {offsets = [0, 27], sizes = [32, 1], strides = [1, 1]} : vector<32x64xf32> to vector<32x1xf32>
    %broadcast_in_dim3A_461 = vector.shape_cast %slice3A_460 : vector<32x1xf32> to vector<32x1xf32>
    %broadcast_in_dim3A_462 = vector.broadcast %broadcast_in_dim3A_461 : vector<32x1xf32> to vector<32x8192xf32>
    %select_n3A_463 = arith.select %eq3A_459, %broadcast_in_dim3A_462, %select_n3A_456 : vector<32x8192xi1>, vector<32x8192xf32>
    %slice3A_464 = vector.extract_strided_slice %get3A_164 {offsets = [0, 28], sizes = [32, 1], strides = [1, 1]} : vector<32x64xi32> to vector<32x1xi32>
    %eq3A_465 = vector.broadcast %slice3A_464 : vector<32x1xi32> to vector<32x8192xi32>
    %eq3A_466 = arith.cmpi eq, %iota3A, %eq3A_465 : vector<32x8192xi32>
    %slice3A_467 = vector.extract_strided_slice %div3A_161 {offsets = [0, 28], sizes = [32, 1], strides = [1, 1]} : vector<32x64xf32> to vector<32x1xf32>
    %broadcast_in_dim3A_468 = vector.shape_cast %slice3A_467 : vector<32x1xf32> to vector<32x1xf32>
    %broadcast_in_dim3A_469 = vector.broadcast %broadcast_in_dim3A_468 : vector<32x1xf32> to vector<32x8192xf32>
    %select_n3A_470 = arith.select %eq3A_466, %broadcast_in_dim3A_469, %select_n3A_463 : vector<32x8192xi1>, vector<32x8192xf32>
    %slice3A_471 = vector.extract_strided_slice %get3A_164 {offsets = [0, 29], sizes = [32, 1], strides = [1, 1]} : vector<32x64xi32> to vector<32x1xi32>
    %eq3A_472 = vector.broadcast %slice3A_471 : vector<32x1xi32> to vector<32x8192xi32>
    %eq3A_473 = arith.cmpi eq, %iota3A, %eq3A_472 : vector<32x8192xi32>
    %slice3A_474 = vector.extract_strided_slice %div3A_161 {offsets = [0, 29], sizes = [32, 1], strides = [1, 1]} : vector<32x64xf32> to vector<32x1xf32>
    %broadcast_in_dim3A_475 = vector.shape_cast %slice3A_474 : vector<32x1xf32> to vector<32x1xf32>
    %broadcast_in_dim3A_476 = vector.broadcast %broadcast_in_dim3A_475 : vector<32x1xf32> to vector<32x8192xf32>
    %select_n3A_477 = arith.select %eq3A_473, %broadcast_in_dim3A_476, %select_n3A_470 : vector<32x8192xi1>, vector<32x8192xf32>
    %slice3A_478 = vector.extract_strided_slice %get3A_164 {offsets = [0, 30], sizes = [32, 1], strides = [1, 1]} : vector<32x64xi32> to vector<32x1xi32>
    %eq3A_479 = vector.broadcast %slice3A_478 : vector<32x1xi32> to vector<32x8192xi32>
    %eq3A_480 = arith.cmpi eq, %iota3A, %eq3A_479 : vector<32x8192xi32>
    %slice3A_481 = vector.extract_strided_slice %div3A_161 {offsets = [0, 30], sizes = [32, 1], strides = [1, 1]} : vector<32x64xf32> to vector<32x1xf32>
    %broadcast_in_dim3A_482 = vector.shape_cast %slice3A_481 : vector<32x1xf32> to vector<32x1xf32>
    %broadcast_in_dim3A_483 = vector.broadcast %broadcast_in_dim3A_482 : vector<32x1xf32> to vector<32x8192xf32>
    %select_n3A_484 = arith.select %eq3A_480, %broadcast_in_dim3A_483, %select_n3A_477 : vector<32x8192xi1>, vector<32x8192xf32>
    %slice3A_485 = vector.extract_strided_slice %get3A_164 {offsets = [0, 31], sizes = [32, 1], strides = [1, 1]} : vector<32x64xi32> to vector<32x1xi32>
    %eq3A_486 = vector.broadcast %slice3A_485 : vector<32x1xi32> to vector<32x8192xi32>
    %eq3A_487 = arith.cmpi eq, %iota3A, %eq3A_486 : vector<32x8192xi32>
    %slice3A_488 = vector.extract_strided_slice %div3A_161 {offsets = [0, 31], sizes = [32, 1], strides = [1, 1]} : vector<32x64xf32> to vector<32x1xf32>
    %broadcast_in_dim3A_489 = vector.shape_cast %slice3A_488 : vector<32x1xf32> to vector<32x1xf32>
    %broadcast_in_dim3A_490 = vector.broadcast %broadcast_in_dim3A_489 : vector<32x1xf32> to vector<32x8192xf32>
    %select_n3A_491 = arith.select %eq3A_487, %broadcast_in_dim3A_490, %select_n3A_484 : vector<32x8192xi1>, vector<32x8192xf32>
    %slice3A_492 = vector.extract_strided_slice %get3A_164 {offsets = [0, 32], sizes = [32, 1], strides = [1, 1]} : vector<32x64xi32> to vector<32x1xi32>
    %eq3A_493 = vector.broadcast %slice3A_492 : vector<32x1xi32> to vector<32x8192xi32>
    %eq3A_494 = arith.cmpi eq, %iota3A, %eq3A_493 : vector<32x8192xi32>
    %slice3A_495 = vector.extract_strided_slice %div3A_161 {offsets = [0, 32], sizes = [32, 1], strides = [1, 1]} : vector<32x64xf32> to vector<32x1xf32>
    %broadcast_in_dim3A_496 = vector.shape_cast %slice3A_495 : vector<32x1xf32> to vector<32x1xf32>
    %broadcast_in_dim3A_497 = vector.broadcast %broadcast_in_dim3A_496 : vector<32x1xf32> to vector<32x8192xf32>
    %select_n3A_498 = arith.select %eq3A_494, %broadcast_in_dim3A_497, %select_n3A_491 : vector<32x8192xi1>, vector<32x8192xf32>
    %slice3A_499 = vector.extract_strided_slice %get3A_164 {offsets = [0, 33], sizes = [32, 1], strides = [1, 1]} : vector<32x64xi32> to vector<32x1xi32>
    %eq3A_500 = vector.broadcast %slice3A_499 : vector<32x1xi32> to vector<32x8192xi32>
    %eq3A_501 = arith.cmpi eq, %iota3A, %eq3A_500 : vector<32x8192xi32>
    %slice3A_502 = vector.extract_strided_slice %div3A_161 {offsets = [0, 33], sizes = [32, 1], strides = [1, 1]} : vector<32x64xf32> to vector<32x1xf32>
    %broadcast_in_dim3A_503 = vector.shape_cast %slice3A_502 : vector<32x1xf32> to vector<32x1xf32>
    %broadcast_in_dim3A_504 = vector.broadcast %broadcast_in_dim3A_503 : vector<32x1xf32> to vector<32x8192xf32>
    %select_n3A_505 = arith.select %eq3A_501, %broadcast_in_dim3A_504, %select_n3A_498 : vector<32x8192xi1>, vector<32x8192xf32>
    %slice3A_506 = vector.extract_strided_slice %get3A_164 {offsets = [0, 34], sizes = [32, 1], strides = [1, 1]} : vector<32x64xi32> to vector<32x1xi32>
    %eq3A_507 = vector.broadcast %slice3A_506 : vector<32x1xi32> to vector<32x8192xi32>
    %eq3A_508 = arith.cmpi eq, %iota3A, %eq3A_507 : vector<32x8192xi32>
    %slice3A_509 = vector.extract_strided_slice %div3A_161 {offsets = [0, 34], sizes = [32, 1], strides = [1, 1]} : vector<32x64xf32> to vector<32x1xf32>
    %broadcast_in_dim3A_510 = vector.shape_cast %slice3A_509 : vector<32x1xf32> to vector<32x1xf32>
    %broadcast_in_dim3A_511 = vector.broadcast %broadcast_in_dim3A_510 : vector<32x1xf32> to vector<32x8192xf32>
    %select_n3A_512 = arith.select %eq3A_508, %broadcast_in_dim3A_511, %select_n3A_505 : vector<32x8192xi1>, vector<32x8192xf32>
    %slice3A_513 = vector.extract_strided_slice %get3A_164 {offsets = [0, 35], sizes = [32, 1], strides = [1, 1]} : vector<32x64xi32> to vector<32x1xi32>
    %eq3A_514 = vector.broadcast %slice3A_513 : vector<32x1xi32> to vector<32x8192xi32>
    %eq3A_515 = arith.cmpi eq, %iota3A, %eq3A_514 : vector<32x8192xi32>
    %slice3A_516 = vector.extract_strided_slice %div3A_161 {offsets = [0, 35], sizes = [32, 1], strides = [1, 1]} : vector<32x64xf32> to vector<32x1xf32>
    %broadcast_in_dim3A_517 = vector.shape_cast %slice3A_516 : vector<32x1xf32> to vector<32x1xf32>
    %broadcast_in_dim3A_518 = vector.broadcast %broadcast_in_dim3A_517 : vector<32x1xf32> to vector<32x8192xf32>
    %select_n3A_519 = arith.select %eq3A_515, %broadcast_in_dim3A_518, %select_n3A_512 : vector<32x8192xi1>, vector<32x8192xf32>
    %slice3A_520 = vector.extract_strided_slice %get3A_164 {offsets = [0, 36], sizes = [32, 1], strides = [1, 1]} : vector<32x64xi32> to vector<32x1xi32>
    %eq3A_521 = vector.broadcast %slice3A_520 : vector<32x1xi32> to vector<32x8192xi32>
    %eq3A_522 = arith.cmpi eq, %iota3A, %eq3A_521 : vector<32x8192xi32>
    %slice3A_523 = vector.extract_strided_slice %div3A_161 {offsets = [0, 36], sizes = [32, 1], strides = [1, 1]} : vector<32x64xf32> to vector<32x1xf32>
    %broadcast_in_dim3A_524 = vector.shape_cast %slice3A_523 : vector<32x1xf32> to vector<32x1xf32>
    %broadcast_in_dim3A_525 = vector.broadcast %broadcast_in_dim3A_524 : vector<32x1xf32> to vector<32x8192xf32>
    %select_n3A_526 = arith.select %eq3A_522, %broadcast_in_dim3A_525, %select_n3A_519 : vector<32x8192xi1>, vector<32x8192xf32>
    %slice3A_527 = vector.extract_strided_slice %get3A_164 {offsets = [0, 37], sizes = [32, 1], strides = [1, 1]} : vector<32x64xi32> to vector<32x1xi32>
    %eq3A_528 = vector.broadcast %slice3A_527 : vector<32x1xi32> to vector<32x8192xi32>
    %eq3A_529 = arith.cmpi eq, %iota3A, %eq3A_528 : vector<32x8192xi32>
    %slice3A_530 = vector.extract_strided_slice %div3A_161 {offsets = [0, 37], sizes = [32, 1], strides = [1, 1]} : vector<32x64xf32> to vector<32x1xf32>
    %broadcast_in_dim3A_531 = vector.shape_cast %slice3A_530 : vector<32x1xf32> to vector<32x1xf32>
    %broadcast_in_dim3A_532 = vector.broadcast %broadcast_in_dim3A_531 : vector<32x1xf32> to vector<32x8192xf32>
    %select_n3A_533 = arith.select %eq3A_529, %broadcast_in_dim3A_532, %select_n3A_526 : vector<32x8192xi1>, vector<32x8192xf32>
    %slice3A_534 = vector.extract_strided_slice %get3A_164 {offsets = [0, 38], sizes = [32, 1], strides = [1, 1]} : vector<32x64xi32> to vector<32x1xi32>
    %eq3A_535 = vector.broadcast %slice3A_534 : vector<32x1xi32> to vector<32x8192xi32>
    %eq3A_536 = arith.cmpi eq, %iota3A, %eq3A_535 : vector<32x8192xi32>
    %slice3A_537 = vector.extract_strided_slice %div3A_161 {offsets = [0, 38], sizes = [32, 1], strides = [1, 1]} : vector<32x64xf32> to vector<32x1xf32>
    %broadcast_in_dim3A_538 = vector.shape_cast %slice3A_537 : vector<32x1xf32> to vector<32x1xf32>
    %broadcast_in_dim3A_539 = vector.broadcast %broadcast_in_dim3A_538 : vector<32x1xf32> to vector<32x8192xf32>
    %select_n3A_540 = arith.select %eq3A_536, %broadcast_in_dim3A_539, %select_n3A_533 : vector<32x8192xi1>, vector<32x8192xf32>
    %slice3A_541 = vector.extract_strided_slice %get3A_164 {offsets = [0, 39], sizes = [32, 1], strides = [1, 1]} : vector<32x64xi32> to vector<32x1xi32>
    %eq3A_542 = vector.broadcast %slice3A_541 : vector<32x1xi32> to vector<32x8192xi32>
    %eq3A_543 = arith.cmpi eq, %iota3A, %eq3A_542 : vector<32x8192xi32>
    %slice3A_544 = vector.extract_strided_slice %div3A_161 {offsets = [0, 39], sizes = [32, 1], strides = [1, 1]} : vector<32x64xf32> to vector<32x1xf32>
    %broadcast_in_dim3A_545 = vector.shape_cast %slice3A_544 : vector<32x1xf32> to vector<32x1xf32>
    %broadcast_in_dim3A_546 = vector.broadcast %broadcast_in_dim3A_545 : vector<32x1xf32> to vector<32x8192xf32>
    %select_n3A_547 = arith.select %eq3A_543, %broadcast_in_dim3A_546, %select_n3A_540 : vector<32x8192xi1>, vector<32x8192xf32>
    %slice3A_548 = vector.extract_strided_slice %get3A_164 {offsets = [0, 40], sizes = [32, 1], strides = [1, 1]} : vector<32x64xi32> to vector<32x1xi32>
    %eq3A_549 = vector.broadcast %slice3A_548 : vector<32x1xi32> to vector<32x8192xi32>
    %eq3A_550 = arith.cmpi eq, %iota3A, %eq3A_549 : vector<32x8192xi32>
    %slice3A_551 = vector.extract_strided_slice %div3A_161 {offsets = [0, 40], sizes = [32, 1], strides = [1, 1]} : vector<32x64xf32> to vector<32x1xf32>
    %broadcast_in_dim3A_552 = vector.shape_cast %slice3A_551 : vector<32x1xf32> to vector<32x1xf32>
    %broadcast_in_dim3A_553 = vector.broadcast %broadcast_in_dim3A_552 : vector<32x1xf32> to vector<32x8192xf32>
    %select_n3A_554 = arith.select %eq3A_550, %broadcast_in_dim3A_553, %select_n3A_547 : vector<32x8192xi1>, vector<32x8192xf32>
    %slice3A_555 = vector.extract_strided_slice %get3A_164 {offsets = [0, 41], sizes = [32, 1], strides = [1, 1]} : vector<32x64xi32> to vector<32x1xi32>
    %eq3A_556 = vector.broadcast %slice3A_555 : vector<32x1xi32> to vector<32x8192xi32>
    %eq3A_557 = arith.cmpi eq, %iota3A, %eq3A_556 : vector<32x8192xi32>
    %slice3A_558 = vector.extract_strided_slice %div3A_161 {offsets = [0, 41], sizes = [32, 1], strides = [1, 1]} : vector<32x64xf32> to vector<32x1xf32>
    %broadcast_in_dim3A_559 = vector.shape_cast %slice3A_558 : vector<32x1xf32> to vector<32x1xf32>
    %broadcast_in_dim3A_560 = vector.broadcast %broadcast_in_dim3A_559 : vector<32x1xf32> to vector<32x8192xf32>
    %select_n3A_561 = arith.select %eq3A_557, %broadcast_in_dim3A_560, %select_n3A_554 : vector<32x8192xi1>, vector<32x8192xf32>
    %slice3A_562 = vector.extract_strided_slice %get3A_164 {offsets = [0, 42], sizes = [32, 1], strides = [1, 1]} : vector<32x64xi32> to vector<32x1xi32>
    %eq3A_563 = vector.broadcast %slice3A_562 : vector<32x1xi32> to vector<32x8192xi32>
    %eq3A_564 = arith.cmpi eq, %iota3A, %eq3A_563 : vector<32x8192xi32>
    %slice3A_565 = vector.extract_strided_slice %div3A_161 {offsets = [0, 42], sizes = [32, 1], strides = [1, 1]} : vector<32x64xf32> to vector<32x1xf32>
    %broadcast_in_dim3A_566 = vector.shape_cast %slice3A_565 : vector<32x1xf32> to vector<32x1xf32>
    %broadcast_in_dim3A_567 = vector.broadcast %broadcast_in_dim3A_566 : vector<32x1xf32> to vector<32x8192xf32>
    %select_n3A_568 = arith.select %eq3A_564, %broadcast_in_dim3A_567, %select_n3A_561 : vector<32x8192xi1>, vector<32x8192xf32>
    %slice3A_569 = vector.extract_strided_slice %get3A_164 {offsets = [0, 43], sizes = [32, 1], strides = [1, 1]} : vector<32x64xi32> to vector<32x1xi32>
    %eq3A_570 = vector.broadcast %slice3A_569 : vector<32x1xi32> to vector<32x8192xi32>
    %eq3A_571 = arith.cmpi eq, %iota3A, %eq3A_570 : vector<32x8192xi32>
    %slice3A_572 = vector.extract_strided_slice %div3A_161 {offsets = [0, 43], sizes = [32, 1], strides = [1, 1]} : vector<32x64xf32> to vector<32x1xf32>
    %broadcast_in_dim3A_573 = vector.shape_cast %slice3A_572 : vector<32x1xf32> to vector<32x1xf32>
    %broadcast_in_dim3A_574 = vector.broadcast %broadcast_in_dim3A_573 : vector<32x1xf32> to vector<32x8192xf32>
    %select_n3A_575 = arith.select %eq3A_571, %broadcast_in_dim3A_574, %select_n3A_568 : vector<32x8192xi1>, vector<32x8192xf32>
    %slice3A_576 = vector.extract_strided_slice %get3A_164 {offsets = [0, 44], sizes = [32, 1], strides = [1, 1]} : vector<32x64xi32> to vector<32x1xi32>
    %eq3A_577 = vector.broadcast %slice3A_576 : vector<32x1xi32> to vector<32x8192xi32>
    %eq3A_578 = arith.cmpi eq, %iota3A, %eq3A_577 : vector<32x8192xi32>
    %slice3A_579 = vector.extract_strided_slice %div3A_161 {offsets = [0, 44], sizes = [32, 1], strides = [1, 1]} : vector<32x64xf32> to vector<32x1xf32>
    %broadcast_in_dim3A_580 = vector.shape_cast %slice3A_579 : vector<32x1xf32> to vector<32x1xf32>
    %broadcast_in_dim3A_581 = vector.broadcast %broadcast_in_dim3A_580 : vector<32x1xf32> to vector<32x8192xf32>
    %select_n3A_582 = arith.select %eq3A_578, %broadcast_in_dim3A_581, %select_n3A_575 : vector<32x8192xi1>, vector<32x8192xf32>
    %slice3A_583 = vector.extract_strided_slice %get3A_164 {offsets = [0, 45], sizes = [32, 1], strides = [1, 1]} : vector<32x64xi32> to vector<32x1xi32>
    %eq3A_584 = vector.broadcast %slice3A_583 : vector<32x1xi32> to vector<32x8192xi32>
    %eq3A_585 = arith.cmpi eq, %iota3A, %eq3A_584 : vector<32x8192xi32>
    %slice3A_586 = vector.extract_strided_slice %div3A_161 {offsets = [0, 45], sizes = [32, 1], strides = [1, 1]} : vector<32x64xf32> to vector<32x1xf32>
    %broadcast_in_dim3A_587 = vector.shape_cast %slice3A_586 : vector<32x1xf32> to vector<32x1xf32>
    %broadcast_in_dim3A_588 = vector.broadcast %broadcast_in_dim3A_587 : vector<32x1xf32> to vector<32x8192xf32>
    %select_n3A_589 = arith.select %eq3A_585, %broadcast_in_dim3A_588, %select_n3A_582 : vector<32x8192xi1>, vector<32x8192xf32>
    %slice3A_590 = vector.extract_strided_slice %get3A_164 {offsets = [0, 46], sizes = [32, 1], strides = [1, 1]} : vector<32x64xi32> to vector<32x1xi32>
    %eq3A_591 = vector.broadcast %slice3A_590 : vector<32x1xi32> to vector<32x8192xi32>
    %eq3A_592 = arith.cmpi eq, %iota3A, %eq3A_591 : vector<32x8192xi32>
    %slice3A_593 = vector.extract_strided_slice %div3A_161 {offsets = [0, 46], sizes = [32, 1], strides = [1, 1]} : vector<32x64xf32> to vector<32x1xf32>
    %broadcast_in_dim3A_594 = vector.shape_cast %slice3A_593 : vector<32x1xf32> to vector<32x1xf32>
    %broadcast_in_dim3A_595 = vector.broadcast %broadcast_in_dim3A_594 : vector<32x1xf32> to vector<32x8192xf32>
    %select_n3A_596 = arith.select %eq3A_592, %broadcast_in_dim3A_595, %select_n3A_589 : vector<32x8192xi1>, vector<32x8192xf32>
    %slice3A_597 = vector.extract_strided_slice %get3A_164 {offsets = [0, 47], sizes = [32, 1], strides = [1, 1]} : vector<32x64xi32> to vector<32x1xi32>
    %eq3A_598 = vector.broadcast %slice3A_597 : vector<32x1xi32> to vector<32x8192xi32>
    %eq3A_599 = arith.cmpi eq, %iota3A, %eq3A_598 : vector<32x8192xi32>
    %slice3A_600 = vector.extract_strided_slice %div3A_161 {offsets = [0, 47], sizes = [32, 1], strides = [1, 1]} : vector<32x64xf32> to vector<32x1xf32>
    %broadcast_in_dim3A_601 = vector.shape_cast %slice3A_600 : vector<32x1xf32> to vector<32x1xf32>
    %broadcast_in_dim3A_602 = vector.broadcast %broadcast_in_dim3A_601 : vector<32x1xf32> to vector<32x8192xf32>
    %select_n3A_603 = arith.select %eq3A_599, %broadcast_in_dim3A_602, %select_n3A_596 : vector<32x8192xi1>, vector<32x8192xf32>
    %slice3A_604 = vector.extract_strided_slice %get3A_164 {offsets = [0, 48], sizes = [32, 1], strides = [1, 1]} : vector<32x64xi32> to vector<32x1xi32>
    %eq3A_605 = vector.broadcast %slice3A_604 : vector<32x1xi32> to vector<32x8192xi32>
    %eq3A_606 = arith.cmpi eq, %iota3A, %eq3A_605 : vector<32x8192xi32>
    %slice3A_607 = vector.extract_strided_slice %div3A_161 {offsets = [0, 48], sizes = [32, 1], strides = [1, 1]} : vector<32x64xf32> to vector<32x1xf32>
    %broadcast_in_dim3A_608 = vector.shape_cast %slice3A_607 : vector<32x1xf32> to vector<32x1xf32>
    %broadcast_in_dim3A_609 = vector.broadcast %broadcast_in_dim3A_608 : vector<32x1xf32> to vector<32x8192xf32>
    %select_n3A_610 = arith.select %eq3A_606, %broadcast_in_dim3A_609, %select_n3A_603 : vector<32x8192xi1>, vector<32x8192xf32>
    %slice3A_611 = vector.extract_strided_slice %get3A_164 {offsets = [0, 49], sizes = [32, 1], strides = [1, 1]} : vector<32x64xi32> to vector<32x1xi32>
    %eq3A_612 = vector.broadcast %slice3A_611 : vector<32x1xi32> to vector<32x8192xi32>
    %eq3A_613 = arith.cmpi eq, %iota3A, %eq3A_612 : vector<32x8192xi32>
    %slice3A_614 = vector.extract_strided_slice %div3A_161 {offsets = [0, 49], sizes = [32, 1], strides = [1, 1]} : vector<32x64xf32> to vector<32x1xf32>
    %broadcast_in_dim3A_615 = vector.shape_cast %slice3A_614 : vector<32x1xf32> to vector<32x1xf32>
    %broadcast_in_dim3A_616 = vector.broadcast %broadcast_in_dim3A_615 : vector<32x1xf32> to vector<32x8192xf32>
    %select_n3A_617 = arith.select %eq3A_613, %broadcast_in_dim3A_616, %select_n3A_610 : vector<32x8192xi1>, vector<32x8192xf32>
    %slice3A_618 = vector.extract_strided_slice %get3A_164 {offsets = [0, 50], sizes = [32, 1], strides = [1, 1]} : vector<32x64xi32> to vector<32x1xi32>
    %eq3A_619 = vector.broadcast %slice3A_618 : vector<32x1xi32> to vector<32x8192xi32>
    %eq3A_620 = arith.cmpi eq, %iota3A, %eq3A_619 : vector<32x8192xi32>
    %slice3A_621 = vector.extract_strided_slice %div3A_161 {offsets = [0, 50], sizes = [32, 1], strides = [1, 1]} : vector<32x64xf32> to vector<32x1xf32>
    %broadcast_in_dim3A_622 = vector.shape_cast %slice3A_621 : vector<32x1xf32> to vector<32x1xf32>
    %broadcast_in_dim3A_623 = vector.broadcast %broadcast_in_dim3A_622 : vector<32x1xf32> to vector<32x8192xf32>
    %select_n3A_624 = arith.select %eq3A_620, %broadcast_in_dim3A_623, %select_n3A_617 : vector<32x8192xi1>, vector<32x8192xf32>
    %slice3A_625 = vector.extract_strided_slice %get3A_164 {offsets = [0, 51], sizes = [32, 1], strides = [1, 1]} : vector<32x64xi32> to vector<32x1xi32>
    %eq3A_626 = vector.broadcast %slice3A_625 : vector<32x1xi32> to vector<32x8192xi32>
    %eq3A_627 = arith.cmpi eq, %iota3A, %eq3A_626 : vector<32x8192xi32>
    %slice3A_628 = vector.extract_strided_slice %div3A_161 {offsets = [0, 51], sizes = [32, 1], strides = [1, 1]} : vector<32x64xf32> to vector<32x1xf32>
    %broadcast_in_dim3A_629 = vector.shape_cast %slice3A_628 : vector<32x1xf32> to vector<32x1xf32>
    %broadcast_in_dim3A_630 = vector.broadcast %broadcast_in_dim3A_629 : vector<32x1xf32> to vector<32x8192xf32>
    %select_n3A_631 = arith.select %eq3A_627, %broadcast_in_dim3A_630, %select_n3A_624 : vector<32x8192xi1>, vector<32x8192xf32>
    %slice3A_632 = vector.extract_strided_slice %get3A_164 {offsets = [0, 52], sizes = [32, 1], strides = [1, 1]} : vector<32x64xi32> to vector<32x1xi32>
    %eq3A_633 = vector.broadcast %slice3A_632 : vector<32x1xi32> to vector<32x8192xi32>
    %eq3A_634 = arith.cmpi eq, %iota3A, %eq3A_633 : vector<32x8192xi32>
    %slice3A_635 = vector.extract_strided_slice %div3A_161 {offsets = [0, 52], sizes = [32, 1], strides = [1, 1]} : vector<32x64xf32> to vector<32x1xf32>
    %broadcast_in_dim3A_636 = vector.shape_cast %slice3A_635 : vector<32x1xf32> to vector<32x1xf32>
    %broadcast_in_dim3A_637 = vector.broadcast %broadcast_in_dim3A_636 : vector<32x1xf32> to vector<32x8192xf32>
    %select_n3A_638 = arith.select %eq3A_634, %broadcast_in_dim3A_637, %select_n3A_631 : vector<32x8192xi1>, vector<32x8192xf32>
    %slice3A_639 = vector.extract_strided_slice %get3A_164 {offsets = [0, 53], sizes = [32, 1], strides = [1, 1]} : vector<32x64xi32> to vector<32x1xi32>
    %eq3A_640 = vector.broadcast %slice3A_639 : vector<32x1xi32> to vector<32x8192xi32>
    %eq3A_641 = arith.cmpi eq, %iota3A, %eq3A_640 : vector<32x8192xi32>
    %slice3A_642 = vector.extract_strided_slice %div3A_161 {offsets = [0, 53], sizes = [32, 1], strides = [1, 1]} : vector<32x64xf32> to vector<32x1xf32>
    %broadcast_in_dim3A_643 = vector.shape_cast %slice3A_642 : vector<32x1xf32> to vector<32x1xf32>
    %broadcast_in_dim3A_644 = vector.broadcast %broadcast_in_dim3A_643 : vector<32x1xf32> to vector<32x8192xf32>
    %select_n3A_645 = arith.select %eq3A_641, %broadcast_in_dim3A_644, %select_n3A_638 : vector<32x8192xi1>, vector<32x8192xf32>
    %slice3A_646 = vector.extract_strided_slice %get3A_164 {offsets = [0, 54], sizes = [32, 1], strides = [1, 1]} : vector<32x64xi32> to vector<32x1xi32>
    %eq3A_647 = vector.broadcast %slice3A_646 : vector<32x1xi32> to vector<32x8192xi32>
    %eq3A_648 = arith.cmpi eq, %iota3A, %eq3A_647 : vector<32x8192xi32>
    %slice3A_649 = vector.extract_strided_slice %div3A_161 {offsets = [0, 54], sizes = [32, 1], strides = [1, 1]} : vector<32x64xf32> to vector<32x1xf32>
    %broadcast_in_dim3A_650 = vector.shape_cast %slice3A_649 : vector<32x1xf32> to vector<32x1xf32>
    %broadcast_in_dim3A_651 = vector.broadcast %broadcast_in_dim3A_650 : vector<32x1xf32> to vector<32x8192xf32>
    %select_n3A_652 = arith.select %eq3A_648, %broadcast_in_dim3A_651, %select_n3A_645 : vector<32x8192xi1>, vector<32x8192xf32>
    %slice3A_653 = vector.extract_strided_slice %get3A_164 {offsets = [0, 55], sizes = [32, 1], strides = [1, 1]} : vector<32x64xi32> to vector<32x1xi32>
    %eq3A_654 = vector.broadcast %slice3A_653 : vector<32x1xi32> to vector<32x8192xi32>
    %eq3A_655 = arith.cmpi eq, %iota3A, %eq3A_654 : vector<32x8192xi32>
    %slice3A_656 = vector.extract_strided_slice %div3A_161 {offsets = [0, 55], sizes = [32, 1], strides = [1, 1]} : vector<32x64xf32> to vector<32x1xf32>
    %broadcast_in_dim3A_657 = vector.shape_cast %slice3A_656 : vector<32x1xf32> to vector<32x1xf32>
    %broadcast_in_dim3A_658 = vector.broadcast %broadcast_in_dim3A_657 : vector<32x1xf32> to vector<32x8192xf32>
    %select_n3A_659 = arith.select %eq3A_655, %broadcast_in_dim3A_658, %select_n3A_652 : vector<32x8192xi1>, vector<32x8192xf32>
    %slice3A_660 = vector.extract_strided_slice %get3A_164 {offsets = [0, 56], sizes = [32, 1], strides = [1, 1]} : vector<32x64xi32> to vector<32x1xi32>
    %eq3A_661 = vector.broadcast %slice3A_660 : vector<32x1xi32> to vector<32x8192xi32>
    %eq3A_662 = arith.cmpi eq, %iota3A, %eq3A_661 : vector<32x8192xi32>
    %slice3A_663 = vector.extract_strided_slice %div3A_161 {offsets = [0, 56], sizes = [32, 1], strides = [1, 1]} : vector<32x64xf32> to vector<32x1xf32>
    %broadcast_in_dim3A_664 = vector.shape_cast %slice3A_663 : vector<32x1xf32> to vector<32x1xf32>
    %broadcast_in_dim3A_665 = vector.broadcast %broadcast_in_dim3A_664 : vector<32x1xf32> to vector<32x8192xf32>
    %select_n3A_666 = arith.select %eq3A_662, %broadcast_in_dim3A_665, %select_n3A_659 : vector<32x8192xi1>, vector<32x8192xf32>
    %slice3A_667 = vector.extract_strided_slice %get3A_164 {offsets = [0, 57], sizes = [32, 1], strides = [1, 1]} : vector<32x64xi32> to vector<32x1xi32>
    %eq3A_668 = vector.broadcast %slice3A_667 : vector<32x1xi32> to vector<32x8192xi32>
    %eq3A_669 = arith.cmpi eq, %iota3A, %eq3A_668 : vector<32x8192xi32>
    %slice3A_670 = vector.extract_strided_slice %div3A_161 {offsets = [0, 57], sizes = [32, 1], strides = [1, 1]} : vector<32x64xf32> to vector<32x1xf32>
    %broadcast_in_dim3A_671 = vector.shape_cast %slice3A_670 : vector<32x1xf32> to vector<32x1xf32>
    %broadcast_in_dim3A_672 = vector.broadcast %broadcast_in_dim3A_671 : vector<32x1xf32> to vector<32x8192xf32>
    %select_n3A_673 = arith.select %eq3A_669, %broadcast_in_dim3A_672, %select_n3A_666 : vector<32x8192xi1>, vector<32x8192xf32>
    %slice3A_674 = vector.extract_strided_slice %get3A_164 {offsets = [0, 58], sizes = [32, 1], strides = [1, 1]} : vector<32x64xi32> to vector<32x1xi32>
    %eq3A_675 = vector.broadcast %slice3A_674 : vector<32x1xi32> to vector<32x8192xi32>
    %eq3A_676 = arith.cmpi eq, %iota3A, %eq3A_675 : vector<32x8192xi32>
    %slice3A_677 = vector.extract_strided_slice %div3A_161 {offsets = [0, 58], sizes = [32, 1], strides = [1, 1]} : vector<32x64xf32> to vector<32x1xf32>
    %broadcast_in_dim3A_678 = vector.shape_cast %slice3A_677 : vector<32x1xf32> to vector<32x1xf32>
    %broadcast_in_dim3A_679 = vector.broadcast %broadcast_in_dim3A_678 : vector<32x1xf32> to vector<32x8192xf32>
    %select_n3A_680 = arith.select %eq3A_676, %broadcast_in_dim3A_679, %select_n3A_673 : vector<32x8192xi1>, vector<32x8192xf32>
    %slice3A_681 = vector.extract_strided_slice %get3A_164 {offsets = [0, 59], sizes = [32, 1], strides = [1, 1]} : vector<32x64xi32> to vector<32x1xi32>
    %eq3A_682 = vector.broadcast %slice3A_681 : vector<32x1xi32> to vector<32x8192xi32>
    %eq3A_683 = arith.cmpi eq, %iota3A, %eq3A_682 : vector<32x8192xi32>
    %slice3A_684 = vector.extract_strided_slice %div3A_161 {offsets = [0, 59], sizes = [32, 1], strides = [1, 1]} : vector<32x64xf32> to vector<32x1xf32>
    %broadcast_in_dim3A_685 = vector.shape_cast %slice3A_684 : vector<32x1xf32> to vector<32x1xf32>
    %broadcast_in_dim3A_686 = vector.broadcast %broadcast_in_dim3A_685 : vector<32x1xf32> to vector<32x8192xf32>
    %select_n3A_687 = arith.select %eq3A_683, %broadcast_in_dim3A_686, %select_n3A_680 : vector<32x8192xi1>, vector<32x8192xf32>
    %slice3A_688 = vector.extract_strided_slice %get3A_164 {offsets = [0, 60], sizes = [32, 1], strides = [1, 1]} : vector<32x64xi32> to vector<32x1xi32>
    %eq3A_689 = vector.broadcast %slice3A_688 : vector<32x1xi32> to vector<32x8192xi32>
    %eq3A_690 = arith.cmpi eq, %iota3A, %eq3A_689 : vector<32x8192xi32>
    %slice3A_691 = vector.extract_strided_slice %div3A_161 {offsets = [0, 60], sizes = [32, 1], strides = [1, 1]} : vector<32x64xf32> to vector<32x1xf32>
    %broadcast_in_dim3A_692 = vector.shape_cast %slice3A_691 : vector<32x1xf32> to vector<32x1xf32>
    %broadcast_in_dim3A_693 = vector.broadcast %broadcast_in_dim3A_692 : vector<32x1xf32> to vector<32x8192xf32>
    %select_n3A_694 = arith.select %eq3A_690, %broadcast_in_dim3A_693, %select_n3A_687 : vector<32x8192xi1>, vector<32x8192xf32>
    %slice3A_695 = vector.extract_strided_slice %get3A_164 {offsets = [0, 61], sizes = [32, 1], strides = [1, 1]} : vector<32x64xi32> to vector<32x1xi32>
    %eq3A_696 = vector.broadcast %slice3A_695 : vector<32x1xi32> to vector<32x8192xi32>
    %eq3A_697 = arith.cmpi eq, %iota3A, %eq3A_696 : vector<32x8192xi32>
    %slice3A_698 = vector.extract_strided_slice %div3A_161 {offsets = [0, 61], sizes = [32, 1], strides = [1, 1]} : vector<32x64xf32> to vector<32x1xf32>
    %broadcast_in_dim3A_699 = vector.shape_cast %slice3A_698 : vector<32x1xf32> to vector<32x1xf32>
    %broadcast_in_dim3A_700 = vector.broadcast %broadcast_in_dim3A_699 : vector<32x1xf32> to vector<32x8192xf32>
    %select_n3A_701 = arith.select %eq3A_697, %broadcast_in_dim3A_700, %select_n3A_694 : vector<32x8192xi1>, vector<32x8192xf32>
    %slice3A_702 = vector.extract_strided_slice %get3A_164 {offsets = [0, 62], sizes = [32, 1], strides = [1, 1]} : vector<32x64xi32> to vector<32x1xi32>
    %eq3A_703 = vector.broadcast %slice3A_702 : vector<32x1xi32> to vector<32x8192xi32>
    %eq3A_704 = arith.cmpi eq, %iota3A, %eq3A_703 : vector<32x8192xi32>
    %slice3A_705 = vector.extract_strided_slice %div3A_161 {offsets = [0, 62], sizes = [32, 1], strides = [1, 1]} : vector<32x64xf32> to vector<32x1xf32>
    %broadcast_in_dim3A_706 = vector.shape_cast %slice3A_705 : vector<32x1xf32> to vector<32x1xf32>
    %broadcast_in_dim3A_707 = vector.broadcast %broadcast_in_dim3A_706 : vector<32x1xf32> to vector<32x8192xf32>
    %select_n3A_708 = arith.select %eq3A_704, %broadcast_in_dim3A_707, %select_n3A_701 : vector<32x8192xi1>, vector<32x8192xf32>
    %slice3A_709 = vector.extract_strided_slice %get3A_164 {offsets = [0, 63], sizes = [32, 1], strides = [1, 1]} : vector<32x64xi32> to vector<32x1xi32>
    %eq3A_710 = vector.broadcast %slice3A_709 : vector<32x1xi32> to vector<32x8192xi32>
    %eq3A_711 = arith.cmpi eq, %iota3A, %eq3A_710 : vector<32x8192xi32>
    %slice3A_712 = vector.extract_strided_slice %div3A_161 {offsets = [0, 63], sizes = [32, 1], strides = [1, 1]} : vector<32x64xf32> to vector<32x1xf32>
    %broadcast_in_dim3A_713 = vector.shape_cast %slice3A_712 : vector<32x1xf32> to vector<32x1xf32>
    %broadcast_in_dim3A_714 = vector.broadcast %broadcast_in_dim3A_713 : vector<32x1xf32> to vector<32x8192xf32>
    %select_n3A_715 = arith.select %eq3A_711, %broadcast_in_dim3A_714, %select_n3A_708 : vector<32x8192xi1>, vector<32x8192xf32>
    %swap3A_716 = arith.constant 0 : index
    %swap3A_717 = arith.constant 0 : index
    %swap3A_718 = vector.load %arg16[%swap3A_716, %swap3A_717] : memref<32x8192xf32, #tpu.memory_space<vmem>>, vector<32x8192xf32>
    tpu.vector_store %arg16[%swap3A_716, %swap3A_717], %select_n3A_715 {strides = array<i32>} : memref<32x8192xf32, #tpu.memory_space<vmem>>, vector<32x8192xf32>,
    return
  }
}

</mosaic_0001>

<sc_bundles>
// kernel: kernel.13.cloned.1.call-start
scs
__scs_entry_jumppad:
0x0: {  	(pc) =	sbr.rel $0x88, $3  }
0x1: {  	(tag) =	ssettag $0x0;
	lr =	simm.s32 $0x1  }
0x2: {  	[smem:$0x3F8C] =	sst lr;
	_ =	strace $0xD0000000  }
0x3: {  	_ = 	snop  }
0x4: {  	_ = 	snop  }
0x5: {  	_ = 	snop  }
0x6: {  	_ = 	snop  }
0x7: {  	_ = 	snop  }
__scs_overlays_trampoline_lowered:
0x8: {  	[smem:$0x3F9B] =	sst s0  }
0x9: {  	[smem:$0x3F9C] =	sst s1  }
0xa: {  	[smem:$0x3F9D] =	sst s2  }
0xb: {  	[smem:$0x3F9E] =	sst s3  }
0xc: {  	[smem:$0x3F9F] =	sst s4  }
0xd: {  	[smem:$0x3FA0] =	sst s5  }
0xe: {  	[smem:$0x3FA1] =	sst s6  }
0xf: {  	[smem:$0x3FA2] =	sst s7  }
0x10: {  	[smem:$0x3FA3] =	sst s8  }
0x11: {  	[smem:$0x3FA4] =	sst s9;
	s0 =	simm.s32 @!p0 $0x0  }
0x12: {  	s1 =	sld [smem:$0x3F8A];
	s0 =	simm.s32 @p0 $0x1  }
0x13: {  	[smem:$0x3FA5] =	sst s0;
	s0 =	simm.s32 @!p1 $0x0  }
0x14: {  	s2 =	sld [smem:$0x3F89];
	s0 =	simm.s32 @p1 $0x1  }
0x15: {  	[smem:$0x3FA6] =	sst s0;
	s0 =	simm.s32 @!p2 $0x0  }
0x16: {  	s3 =	sld [smem:$0x3FDB];
	s0 =	simm.s32 @p2 $0x1  }
0x17: {  	s4 =	simm.s32 $0x1BF5;
	[smem:$0x3FA8] =	sst s0  }
0x18: {  	s0 =	sld [smem:$0x3F8B];
	_ =	swait.ge [sflag:s4], $0x0  }
0x19: {  	s7 =	sld [smem:$0x3F8C]  }
0x1a: {  	s8 =	sadd.s32 $0xFFFFE003, lr  }
0x1b: {  	s9 =	sadd.s32 $0xFFFFFEF7, lr;
	s5 =	simm.s32 $0xFFFFFFFF;
	p2 =	slt.u32 s8, $0xFFFFF086  }
0x1c: {  	p1 =	slt.u32 s9, $0xF7A;
	s5 =	simm.s32 @!p2 $0x0  }
0x1d: {  	s5 =	simm.s32 @p1 $0x1;
	p0 =	seq.s32 s7, s2  }
0x1e: {  	s7 =	smul.u32 @!p0 $0xF7A, s2;
	p2 =	seq.s32 @!p0 s5, $0x0  }
0x1f: {  	s9 =	smul.u32 $0xF7A, s1;
	s8 =	simm.s32 @!p0 $0x1BF5;
	p2 =	por !p2, p0  }
0x20: {  	[sflag:s8] =	ssyncset.s32 @!p0 $0xFFFFF086;
	s6 =	sadd.s32 @!p0 s3, s7;
	s7 =	simm.s32 @!p0 $0x108  }
0x21: {  	s3 =	sadd.s32 s3, s9;
	s6 =	sadd.s32 @!p0 $0x88, s6;
	s7 =	simm.s32 @p2 $0x1082  }
0x22: {  	[simem:s7], [sflag:s8] =	dma.local @!p0 [hbm:s6], $0xF7A  }
0x23: {  	s9 =	sor.u32 $0xD0000000, s2;
	s6 =	simm.s32 $0x108;
	_ =	swait.ge @!p0 [sflag:s8], $0x0  }
0x24: {  	s3 =	sadd.s32 $0x88, s3;
	s6 =	simm.s32 @!p1 $0x1082;
	[sflag:s4] =	ssyncset.s32 $0xFFFFF086  }
0x25: {  	[simem:s6], [sflag:s4] =	dma.local [hbm:s3], $0xF7A  }
0x26: {  	[smem:$0x3F8C] =	sst s1;
	(tag) =	ssettag s2;
	_ =	strace s9  }
0x27: {  	s1 =	sld [smem:$0x3F9C]  }
0x28: {  	s2 =	sld [smem:$0x3F9D]  }
0x29: {  	s4 =	sld [smem:$0x3F9F]  }
0x2a: {  	p0 =	seq.s32 s5, $0x0;
	s5 =	sld [smem:$0x3FA0]  }
0x2b: {  	s6 =	sld [smem:$0x3FA1]  }
0x2c: {  	s7 =	sld [smem:$0x3FA2]  }
0x2d: {  	s3 =	simm.s32 $0x108;
	s8 =	sld [smem:$0x3FA3]  }
0x2e: {  	s3 =	simm.s32 @!p0 $0x1082;
	s9 =	sld [smem:$0x3FA4]  }
0x2f: {  	lr =	sadd.s32 s0, s3;
	s0 =	sld [smem:$0x3F9B]  }
0x30: {  	s3 =	sld [smem:$0x3F9E]  }
0x31: {  	[smem:$0x3FA7] =	sst s10  }
0x32: {  	s10 =	sld [smem:$0x3FA5];
	_ =	sdelay $0x3  }
0x33: {  	p0 =	seq.s32 s10, $0x1;
	s10 =	sld [smem:$0x3FA7];
	_ =	sdelay $0x3  }
0x34: {  	[smem:$0x3FA7] =	sst s10  }
0x35: {  	s10 =	sld [smem:$0x3FA6];
	_ =	sdelay $0x3  }
0x36: {  	p1 =	seq.s32 s10, $0x1;
	s10 =	sld [smem:$0x3FA7];
	_ =	sdelay $0x3  }
0x37: {  	[smem:$0x3FA7] =	sst s10  }
0x38: {  	s10 =	sld [smem:$0x3FA8]  }
0x39: {  	_ = 	snop;
	(pc) =	sbr.ind lr, $3  }
0x3a: {  	_ = 	snop  }
0x3b: {  	_ = 	snop  }
0x3c: {  	p2 =	seq.s32 s10, $0x1;
	s10 =	sld [smem:$0x3FA7]  }
0x3d: {  	_ =	shalt  }
0x3e: {  	_ =	shalt  }
0x3f: {  	_ =	shalt  }
0x40: {  	_ =	shalt  }
0x41: {  	_ =	shalt  }
0x42: {  	_ =	shalt  }
0x43: {  	_ =	shalt  }
0x44: {  	_ =	shalt  }
0x45: {  	_ =	shalt  }
0x46: {  	_ =	shalt  }
0x47: {  	_ =	shalt  }
0x48: {  	_ =	shalt  }
0x49: {  	_ =	shalt  }
0x4a: {  	_ =	shalt  }
0x4b: {  	_ =	shalt  }
0x4c: {  	_ =	shalt  }
0x4d: {  	_ =	shalt  }
0x4e: {  	_ =	shalt  }
0x4f: {  	_ =	shalt  }
0x50: {  	_ =	shalt  }
0x51: {  	_ =	shalt  }
0x52: {  	_ =	shalt  }
0x53: {  	_ =	shalt  }
0x54: {  	_ =	shalt  }
0x55: {  	_ =	shalt  }
0x56: {  	_ =	shalt  }
0x57: {  	_ =	shalt  }
0x58: {  	_ =	shalt  }
0x59: {  	_ =	shalt  }
0x5a: {  	_ =	shalt  }
0x5b: {  	_ =	shalt  }
0x5c: {  	_ =	shalt  }
0x5d: {  	_ =	shalt  }
0x5e: {  	_ =	shalt  }
0x5f: {  	_ =	shalt  }
0x60: {  	_ =	shalt  }
0x61: {  	_ =	shalt  }
0x62: {  	_ =	shalt  }
0x63: {  	_ =	shalt  }
0x64: {  	_ =	shalt  }
0x65: {  	_ =	shalt  }
0x66: {  	_ =	shalt  }
0x67: {  	_ =	shalt  }
0x68: {  	_ =	shalt  }
0x69: {  	_ =	shalt  }
0x6a: {  	_ =	shalt  }
0x6b: {  	_ =	shalt  }
0x6c: {  	_ =	shalt  }
0x6d: {  	_ =	shalt  }
0x6e: {  	_ =	shalt  }
0x6f: {  	_ =	shalt  }
0x70: {  	_ =	shalt  }
0x71: {  	_ =	shalt  }
0x72: {  	_ =	shalt  }
0x73: {  	_ =	shalt  }
0x74: {  	_ =	shalt  }
0x75: {  	_ =	shalt  }
0x76: {  	_ =	shalt  }
0x77: {  	_ =	shalt  }
0x78: {  	_ =	shalt  }
0x79: {  	_ =	shalt  }
0x7a: {  	_ =	shalt  }
0x7b: {  	_ =	shalt  }
0x7c: {  	_ =	shalt  }
0x7d: {  	_ =	shalt  }
0x7e: {  	_ =	shalt  }
0x7f: {  	_ =	shalt  }
0x80: {  	_ =	shalt  }
0x81: {  	_ =	shalt  }
0x82: {  	_ =	shalt  }
0x83: {  	_ =	shalt  }
0x84: {  	_ =	shalt  }
0x85: {  	_ =	shalt  }
0x86: {  	_ =	shalt  }
0x87: {  	_ =	shalt  }
.Lfunc_end0:
.L_simem_size_0:
called_computation_lowered:
.L_overlay_start_0:
0x88: {  	s2 =	sld [smem:$0x3FD9]  }
0x89: {  	s3 =	sld [smem:$0x3FFE];
	_ =	sdelay $0x1  }
0x8a: {  	s1 =	srdreg.scid  }
0x8b: {  	s0 =	sand.u32 $0x1, s1  }
0x8c: {  	s17 =	sshll.u32 s0, $0xA;
	s2 =	sadd.s32 s3, s2  }
0x8d: {  	s2 =	sadd.s32 s2, s17  }
0x8e: {  	[smem:$0x3FB3] =	sst s2  }
0x8f: {  	_ = 	snop  }
0x90: {  	s2 =	sld [smem:$0x3FC8]  }
0x91: {  	s18 =	sld [smem:$0x3FD0];
	(tm) =	ssettm $0x1  }
0x92: {  	s4 =	sld [smem:$0x3FFB];
	_ =	sdelay $0x3  }
0x93: {  	_ =	strace s4  }
0x94: {  	s4 =	sld [smem:$0x3FFC];
	_ =	sdelay $0x3  }
0x95: {  	_ =	strace s4  }
0x96: {  	s4 =	sld [smem:$0x3FFD];
	_ =	sdelay $0x3  }
0x97: {  	_ =	strace s4  }
0x98: {  	_ =	strace $0x8FFFFFFF  }
0x99: {  	s19 =	sld [smem:$0x3FDB];
	_ =	sdelay $0x1  }
0x9a: {  	s5 =	simm.s32 $_scs_section_size  }
0x9b: {  	s6 =	simm.s32 $_size__tile_overlayer_lowered;
	s7 =	simm.s32 $_tile_overlayer_lowered  }
0x9c: {  	s22 =	simm.s32 $0x1BFF;
	s21 =	sshll.u32 s7, $0x1;
	s4 =	sadd.s32 s5, s19  }
0x9d: {  	s8 =	simm.s32 $0x0;
	s20 =	sshll.u32 s6, $0x1;
	s6 =	sadd.s32 s21, s4  }
0x9e: {  	[timem:s8], [sflag:s22] =	dma.local [hbm:s6], s20  }
0x9f: {  	_ =	swait.ge [sflag:s22], s20  }
0xa0: {  	s5 =	ssub.s32 $0x0, s20;
	[sflag:s22] =	ssyncset.done $0x0  }
0xa1: {  	[sflag:s22] =	ssyncadd.s32 s5;
	_ =	sdelay $0x1  }
0xa2: {  	s23 =	simm.s32 $0x1B8B  }
0xa3: {  	_ =	swait.ge [sflag:s23], $0x1  }
0xa4: {  	[sflag:s23] =	ssyncset.done $0x0  }
0xa5: {  	s25 =	simm.s32 $0x1B8E;
	s24 =	sld [smem:$0x3FFE];
	[sflag:s23] =	ssyncadd.s32 $0xFFFFFFFF  }
0xa6: {  	s26 =	simm.s32 $execute0_lowered;
	[smem:$0x3FD2] =	sst s25  }
0xa7: {  	s6 =	sshll.u32 s26, $0x1;
	_ =	strace $0x80000046;
	[dreg:$0x1] =	wrdreg $0xFFFFFFFF  }
0xa8: {  	s28 =	simm.s32 $_size_execute0_lowered;
	s4 =	sadd.s32 s4, s6;
	[dreg:$0x0] =	wrdreg $0x0  }
0xa9: {  	s6 =	sshll.u32 s28, $0x1;
	[dreg:$0x2] =	wrdreg s4  }
0xaa: {  	[dreg:$0x3] =	wrdreg s6  }
0xab: {  	[dreg:$0x4] =	wrdreg $0xC0  }
0xac: {  	_ =	task [dreg:s8], $0x5FFFF  }
0xad: {  	[dreg:$0x1] =	wrdreg $0xFFFFFFFF  }
0xae: {  	[dreg:$0x0] =	wrdreg $0x60  }
0xaf: {  	[dreg:$0x2] =	wrdreg s2  }
0xb0: {  	[dreg:$0x3] =	wrdreg s24  }
0xb1: {  	[dreg:$0x4] =	wrdreg s18  }
0xb2: {  	[dreg:$0x5] =	wrdreg $0x9  }
0xb3: {  	_ =	task.clear_ibuf [dreg:s8], $0x6FFFF;
	_ =	strace $0x90000046  }
0xb4: {  	s29 =	simm.s32 $0x9;
	_ =	strace $0x80000048  }
0xb5: {  	_ =	swait.ge [sflag:s29], $0x1  }
0xb6: {  	[sflag:s29] =	ssyncadd.s32 $0xFFFFFFFF  }
0xb7: {  	_ =	strace $0x90000048  }
0xb8: {  	_ =	sfence  }
0xb9: {  	s30 =	sld [smem:$0x0];
	_ =	sdelay $0x2  }
0xba: {  	s31 =	sshll.u32 s1, $0xD;
	s1 =	sshrl.u32 s1, $0x2  }
0xbb: {  	s3 =	sand.u32 $0x4000, s31;
	s1 =	sadd.s32 s1, s30  }
0xbc: {  	s0 =	sor.u32 s3, s0;
	s1 =	sshll.u32 s1, $0x11  }
0xbd: {  	s0 =	sor.u32 s1, s0  }
0xbe: {  	s0 =	sadd.s32 $0x8F2B, s0  }
0xbf: {  	[sflag:s0] =	ssyncadd.remote.s32 $0x1  }
0xc0: {  	_ =	sfence.sel $0xFFFF  }
0xc1: {  	[dreg:$0x0] =	wrdreg $0xFFFFFFFF;
	(pc) =	sbr.abs _section_cstart, $3  }
0xc2: {  	[dreg:$0x1] =	wrdreg $0xFFFFFFFF  }
0xc3: {  	_ =	task.clear_ibuf [dreg:s8], $0x2FFFF;
	_ =	strace $0x9FFFFFFF  }
0xc4: {  	(tm) =	ssettm $0x7FFFFFFF  }
0xc5: {  	_ =	shalt  }
tec
execute0_lowered:
.L_overlay_start_1:
0x0: {  	(tag) =	ssettag $0x1  }
0x1: {  	s1 =	rddreg [dreg:$0x0]  }
0x2: {  	s4 =	rddreg [dreg:$0x1]  }
0x3: {  	s2 =	srdreg.scid;
	s0 =	stileid.u32  }
0x4: {  	s5 =	rddreg [dreg:$0x2];
	s3 =	simm.s32 $0x0;
	s9 =	simm.s32 $0x880  }
0x5: {  	s10 =	simm.s32 $0x1080;
	s11 =	simm.s32 $0x1880;
	s12 =	simm.s32 $0x2080  }
0x6: {  	s13 =	simm.s32 $0x2880;
	s14 =	simm.s32 $0x3080;
	s15 =	simm.s32 $0x3880  }
0x7: {  	s6 =	sand.u32 $0x1, s2;
	s7 =	sshll.u32 s0, $0x1;
	s2 =	rddreg [dreg:$0x3]  }
0x8: {  	s16 =	simm.s32 $0x1;
	[smem:$0x7FF] =	sst s3;
	s7 =	sor.u32 s6, s7  }
0x9: {  	s6 =	ssub.s32 $0x2, s6;
	_ =	strace $0x80000047;
	s8 =	sshll.u32 s7, $0x4  }
0xa: {  	v2 =	vlaneseq.u32;
	s31 =	sshrl.u32 s6, $0x1;
	s7 =	sshll.u32 s7, $0xB;
	s4 =	sadd.s32 s8, s4  }
0xb: {  	vm0 =	vmmov $0xffff;
	v1 =	vshrl.u32 v2, $0x3;
	s6 =	ssub.s32 s6, s31;
	s5 =	sadd.s32 s5, s7;
	s7 =	simm.s32 $0x2  }
0xc: {  	v0 =	vand.u32 $0x7, v2;
	v2 =	vor.u32 $0x8, v2;
	v1 =	vmul.u32 $0x8, v1;
	s8 =	simm.s32 $0x80;
	s4 =	sadd.s32 $0x408A00, s4;
	s6 =	smax.u32 s6, $0x1  }
.LBB2_1:
0xd: {  	[tilespmem:s3], [sflag:$0x2] =	stream.linear.gather [hbm4b:s4+s3], $0x80, $0x38;
	[tilespmem:$0x4080] =	vst v63  }
0xe: {  	_ =	swait.ge [sflag:s7], $0x80  }
0xf: {  	[sflag:s7] =	ssyncset.done $0x0  }
0x10: {  	[sflag:s7] =	ssyncadd.s32 $0xFFFFFF80  }
0x11: {  	v3 =	vld [tilespmem:$0x0];
	_ =	sdelay $0x4  }
0x12: {  	v4 =	vshll.u32 v3, $0x1  }
0x13: {  	v3 =	vand.u32 $0x7, v3;
	v4 =	vand.u32 $0xFFFFFFF0, v4  }
0x14: {  	v3 =	vor.u32 v3, v4  }
0x15: {  	v4 =	vperm.xlane v3, v0;
	_ =	sdelay $0x1  }
0x16: {  	v3 =	vperm.xlane v3, v2;
	v4 =	vadd.s32 v1, v4;
	_ =	sdelay $0x1  }
0x17: {  	v3 =	vadd.s32 v1, v3;
	_ =	sdelay $0x2  }
0x18: {  	[tilespmem:s8], [sflag:$0x1] =	stream.indirect_vreg.gather [hbm4b:s1+s3], $0x80, v4, vm0, $0xb8;
	[tilespmem:$0x4080] =	vst v63  }
0x19: {  	_ = 	snop  }
0x1a: {  	[tilespmem:s9], [sflag:$0x1] =	stream.indirect_vreg.gather [hbm4b:s1+s3], $0x80, v3, vm0, $0xb8;
	[tilespmem:$0x4080] =	vst v63  }
0x1b: {  	v3 =	vld [tilespmem:$0x10];
	_ =	sdelay $0x4  }
0x1c: {  	v61 =	vshll.u32 v3, $0x1  }
0x1d: {  	v3 =	vand.u32 $0x7, v3;
	v4 =	vand.u32 $0xFFFFFFF0, v61  }
0x1e: {  	v3 =	vor.u32 v3, v4  }
0x1f: {  	v4 =	vperm.xlane v3, v0;
	_ =	sdelay $0x1  }
0x20: {  	v3 =	vperm.xlane v3, v2;
	v4 =	vadd.s32 v1, v4;
	_ =	sdelay $0x1  }
0x21: {  	v3 =	vadd.s32 v1, v3;
	_ =	sdelay $0x2  }
0x22: {  	[tilespmem:s10], [sflag:$0x1] =	stream.indirect_vreg.gather [hbm4b:s1+s3], $0x80, v4, vm0, $0xb8;
	[tilespmem:$0x4080] =	vst v63  }
0x23: {  	_ = 	snop  }
0x24: {  	[tilespmem:s11], [sflag:$0x1] =	stream.indirect_vreg.gather [hbm4b:s1+s3], $0x80, v3, vm0, $0xb8;
	[tilespmem:$0x4080] =	vst v63  }
0x25: {  	v3 =	vld [tilespmem:$0x20];
	_ =	sdelay $0x4  }
0x26: {  	v62 =	vshll.u32 v3, $0x1  }
0x27: {  	v3 =	vand.u32 $0x7, v3;
	v4 =	vand.u32 $0xFFFFFFF0, v62  }
0x28: {  	v3 =	vor.u32 v3, v4  }
0x29: {  	v4 =	vperm.xlane v3, v0;
	_ =	sdelay $0x1  }
0x2a: {  	v3 =	vperm.xlane v3, v2;
	v4 =	vadd.s32 v1, v4;
	_ =	sdelay $0x1  }
0x2b: {  	v3 =	vadd.s32 v1, v3;
	_ =	sdelay $0x2  }
0x2c: {  	[tilespmem:s12], [sflag:$0x1] =	stream.indirect_vreg.gather [hbm4b:s1+s3], $0x80, v4, vm0, $0xb8;
	[tilespmem:$0x4080] =	vst v63  }
0x2d: {  	_ = 	snop  }
0x2e: {  	[tilespmem:s13], [sflag:$0x1] =	stream.indirect_vreg.gather [hbm4b:s1+s3], $0x80, v3, vm0, $0xb8;
	[tilespmem:$0x4080] =	vst v63  }
0x2f: {  	v3 =	vld [tilespmem:$0x30];
	_ =	sdelay $0x4  }
0x30: {  	v63 =	vshll.u32 v3, $0x1  }
0x31: {  	v3 =	vand.u32 $0x7, v3;
	v4 =	vand.u32 $0xFFFFFFF0, v63  }
0x32: {  	v3 =	vor.u32 v3, v4  }
0x33: {  	v4 =	vperm.xlane v3, v0;
	_ =	sdelay $0x1  }
0x34: {  	v3 =	vperm.xlane v3, v2;
	v4 =	vadd.s32 v1, v4;
	_ =	sdelay $0x1  }
0x35: {  	v3 =	vadd.s32 v1, v3;
	_ =	sdelay $0x2  }
0x36: {  	[tilespmem:s14], [sflag:$0x1] =	stream.indirect_vreg.gather [hbm4b:s1+s3], $0x80, v4, vm0, $0xb8;
	[tilespmem:$0x4080] =	vst v63  }
0x37: {  	_ = 	snop  }
0x38: {  	[tilespmem:s15], [sflag:$0x1] =	stream.indirect_vreg.gather [hbm4b:s1+s3], $0x80, v3, vm0, $0xb8;
	[tilespmem:$0x4080] =	vst v63  }
0x39: {  	_ =	swait.ge [sflag:s16], $0x4000  }
0x3a: {  	p0 =	sne.s32 s6, $0x1;
	[sflag:s16] =	ssyncset.done $0x0  }
.Ltmp0:
0x3b: {  	[sflag:s16] =	ssyncadd.s32 $0xFFFFC000;
	(pc) =	sbr.rel @p0 .LBB2_1-.Ltmp0, $4  }
0x3c: {  	[hbm4b:s5+s3] =	stream.linear.scatter [tilespmem:s8], [sflag:$0x2], $0x4000, $0x38;
	[tilespmem:$0x4080] =	vst v63  }
0x3d: {  	_ =	swait.ge [sflag:s7], $0x4000  }
0x3e: {  	[sflag:s7] =	ssyncset.done $0x0  }
0x3f: {  	s6 =	sadd.s32 $0xFFFFFFFF, s6;
	[sflag:s7] =	ssyncadd.s32 $0xFFFFC000  }
0x40: {  	_ =	sfence.sel $0x180000  }
0x41: {  	[bflag:$0x0] =	sbarrier.arrive $0xFFFF  }
0x42: {  	p0 =	sne.s32 s0, $0x0;
	_ =	strace $0x90000047  }
0x43: {  	s0 =	sadd.s32 @!p0 $0x100000, s2;
	[bflag:$0x2] =	sbarrier.arrive $0xFFFF  }
0x44: {  	[sflag:s0] =	ssyncadd.tile.s32 @!p0 $0x1;
	_ =	shalt  }
.Lfunc_end2:
_tile_overlayer_lowered:
.L_overlay_start_2:
0x45: {  	(tag) =	ssettag $0x2  }
0x46: {  	s0 =	rddreg [dreg:$0x0];
	s2 =	stileid.u32  }
0x47: {  	s1 =	rddreg [dreg:$0x1];
	p0 =	sne.s32 s2, $0x0  }
0x48: {  	s3 =	rddreg [dreg:$0x2];
	[bflag:$0x3] =	sbarrier.arrive $0xFFFF;
	s2 =	simm.s32 @!p0 $0x1C02  }
0x49: {  	[timem:s3], [sflag:s2] =	dma.local @!p0 [hbm:s0], s1  }
0x4a: {  	s0 =	simm.s32 @!p0 $0x2  }
0x4b: {  	_ =	swait.ge @!p0 [sflag:s0], s1  }
0x4c: {  	s1 =	ssub.s32 @!p0 $0x0, s1;
	[sflag:s0] =	ssyncset.done @!p0 $0x0  }
0x4d: {  	[sflag:s0] =	ssyncadd.s32 @!p0 s1  }
0x4e: {  	[bflag:$0x3] =	sbarrier.arrive $0xFFFF  }
0x4f: {  	_ =	shalt  }

// kernel: kernel.16.cloned.1.call-start
scs
__scs_entry_jumppad:
0x0: {  	(pc) =	sbr.rel $0x88, $3  }
0x1: {  	(tag) =	ssettag $0x0;
	lr =	simm.s32 $0x1  }
0x2: {  	[smem:$0x3F8C] =	sst lr;
	_ =	strace $0xD0000000  }
0x3: {  	_ = 	snop  }
0x4: {  	_ = 	snop  }
0x5: {  	_ = 	snop  }
0x6: {  	_ = 	snop  }
0x7: {  	_ = 	snop  }
__scs_overlays_trampoline_lowered:
0x8: {  	[smem:$0x3F9B] =	sst s0  }
0x9: {  	[smem:$0x3F9C] =	sst s1  }
0xa: {  	[smem:$0x3F9D] =	sst s2  }
0xb: {  	[smem:$0x3F9E] =	sst s3  }
0xc: {  	[smem:$0x3F9F] =	sst s4  }
0xd: {  	[smem:$0x3FA0] =	sst s5  }
0xe: {  	[smem:$0x3FA1] =	sst s6  }
0xf: {  	[smem:$0x3FA2] =	sst s7  }
0x10: {  	[smem:$0x3FA3] =	sst s8  }
0x11: {  	[smem:$0x3FA4] =	sst s9;
	s0 =	simm.s32 @!p0 $0x0  }
0x12: {  	s1 =	sld [smem:$0x3F8A];
	s0 =	simm.s32 @p0 $0x1  }
0x13: {  	[smem:$0x3FA5] =	sst s0;
	s0 =	simm.s32 @!p1 $0x0  }
0x14: {  	s2 =	sld [smem:$0x3F89];
	s0 =	simm.s32 @p1 $0x1  }
0x15: {  	[smem:$0x3FA6] =	sst s0;
	s0 =	simm.s32 @!p2 $0x0  }
0x16: {  	s3 =	sld [smem:$0x3FDB];
	s0 =	simm.s32 @p2 $0x1  }
0x17: {  	s4 =	simm.s32 $0x1BF5;
	[smem:$0x3FA8] =	sst s0  }
0x18: {  	s0 =	sld [smem:$0x3F8B];
	_ =	swait.ge [sflag:s4], $0x0  }
0x19: {  	s7 =	sld [smem:$0x3F8C]  }
0x1a: {  	s8 =	sadd.s32 $0xFFFFE003, lr  }
0x1b: {  	s9 =	sadd.s32 $0xFFFFFEF7, lr;
	s5 =	simm.s32 $0xFFFFFFFF;
	p2 =	slt.u32 s8, $0xFFFFF086  }
0x1c: {  	p1 =	slt.u32 s9, $0xF7A;
	s5 =	simm.s32 @!p2 $0x0  }
0x1d: {  	s5 =	simm.s32 @p1 $0x1;
	p0 =	seq.s32 s7, s2  }
0x1e: {  	s7 =	smul.u32 @!p0 $0xF7A, s2;
	p2 =	seq.s32 @!p0 s5, $0x0  }
0x1f: {  	s9 =	smul.u32 $0xF7A, s1;
	s8 =	simm.s32 @!p0 $0x1BF5;
	p2 =	por !p2, p0  }
0x20: {  	[sflag:s8] =	ssyncset.s32 @!p0 $0xFFFFF086;
	s6 =	sadd.s32 @!p0 s3, s7;
	s7 =	simm.s32 @!p0 $0x108  }
0x21: {  	s3 =	sadd.s32 s3, s9;
	s6 =	sadd.s32 @!p0 $0x88, s6;
	s7 =	simm.s32 @p2 $0x1082  }
0x22: {  	[simem:s7], [sflag:s8] =	dma.local @!p0 [hbm:s6], $0xF7A  }
0x23: {  	s9 =	sor.u32 $0xD0000000, s2;
	s6 =	simm.s32 $0x108;
	_ =	swait.ge @!p0 [sflag:s8], $0x0  }
0x24: {  	s3 =	sadd.s32 $0x88, s3;
	s6 =	simm.s32 @!p1 $0x1082;
	[sflag:s4] =	ssyncset.s32 $0xFFFFF086  }
0x25: {  	[simem:s6], [sflag:s4] =	dma.local [hbm:s3], $0xF7A  }
0x26: {  	[smem:$0x3F8C] =	sst s1;
	(tag) =	ssettag s2;
	_ =	strace s9  }
0x27: {  	s1 =	sld [smem:$0x3F9C]  }
0x28: {  	s2 =	sld [smem:$0x3F9D]  }
0x29: {  	s4 =	sld [smem:$0x3F9F]  }
0x2a: {  	p0 =	seq.s32 s5, $0x0;
	s5 =	sld [smem:$0x3FA0]  }
0x2b: {  	s6 =	sld [smem:$0x3FA1]  }
0x2c: {  	s7 =	sld [smem:$0x3FA2]  }
0x2d: {  	s3 =	simm.s32 $0x108;
	s8 =	sld [smem:$0x3FA3]  }
0x2e: {  	s3 =	simm.s32 @!p0 $0x1082;
	s9 =	sld [smem:$0x3FA4]  }
0x2f: {  	lr =	sadd.s32 s0, s3;
	s0 =	sld [smem:$0x3F9B]  }
0x30: {  	s3 =	sld [smem:$0x3F9E]  }
0x31: {  	[smem:$0x3FA7] =	sst s10  }
0x32: {  	s10 =	sld [smem:$0x3FA5];
	_ =	sdelay $0x3  }
0x33: {  	p0 =	seq.s32 s10, $0x1;
	s10 =	sld [smem:$0x3FA7];
	_ =	sdelay $0x3  }
0x34: {  	[smem:$0x3FA7] =	sst s10  }
0x35: {  	s10 =	sld [smem:$0x3FA6];
	_ =	sdelay $0x3  }
0x36: {  	p1 =	seq.s32 s10, $0x1;
	s10 =	sld [smem:$0x3FA7];
	_ =	sdelay $0x3  }
0x37: {  	[smem:$0x3FA7] =	sst s10  }
0x38: {  	s10 =	sld [smem:$0x3FA8]  }
0x39: {  	_ = 	snop;
	(pc) =	sbr.ind lr, $3  }
0x3a: {  	_ = 	snop  }
0x3b: {  	_ = 	snop  }
0x3c: {  	p2 =	seq.s32 s10, $0x1;
	s10 =	sld [smem:$0x3FA7]  }
0x3d: {  	_ =	shalt  }
0x3e: {  	_ =	shalt  }
0x3f: {  	_ =	shalt  }
0x40: {  	_ =	shalt  }
0x41: {  	_ =	shalt  }
0x42: {  	_ =	shalt  }
0x43: {  	_ =	shalt  }
0x44: {  	_ =	shalt  }
0x45: {  	_ =	shalt  }
0x46: {  	_ =	shalt  }
0x47: {  	_ =	shalt  }
0x48: {  	_ =	shalt  }
0x49: {  	_ =	shalt  }
0x4a: {  	_ =	shalt  }
0x4b: {  	_ =	shalt  }
0x4c: {  	_ =	shalt  }
0x4d: {  	_ =	shalt  }
0x4e: {  	_ =	shalt  }
0x4f: {  	_ =	shalt  }
0x50: {  	_ =	shalt  }
0x51: {  	_ =	shalt  }
0x52: {  	_ =	shalt  }
0x53: {  	_ =	shalt  }
0x54: {  	_ =	shalt  }
0x55: {  	_ =	shalt  }
0x56: {  	_ =	shalt  }
0x57: {  	_ =	shalt  }
0x58: {  	_ =	shalt  }
0x59: {  	_ =	shalt  }
0x5a: {  	_ =	shalt  }
0x5b: {  	_ =	shalt  }
0x5c: {  	_ =	shalt  }
0x5d: {  	_ =	shalt  }
0x5e: {  	_ =	shalt  }
0x5f: {  	_ =	shalt  }
0x60: {  	_ =	shalt  }
0x61: {  	_ =	shalt  }
0x62: {  	_ =	shalt  }
0x63: {  	_ =	shalt  }
0x64: {  	_ =	shalt  }
0x65: {  	_ =	shalt  }
0x66: {  	_ =	shalt  }
0x67: {  	_ =	shalt  }
0x68: {  	_ =	shalt  }
0x69: {  	_ =	shalt  }
0x6a: {  	_ =	shalt  }
0x6b: {  	_ =	shalt  }
0x6c: {  	_ =	shalt  }
0x6d: {  	_ =	shalt  }
0x6e: {  	_ =	shalt  }
0x6f: {  	_ =	shalt  }
0x70: {  	_ =	shalt  }
0x71: {  	_ =	shalt  }
0x72: {  	_ =	shalt  }
0x73: {  	_ =	shalt  }
0x74: {  	_ =	shalt  }
0x75: {  	_ =	shalt  }
0x76: {  	_ =	shalt  }
0x77: {  	_ =	shalt  }
0x78: {  	_ =	shalt  }
0x79: {  	_ =	shalt  }
0x7a: {  	_ =	shalt  }
0x7b: {  	_ =	shalt  }
0x7c: {  	_ =	shalt  }
0x7d: {  	_ =	shalt  }
0x7e: {  	_ =	shalt  }
0x7f: {  	_ =	shalt  }
0x80: {  	_ =	shalt  }
0x81: {  	_ =	shalt  }
0x82: {  	_ =	shalt  }
0x83: {  	_ =	shalt  }
0x84: {  	_ =	shalt  }
0x85: {  	_ =	shalt  }
0x86: {  	_ =	shalt  }
0x87: {  	_ =	shalt  }
.Lfunc_end0:
.L_simem_size_0:
called_computation.1_lowered:
.L_overlay_start_0:
0x88: {  	s2 =	sld [smem:$0x3FD9]  }
0x89: {  	s3 =	sld [smem:$0x3FFE];
	_ =	sdelay $0x1  }
0x8a: {  	s1 =	srdreg.scid  }
0x8b: {  	s0 =	sand.u32 $0x1, s1  }
0x8c: {  	s17 =	sshll.u32 s0, $0xA;
	s2 =	sadd.s32 s3, s2  }
0x8d: {  	s2 =	sadd.s32 s2, s17  }
0x8e: {  	[smem:$0x3FB3] =	sst s2  }
0x8f: {  	_ = 	snop  }
0x90: {  	s2 =	sld [smem:$0x3FC8]  }
0x91: {  	s18 =	sld [smem:$0x3FD0];
	(tm) =	ssettm $0x1  }
0x92: {  	s4 =	sld [smem:$0x3FFB];
	_ =	sdelay $0x3  }
0x93: {  	_ =	strace s4  }
0x94: {  	s4 =	sld [smem:$0x3FFC];
	_ =	sdelay $0x3  }
0x95: {  	_ =	strace s4  }
0x96: {  	s4 =	sld [smem:$0x3FFD];
	_ =	sdelay $0x3  }
0x97: {  	_ =	strace s4  }
0x98: {  	_ =	strace $0x8FFFFFFF  }
0x99: {  	s19 =	sld [smem:$0x3FDB];
	_ =	sdelay $0x1  }
0x9a: {  	s5 =	simm.s32 $_scs_section_size  }
0x9b: {  	s6 =	simm.s32 $_size__tile_overlayer_lowered;
	s7 =	simm.s32 $_tile_overlayer_lowered  }
0x9c: {  	s22 =	simm.s32 $0x1BFF;
	s21 =	sshll.u32 s7, $0x1;
	s4 =	sadd.s32 s5, s19  }
0x9d: {  	s8 =	simm.s32 $0x0;
	s20 =	sshll.u32 s6, $0x1;
	s6 =	sadd.s32 s21, s4  }
0x9e: {  	[timem:s8], [sflag:s22] =	dma.local [hbm:s6], s20  }
0x9f: {  	_ =	swait.ge [sflag:s22], s20  }
0xa0: {  	s5 =	ssub.s32 $0x0, s20;
	[sflag:s22] =	ssyncset.done $0x0  }
0xa1: {  	[sflag:s22] =	ssyncadd.s32 s5;
	_ =	sdelay $0x1  }
0xa2: {  	s23 =	simm.s32 $0x1B8B  }
0xa3: {  	_ =	swait.ge [sflag:s23], $0x1  }
0xa4: {  	[sflag:s23] =	ssyncset.done $0x0  }
0xa5: {  	s25 =	simm.s32 $0x1B8E;
	s24 =	sld [smem:$0x3FFE];
	[sflag:s23] =	ssyncadd.s32 $0xFFFFFFFF  }
0xa6: {  	s26 =	simm.s32 $execute0_lowered;
	[smem:$0x3FD2] =	sst s25  }
0xa7: {  	s6 =	sshll.u32 s26, $0x1;
	_ =	strace $0x80000049;
	[dreg:$0x1] =	wrdreg $0xFFFFFFFF  }
0xa8: {  	s28 =	simm.s32 $_size_execute0_lowered;
	s4 =	sadd.s32 s4, s6;
	[dreg:$0x0] =	wrdreg $0x0  }
0xa9: {  	s6 =	sshll.u32 s28, $0x1;
	[dreg:$0x2] =	wrdreg s4  }
0xaa: {  	[dreg:$0x3] =	wrdreg s6  }
0xab: {  	[dreg:$0x4] =	wrdreg $0xC0  }
0xac: {  	_ =	task [dreg:s8], $0x5FFFF  }
0xad: {  	[dreg:$0x1] =	wrdreg $0xFFFFFFFF  }
0xae: {  	[dreg:$0x0] =	wrdreg $0x60  }
0xaf: {  	[dreg:$0x2] =	wrdreg s2  }
0xb0: {  	[dreg:$0x3] =	wrdreg s24  }
0xb1: {  	[dreg:$0x4] =	wrdreg s18  }
0xb2: {  	[dreg:$0x5] =	wrdreg $0x9  }
0xb3: {  	_ =	task.clear_ibuf [dreg:s8], $0x6FFFF;
	_ =	strace $0x90000049  }
0xb4: {  	s29 =	simm.s32 $0x9;
	_ =	strace $0x8000004B  }
0xb5: {  	_ =	swait.ge [sflag:s29], $0x1  }
0xb6: {  	[sflag:s29] =	ssyncadd.s32 $0xFFFFFFFF  }
0xb7: {  	_ =	strace $0x9000004B  }
0xb8: {  	_ =	sfence  }
0xb9: {  	s30 =	sld [smem:$0x0];
	_ =	sdelay $0x2  }
0xba: {  	s31 =	sshll.u32 s1, $0xD;
	s1 =	sshrl.u32 s1, $0x2  }
0xbb: {  	s3 =	sand.u32 $0x4000, s31;
	s1 =	sadd.s32 s1, s30  }
0xbc: {  	s0 =	sor.u32 s3, s0;
	s1 =	sshll.u32 s1, $0x11  }
0xbd: {  	s0 =	sor.u32 s1, s0  }
0xbe: {  	s0 =	sadd.s32 $0x8F2B, s0  }
0xbf: {  	[sflag:s0] =	ssyncadd.remote.s32 $0x1  }
0xc0: {  	_ =	sfence.sel $0xFFFF  }
0xc1: {  	[dreg:$0x0] =	wrdreg $0xFFFFFFFF;
	(pc) =	sbr.abs _section_cstart, $3  }
0xc2: {  	[dreg:$0x1] =	wrdreg $0xFFFFFFFF  }
0xc3: {  	_ =	task.clear_ibuf [dreg:s8], $0x2FFFF;
	_ =	strace $0x9FFFFFFF  }
0xc4: {  	(tm) =	ssettm $0x7FFFFFFF  }
0xc5: {  	_ =	shalt  }
tec
execute0_lowered:
.L_overlay_start_1:
0x0: {  	(tag) =	ssettag $0x1  }
0x1: {  	s1 =	rddreg [dreg:$0x0]  }
0x2: {  	s4 =	rddreg [dreg:$0x1]  }
0x3: {  	s2 =	srdreg.scid;
	s0 =	stileid.u32  }
0x4: {  	s5 =	rddreg [dreg:$0x2];
	s3 =	simm.s32 $0x0;
	s9 =	simm.s32 $0x880  }
0x5: {  	s10 =	simm.s32 $0x1080;
	s11 =	simm.s32 $0x1880;
	s12 =	simm.s32 $0x2080  }
0x6: {  	s13 =	simm.s32 $0x2880;
	s14 =	simm.s32 $0x3080;
	s15 =	simm.s32 $0x3880  }
0x7: {  	s6 =	sand.u32 $0x1, s2;
	s7 =	sshll.u32 s0, $0x1;
	s2 =	rddreg [dreg:$0x3]  }
0x8: {  	s16 =	simm.s32 $0x1;
	[smem:$0x7FF] =	sst s3;
	s7 =	sor.u32 s6, s7  }
0x9: {  	s6 =	ssub.s32 $0x2, s6;
	_ =	strace $0x8000004A;
	s8 =	sshll.u32 s7, $0x4  }
0xa: {  	v2 =	vlaneseq.u32;
	s31 =	sshrl.u32 s6, $0x1;
	s7 =	sshll.u32 s7, $0xB;
	s4 =	sadd.s32 s8, s4  }
0xb: {  	vm0 =	vmmov $0xffff;
	v1 =	vshrl.u32 v2, $0x3;
	s6 =	ssub.s32 s6, s31;
	s5 =	sadd.s32 s5, s7;
	s7 =	simm.s32 $0x2  }
0xc: {  	v0 =	vand.u32 $0x7, v2;
	v2 =	vor.u32 $0x8, v2;
	v1 =	vmul.u32 $0x8, v1;
	s8 =	simm.s32 $0x80;
	s4 =	sadd.s32 $0x408A00, s4;
	s6 =	smax.u32 s6, $0x1  }
.LBB2_1:
0xd: {  	[tilespmem:s3], [sflag:$0x2] =	stream.linear.gather [hbm4b:s4+s3], $0x80, $0x38;
	[tilespmem:$0x4080] =	vst v63  }
0xe: {  	_ =	swait.ge [sflag:s7], $0x80  }
0xf: {  	[sflag:s7] =	ssyncset.done $0x0  }
0x10: {  	[sflag:s7] =	ssyncadd.s32 $0xFFFFFF80  }
0x11: {  	v3 =	vld [tilespmem:$0x0];
	_ =	sdelay $0x4  }
0x12: {  	v4 =	vshll.u32 v3, $0x1  }
0x13: {  	v3 =	vand.u32 $0x7, v3;
	v4 =	vand.u32 $0xFFFFFFF0, v4  }
0x14: {  	v3 =	vor.u32 v3, v4  }
0x15: {  	v4 =	vperm.xlane v3, v0;
	_ =	sdelay $0x1  }
0x16: {  	v3 =	vperm.xlane v3, v2;
	v4 =	vadd.s32 v1, v4;
	_ =	sdelay $0x1  }
0x17: {  	v3 =	vadd.s32 v1, v3;
	_ =	sdelay $0x2  }
0x18: {  	[tilespmem:s8], [sflag:$0x1] =	stream.indirect_vreg.gather [hbm4b:s1+s3], $0x80, v4, vm0, $0xb8;
	[tilespmem:$0x4080] =	vst v63  }
0x19: {  	_ = 	snop  }
0x1a: {  	[tilespmem:s9], [sflag:$0x1] =	stream.indirect_vreg.gather [hbm4b:s1+s3], $0x80, v3, vm0, $0xb8;
	[tilespmem:$0x4080] =	vst v63  }
0x1b: {  	v3 =	vld [tilespmem:$0x10];
	_ =	sdelay $0x4  }
0x1c: {  	v61 =	vshll.u32 v3, $0x1  }
0x1d: {  	v3 =	vand.u32 $0x7, v3;
	v4 =	vand.u32 $0xFFFFFFF0, v61  }
0x1e: {  	v3 =	vor.u32 v3, v4  }
0x1f: {  	v4 =	vperm.xlane v3, v0;
	_ =	sdelay $0x1  }
0x20: {  	v3 =	vperm.xlane v3, v2;
	v4 =	vadd.s32 v1, v4;
	_ =	sdelay $0x1  }
0x21: {  	v3 =	vadd.s32 v1, v3;
	_ =	sdelay $0x2  }
0x22: {  	[tilespmem:s10], [sflag:$0x1] =	stream.indirect_vreg.gather [hbm4b:s1+s3], $0x80, v4, vm0, $0xb8;
	[tilespmem:$0x4080] =	vst v63  }
0x23: {  	_ = 	snop  }
0x24: {  	[tilespmem:s11], [sflag:$0x1] =	stream.indirect_vreg.gather [hbm4b:s1+s3], $0x80, v3, vm0, $0xb8;
	[tilespmem:$0x4080] =	vst v63  }
0x25: {  	v3 =	vld [tilespmem:$0x20];
	_ =	sdelay $0x4  }
0x26: {  	v62 =	vshll.u32 v3, $0x1  }
0x27: {  	v3 =	vand.u32 $0x7, v3;
	v4 =	vand.u32 $0xFFFFFFF0, v62  }
0x28: {  	v3 =	vor.u32 v3, v4  }
0x29: {  	v4 =	vperm.xlane v3, v0;
	_ =	sdelay $0x1  }
0x2a: {  	v3 =	vperm.xlane v3, v2;
	v4 =	vadd.s32 v1, v4;
	_ =	sdelay $0x1  }
0x2b: {  	v3 =	vadd.s32 v1, v3;
	_ =	sdelay $0x2  }
0x2c: {  	[tilespmem:s12], [sflag:$0x1] =	stream.indirect_vreg.gather [hbm4b:s1+s3], $0x80, v4, vm0, $0xb8;
	[tilespmem:$0x4080] =	vst v63  }
0x2d: {  	_ = 	snop  }
0x2e: {  	[tilespmem:s13], [sflag:$0x1] =	stream.indirect_vreg.gather [hbm4b:s1+s3], $0x80, v3, vm0, $0xb8;
	[tilespmem:$0x4080] =	vst v63  }
0x2f: {  	v3 =	vld [tilespmem:$0x30];
	_ =	sdelay $0x4  }
0x30: {  	v63 =	vshll.u32 v3, $0x1  }
0x31: {  	v3 =	vand.u32 $0x7, v3;
	v4 =	vand.u32 $0xFFFFFFF0, v63  }
0x32: {  	v3 =	vor.u32 v3, v4  }
0x33: {  	v4 =	vperm.xlane v3, v0;
	_ =	sdelay $0x1  }
0x34: {  	v3 =	vperm.xlane v3, v2;
	v4 =	vadd.s32 v1, v4;
	_ =	sdelay $0x1  }
0x35: {  	v3 =	vadd.s32 v1, v3;
	_ =	sdelay $0x2  }
0x36: {  	[tilespmem:s14], [sflag:$0x1] =	stream.indirect_vreg.gather [hbm4b:s1+s3], $0x80, v4, vm0, $0xb8;
	[tilespmem:$0x4080] =	vst v63  }
0x37: {  	_ = 	snop  }
0x38: {  	[tilespmem:s15], [sflag:$0x1] =	stream.indirect_vreg.gather [hbm4b:s1+s3], $0x80, v3, vm0, $0xb8;
	[tilespmem:$0x4080] =	vst v63  }
0x39: {  	_ =	swait.ge [sflag:s16], $0x4000  }
0x3a: {  	p0 =	sne.s32 s6, $0x1;
	[sflag:s16] =	ssyncset.done $0x0  }
.Ltmp0:
0x3b: {  	[sflag:s16] =	ssyncadd.s32 $0xFFFFC000;
	(pc) =	sbr.rel @p0 .LBB2_1-.Ltmp0, $4  }
0x3c: {  	[hbm4b:s5+s3] =	stream.linear.scatter [tilespmem:s8], [sflag:$0x2], $0x4000, $0x38;
	[tilespmem:$0x4080] =	vst v63  }
0x3d: {  	_ =	swait.ge [sflag:s7], $0x4000  }
0x3e: {  	[sflag:s7] =	ssyncset.done $0x0  }
0x3f: {  	s6 =	sadd.s32 $0xFFFFFFFF, s6;
	[sflag:s7] =	ssyncadd.s32 $0xFFFFC000  }
0x40: {  	_ =	sfence.sel $0x180000  }
0x41: {  	[bflag:$0x0] =	sbarrier.arrive $0xFFFF  }
0x42: {  	p0 =	sne.s32 s0, $0x0;
	_ =	strace $0x9000004A  }
0x43: {  	s0 =	sadd.s32 @!p0 $0x100000, s2;
	[bflag:$0x2] =	sbarrier.arrive $0xFFFF  }
0x44: {  	[sflag:s0] =	ssyncadd.tile.s32 @!p0 $0x1;
	_ =	shalt  }
.Lfunc_end2:
_tile_overlayer_lowered:
.L_overlay_start_2:
0x45: {  	(tag) =	ssettag $0x2  }
0x46: {  	s0 =	rddreg [dreg:$0x0];
	s2 =	stileid.u32  }
0x47: {  	s1 =	rddreg [dreg:$0x1];
	p0 =	sne.s32 s2, $0x0  }
0x48: {  	s3 =	rddreg [dreg:$0x2];
	[bflag:$0x3] =	sbarrier.arrive $0xFFFF;
	s2 =	simm.s32 @!p0 $0x1C02  }
0x49: {  	[timem:s3], [sflag:s2] =	dma.local @!p0 [hbm:s0], s1  }
0x4a: {  	s0 =	simm.s32 @!p0 $0x2  }
0x4b: {  	_ =	swait.ge @!p0 [sflag:s0], s1  }
0x4c: {  	s1 =	ssub.s32 @!p0 $0x0, s1;
	[sflag:s0] =	ssyncset.done @!p0 $0x0  }
0x4d: {  	[sflag:s0] =	ssyncadd.s32 @!p0 s1  }
0x4e: {  	[bflag:$0x3] =	sbarrier.arrive $0xFFFF  }
0x4f: {  	_ =	shalt  }

</sc_bundles>
